<compile_context>
chip_gen: v7x
topology: tpu7x:2x2x1
jax: 0.10.2.dev20260603
libtpu: 0.0.44.dev20260713+nightly
codegen_flags: <defaults>
</compile_context>

<pallas_src>
import functools

import jax
import jax.numpy as jnp
from jax import lax
from jax.experimental import pallas as pl
from jax.experimental.pallas import tpu as pltpu
from jax.experimental.pallas import tpu_sc as plsc




def _encode(x, w, b2d, block_rows=2000):
  m, d = x.shape
  h = w.shape[1]

  def body(x_ref, w_ref, b_ref, o_ref):
    acc = jnp.dot(x_ref[...].astype(jnp.bfloat16),
                  w_ref[...].astype(jnp.bfloat16),
                  preferred_element_type=jnp.float32)
    o_ref[...] = jnp.maximum(acc + b_ref[...], 0.0)

  return pl.pallas_call(
      body,
      grid=(m // block_rows,),
      in_specs=[
          pl.BlockSpec((block_rows, d), lambda i: (i, 0)),
          pl.BlockSpec((d, h), lambda i: (0, 0)),
          pl.BlockSpec((1, h), lambda i: (0, 0)),
      ],
      out_specs=pl.BlockSpec((block_rows, h), lambda i: (i, 0)),
      out_shape=jax.ShapeDtypeStruct((m, h), jnp.float32),
  )(x, w, b2d)




def _combine(partial, n, block_rows=2000):
  _, _, d = partial.shape

  def body(p_ref, o_ref):
    o_ref[...] = p_ref[0] + p_ref[1]

  return pl.pallas_call(
      body,
      grid=(n // block_rows,),
      in_specs=[pl.BlockSpec((2, block_rows, d), lambda i: (0, i, 0))],
      out_specs=pl.BlockSpec((block_rows, d), lambda i: (i, 0)),
      out_shape=jax.ShapeDtypeStruct((n, d), jnp.float32),
  )(partial)




def _edge_aggregate(embed, src, dst, n_pad):
  n, d = embed.shape
  e = src.shape[0]
  num_cores = 2
  num_subcores = 16
  nw = num_cores * num_subcores
  chunk = 64
  nbuf = 4
  nq = 8
  edges_per_tile = -(-e // (nw * nq * chunk)) * nq * chunk
  e_pad = edges_per_tile * nw
  cpq = edges_per_tile // (nq * chunk)
  if e_pad > e:
    pad_i = jnp.arange(e_pad - e, dtype=jnp.int32)
    src = jnp.concatenate([src, pad_i % n])
    dst = jnp.concatenate([dst, n + pad_i % (n_pad - n)])
  src4 = src.reshape(nw, nq, cpq, chunk)
  dst4 = dst.reshape(nw, nq, cpq, chunk)
  rows_per_tile = n_pad // num_subcores

  mesh = plsc.VectorSubcoreMesh(core_axis_name="c", subcore_axis_name="s")

  @functools.partial(
      pl.kernel,
      mesh=mesh,
      out_type=jax.ShapeDtypeStruct((num_cores, n_pad, d), jnp.float32),
      scratch_types=[
          pltpu.VMEM_SHARED((n_pad, d), jnp.float32),
          pltpu.VMEM((cpq, chunk), jnp.int32),
          pltpu.VMEM((cpq, chunk), jnp.int32),
          pltpu.VMEM((cpq, chunk), jnp.int32),
          pltpu.VMEM((cpq, chunk), jnp.int32),
          pltpu.VMEM((chunk, d), jnp.float32),
          pltpu.VMEM((chunk, d), jnp.float32),
          pltpu.VMEM((chunk, d), jnp.float32),
          pltpu.VMEM((chunk, d), jnp.float32),
          pltpu.VMEM((8, d), jnp.float32),
          pltpu.SemaphoreType.DMA,
          pltpu.SemaphoreType.DMA,
          pltpu.SemaphoreType.DMA,
          pltpu.SemaphoreType.DMA,
          pltpu.SemaphoreType.DMA,
          pltpu.SemaphoreType.DMA,
      ],
  )
  def agg(embed_hbm, src_hbm, dst_hbm, out_hbm,
          acc, si0, di0, si1, di1, rows0, rows1, rows2, rows3, zbuf,
          sem0, sem1, sem2, sem3, isem0, isem1):
    c = lax.axis_index("c")
    s = lax.axis_index("s")
    wid = c * num_subcores + s

    idx_sets = ((si0, di0, isem0), (si1, di1, isem1))
    row_bufs = ((rows0, sem0), (rows1, sem1), (rows2, sem2), (rows3, sem3))

    def idx_load(q, sets):
      si, di, isem = sets
      pltpu.async_copy(src_hbm.at[wid, q], si, isem)
      pltpu.async_copy(dst_hbm.at[wid, q], di, isem)

    def idx_wait(q, sets):
      si, di, isem = sets
      pltpu.make_async_copy(src_hbm.at[wid, q], si, isem).wait()
      pltpu.make_async_copy(dst_hbm.at[wid, q], di, isem).wait()

    idx_load(0, idx_sets[0])
    idx_load(1, idx_sets[1])

    zero16 = jnp.zeros((16,), jnp.float32)

    @pl.loop(0, 8)
    def _(i):
      @pl.loop(0, d // 16)
      def _(j):
        zbuf[i, pl.ds(j * 16, 16)] = zero16

    @pl.loop(0, rows_per_tile // 8)
    def _(z):
      pltpu.sync_copy(zbuf, acc.at[pl.ds(s * rows_per_tile + z * 8, 8)])

    plsc.subcore_barrier()

    for q in range(nq):
      si, di, isem = idx_sets[q % 2]
      idx_wait(q, idx_sets[q % 2])

      def start_gather(g, rows, sem):
        pltpu.async_copy(embed_hbm.at[si.at[g]], rows, sem)

      def wait_gather(g, rows, sem):
        pltpu.make_async_copy(embed_hbm.at[si.at[g]], rows, sem).wait()

      for b, (rows, sem) in enumerate(row_bufs):
        start_gather(b, rows, sem)

      @pl.loop(0, cpq - nbuf, step=nbuf)
      def _(g):
        for b, (rows, sem) in enumerate(row_bufs):
          wait_gather(g + b, rows, sem)
          pltpu.sync_copy(rows, acc.at[di.at[g + b]], add=True)
          start_gather(g + nbuf + b, rows, sem)

      for b, (rows, sem) in enumerate(row_bufs):
        g = cpq - nbuf + b
        wait_gather(g, rows, sem)
        pltpu.sync_copy(rows, acc.at[di.at[g]], add=True)

      if q + 2 < nq:
        idx_load(q + 2, idx_sets[q % 2])

    plsc.subcore_barrier()
    sl = pl.ds(s * rows_per_tile, rows_per_tile)
    pltpu.sync_copy(acc.at[sl], out_hbm.at[c, sl])

  return agg(embed, src4, dst4)




def kernel(state, internal, edge_index, W_enc, b_enc):
  n, d = state.shape
  n_pad = ((n + 127) // 128) * 128
  b2d = b_enc.reshape(1, -1)
  src = edge_index[0]
  dst = edge_index[1]
  state_embed = _encode(state, W_enc, b2d)
  partial = _edge_aggregate(state_embed, src, dst, n_pad)
  internal_embed = _encode(internal, W_enc, b2d)
  neigh_sum = _combine(partial, n)
  return (state_embed, internal_embed, neigh_sum)

# --- scband reference (transcript-rebuilt; emitter-appended) ---
"""Pipeline reference for scband-gat-67439576481828 (READ-ONLY COPY).

The authoritative reference and input builder live on the scoring server;
editing this copy changes nothing except your own understanding.
"""

import jax, jax.numpy as jnp
import numpy as np

N = 10000
E = 320000
D = 128
H = 128


def setup_inputs(seed: int = 0) -> dict:
    key = jax.random.key(seed)
    k1, k2, k3, k4 = jax.random.split(key, 4)
    state = jax.random.normal(k1, (N, D), dtype=jnp.float32)
    internal = jax.random.normal(k2, (N, D), dtype=jnp.float32)
    edge_index = jax.random.randint(k3, (2, E), 0, N, dtype=jnp.int32)
    # encoding_fc params (update_fc is defined in __init__ but never used in forward)
    W_enc = jax.random.normal(k4, (D, H), dtype=jnp.float32) * (1.0 / np.sqrt(D))
    b_enc = jnp.zeros((H,), dtype=jnp.float32)
    return {"state": state, "internal": internal, "edge_index": edge_index, "W_enc": W_enc, "b_enc": b_enc}


def reference(state, internal, edge_index, W_enc, b_enc):
    # state = torch.tensor([svar.buffer for svar in state_vars]) -> dense state matrix
    state_embed = jax.nn.relu(state @ W_enc + b_enc)
    internal_embed = jax.nn.relu(internal @ W_enc + b_enc)
    # graph loop: for each dst key, state_embed[state_neigh].sum(0) (printed in torch code).
    # Vectorized as a gather + segment-sum over edges (SparseCore-friendly).
    src = edge_index[0]
    dst = edge_index[1]
    neigh_sum = jax.ops.segment_sum(jnp.take(state_embed, src, axis=0), dst, num_segments=N)
    return (state_embed, internal_embed, neigh_sum)

if __name__ == "__main__":
    import jax
    _d = setup_inputs()
    print(jax.jit(kernel)(*tuple(_d.values())))

</pallas_src>

<mosaic_0001>
#map = affine_map<(d0, d1) -> (0, 0)>
#map1 = affine_map<(d0, d1) -> (0, 0, 0, 0)>
#map2 = affine_map<(d0, d1) -> (0, 0, 0)>
module attributes {stable_mosaic.version = 14 : i64} {
  func.func @agg(%arg0: i32, %arg1: i32, %arg2: memref<10000x128xf32, #tpu.memory_space<hbm>>, %arg3: memref<32x8x20x64xi32, #tpu.memory_space<hbm>>, %arg4: memref<32x8x20x64xi32, #tpu.memory_space<hbm>>, %arg5: memref<2x10112x128xf32, #tpu.memory_space<hbm>>, %arg6: memref<10112x128xf32, #tpu.memory_space<vmem_shared>>, %arg7: memref<20x64xi32, #tpu.memory_space<vmem>>, %arg8: memref<20x64xi32, #tpu.memory_space<vmem>>, %arg9: memref<20x64xi32, #tpu.memory_space<vmem>>, %arg10: memref<20x64xi32, #tpu.memory_space<vmem>>, %arg11: memref<64x128xf32, #tpu.memory_space<vmem>>, %arg12: memref<64x128xf32, #tpu.memory_space<vmem>>, %arg13: memref<64x128xf32, #tpu.memory_space<vmem>>, %arg14: memref<64x128xf32, #tpu.memory_space<vmem>>, %arg15: memref<8x128xf32, #tpu.memory_space<vmem>>, %arg16: memref<!tpu.dma_semaphore, #tpu.memory_space<semaphore_mem>>, %arg17: memref<!tpu.dma_semaphore, #tpu.memory_space<semaphore_mem>>, %arg18: memref<!tpu.dma_semaphore, #tpu.memory_space<semaphore_mem>>, %arg19: memref<!tpu.dma_semaphore, #tpu.memory_space<semaphore_mem>>, %arg20: memref<!tpu.dma_semaphore, #tpu.memory_space<semaphore_mem>>, %arg21: memref<!tpu.dma_semaphore, #tpu.memory_space<semaphore_mem>>) attributes {dimension_semantics = [#tpu.dimension_semantics<core_parallel>, #tpu.dimension_semantics<subcore_parallel>], iteration_bounds = array<i64: 2, 16>, scalar_prefetch = 0 : i64, scratch_operands = 16 : i64, tpu.core_type = #tpu.core_type<sc_vector_subcore>, window_params = [{transform_indices = #map}, {transform_indices = #map1}, {transform_indices = #map1}, {transform_indices = #map2}]} {
    %mul3A = arith.constant 16 : i32
    %mul3A_0 = arith.muli %arg0, %mul3A : i32
    %add3A = arith.addi %mul3A_0, %arg1 : i32
    %dma_start3A = arith.constant 0 : i32
    %dma_start3A_1 = arith.constant 0 : i32
    %dma_start3A_2 = arith.constant 0 : i32
    %dma_start3A_3 = tpu.memref_slice %arg3[%add3A, %dma_start3A, %dma_start3A_1, %dma_start3A_2] : memref<32x8x20x64xi32, #tpu.memory_space<hbm>> -> memref<1x1x20x64xi32, #tpu.memory_space<hbm>>
    %dma_start3A_4 = tpu.memref_squeeze %dma_start3A_3 : memref<1x1x20x64xi32, #tpu.memory_space<hbm>> -> memref<20x64xi32, #tpu.memory_space<hbm>>
    %dma_start3A_5 = arith.constant 0 : i32
    %dma_start3A_6 = arith.constant 0 : i32
    %dma_start3A_7 = tpu.memref_slice %arg3[%add3A, %dma_start3A, %dma_start3A_5, %dma_start3A_6] : memref<32x8x20x64xi32, #tpu.memory_space<hbm>> -> memref<1x1x20x64xi32, #tpu.memory_space<hbm>>
    %dma_start3A_8 = tpu.memref_squeeze %dma_start3A_7 : memref<1x1x20x64xi32, #tpu.memory_space<hbm>> -> memref<20x64xi32, #tpu.memory_space<hbm>>
    tpu.enqueue_dma source(%dma_start3A_8 : memref<20x64xi32, #tpu.memory_space<hbm>>) target(%arg7 : memref<20x64xi32, #tpu.memory_space<vmem>>) target_semaphore(%arg20 : memref<!tpu.dma_semaphore, #tpu.memory_space<semaphore_mem>>)
    %dma_start3A_9 = arith.constant 0 : i32
    %dma_start3A_10 = arith.constant 0 : i32
    %dma_start3A_11 = arith.constant 0 : i32
    %dma_start3A_12 = tpu.memref_slice %arg4[%add3A, %dma_start3A_9, %dma_start3A_10, %dma_start3A_11] : memref<32x8x20x64xi32, #tpu.memory_space<hbm>> -> memref<1x1x20x64xi32, #tpu.memory_space<hbm>>
    %dma_start3A_13 = tpu.memref_squeeze %dma_start3A_12 : memref<1x1x20x64xi32, #tpu.memory_space<hbm>> -> memref<20x64xi32, #tpu.memory_space<hbm>>
    %dma_start3A_14 = arith.constant 0 : i32
    %dma_start3A_15 = arith.constant 0 : i32
    %dma_start3A_16 = tpu.memref_slice %arg4[%add3A, %dma_start3A_9, %dma_start3A_14, %dma_start3A_15] : memref<32x8x20x64xi32, #tpu.memory_space<hbm>> -> memref<1x1x20x64xi32, #tpu.memory_space<hbm>>
    %dma_start3A_17 = tpu.memref_squeeze %dma_start3A_16 : memref<1x1x20x64xi32, #tpu.memory_space<hbm>> -> memref<20x64xi32, #tpu.memory_space<hbm>>
    tpu.enqueue_dma source(%dma_start3A_17 : memref<20x64xi32, #tpu.memory_space<hbm>>) target(%arg8 : memref<20x64xi32, #tpu.memory_space<vmem>>) target_semaphore(%arg20 : memref<!tpu.dma_semaphore, #tpu.memory_space<semaphore_mem>>)
    %dma_start3A_18 = arith.constant 1 : i32
    %dma_start3A_19 = arith.constant 0 : i32
    %dma_start3A_20 = arith.constant 0 : i32
    %dma_start3A_21 = tpu.memref_slice %arg3[%add3A, %dma_start3A_18, %dma_start3A_19, %dma_start3A_20] : memref<32x8x20x64xi32, #tpu.memory_space<hbm>> -> memref<1x1x20x64xi32, #tpu.memory_space<hbm>>
    %dma_start3A_22 = tpu.memref_squeeze %dma_start3A_21 : memref<1x1x20x64xi32, #tpu.memory_space<hbm>> -> memref<20x64xi32, #tpu.memory_space<hbm>>
    %dma_start3A_23 = arith.constant 0 : i32
    %dma_start3A_24 = arith.constant 0 : i32
    %dma_start3A_25 = tpu.memref_slice %arg3[%add3A, %dma_start3A_18, %dma_start3A_23, %dma_start3A_24] : memref<32x8x20x64xi32, #tpu.memory_space<hbm>> -> memref<1x1x20x64xi32, #tpu.memory_space<hbm>>
    %dma_start3A_26 = tpu.memref_squeeze %dma_start3A_25 : memref<1x1x20x64xi32, #tpu.memory_space<hbm>> -> memref<20x64xi32, #tpu.memory_space<hbm>>
    tpu.enqueue_dma source(%dma_start3A_26 : memref<20x64xi32, #tpu.memory_space<hbm>>) target(%arg9 : memref<20x64xi32, #tpu.memory_space<vmem>>) target_semaphore(%arg21 : memref<!tpu.dma_semaphore, #tpu.memory_space<semaphore_mem>>)
    %dma_start3A_27 = arith.constant 1 : i32
    %dma_start3A_28 = arith.constant 0 : i32
    %dma_start3A_29 = arith.constant 0 : i32
    %dma_start3A_30 = tpu.memref_slice %arg4[%add3A, %dma_start3A_27, %dma_start3A_28, %dma_start3A_29] : memref<32x8x20x64xi32, #tpu.memory_space<hbm>> -> memref<1x1x20x64xi32, #tpu.memory_space<hbm>>
    %dma_start3A_31 = tpu.memref_squeeze %dma_start3A_30 : memref<1x1x20x64xi32, #tpu.memory_space<hbm>> -> memref<20x64xi32, #tpu.memory_space<hbm>>
    %dma_start3A_32 = arith.constant 0 : i32
    %dma_start3A_33 = arith.constant 0 : i32
    %dma_start3A_34 = tpu.memref_slice %arg4[%add3A, %dma_start3A_27, %dma_start3A_32, %dma_start3A_33] : memref<32x8x20x64xi32, #tpu.memory_space<hbm>> -> memref<1x1x20x64xi32, #tpu.memory_space<hbm>>
    %dma_start3A_35 = tpu.memref_squeeze %dma_start3A_34 : memref<1x1x20x64xi32, #tpu.memory_space<hbm>> -> memref<20x64xi32, #tpu.memory_space<hbm>>
    tpu.enqueue_dma source(%dma_start3A_35 : memref<20x64xi32, #tpu.memory_space<hbm>>) target(%arg10 : memref<20x64xi32, #tpu.memory_space<vmem>>) target_semaphore(%arg21 : memref<!tpu.dma_semaphore, #tpu.memory_space<semaphore_mem>>)
    %broadcast_in_dim3A = arith.constant 0.000000e+00 : f32
    %broadcast_in_dim3A_36 = vector.broadcast %broadcast_in_dim3A : f32 to vector<16xf32>
    %scan3A = arith.constant 0 : i32
    %scan3A_37 = arith.constant 8 : i32
    %scan3A_38 = arith.addi %scan3A, %scan3A_37 : i32
    %scan3A_39 = arith.constant 1 : i32
    scf.for %scan3A_819 = %scan3A to %scan3A_38 step %scan3A_39  : i32 {
      %mul3A_820 = arith.constant 1 : i32
      %mul3A_821 = arith.muli %scan3A_819, %mul3A_820 : i32
      %add3A_822 = arith.constant 0 : i32
      %add3A_823 = arith.addi %add3A_822, %mul3A_821 : i32
      %scan3A_824 = arith.constant 0 : i32
      %scan3A_825 = arith.constant 8 : i32
      %scan3A_826 = arith.addi %scan3A_824, %scan3A_825 : i32
      %scan3A_827 = arith.constant 1 : i32
      scf.for %scan3A_829 = %scan3A_824 to %scan3A_826 step %scan3A_827  : i32 {
        %mul3A_830 = arith.constant 1 : i32
        %mul3A_831 = arith.muli %scan3A_829, %mul3A_830 : i32
        %add3A_832 = arith.constant 0 : i32
        %add3A_833 = arith.addi %add3A_832, %mul3A_831 : i32
        %mul3A_834 = arith.constant 16 : i32
        %mul3A_835 = arith.muli %add3A_833, %mul3A_834 : i32
        %swap3A = arith.index_cast %add3A_823 : i32 to index
        %swap3A_836 = arith.index_cast %mul3A_835 : i32 to index
        %swap3A_837 = tpu.vector_load %arg15[%swap3A, %swap3A_836] {strides = array<i32>} : memref<8x128xf32, #tpu.memory_space<vmem>>, vector<1x16xf32>,
        %swap3A_838 = vector.shape_cast %swap3A_837 : vector<1x16xf32> to vector<16xf32>
        %swap3A_839 = vector.shape_cast %broadcast_in_dim3A_36 : vector<16xf32> to vector<1x16xf32>
        tpu.vector_store %arg15[%swap3A, %swap3A_836], %swap3A_839 {strides = array<i32>} : memref<8x128xf32, #tpu.memory_space<vmem>>, vector<1x16xf32>,
      }
      %scan3A_828 = arith.constant 8 : i32
    }
    %scan3A_40 = arith.constant 8 : i32
    %scan3A_41 = arith.constant 0 : i32
    %scan3A_42 = arith.constant 79 : i32
    %scan3A_43 = arith.addi %scan3A_41, %scan3A_42 : i32
    %scan3A_44 = arith.constant 1 : i32
    scf.for %scan3A_819 = %scan3A_41 to %scan3A_43 step %scan3A_44  : i32 {
      %mul3A_820 = arith.constant 1 : i32
      %mul3A_821 = arith.muli %scan3A_819, %mul3A_820 : i32
      %add3A_822 = arith.constant 0 : i32
      %add3A_823 = arith.addi %add3A_822, %mul3A_821 : i32
      %mul3A_824 = arith.constant 632 : i32
      %mul3A_825 = arith.muli %arg1, %mul3A_824 : i32
      %mul3A_826 = arith.constant 8 : i32
      %mul3A_827 = arith.muli %add3A_823, %mul3A_826 : i32
      %add3A_828 = arith.addi %mul3A_825, %mul3A_827 : i32
      "tpu.region"() ({
        %run_scoped3A_829 = tpu.sem_alloc : memref<!tpu.dma_semaphore, #tpu.memory_space<semaphore_mem>>
        %dma_start3A_830 = arith.constant 0 : i32
        %dma_start3A_831 = tpu.memref_slice %arg6[%add3A_828, %dma_start3A_830] : memref<10112x128xf32, #tpu.memory_space<vmem_shared>> -> memref<8x128xf32, #tpu.memory_space<vmem_shared>>
        %dma_start3A_832 = arith.constant 0 : i32
        %dma_start3A_833 = tpu.memref_slice %arg6[%add3A_828, %dma_start3A_832] : memref<10112x128xf32, #tpu.memory_space<vmem_shared>> -> memref<8x128xf32, #tpu.memory_space<vmem_shared>>
        tpu.enqueue_dma source(%arg15 : memref<8x128xf32, #tpu.memory_space<vmem>>) target(%dma_start3A_833 : memref<8x128xf32, #tpu.memory_space<vmem_shared>>) target_semaphore(%run_scoped3A_829 : memref<!tpu.dma_semaphore, #tpu.memory_space<semaphore_mem>>)
        %dma_wait3A_834 = arith.constant 0 : i32
        %dma_wait3A_835 = tpu.memref_slice %arg6[%add3A_828, %dma_wait3A_834] : memref<10112x128xf32, #tpu.memory_space<vmem_shared>> -> memref<8x128xf32, #tpu.memory_space<vmem_shared>>
        %dma_wait3A_836 = arith.constant 0 : i32
        %dma_wait3A_837 = tpu.memref_slice %arg6[%add3A_828, %dma_wait3A_836] : memref<10112x128xf32, #tpu.memory_space<vmem_shared>> -> memref<8x128xf32, #tpu.memory_space<vmem_shared>>
        tpu.wait_dma2 semaphore(%run_scoped3A_829 : memref<!tpu.dma_semaphore, #tpu.memory_space<semaphore_mem>>) src(%arg15 : memref<8x128xf32, #tpu.memory_space<vmem>>) dst(%dma_wait3A_837 : memref<8x128xf32, #tpu.memory_space<vmem_shared>>)
        tpu.yield
      }) : () -> ()
    }
    %scan3A_45 = arith.constant 79 : i32
    %barrier3A = arith.constant 0 : index
    tpu.barrier barrier_id(%barrier3A)
    %dma_wait3A = arith.constant 0 : i32
    %dma_wait3A_46 = arith.constant 0 : i32
    %dma_wait3A_47 = arith.constant 0 : i32
    %dma_wait3A_48 = tpu.memref_slice %arg3[%add3A, %dma_wait3A, %dma_wait3A_46, %dma_wait3A_47] : memref<32x8x20x64xi32, #tpu.memory_space<hbm>> -> memref<1x1x20x64xi32, #tpu.memory_space<hbm>>
    %dma_wait3A_49 = tpu.memref_squeeze %dma_wait3A_48 : memref<1x1x20x64xi32, #tpu.memory_space<hbm>> -> memref<20x64xi32, #tpu.memory_space<hbm>>
    %dma_wait3A_50 = arith.constant 0 : i32
    %dma_wait3A_51 = arith.constant 0 : i32
    %dma_wait3A_52 = tpu.memref_slice %arg3[%add3A, %dma_wait3A, %dma_wait3A_50, %dma_wait3A_51] : memref<32x8x20x64xi32, #tpu.memory_space<hbm>> -> memref<1x1x20x64xi32, #tpu.memory_space<hbm>>
    %dma_wait3A_53 = tpu.memref_squeeze %dma_wait3A_52 : memref<1x1x20x64xi32, #tpu.memory_space<hbm>> -> memref<20x64xi32, #tpu.memory_space<hbm>>
    tpu.wait_dma2 semaphore(%arg20 : memref<!tpu.dma_semaphore, #tpu.memory_space<semaphore_mem>>) src(%dma_wait3A_53 : memref<20x64xi32, #tpu.memory_space<hbm>>) dst(%arg7 : memref<20x64xi32, #tpu.memory_space<vmem>>)
    %dma_wait3A_54 = arith.constant 0 : i32
    %dma_wait3A_55 = arith.constant 0 : i32
    %dma_wait3A_56 = arith.constant 0 : i32
    %dma_wait3A_57 = tpu.memref_slice %arg4[%add3A, %dma_wait3A_54, %dma_wait3A_55, %dma_wait3A_56] : memref<32x8x20x64xi32, #tpu.memory_space<hbm>> -> memref<1x1x20x64xi32, #tpu.memory_space<hbm>>
    %dma_wait3A_58 = tpu.memref_squeeze %dma_wait3A_57 : memref<1x1x20x64xi32, #tpu.memory_space<hbm>> -> memref<20x64xi32, #tpu.memory_space<hbm>>
    %dma_wait3A_59 = arith.constant 0 : i32
    %dma_wait3A_60 = arith.constant 0 : i32
    %dma_wait3A_61 = tpu.memref_slice %arg4[%add3A, %dma_wait3A_54, %dma_wait3A_59, %dma_wait3A_60] : memref<32x8x20x64xi32, #tpu.memory_space<hbm>> -> memref<1x1x20x64xi32, #tpu.memory_space<hbm>>
    %dma_wait3A_62 = tpu.memref_squeeze %dma_wait3A_61 : memref<1x1x20x64xi32, #tpu.memory_space<hbm>> -> memref<20x64xi32, #tpu.memory_space<hbm>>
    tpu.wait_dma2 semaphore(%arg20 : memref<!tpu.dma_semaphore, #tpu.memory_space<semaphore_mem>>) src(%dma_wait3A_62 : memref<20x64xi32, #tpu.memory_space<hbm>>) dst(%arg8 : memref<20x64xi32, #tpu.memory_space<vmem>>)
    %dma_start3A_63 = arith.constant 0 : i32
    %dma_start3A_64 = arith.constant 0 : i32
    %dma_start3A_65 = tpu.memref_slice %arg7[%dma_start3A_63, %dma_start3A_64] : memref<20x64xi32, #tpu.memory_space<vmem>> -> memref<1x64xi32, #tpu.memory_space<vmem>>
    %dma_start3A_66 = tpu.memref_squeeze %dma_start3A_65 : memref<1x64xi32, #tpu.memory_space<vmem>> -> memref<64xi32, #tpu.memory_space<vmem>>
    %dma_start3A_67 = arith.constant 0 : i32
    %dma_start3A_68 = arith.constant 0 : i32
    %dma_start3A_69 = tpu.memref_slice %arg2[%dma_start3A_67, %dma_start3A_68] : memref<10000x128xf32, #tpu.memory_space<hbm>> -> memref<10000x128xf32, #tpu.memory_space<hbm>>
    tpu.enqueue_indirect_dma source(%dma_start3A_69 : memref<10000x128xf32, #tpu.memory_space<hbm>>) target(%arg11 : memref<64x128xf32, #tpu.memory_space<vmem>>) offsets(%dma_start3A_66 : memref<64xi32, #tpu.memory_space<vmem>>) semaphore(%arg16 : memref<!tpu.dma_semaphore, #tpu.memory_space<semaphore_mem>>)
    %dma_start3A_70 = arith.constant 1 : i32
    %dma_start3A_71 = arith.constant 0 : i32
    %dma_start3A_72 = tpu.memref_slice %arg7[%dma_start3A_70, %dma_start3A_71] : memref<20x64xi32, #tpu.memory_space<vmem>> -> memref<1x64xi32, #tpu.memory_space<vmem>>
    %dma_start3A_73 = tpu.memref_squeeze %dma_start3A_72 : memref<1x64xi32, #tpu.memory_space<vmem>> -> memref<64xi32, #tpu.memory_space<vmem>>
    %dma_start3A_74 = arith.constant 0 : i32
    %dma_start3A_75 = arith.constant 0 : i32
    %dma_start3A_76 = tpu.memref_slice %arg2[%dma_start3A_74, %dma_start3A_75] : memref<10000x128xf32, #tpu.memory_space<hbm>> -> memref<10000x128xf32, #tpu.memory_space<hbm>>
    tpu.enqueue_indirect_dma source(%dma_start3A_76 : memref<10000x128xf32, #tpu.memory_space<hbm>>) target(%arg12 : memref<64x128xf32, #tpu.memory_space<vmem>>) offsets(%dma_start3A_73 : memref<64xi32, #tpu.memory_space<vmem>>) semaphore(%arg17 : memref<!tpu.dma_semaphore, #tpu.memory_space<semaphore_mem>>)
    %dma_start3A_77 = arith.constant 2 : i32
    %dma_start3A_78 = arith.constant 0 : i32
    %dma_start3A_79 = tpu.memref_slice %arg7[%dma_start3A_77, %dma_start3A_78] : memref<20x64xi32, #tpu.memory_space<vmem>> -> memref<1x64xi32, #tpu.memory_space<vmem>>
    %dma_start3A_80 = tpu.memref_squeeze %dma_start3A_79 : memref<1x64xi32, #tpu.memory_space<vmem>> -> memref<64xi32, #tpu.memory_space<vmem>>
    %dma_start3A_81 = arith.constant 0 : i32
    %dma_start3A_82 = arith.constant 0 : i32
    %dma_start3A_83 = tpu.memref_slice %arg2[%dma_start3A_81, %dma_start3A_82] : memref<10000x128xf32, #tpu.memory_space<hbm>> -> memref<10000x128xf32, #tpu.memory_space<hbm>>
    tpu.enqueue_indirect_dma source(%dma_start3A_83 : memref<10000x128xf32, #tpu.memory_space<hbm>>) target(%arg13 : memref<64x128xf32, #tpu.memory_space<vmem>>) offsets(%dma_start3A_80 : memref<64xi32, #tpu.memory_space<vmem>>) semaphore(%arg18 : memref<!tpu.dma_semaphore, #tpu.memory_space<semaphore_mem>>)
    %dma_start3A_84 = arith.constant 3 : i32
    %dma_start3A_85 = arith.constant 0 : i32
    %dma_start3A_86 = tpu.memref_slice %arg7[%dma_start3A_84, %dma_start3A_85] : memref<20x64xi32, #tpu.memory_space<vmem>> -> memref<1x64xi32, #tpu.memory_space<vmem>>
    %dma_start3A_87 = tpu.memref_squeeze %dma_start3A_86 : memref<1x64xi32, #tpu.memory_space<vmem>> -> memref<64xi32, #tpu.memory_space<vmem>>
    %dma_start3A_88 = arith.constant 0 : i32
    %dma_start3A_89 = arith.constant 0 : i32
    %dma_start3A_90 = tpu.memref_slice %arg2[%dma_start3A_88, %dma_start3A_89] : memref<10000x128xf32, #tpu.memory_space<hbm>> -> memref<10000x128xf32, #tpu.memory_space<hbm>>
    tpu.enqueue_indirect_dma source(%dma_start3A_90 : memref<10000x128xf32, #tpu.memory_space<hbm>>) target(%arg14 : memref<64x128xf32, #tpu.memory_space<vmem>>) offsets(%dma_start3A_87 : memref<64xi32, #tpu.memory_space<vmem>>) semaphore(%arg19 : memref<!tpu.dma_semaphore, #tpu.memory_space<semaphore_mem>>)
    %scan3A_91 = arith.constant 0 : i32
    %scan3A_92 = arith.constant 4 : i32
    %scan3A_93 = arith.addi %scan3A_91, %scan3A_92 : i32
    %scan3A_94 = arith.constant 1 : i32
    scf.for %scan3A_819 = %scan3A_91 to %scan3A_93 step %scan3A_94  : i32 {
      %mul3A_820 = arith.constant 4 : i32
      %mul3A_821 = arith.muli %scan3A_819, %mul3A_820 : i32
      %add3A_822 = arith.constant 0 : i32
      %add3A_823 = arith.addi %add3A_822, %mul3A_821 : i32
      %add3A_824 = arith.constant 0 : i32
      %add3A_825 = arith.addi %add3A_823, %add3A_824 : i32
      %dma_wait3A_826 = arith.constant 0 : i32
      %dma_wait3A_827 = tpu.memref_slice %arg7[%add3A_825, %dma_wait3A_826] : memref<20x64xi32, #tpu.memory_space<vmem>> -> memref<1x64xi32, #tpu.memory_space<vmem>>
      %dma_wait3A_828 = tpu.memref_squeeze %dma_wait3A_827 : memref<1x64xi32, #tpu.memory_space<vmem>> -> memref<64xi32, #tpu.memory_space<vmem>>
      %dma_wait3A_829 = arith.constant 0 : i32
      %dma_wait3A_830 = arith.constant 0 : i32
      %dma_wait3A_831 = tpu.memref_slice %arg2[%dma_wait3A_829, %dma_wait3A_830] : memref<10000x128xf32, #tpu.memory_space<hbm>> -> memref<10000x128xf32, #tpu.memory_space<hbm>>
      tpu.wait_indirect_dma semaphore(%arg16 : memref<!tpu.dma_semaphore, #tpu.memory_space<semaphore_mem>>) src(%dma_wait3A_831 : memref<10000x128xf32, #tpu.memory_space<hbm>>) dst(%arg11 : memref<64x128xf32, #tpu.memory_space<vmem>>)
      %add3A_832 = arith.constant 0 : i32
      %add3A_833 = arith.addi %add3A_823, %add3A_832 : i32
      "tpu.region"() ({
        %run_scoped3A_904 = tpu.sem_alloc : memref<!tpu.dma_semaphore, #tpu.memory_space<semaphore_mem>>
        %dma_start3A_905 = arith.constant 0 : i32
        %dma_start3A_906 = tpu.memref_slice %arg8[%add3A_833, %dma_start3A_905] : memref<20x64xi32, #tpu.memory_space<vmem>> -> memref<1x64xi32, #tpu.memory_space<vmem>>
        %dma_start3A_907 = tpu.memref_squeeze %dma_start3A_906 : memref<1x64xi32, #tpu.memory_space<vmem>> -> memref<64xi32, #tpu.memory_space<vmem>>
        %dma_start3A_908 = arith.constant 0 : i32
        %dma_start3A_909 = arith.constant 0 : i32
        %dma_start3A_910 = tpu.memref_slice %arg6[%dma_start3A_908, %dma_start3A_909] : memref<10112x128xf32, #tpu.memory_space<vmem_shared>> -> memref<10112x128xf32, #tpu.memory_space<vmem_shared>>
        tpu.enqueue_indirect_dma source(%arg11 : memref<64x128xf32, #tpu.memory_space<vmem>>) target(%dma_start3A_910 : memref<10112x128xf32, #tpu.memory_space<vmem_shared>>) offsets(%dma_start3A_907 : memref<64xi32, #tpu.memory_space<vmem>>) semaphore(%run_scoped3A_904 : memref<!tpu.dma_semaphore, #tpu.memory_space<semaphore_mem>>) {add = true}
        %dma_wait3A_911 = arith.constant 0 : i32
        %dma_wait3A_912 = tpu.memref_slice %arg8[%add3A_833, %dma_wait3A_911] : memref<20x64xi32, #tpu.memory_space<vmem>> -> memref<1x64xi32, #tpu.memory_space<vmem>>
        %dma_wait3A_913 = tpu.memref_squeeze %dma_wait3A_912 : memref<1x64xi32, #tpu.memory_space<vmem>> -> memref<64xi32, #tpu.memory_space<vmem>>
        %dma_wait3A_914 = arith.constant 0 : i32
        %dma_wait3A_915 = arith.constant 0 : i32
        %dma_wait3A_916 = tpu.memref_slice %arg6[%dma_wait3A_914, %dma_wait3A_915] : memref<10112x128xf32, #tpu.memory_space<vmem_shared>> -> memref<10112x128xf32, #tpu.memory_space<vmem_shared>>
        tpu.wait_indirect_dma semaphore(%run_scoped3A_904 : memref<!tpu.dma_semaphore, #tpu.memory_space<semaphore_mem>>) src(%arg11 : memref<64x128xf32, #tpu.memory_space<vmem>>) dst(%dma_wait3A_916 : memref<10112x128xf32, #tpu.memory_space<vmem_shared>>)
        tpu.yield
      }) : () -> ()
      %add3A_834 = arith.constant 4 : i32
      %add3A_835 = arith.addi %add3A_823, %add3A_834 : i32
      %add3A_836 = arith.constant 0 : i32
      %add3A_837 = arith.addi %add3A_835, %add3A_836 : i32
      %dma_start3A_838 = arith.constant 0 : i32
      %dma_start3A_839 = tpu.memref_slice %arg7[%add3A_837, %dma_start3A_838] : memref<20x64xi32, #tpu.memory_space<vmem>> -> memref<1x64xi32, #tpu.memory_space<vmem>>
      %dma_start3A_840 = tpu.memref_squeeze %dma_start3A_839 : memref<1x64xi32, #tpu.memory_space<vmem>> -> memref<64xi32, #tpu.memory_space<vmem>>
      %dma_start3A_841 = arith.constant 0 : i32
      %dma_start3A_842 = arith.constant 0 : i32
      %dma_start3A_843 = tpu.memref_slice %arg2[%dma_start3A_841, %dma_start3A_842] : memref<10000x128xf32, #tpu.memory_space<hbm>> -> memref<10000x128xf32, #tpu.memory_space<hbm>>
      tpu.enqueue_indirect_dma source(%dma_start3A_843 : memref<10000x128xf32, #tpu.memory_space<hbm>>) target(%arg11 : memref<64x128xf32, #tpu.memory_space<vmem>>) offsets(%dma_start3A_840 : memref<64xi32, #tpu.memory_space<vmem>>) semaphore(%arg16 : memref<!tpu.dma_semaphore, #tpu.memory_space<semaphore_mem>>)
      %add3A_844 = arith.constant 1 : i32
      %add3A_845 = arith.addi %add3A_823, %add3A_844 : i32
      %dma_wait3A_846 = arith.constant 0 : i32
      %dma_wait3A_847 = tpu.memref_slice %arg7[%add3A_845, %dma_wait3A_846] : memref<20x64xi32, #tpu.memory_space<vmem>> -> memref<1x64xi32, #tpu.memory_space<vmem>>
      %dma_wait3A_848 = tpu.memref_squeeze %dma_wait3A_847 : memref<1x64xi32, #tpu.memory_space<vmem>> -> memref<64xi32, #tpu.memory_space<vmem>>
      %dma_wait3A_849 = arith.constant 0 : i32
      %dma_wait3A_850 = arith.constant 0 : i32
      %dma_wait3A_851 = tpu.memref_slice %arg2[%dma_wait3A_849, %dma_wait3A_850] : memref<10000x128xf32, #tpu.memory_space<hbm>> -> memref<10000x128xf32, #tpu.memory_space<hbm>>
      tpu.wait_indirect_dma semaphore(%arg17 : memref<!tpu.dma_semaphore, #tpu.memory_space<semaphore_mem>>) src(%dma_wait3A_851 : memref<10000x128xf32, #tpu.memory_space<hbm>>) dst(%arg12 : memref<64x128xf32, #tpu.memory_space<vmem>>)
      %add3A_852 = arith.constant 1 : i32
      %add3A_853 = arith.addi %add3A_823, %add3A_852 : i32
      "tpu.region"() ({
        %run_scoped3A_904 = tpu.sem_alloc : memref<!tpu.dma_semaphore, #tpu.memory_space<semaphore_mem>>
        %dma_start3A_905 = arith.constant 0 : i32
        %dma_start3A_906 = tpu.memref_slice %arg8[%add3A_853, %dma_start3A_905] : memref<20x64xi32, #tpu.memory_space<vmem>> -> memref<1x64xi32, #tpu.memory_space<vmem>>
        %dma_start3A_907 = tpu.memref_squeeze %dma_start3A_906 : memref<1x64xi32, #tpu.memory_space<vmem>> -> memref<64xi32, #tpu.memory_space<vmem>>
        %dma_start3A_908 = arith.constant 0 : i32
        %dma_start3A_909 = arith.constant 0 : i32
        %dma_start3A_910 = tpu.memref_slice %arg6[%dma_start3A_908, %dma_start3A_909] : memref<10112x128xf32, #tpu.memory_space<vmem_shared>> -> memref<10112x128xf32, #tpu.memory_space<vmem_shared>>
        tpu.enqueue_indirect_dma source(%arg12 : memref<64x128xf32, #tpu.memory_space<vmem>>) target(%dma_start3A_910 : memref<10112x128xf32, #tpu.memory_space<vmem_shared>>) offsets(%dma_start3A_907 : memref<64xi32, #tpu.memory_space<vmem>>) semaphore(%run_scoped3A_904 : memref<!tpu.dma_semaphore, #tpu.memory_space<semaphore_mem>>) {add = true}
        %dma_wait3A_911 = arith.constant 0 : i32
        %dma_wait3A_912 = tpu.memref_slice %arg8[%add3A_853, %dma_wait3A_911] : memref<20x64xi32, #tpu.memory_space<vmem>> -> memref<1x64xi32, #tpu.memory_space<vmem>>
        %dma_wait3A_913 = tpu.memref_squeeze %dma_wait3A_912 : memref<1x64xi32, #tpu.memory_space<vmem>> -> memref<64xi32, #tpu.memory_space<vmem>>
        %dma_wait3A_914 = arith.constant 0 : i32
        %dma_wait3A_915 = arith.constant 0 : i32
        %dma_wait3A_916 = tpu.memref_slice %arg6[%dma_wait3A_914, %dma_wait3A_915] : memref<10112x128xf32, #tpu.memory_space<vmem_shared>> -> memref<10112x128xf32, #tpu.memory_space<vmem_shared>>
        tpu.wait_indirect_dma semaphore(%run_scoped3A_904 : memref<!tpu.dma_semaphore, #tpu.memory_space<semaphore_mem>>) src(%arg12 : memref<64x128xf32, #tpu.memory_space<vmem>>) dst(%dma_wait3A_916 : memref<10112x128xf32, #tpu.memory_space<vmem_shared>>)
        tpu.yield
      }) : () -> ()
      %add3A_854 = arith.constant 4 : i32
      %add3A_855 = arith.addi %add3A_823, %add3A_854 : i32
      %add3A_856 = arith.constant 1 : i32
      %add3A_857 = arith.addi %add3A_855, %add3A_856 : i32
      %dma_start3A_858 = arith.constant 0 : i32
      %dma_start3A_859 = tpu.memref_slice %arg7[%add3A_857, %dma_start3A_858] : memref<20x64xi32, #tpu.memory_space<vmem>> -> memref<1x64xi32, #tpu.memory_space<vmem>>
      %dma_start3A_860 = tpu.memref_squeeze %dma_start3A_859 : memref<1x64xi32, #tpu.memory_space<vmem>> -> memref<64xi32, #tpu.memory_space<vmem>>
      %dma_start3A_861 = arith.constant 0 : i32
      %dma_start3A_862 = arith.constant 0 : i32
      %dma_start3A_863 = tpu.memref_slice %arg2[%dma_start3A_861, %dma_start3A_862] : memref<10000x128xf32, #tpu.memory_space<hbm>> -> memref<10000x128xf32, #tpu.memory_space<hbm>>
      tpu.enqueue_indirect_dma source(%dma_start3A_863 : memref<10000x128xf32, #tpu.memory_space<hbm>>) target(%arg12 : memref<64x128xf32, #tpu.memory_space<vmem>>) offsets(%dma_start3A_860 : memref<64xi32, #tpu.memory_space<vmem>>) semaphore(%arg17 : memref<!tpu.dma_semaphore, #tpu.memory_space<semaphore_mem>>)
      %add3A_864 = arith.constant 2 : i32
      %add3A_865 = arith.addi %add3A_823, %add3A_864 : i32
      %dma_wait3A_866 = arith.constant 0 : i32
      %dma_wait3A_867 = tpu.memref_slice %arg7[%add3A_865, %dma_wait3A_866] : memref<20x64xi32, #tpu.memory_space<vmem>> -> memref<1x64xi32, #tpu.memory_space<vmem>>
      %dma_wait3A_868 = tpu.memref_squeeze %dma_wait3A_867 : memref<1x64xi32, #tpu.memory_space<vmem>> -> memref<64xi32, #tpu.memory_space<vmem>>
      %dma_wait3A_869 = arith.constant 0 : i32
      %dma_wait3A_870 = arith.constant 0 : i32
      %dma_wait3A_871 = tpu.memref_slice %arg2[%dma_wait3A_869, %dma_wait3A_870] : memref<10000x128xf32, #tpu.memory_space<hbm>> -> memref<10000x128xf32, #tpu.memory_space<hbm>>
      tpu.wait_indirect_dma semaphore(%arg18 : memref<!tpu.dma_semaphore, #tpu.memory_space<semaphore_mem>>) src(%dma_wait3A_871 : memref<10000x128xf32, #tpu.memory_space<hbm>>) dst(%arg13 : memref<64x128xf32, #tpu.memory_space<vmem>>)
      %add3A_872 = arith.constant 2 : i32
      %add3A_873 = arith.addi %add3A_823, %add3A_872 : i32
      "tpu.region"() ({
        %run_scoped3A_904 = tpu.sem_alloc : memref<!tpu.dma_semaphore, #tpu.memory_space<semaphore_mem>>
        %dma_start3A_905 = arith.constant 0 : i32
        %dma_start3A_906 = tpu.memref_slice %arg8[%add3A_873, %dma_start3A_905] : memref<20x64xi32, #tpu.memory_space<vmem>> -> memref<1x64xi32, #tpu.memory_space<vmem>>
        %dma_start3A_907 = tpu.memref_squeeze %dma_start3A_906 : memref<1x64xi32, #tpu.memory_space<vmem>> -> memref<64xi32, #tpu.memory_space<vmem>>
        %dma_start3A_908 = arith.constant 0 : i32
        %dma_start3A_909 = arith.constant 0 : i32
        %dma_start3A_910 = tpu.memref_slice %arg6[%dma_start3A_908, %dma_start3A_909] : memref<10112x128xf32, #tpu.memory_space<vmem_shared>> -> memref<10112x128xf32, #tpu.memory_space<vmem_shared>>
        tpu.enqueue_indirect_dma source(%arg13 : memref<64x128xf32, #tpu.memory_space<vmem>>) target(%dma_start3A_910 : memref<10112x128xf32, #tpu.memory_space<vmem_shared>>) offsets(%dma_start3A_907 : memref<64xi32, #tpu.memory_space<vmem>>) semaphore(%run_scoped3A_904 : memref<!tpu.dma_semaphore, #tpu.memory_space<semaphore_mem>>) {add = true}
        %dma_wait3A_911 = arith.constant 0 : i32
        %dma_wait3A_912 = tpu.memref_slice %arg8[%add3A_873, %dma_wait3A_911] : memref<20x64xi32, #tpu.memory_space<vmem>> -> memref<1x64xi32, #tpu.memory_space<vmem>>
        %dma_wait3A_913 = tpu.memref_squeeze %dma_wait3A_912 : memref<1x64xi32, #tpu.memory_space<vmem>> -> memref<64xi32, #tpu.memory_space<vmem>>
        %dma_wait3A_914 = arith.constant 0 : i32
        %dma_wait3A_915 = arith.constant 0 : i32
        %dma_wait3A_916 = tpu.memref_slice %arg6[%dma_wait3A_914, %dma_wait3A_915] : memref<10112x128xf32, #tpu.memory_space<vmem_shared>> -> memref<10112x128xf32, #tpu.memory_space<vmem_shared>>
        tpu.wait_indirect_dma semaphore(%run_scoped3A_904 : memref<!tpu.dma_semaphore, #tpu.memory_space<semaphore_mem>>) src(%arg13 : memref<64x128xf32, #tpu.memory_space<vmem>>) dst(%dma_wait3A_916 : memref<10112x128xf32, #tpu.memory_space<vmem_shared>>)
        tpu.yield
      }) : () -> ()
      %add3A_874 = arith.constant 4 : i32
      %add3A_875 = arith.addi %add3A_823, %add3A_874 : i32
      %add3A_876 = arith.constant 2 : i32
      %add3A_877 = arith.addi %add3A_875, %add3A_876 : i32
      %dma_start3A_878 = arith.constant 0 : i32
      %dma_start3A_879 = tpu.memref_slice %arg7[%add3A_877, %dma_start3A_878] : memref<20x64xi32, #tpu.memory_space<vmem>> -> memref<1x64xi32, #tpu.memory_space<vmem>>
      %dma_start3A_880 = tpu.memref_squeeze %dma_start3A_879 : memref<1x64xi32, #tpu.memory_space<vmem>> -> memref<64xi32, #tpu.memory_space<vmem>>
      %dma_start3A_881 = arith.constant 0 : i32
      %dma_start3A_882 = arith.constant 0 : i32
      %dma_start3A_883 = tpu.memref_slice %arg2[%dma_start3A_881, %dma_start3A_882] : memref<10000x128xf32, #tpu.memory_space<hbm>> -> memref<10000x128xf32, #tpu.memory_space<hbm>>
      tpu.enqueue_indirect_dma source(%dma_start3A_883 : memref<10000x128xf32, #tpu.memory_space<hbm>>) target(%arg13 : memref<64x128xf32, #tpu.memory_space<vmem>>) offsets(%dma_start3A_880 : memref<64xi32, #tpu.memory_space<vmem>>) semaphore(%arg18 : memref<!tpu.dma_semaphore, #tpu.memory_space<semaphore_mem>>)
      %add3A_884 = arith.constant 3 : i32
      %add3A_885 = arith.addi %add3A_823, %add3A_884 : i32
      %dma_wait3A_886 = arith.constant 0 : i32
      %dma_wait3A_887 = tpu.memref_slice %arg7[%add3A_885, %dma_wait3A_886] : memref<20x64xi32, #tpu.memory_space<vmem>> -> memref<1x64xi32, #tpu.memory_space<vmem>>
      %dma_wait3A_888 = tpu.memref_squeeze %dma_wait3A_887 : memref<1x64xi32, #tpu.memory_space<vmem>> -> memref<64xi32, #tpu.memory_space<vmem>>
      %dma_wait3A_889 = arith.constant 0 : i32
      %dma_wait3A_890 = arith.constant 0 : i32
      %dma_wait3A_891 = tpu.memref_slice %arg2[%dma_wait3A_889, %dma_wait3A_890] : memref<10000x128xf32, #tpu.memory_space<hbm>> -> memref<10000x128xf32, #tpu.memory_space<hbm>>
      tpu.wait_indirect_dma semaphore(%arg19 : memref<!tpu.dma_semaphore, #tpu.memory_space<semaphore_mem>>) src(%dma_wait3A_891 : memref<10000x128xf32, #tpu.memory_space<hbm>>) dst(%arg14 : memref<64x128xf32, #tpu.memory_space<vmem>>)
      %add3A_892 = arith.constant 3 : i32
      %add3A_893 = arith.addi %add3A_823, %add3A_892 : i32
      "tpu.region"() ({
        %run_scoped3A_904 = tpu.sem_alloc : memref<!tpu.dma_semaphore, #tpu.memory_space<semaphore_mem>>
        %dma_start3A_905 = arith.constant 0 : i32
        %dma_start3A_906 = tpu.memref_slice %arg8[%add3A_893, %dma_start3A_905] : memref<20x64xi32, #tpu.memory_space<vmem>> -> memref<1x64xi32, #tpu.memory_space<vmem>>
        %dma_start3A_907 = tpu.memref_squeeze %dma_start3A_906 : memref<1x64xi32, #tpu.memory_space<vmem>> -> memref<64xi32, #tpu.memory_space<vmem>>
        %dma_start3A_908 = arith.constant 0 : i32
        %dma_start3A_909 = arith.constant 0 : i32
        %dma_start3A_910 = tpu.memref_slice %arg6[%dma_start3A_908, %dma_start3A_909] : memref<10112x128xf32, #tpu.memory_space<vmem_shared>> -> memref<10112x128xf32, #tpu.memory_space<vmem_shared>>
        tpu.enqueue_indirect_dma source(%arg14 : memref<64x128xf32, #tpu.memory_space<vmem>>) target(%dma_start3A_910 : memref<10112x128xf32, #tpu.memory_space<vmem_shared>>) offsets(%dma_start3A_907 : memref<64xi32, #tpu.memory_space<vmem>>) semaphore(%run_scoped3A_904 : memref<!tpu.dma_semaphore, #tpu.memory_space<semaphore_mem>>) {add = true}
        %dma_wait3A_911 = arith.constant 0 : i32
        %dma_wait3A_912 = tpu.memref_slice %arg8[%add3A_893, %dma_wait3A_911] : memref<20x64xi32, #tpu.memory_space<vmem>> -> memref<1x64xi32, #tpu.memory_space<vmem>>
        %dma_wait3A_913 = tpu.memref_squeeze %dma_wait3A_912 : memref<1x64xi32, #tpu.memory_space<vmem>> -> memref<64xi32, #tpu.memory_space<vmem>>
        %dma_wait3A_914 = arith.constant 0 : i32
        %dma_wait3A_915 = arith.constant 0 : i32
        %dma_wait3A_916 = tpu.memref_slice %arg6[%dma_wait3A_914, %dma_wait3A_915] : memref<10112x128xf32, #tpu.memory_space<vmem_shared>> -> memref<10112x128xf32, #tpu.memory_space<vmem_shared>>
        tpu.wait_indirect_dma semaphore(%run_scoped3A_904 : memref<!tpu.dma_semaphore, #tpu.memory_space<semaphore_mem>>) src(%arg14 : memref<64x128xf32, #tpu.memory_space<vmem>>) dst(%dma_wait3A_916 : memref<10112x128xf32, #tpu.memory_space<vmem_shared>>)
        tpu.yield
      }) : () -> ()
      %add3A_894 = arith.constant 4 : i32
      %add3A_895 = arith.addi %add3A_823, %add3A_894 : i32
      %add3A_896 = arith.constant 3 : i32
      %add3A_897 = arith.addi %add3A_895, %add3A_896 : i32
      %dma_start3A_898 = arith.constant 0 : i32
      %dma_start3A_899 = tpu.memref_slice %arg7[%add3A_897, %dma_start3A_898] : memref<20x64xi32, #tpu.memory_space<vmem>> -> memref<1x64xi32, #tpu.memory_space<vmem>>
      %dma_start3A_900 = tpu.memref_squeeze %dma_start3A_899 : memref<1x64xi32, #tpu.memory_space<vmem>> -> memref<64xi32, #tpu.memory_space<vmem>>
      %dma_start3A_901 = arith.constant 0 : i32
      %dma_start3A_902 = arith.constant 0 : i32
      %dma_start3A_903 = tpu.memref_slice %arg2[%dma_start3A_901, %dma_start3A_902] : memref<10000x128xf32, #tpu.memory_space<hbm>> -> memref<10000x128xf32, #tpu.memory_space<hbm>>
      tpu.enqueue_indirect_dma source(%dma_start3A_903 : memref<10000x128xf32, #tpu.memory_space<hbm>>) target(%arg14 : memref<64x128xf32, #tpu.memory_space<vmem>>) offsets(%dma_start3A_900 : memref<64xi32, #tpu.memory_space<vmem>>) semaphore(%arg19 : memref<!tpu.dma_semaphore, #tpu.memory_space<semaphore_mem>>)
    }
    %scan3A_95 = arith.constant 4 : i32
    %dma_wait3A_96 = arith.constant 16 : i32
    %dma_wait3A_97 = arith.constant 0 : i32
    %dma_wait3A_98 = tpu.memref_slice %arg7[%dma_wait3A_96, %dma_wait3A_97] : memref<20x64xi32, #tpu.memory_space<vmem>> -> memref<1x64xi32, #tpu.memory_space<vmem>>
    %dma_wait3A_99 = tpu.memref_squeeze %dma_wait3A_98 : memref<1x64xi32, #tpu.memory_space<vmem>> -> memref<64xi32, #tpu.memory_space<vmem>>
    %dma_wait3A_100 = arith.constant 0 : i32
    %dma_wait3A_101 = arith.constant 0 : i32
    %dma_wait3A_102 = tpu.memref_slice %arg2[%dma_wait3A_100, %dma_wait3A_101] : memref<10000x128xf32, #tpu.memory_space<hbm>> -> memref<10000x128xf32, #tpu.memory_space<hbm>>
    tpu.wait_indirect_dma semaphore(%arg16 : memref<!tpu.dma_semaphore, #tpu.memory_space<semaphore_mem>>) src(%dma_wait3A_102 : memref<10000x128xf32, #tpu.memory_space<hbm>>) dst(%arg11 : memref<64x128xf32, #tpu.memory_space<vmem>>)
    %run_scoped3A = arith.constant 16 : i32
    "tpu.region"() ({
      %run_scoped3A_819 = tpu.sem_alloc : memref<!tpu.dma_semaphore, #tpu.memory_space<semaphore_mem>>
      %dma_start3A_820 = arith.constant 0 : i32
      %dma_start3A_821 = tpu.memref_slice %arg8[%run_scoped3A, %dma_start3A_820] : memref<20x64xi32, #tpu.memory_space<vmem>> -> memref<1x64xi32, #tpu.memory_space<vmem>>
      %dma_start3A_822 = tpu.memref_squeeze %dma_start3A_821 : memref<1x64xi32, #tpu.memory_space<vmem>> -> memref<64xi32, #tpu.memory_space<vmem>>
      %dma_start3A_823 = arith.constant 0 : i32
      %dma_start3A_824 = arith.constant 0 : i32
      %dma_start3A_825 = tpu.memref_slice %arg6[%dma_start3A_823, %dma_start3A_824] : memref<10112x128xf32, #tpu.memory_space<vmem_shared>> -> memref<10112x128xf32, #tpu.memory_space<vmem_shared>>
      tpu.enqueue_indirect_dma source(%arg11 : memref<64x128xf32, #tpu.memory_space<vmem>>) target(%dma_start3A_825 : memref<10112x128xf32, #tpu.memory_space<vmem_shared>>) offsets(%dma_start3A_822 : memref<64xi32, #tpu.memory_space<vmem>>) semaphore(%run_scoped3A_819 : memref<!tpu.dma_semaphore, #tpu.memory_space<semaphore_mem>>) {add = true}
      %dma_wait3A_826 = arith.constant 0 : i32
      %dma_wait3A_827 = tpu.memref_slice %arg8[%run_scoped3A, %dma_wait3A_826] : memref<20x64xi32, #tpu.memory_space<vmem>> -> memref<1x64xi32, #tpu.memory_space<vmem>>
      %dma_wait3A_828 = tpu.memref_squeeze %dma_wait3A_827 : memref<1x64xi32, #tpu.memory_space<vmem>> -> memref<64xi32, #tpu.memory_space<vmem>>
      %dma_wait3A_829 = arith.constant 0 : i32
      %dma_wait3A_830 = arith.constant 0 : i32
      %dma_wait3A_831 = tpu.memref_slice %arg6[%dma_wait3A_829, %dma_wait3A_830] : memref<10112x128xf32, #tpu.memory_space<vmem_shared>> -> memref<10112x128xf32, #tpu.memory_space<vmem_shared>>
      tpu.wait_indirect_dma semaphore(%run_scoped3A_819 : memref<!tpu.dma_semaphore, #tpu.memory_space<semaphore_mem>>) src(%arg11 : memref<64x128xf32, #tpu.memory_space<vmem>>) dst(%dma_wait3A_831 : memref<10112x128xf32, #tpu.memory_space<vmem_shared>>)
      tpu.yield
    }) : () -> ()
    %dma_wait3A_103 = arith.constant 17 : i32
    %dma_wait3A_104 = arith.constant 0 : i32
    %dma_wait3A_105 = tpu.memref_slice %arg7[%dma_wait3A_103, %dma_wait3A_104] : memref<20x64xi32, #tpu.memory_space<vmem>> -> memref<1x64xi32, #tpu.memory_space<vmem>>
    %dma_wait3A_106 = tpu.memref_squeeze %dma_wait3A_105 : memref<1x64xi32, #tpu.memory_space<vmem>> -> memref<64xi32, #tpu.memory_space<vmem>>
    %dma_wait3A_107 = arith.constant 0 : i32
    %dma_wait3A_108 = arith.constant 0 : i32
    %dma_wait3A_109 = tpu.memref_slice %arg2[%dma_wait3A_107, %dma_wait3A_108] : memref<10000x128xf32, #tpu.memory_space<hbm>> -> memref<10000x128xf32, #tpu.memory_space<hbm>>
    tpu.wait_indirect_dma semaphore(%arg17 : memref<!tpu.dma_semaphore, #tpu.memory_space<semaphore_mem>>) src(%dma_wait3A_109 : memref<10000x128xf32, #tpu.memory_space<hbm>>) dst(%arg12 : memref<64x128xf32, #tpu.memory_space<vmem>>)
    %run_scoped3A_110 = arith.constant 17 : i32
    "tpu.region"() ({
      %run_scoped3A_819 = tpu.sem_alloc : memref<!tpu.dma_semaphore, #tpu.memory_space<semaphore_mem>>
      %dma_start3A_820 = arith.constant 0 : i32
      %dma_start3A_821 = tpu.memref_slice %arg8[%run_scoped3A_110, %dma_start3A_820] : memref<20x64xi32, #tpu.memory_space<vmem>> -> memref<1x64xi32, #tpu.memory_space<vmem>>
      %dma_start3A_822 = tpu.memref_squeeze %dma_start3A_821 : memref<1x64xi32, #tpu.memory_space<vmem>> -> memref<64xi32, #tpu.memory_space<vmem>>
      %dma_start3A_823 = arith.constant 0 : i32
      %dma_start3A_824 = arith.constant 0 : i32
      %dma_start3A_825 = tpu.memref_slice %arg6[%dma_start3A_823, %dma_start3A_824] : memref<10112x128xf32, #tpu.memory_space<vmem_shared>> -> memref<10112x128xf32, #tpu.memory_space<vmem_shared>>
      tpu.enqueue_indirect_dma source(%arg12 : memref<64x128xf32, #tpu.memory_space<vmem>>) target(%dma_start3A_825 : memref<10112x128xf32, #tpu.memory_space<vmem_shared>>) offsets(%dma_start3A_822 : memref<64xi32, #tpu.memory_space<vmem>>) semaphore(%run_scoped3A_819 : memref<!tpu.dma_semaphore, #tpu.memory_space<semaphore_mem>>) {add = true}
      %dma_wait3A_826 = arith.constant 0 : i32
      %dma_wait3A_827 = tpu.memref_slice %arg8[%run_scoped3A_110, %dma_wait3A_826] : memref<20x64xi32, #tpu.memory_space<vmem>> -> memref<1x64xi32, #tpu.memory_space<vmem>>
      %dma_wait3A_828 = tpu.memref_squeeze %dma_wait3A_827 : memref<1x64xi32, #tpu.memory_space<vmem>> -> memref<64xi32, #tpu.memory_space<vmem>>
      %dma_wait3A_829 = arith.constant 0 : i32
      %dma_wait3A_830 = arith.constant 0 : i32
      %dma_wait3A_831 = tpu.memref_slice %arg6[%dma_wait3A_829, %dma_wait3A_830] : memref<10112x128xf32, #tpu.memory_space<vmem_shared>> -> memref<10112x128xf32, #tpu.memory_space<vmem_shared>>
      tpu.wait_indirect_dma semaphore(%run_scoped3A_819 : memref<!tpu.dma_semaphore, #tpu.memory_space<semaphore_mem>>) src(%arg12 : memref<64x128xf32, #tpu.memory_space<vmem>>) dst(%dma_wait3A_831 : memref<10112x128xf32, #tpu.memory_space<vmem_shared>>)
      tpu.yield
    }) : () -> ()
    %dma_wait3A_111 = arith.constant 18 : i32
    %dma_wait3A_112 = arith.constant 0 : i32
    %dma_wait3A_113 = tpu.memref_slice %arg7[%dma_wait3A_111, %dma_wait3A_112] : memref<20x64xi32, #tpu.memory_space<vmem>> -> memref<1x64xi32, #tpu.memory_space<vmem>>
    %dma_wait3A_114 = tpu.memref_squeeze %dma_wait3A_113 : memref<1x64xi32, #tpu.memory_space<vmem>> -> memref<64xi32, #tpu.memory_space<vmem>>
    %dma_wait3A_115 = arith.constant 0 : i32
    %dma_wait3A_116 = arith.constant 0 : i32
    %dma_wait3A_117 = tpu.memref_slice %arg2[%dma_wait3A_115, %dma_wait3A_116] : memref<10000x128xf32, #tpu.memory_space<hbm>> -> memref<10000x128xf32, #tpu.memory_space<hbm>>
    tpu.wait_indirect_dma semaphore(%arg18 : memref<!tpu.dma_semaphore, #tpu.memory_space<semaphore_mem>>) src(%dma_wait3A_117 : memref<10000x128xf32, #tpu.memory_space<hbm>>) dst(%arg13 : memref<64x128xf32, #tpu.memory_space<vmem>>)
    %run_scoped3A_118 = arith.constant 18 : i32
    "tpu.region"() ({
      %run_scoped3A_819 = tpu.sem_alloc : memref<!tpu.dma_semaphore, #tpu.memory_space<semaphore_mem>>
      %dma_start3A_820 = arith.constant 0 : i32
      %dma_start3A_821 = tpu.memref_slice %arg8[%run_scoped3A_118, %dma_start3A_820] : memref<20x64xi32, #tpu.memory_space<vmem>> -> memref<1x64xi32, #tpu.memory_space<vmem>>
      %dma_start3A_822 = tpu.memref_squeeze %dma_start3A_821 : memref<1x64xi32, #tpu.memory_space<vmem>> -> memref<64xi32, #tpu.memory_space<vmem>>
      %dma_start3A_823 = arith.constant 0 : i32
      %dma_start3A_824 = arith.constant 0 : i32
      %dma_start3A_825 = tpu.memref_slice %arg6[%dma_start3A_823, %dma_start3A_824] : memref<10112x128xf32, #tpu.memory_space<vmem_shared>> -> memref<10112x128xf32, #tpu.memory_space<vmem_shared>>
      tpu.enqueue_indirect_dma source(%arg13 : memref<64x128xf32, #tpu.memory_space<vmem>>) target(%dma_start3A_825 : memref<10112x128xf32, #tpu.memory_space<vmem_shared>>) offsets(%dma_start3A_822 : memref<64xi32, #tpu.memory_space<vmem>>) semaphore(%run_scoped3A_819 : memref<!tpu.dma_semaphore, #tpu.memory_space<semaphore_mem>>) {add = true}
      %dma_wait3A_826 = arith.constant 0 : i32
      %dma_wait3A_827 = tpu.memref_slice %arg8[%run_scoped3A_118, %dma_wait3A_826] : memref<20x64xi32, #tpu.memory_space<vmem>> -> memref<1x64xi32, #tpu.memory_space<vmem>>
      %dma_wait3A_828 = tpu.memref_squeeze %dma_wait3A_827 : memref<1x64xi32, #tpu.memory_space<vmem>> -> memref<64xi32, #tpu.memory_space<vmem>>
      %dma_wait3A_829 = arith.constant 0 : i32
      %dma_wait3A_830 = arith.constant 0 : i32
      %dma_wait3A_831 = tpu.memref_slice %arg6[%dma_wait3A_829, %dma_wait3A_830] : memref<10112x128xf32, #tpu.memory_space<vmem_shared>> -> memref<10112x128xf32, #tpu.memory_space<vmem_shared>>
      tpu.wait_indirect_dma semaphore(%run_scoped3A_819 : memref<!tpu.dma_semaphore, #tpu.memory_space<semaphore_mem>>) src(%arg13 : memref<64x128xf32, #tpu.memory_space<vmem>>) dst(%dma_wait3A_831 : memref<10112x128xf32, #tpu.memory_space<vmem_shared>>)
      tpu.yield
    }) : () -> ()
    %dma_wait3A_119 = arith.constant 19 : i32
    %dma_wait3A_120 = arith.constant 0 : i32
    %dma_wait3A_121 = tpu.memref_slice %arg7[%dma_wait3A_119, %dma_wait3A_120] : memref<20x64xi32, #tpu.memory_space<vmem>> -> memref<1x64xi32, #tpu.memory_space<vmem>>
    %dma_wait3A_122 = tpu.memref_squeeze %dma_wait3A_121 : memref<1x64xi32, #tpu.memory_space<vmem>> -> memref<64xi32, #tpu.memory_space<vmem>>
    %dma_wait3A_123 = arith.constant 0 : i32
    %dma_wait3A_124 = arith.constant 0 : i32
    %dma_wait3A_125 = tpu.memref_slice %arg2[%dma_wait3A_123, %dma_wait3A_124] : memref<10000x128xf32, #tpu.memory_space<hbm>> -> memref<10000x128xf32, #tpu.memory_space<hbm>>
    tpu.wait_indirect_dma semaphore(%arg19 : memref<!tpu.dma_semaphore, #tpu.memory_space<semaphore_mem>>) src(%dma_wait3A_125 : memref<10000x128xf32, #tpu.memory_space<hbm>>) dst(%arg14 : memref<64x128xf32, #tpu.memory_space<vmem>>)
    %run_scoped3A_126 = arith.constant 19 : i32
    "tpu.region"() ({
      %run_scoped3A_819 = tpu.sem_alloc : memref<!tpu.dma_semaphore, #tpu.memory_space<semaphore_mem>>
      %dma_start3A_820 = arith.constant 0 : i32
      %dma_start3A_821 = tpu.memref_slice %arg8[%run_scoped3A_126, %dma_start3A_820] : memref<20x64xi32, #tpu.memory_space<vmem>> -> memref<1x64xi32, #tpu.memory_space<vmem>>
      %dma_start3A_822 = tpu.memref_squeeze %dma_start3A_821 : memref<1x64xi32, #tpu.memory_space<vmem>> -> memref<64xi32, #tpu.memory_space<vmem>>
      %dma_start3A_823 = arith.constant 0 : i32
      %dma_start3A_824 = arith.constant 0 : i32
      %dma_start3A_825 = tpu.memref_slice %arg6[%dma_start3A_823, %dma_start3A_824] : memref<10112x128xf32, #tpu.memory_space<vmem_shared>> -> memref<10112x128xf32, #tpu.memory_space<vmem_shared>>
      tpu.enqueue_indirect_dma source(%arg14 : memref<64x128xf32, #tpu.memory_space<vmem>>) target(%dma_start3A_825 : memref<10112x128xf32, #tpu.memory_space<vmem_shared>>) offsets(%dma_start3A_822 : memref<64xi32, #tpu.memory_space<vmem>>) semaphore(%run_scoped3A_819 : memref<!tpu.dma_semaphore, #tpu.memory_space<semaphore_mem>>) {add = true}
      %dma_wait3A_826 = arith.constant 0 : i32
      %dma_wait3A_827 = tpu.memref_slice %arg8[%run_scoped3A_126, %dma_wait3A_826] : memref<20x64xi32, #tpu.memory_space<vmem>> -> memref<1x64xi32, #tpu.memory_space<vmem>>
      %dma_wait3A_828 = tpu.memref_squeeze %dma_wait3A_827 : memref<1x64xi32, #tpu.memory_space<vmem>> -> memref<64xi32, #tpu.memory_space<vmem>>
      %dma_wait3A_829 = arith.constant 0 : i32
      %dma_wait3A_830 = arith.constant 0 : i32
      %dma_wait3A_831 = tpu.memref_slice %arg6[%dma_wait3A_829, %dma_wait3A_830] : memref<10112x128xf32, #tpu.memory_space<vmem_shared>> -> memref<10112x128xf32, #tpu.memory_space<vmem_shared>>
      tpu.wait_indirect_dma semaphore(%run_scoped3A_819 : memref<!tpu.dma_semaphore, #tpu.memory_space<semaphore_mem>>) src(%arg14 : memref<64x128xf32, #tpu.memory_space<vmem>>) dst(%dma_wait3A_831 : memref<10112x128xf32, #tpu.memory_space<vmem_shared>>)
      tpu.yield
    }) : () -> ()
    %dma_start3A_127 = arith.constant 2 : i32
    %dma_start3A_128 = arith.constant 0 : i32
    %dma_start3A_129 = arith.constant 0 : i32
    %dma_start3A_130 = tpu.memref_slice %arg3[%add3A, %dma_start3A_127, %dma_start3A_128, %dma_start3A_129] : memref<32x8x20x64xi32, #tpu.memory_space<hbm>> -> memref<1x1x20x64xi32, #tpu.memory_space<hbm>>
    %dma_start3A_131 = tpu.memref_squeeze %dma_start3A_130 : memref<1x1x20x64xi32, #tpu.memory_space<hbm>> -> memref<20x64xi32, #tpu.memory_space<hbm>>
    %dma_start3A_132 = arith.constant 0 : i32
    %dma_start3A_133 = arith.constant 0 : i32
    %dma_start3A_134 = tpu.memref_slice %arg3[%add3A, %dma_start3A_127, %dma_start3A_132, %dma_start3A_133] : memref<32x8x20x64xi32, #tpu.memory_space<hbm>> -> memref<1x1x20x64xi32, #tpu.memory_space<hbm>>
    %dma_start3A_135 = tpu.memref_squeeze %dma_start3A_134 : memref<1x1x20x64xi32, #tpu.memory_space<hbm>> -> memref<20x64xi32, #tpu.memory_space<hbm>>
    tpu.enqueue_dma source(%dma_start3A_135 : memref<20x64xi32, #tpu.memory_space<hbm>>) target(%arg7 : memref<20x64xi32, #tpu.memory_space<vmem>>) target_semaphore(%arg20 : memref<!tpu.dma_semaphore, #tpu.memory_space<semaphore_mem>>)
    %dma_start3A_136 = arith.constant 2 : i32
    %dma_start3A_137 = arith.constant 0 : i32
    %dma_start3A_138 = arith.constant 0 : i32
    %dma_start3A_139 = tpu.memref_slice %arg4[%add3A, %dma_start3A_136, %dma_start3A_137, %dma_start3A_138] : memref<32x8x20x64xi32, #tpu.memory_space<hbm>> -> memref<1x1x20x64xi32, #tpu.memory_space<hbm>>
    %dma_start3A_140 = tpu.memref_squeeze %dma_start3A_139 : memref<1x1x20x64xi32, #tpu.memory_space<hbm>> -> memref<20x64xi32, #tpu.memory_space<hbm>>
    %dma_start3A_141 = arith.constant 0 : i32
    %dma_start3A_142 = arith.constant 0 : i32
    %dma_start3A_143 = tpu.memref_slice %arg4[%add3A, %dma_start3A_136, %dma_start3A_141, %dma_start3A_142] : memref<32x8x20x64xi32, #tpu.memory_space<hbm>> -> memref<1x1x20x64xi32, #tpu.memory_space<hbm>>
    %dma_start3A_144 = tpu.memref_squeeze %dma_start3A_143 : memref<1x1x20x64xi32, #tpu.memory_space<hbm>> -> memref<20x64xi32, #tpu.memory_space<hbm>>
    tpu.enqueue_dma source(%dma_start3A_144 : memref<20x64xi32, #tpu.memory_space<hbm>>) target(%arg8 : memref<20x64xi32, #tpu.memory_space<vmem>>) target_semaphore(%arg20 : memref<!tpu.dma_semaphore, #tpu.memory_space<semaphore_mem>>)
    %dma_wait3A_145 = arith.constant 1 : i32
    %dma_wait3A_146 = arith.constant 0 : i32
    %dma_wait3A_147 = arith.constant 0 : i32
    %dma_wait3A_148 = tpu.memref_slice %arg3[%add3A, %dma_wait3A_145, %dma_wait3A_146, %dma_wait3A_147] : memref<32x8x20x64xi32, #tpu.memory_space<hbm>> -> memref<1x1x20x64xi32, #tpu.memory_space<hbm>>
    %dma_wait3A_149 = tpu.memref_squeeze %dma_wait3A_148 : memref<1x1x20x64xi32, #tpu.memory_space<hbm>> -> memref<20x64xi32, #tpu.memory_space<hbm>>
    %dma_wait3A_150 = arith.constant 0 : i32
    %dma_wait3A_151 = arith.constant 0 : i32
    %dma_wait3A_152 = tpu.memref_slice %arg3[%add3A, %dma_wait3A_145, %dma_wait3A_150, %dma_wait3A_151] : memref<32x8x20x64xi32, #tpu.memory_space<hbm>> -> memref<1x1x20x64xi32, #tpu.memory_space<hbm>>
    %dma_wait3A_153 = tpu.memref_squeeze %dma_wait3A_152 : memref<1x1x20x64xi32, #tpu.memory_space<hbm>> -> memref<20x64xi32, #tpu.memory_space<hbm>>
    tpu.wait_dma2 semaphore(%arg21 : memref<!tpu.dma_semaphore, #tpu.memory_space<semaphore_mem>>) src(%dma_wait3A_153 : memref<20x64xi32, #tpu.memory_space<hbm>>) dst(%arg9 : memref<20x64xi32, #tpu.memory_space<vmem>>)
    %dma_wait3A_154 = arith.constant 1 : i32
    %dma_wait3A_155 = arith.constant 0 : i32
    %dma_wait3A_156 = arith.constant 0 : i32
    %dma_wait3A_157 = tpu.memref_slice %arg4[%add3A, %dma_wait3A_154, %dma_wait3A_155, %dma_wait3A_156] : memref<32x8x20x64xi32, #tpu.memory_space<hbm>> -> memref<1x1x20x64xi32, #tpu.memory_space<hbm>>
    %dma_wait3A_158 = tpu.memref_squeeze %dma_wait3A_157 : memref<1x1x20x64xi32, #tpu.memory_space<hbm>> -> memref<20x64xi32, #tpu.memory_space<hbm>>
    %dma_wait3A_159 = arith.constant 0 : i32
    %dma_wait3A_160 = arith.constant 0 : i32
    %dma_wait3A_161 = tpu.memref_slice %arg4[%add3A, %dma_wait3A_154, %dma_wait3A_159, %dma_wait3A_160] : memref<32x8x20x64xi32, #tpu.memory_space<hbm>> -> memref<1x1x20x64xi32, #tpu.memory_space<hbm>>
    %dma_wait3A_162 = tpu.memref_squeeze %dma_wait3A_161 : memref<1x1x20x64xi32, #tpu.memory_space<hbm>> -> memref<20x64xi32, #tpu.memory_space<hbm>>
    tpu.wait_dma2 semaphore(%arg21 : memref<!tpu.dma_semaphore, #tpu.memory_space<semaphore_mem>>) src(%dma_wait3A_162 : memref<20x64xi32, #tpu.memory_space<hbm>>) dst(%arg10 : memref<20x64xi32, #tpu.memory_space<vmem>>)
    %dma_start3A_163 = arith.constant 0 : i32
    %dma_start3A_164 = arith.constant 0 : i32
    %dma_start3A_165 = tpu.memref_slice %arg9[%dma_start3A_163, %dma_start3A_164] : memref<20x64xi32, #tpu.memory_space<vmem>> -> memref<1x64xi32, #tpu.memory_space<vmem>>
    %dma_start3A_166 = tpu.memref_squeeze %dma_start3A_165 : memref<1x64xi32, #tpu.memory_space<vmem>> -> memref<64xi32, #tpu.memory_space<vmem>>
    %dma_start3A_167 = arith.constant 0 : i32
    %dma_start3A_168 = arith.constant 0 : i32
    %dma_start3A_169 = tpu.memref_slice %arg2[%dma_start3A_167, %dma_start3A_168] : memref<10000x128xf32, #tpu.memory_space<hbm>> -> memref<10000x128xf32, #tpu.memory_space<hbm>>
    tpu.enqueue_indirect_dma source(%dma_start3A_169 : memref<10000x128xf32, #tpu.memory_space<hbm>>) target(%arg11 : memref<64x128xf32, #tpu.memory_space<vmem>>) offsets(%dma_start3A_166 : memref<64xi32, #tpu.memory_space<vmem>>) semaphore(%arg16 : memref<!tpu.dma_semaphore, #tpu.memory_space<semaphore_mem>>)
    %dma_start3A_170 = arith.constant 1 : i32
    %dma_start3A_171 = arith.constant 0 : i32
    %dma_start3A_172 = tpu.memref_slice %arg9[%dma_start3A_170, %dma_start3A_171] : memref<20x64xi32, #tpu.memory_space<vmem>> -> memref<1x64xi32, #tpu.memory_space<vmem>>
    %dma_start3A_173 = tpu.memref_squeeze %dma_start3A_172 : memref<1x64xi32, #tpu.memory_space<vmem>> -> memref<64xi32, #tpu.memory_space<vmem>>
    %dma_start3A_174 = arith.constant 0 : i32
    %dma_start3A_175 = arith.constant 0 : i32
    %dma_start3A_176 = tpu.memref_slice %arg2[%dma_start3A_174, %dma_start3A_175] : memref<10000x128xf32, #tpu.memory_space<hbm>> -> memref<10000x128xf32, #tpu.memory_space<hbm>>
    tpu.enqueue_indirect_dma source(%dma_start3A_176 : memref<10000x128xf32, #tpu.memory_space<hbm>>) target(%arg12 : memref<64x128xf32, #tpu.memory_space<vmem>>) offsets(%dma_start3A_173 : memref<64xi32, #tpu.memory_space<vmem>>) semaphore(%arg17 : memref<!tpu.dma_semaphore, #tpu.memory_space<semaphore_mem>>)
    %dma_start3A_177 = arith.constant 2 : i32
    %dma_start3A_178 = arith.constant 0 : i32
    %dma_start3A_179 = tpu.memref_slice %arg9[%dma_start3A_177, %dma_start3A_178] : memref<20x64xi32, #tpu.memory_space<vmem>> -> memref<1x64xi32, #tpu.memory_space<vmem>>
    %dma_start3A_180 = tpu.memref_squeeze %dma_start3A_179 : memref<1x64xi32, #tpu.memory_space<vmem>> -> memref<64xi32, #tpu.memory_space<vmem>>
    %dma_start3A_181 = arith.constant 0 : i32
    %dma_start3A_182 = arith.constant 0 : i32
    %dma_start3A_183 = tpu.memref_slice %arg2[%dma_start3A_181, %dma_start3A_182] : memref<10000x128xf32, #tpu.memory_space<hbm>> -> memref<10000x128xf32, #tpu.memory_space<hbm>>
    tpu.enqueue_indirect_dma source(%dma_start3A_183 : memref<10000x128xf32, #tpu.memory_space<hbm>>) target(%arg13 : memref<64x128xf32, #tpu.memory_space<vmem>>) offsets(%dma_start3A_180 : memref<64xi32, #tpu.memory_space<vmem>>) semaphore(%arg18 : memref<!tpu.dma_semaphore, #tpu.memory_space<semaphore_mem>>)
    %dma_start3A_184 = arith.constant 3 : i32
    %dma_start3A_185 = arith.constant 0 : i32
    %dma_start3A_186 = tpu.memref_slice %arg9[%dma_start3A_184, %dma_start3A_185] : memref<20x64xi32, #tpu.memory_space<vmem>> -> memref<1x64xi32, #tpu.memory_space<vmem>>
    %dma_start3A_187 = tpu.memref_squeeze %dma_start3A_186 : memref<1x64xi32, #tpu.memory_space<vmem>> -> memref<64xi32, #tpu.memory_space<vmem>>
    %dma_start3A_188 = arith.constant 0 : i32
    %dma_start3A_189 = arith.constant 0 : i32
    %dma_start3A_190 = tpu.memref_slice %arg2[%dma_start3A_188, %dma_start3A_189] : memref<10000x128xf32, #tpu.memory_space<hbm>> -> memref<10000x128xf32, #tpu.memory_space<hbm>>
    tpu.enqueue_indirect_dma source(%dma_start3A_190 : memref<10000x128xf32, #tpu.memory_space<hbm>>) target(%arg14 : memref<64x128xf32, #tpu.memory_space<vmem>>) offsets(%dma_start3A_187 : memref<64xi32, #tpu.memory_space<vmem>>) semaphore(%arg19 : memref<!tpu.dma_semaphore, #tpu.memory_space<semaphore_mem>>)
    %scan3A_191 = arith.constant 0 : i32
    %scan3A_192 = arith.constant 4 : i32
    %scan3A_193 = arith.addi %scan3A_191, %scan3A_192 : i32
    %scan3A_194 = arith.constant 1 : i32
    scf.for %scan3A_819 = %scan3A_191 to %scan3A_193 step %scan3A_194  : i32 {
      %mul3A_820 = arith.constant 4 : i32
      %mul3A_821 = arith.muli %scan3A_819, %mul3A_820 : i32
      %add3A_822 = arith.constant 0 : i32
      %add3A_823 = arith.addi %add3A_822, %mul3A_821 : i32
      %add3A_824 = arith.constant 0 : i32
      %add3A_825 = arith.addi %add3A_823, %add3A_824 : i32
      %dma_wait3A_826 = arith.constant 0 : i32
      %dma_wait3A_827 = tpu.memref_slice %arg9[%add3A_825, %dma_wait3A_826] : memref<20x64xi32, #tpu.memory_space<vmem>> -> memref<1x64xi32, #tpu.memory_space<vmem>>
      %dma_wait3A_828 = tpu.memref_squeeze %dma_wait3A_827 : memref<1x64xi32, #tpu.memory_space<vmem>> -> memref<64xi32, #tpu.memory_space<vmem>>
      %dma_wait3A_829 = arith.constant 0 : i32
      %dma_wait3A_830 = arith.constant 0 : i32
      %dma_wait3A_831 = tpu.memref_slice %arg2[%dma_wait3A_829, %dma_wait3A_830] : memref<10000x128xf32, #tpu.memory_space<hbm>> -> memref<10000x128xf32, #tpu.memory_space<hbm>>
      tpu.wait_indirect_dma semaphore(%arg16 : memref<!tpu.dma_semaphore, #tpu.memory_space<semaphore_mem>>) src(%dma_wait3A_831 : memref<10000x128xf32, #tpu.memory_space<hbm>>) dst(%arg11 : memref<64x128xf32, #tpu.memory_space<vmem>>)
      %add3A_832 = arith.constant 0 : i32
      %add3A_833 = arith.addi %add3A_823, %add3A_832 : i32
      "tpu.region"() ({
        %run_scoped3A_904 = tpu.sem_alloc : memref<!tpu.dma_semaphore, #tpu.memory_space<semaphore_mem>>
        %dma_start3A_905 = arith.constant 0 : i32
        %dma_start3A_906 = tpu.memref_slice %arg10[%add3A_833, %dma_start3A_905] : memref<20x64xi32, #tpu.memory_space<vmem>> -> memref<1x64xi32, #tpu.memory_space<vmem>>
        %dma_start3A_907 = tpu.memref_squeeze %dma_start3A_906 : memref<1x64xi32, #tpu.memory_space<vmem>> -> memref<64xi32, #tpu.memory_space<vmem>>
        %dma_start3A_908 = arith.constant 0 : i32
        %dma_start3A_909 = arith.constant 0 : i32
        %dma_start3A_910 = tpu.memref_slice %arg6[%dma_start3A_908, %dma_start3A_909] : memref<10112x128xf32, #tpu.memory_space<vmem_shared>> -> memref<10112x128xf32, #tpu.memory_space<vmem_shared>>
        tpu.enqueue_indirect_dma source(%arg11 : memref<64x128xf32, #tpu.memory_space<vmem>>) target(%dma_start3A_910 : memref<10112x128xf32, #tpu.memory_space<vmem_shared>>) offsets(%dma_start3A_907 : memref<64xi32, #tpu.memory_space<vmem>>) semaphore(%run_scoped3A_904 : memref<!tpu.dma_semaphore, #tpu.memory_space<semaphore_mem>>) {add = true}
        %dma_wait3A_911 = arith.constant 0 : i32
        %dma_wait3A_912 = tpu.memref_slice %arg10[%add3A_833, %dma_wait3A_911] : memref<20x64xi32, #tpu.memory_space<vmem>> -> memref<1x64xi32, #tpu.memory_space<vmem>>
        %dma_wait3A_913 = tpu.memref_squeeze %dma_wait3A_912 : memref<1x64xi32, #tpu.memory_space<vmem>> -> memref<64xi32, #tpu.memory_space<vmem>>
        %dma_wait3A_914 = arith.constant 0 : i32
        %dma_wait3A_915 = arith.constant 0 : i32
        %dma_wait3A_916 = tpu.memref_slice %arg6[%dma_wait3A_914, %dma_wait3A_915] : memref<10112x128xf32, #tpu.memory_space<vmem_shared>> -> memref<10112x128xf32, #tpu.memory_space<vmem_shared>>
        tpu.wait_indirect_dma semaphore(%run_scoped3A_904 : memref<!tpu.dma_semaphore, #tpu.memory_space<semaphore_mem>>) src(%arg11 : memref<64x128xf32, #tpu.memory_space<vmem>>) dst(%dma_wait3A_916 : memref<10112x128xf32, #tpu.memory_space<vmem_shared>>)
        tpu.yield
      }) : () -> ()
      %add3A_834 = arith.constant 4 : i32
      %add3A_835 = arith.addi %add3A_823, %add3A_834 : i32
      %add3A_836 = arith.constant 0 : i32
      %add3A_837 = arith.addi %add3A_835, %add3A_836 : i32
      %dma_start3A_838 = arith.constant 0 : i32
      %dma_start3A_839 = tpu.memref_slice %arg9[%add3A_837, %dma_start3A_838] : memref<20x64xi32, #tpu.memory_space<vmem>> -> memref<1x64xi32, #tpu.memory_space<vmem>>
      %dma_start3A_840 = tpu.memref_squeeze %dma_start3A_839 : memref<1x64xi32, #tpu.memory_space<vmem>> -> memref<64xi32, #tpu.memory_space<vmem>>
      %dma_start3A_841 = arith.constant 0 : i32
      %dma_start3A_842 = arith.constant 0 : i32
      %dma_start3A_843 = tpu.memref_slice %arg2[%dma_start3A_841, %dma_start3A_842] : memref<10000x128xf32, #tpu.memory_space<hbm>> -> memref<10000x128xf32, #tpu.memory_space<hbm>>
      tpu.enqueue_indirect_dma source(%dma_start3A_843 : memref<10000x128xf32, #tpu.memory_space<hbm>>) target(%arg11 : memref<64x128xf32, #tpu.memory_space<vmem>>) offsets(%dma_start3A_840 : memref<64xi32, #tpu.memory_space<vmem>>) semaphore(%arg16 : memref<!tpu.dma_semaphore, #tpu.memory_space<semaphore_mem>>)
      %add3A_844 = arith.constant 1 : i32
      %add3A_845 = arith.addi %add3A_823, %add3A_844 : i32
      %dma_wait3A_846 = arith.constant 0 : i32
      %dma_wait3A_847 = tpu.memref_slice %arg9[%add3A_845, %dma_wait3A_846] : memref<20x64xi32, #tpu.memory_space<vmem>> -> memref<1x64xi32, #tpu.memory_space<vmem>>
      %dma_wait3A_848 = tpu.memref_squeeze %dma_wait3A_847 : memref<1x64xi32, #tpu.memory_space<vmem>> -> memref<64xi32, #tpu.memory_space<vmem>>
      %dma_wait3A_849 = arith.constant 0 : i32
      %dma_wait3A_850 = arith.constant 0 : i32
      %dma_wait3A_851 = tpu.memref_slice %arg2[%dma_wait3A_849, %dma_wait3A_850] : memref<10000x128xf32, #tpu.memory_space<hbm>> -> memref<10000x128xf32, #tpu.memory_space<hbm>>
      tpu.wait_indirect_dma semaphore(%arg17 : memref<!tpu.dma_semaphore, #tpu.memory_space<semaphore_mem>>) src(%dma_wait3A_851 : memref<10000x128xf32, #tpu.memory_space<hbm>>) dst(%arg12 : memref<64x128xf32, #tpu.memory_space<vmem>>)
      %add3A_852 = arith.constant 1 : i32
      %add3A_853 = arith.addi %add3A_823, %add3A_852 : i32
      "tpu.region"() ({
        %run_scoped3A_904 = tpu.sem_alloc : memref<!tpu.dma_semaphore, #tpu.memory_space<semaphore_mem>>
        %dma_start3A_905 = arith.constant 0 : i32
        %dma_start3A_906 = tpu.memref_slice %arg10[%add3A_853, %dma_start3A_905] : memref<20x64xi32, #tpu.memory_space<vmem>> -> memref<1x64xi32, #tpu.memory_space<vmem>>
        %dma_start3A_907 = tpu.memref_squeeze %dma_start3A_906 : memref<1x64xi32, #tpu.memory_space<vmem>> -> memref<64xi32, #tpu.memory_space<vmem>>
        %dma_start3A_908 = arith.constant 0 : i32
        %dma_start3A_909 = arith.constant 0 : i32
        %dma_start3A_910 = tpu.memref_slice %arg6[%dma_start3A_908, %dma_start3A_909] : memref<10112x128xf32, #tpu.memory_space<vmem_shared>> -> memref<10112x128xf32, #tpu.memory_space<vmem_shared>>
        tpu.enqueue_indirect_dma source(%arg12 : memref<64x128xf32, #tpu.memory_space<vmem>>) target(%dma_start3A_910 : memref<10112x128xf32, #tpu.memory_space<vmem_shared>>) offsets(%dma_start3A_907 : memref<64xi32, #tpu.memory_space<vmem>>) semaphore(%run_scoped3A_904 : memref<!tpu.dma_semaphore, #tpu.memory_space<semaphore_mem>>) {add = true}
        %dma_wait3A_911 = arith.constant 0 : i32
        %dma_wait3A_912 = tpu.memref_slice %arg10[%add3A_853, %dma_wait3A_911] : memref<20x64xi32, #tpu.memory_space<vmem>> -> memref<1x64xi32, #tpu.memory_space<vmem>>
        %dma_wait3A_913 = tpu.memref_squeeze %dma_wait3A_912 : memref<1x64xi32, #tpu.memory_space<vmem>> -> memref<64xi32, #tpu.memory_space<vmem>>
        %dma_wait3A_914 = arith.constant 0 : i32
        %dma_wait3A_915 = arith.constant 0 : i32
        %dma_wait3A_916 = tpu.memref_slice %arg6[%dma_wait3A_914, %dma_wait3A_915] : memref<10112x128xf32, #tpu.memory_space<vmem_shared>> -> memref<10112x128xf32, #tpu.memory_space<vmem_shared>>
        tpu.wait_indirect_dma semaphore(%run_scoped3A_904 : memref<!tpu.dma_semaphore, #tpu.memory_space<semaphore_mem>>) src(%arg12 : memref<64x128xf32, #tpu.memory_space<vmem>>) dst(%dma_wait3A_916 : memref<10112x128xf32, #tpu.memory_space<vmem_shared>>)
        tpu.yield
      }) : () -> ()
      %add3A_854 = arith.constant 4 : i32
      %add3A_855 = arith.addi %add3A_823, %add3A_854 : i32
      %add3A_856 = arith.constant 1 : i32
      %add3A_857 = arith.addi %add3A_855, %add3A_856 : i32
      %dma_start3A_858 = arith.constant 0 : i32
      %dma_start3A_859 = tpu.memref_slice %arg9[%add3A_857, %dma_start3A_858] : memref<20x64xi32, #tpu.memory_space<vmem>> -> memref<1x64xi32, #tpu.memory_space<vmem>>
      %dma_start3A_860 = tpu.memref_squeeze %dma_start3A_859 : memref<1x64xi32, #tpu.memory_space<vmem>> -> memref<64xi32, #tpu.memory_space<vmem>>
      %dma_start3A_861 = arith.constant 0 : i32
      %dma_start3A_862 = arith.constant 0 : i32
      %dma_start3A_863 = tpu.memref_slice %arg2[%dma_start3A_861, %dma_start3A_862] : memref<10000x128xf32, #tpu.memory_space<hbm>> -> memref<10000x128xf32, #tpu.memory_space<hbm>>
      tpu.enqueue_indirect_dma source(%dma_start3A_863 : memref<10000x128xf32, #tpu.memory_space<hbm>>) target(%arg12 : memref<64x128xf32, #tpu.memory_space<vmem>>) offsets(%dma_start3A_860 : memref<64xi32, #tpu.memory_space<vmem>>) semaphore(%arg17 : memref<!tpu.dma_semaphore, #tpu.memory_space<semaphore_mem>>)
      %add3A_864 = arith.constant 2 : i32
      %add3A_865 = arith.addi %add3A_823, %add3A_864 : i32
      %dma_wait3A_866 = arith.constant 0 : i32
      %dma_wait3A_867 = tpu.memref_slice %arg9[%add3A_865, %dma_wait3A_866] : memref<20x64xi32, #tpu.memory_space<vmem>> -> memref<1x64xi32, #tpu.memory_space<vmem>>
      %dma_wait3A_868 = tpu.memref_squeeze %dma_wait3A_867 : memref<1x64xi32, #tpu.memory_space<vmem>> -> memref<64xi32, #tpu.memory_space<vmem>>
      %dma_wait3A_869 = arith.constant 0 : i32
      %dma_wait3A_870 = arith.constant 0 : i32
      %dma_wait3A_871 = tpu.memref_slice %arg2[%dma_wait3A_869, %dma_wait3A_870] : memref<10000x128xf32, #tpu.memory_space<hbm>> -> memref<10000x128xf32, #tpu.memory_space<hbm>>
      tpu.wait_indirect_dma semaphore(%arg18 : memref<!tpu.dma_semaphore, #tpu.memory_space<semaphore_mem>>) src(%dma_wait3A_871 : memref<10000x128xf32, #tpu.memory_space<hbm>>) dst(%arg13 : memref<64x128xf32, #tpu.memory_space<vmem>>)
      %add3A_872 = arith.constant 2 : i32
      %add3A_873 = arith.addi %add3A_823, %add3A_872 : i32
      "tpu.region"() ({
        %run_scoped3A_904 = tpu.sem_alloc : memref<!tpu.dma_semaphore, #tpu.memory_space<semaphore_mem>>
        %dma_start3A_905 = arith.constant 0 : i32
        %dma_start3A_906 = tpu.memref_slice %arg10[%add3A_873, %dma_start3A_905] : memref<20x64xi32, #tpu.memory_space<vmem>> -> memref<1x64xi32, #tpu.memory_space<vmem>>
        %dma_start3A_907 = tpu.memref_squeeze %dma_start3A_906 : memref<1x64xi32, #tpu.memory_space<vmem>> -> memref<64xi32, #tpu.memory_space<vmem>>
        %dma_start3A_908 = arith.constant 0 : i32
        %dma_start3A_909 = arith.constant 0 : i32
        %dma_start3A_910 = tpu.memref_slice %arg6[%dma_start3A_908, %dma_start3A_909] : memref<10112x128xf32, #tpu.memory_space<vmem_shared>> -> memref<10112x128xf32, #tpu.memory_space<vmem_shared>>
        tpu.enqueue_indirect_dma source(%arg13 : memref<64x128xf32, #tpu.memory_space<vmem>>) target(%dma_start3A_910 : memref<10112x128xf32, #tpu.memory_space<vmem_shared>>) offsets(%dma_start3A_907 : memref<64xi32, #tpu.memory_space<vmem>>) semaphore(%run_scoped3A_904 : memref<!tpu.dma_semaphore, #tpu.memory_space<semaphore_mem>>) {add = true}
        %dma_wait3A_911 = arith.constant 0 : i32
        %dma_wait3A_912 = tpu.memref_slice %arg10[%add3A_873, %dma_wait3A_911] : memref<20x64xi32, #tpu.memory_space<vmem>> -> memref<1x64xi32, #tpu.memory_space<vmem>>
        %dma_wait3A_913 = tpu.memref_squeeze %dma_wait3A_912 : memref<1x64xi32, #tpu.memory_space<vmem>> -> memref<64xi32, #tpu.memory_space<vmem>>
        %dma_wait3A_914 = arith.constant 0 : i32
        %dma_wait3A_915 = arith.constant 0 : i32
        %dma_wait3A_916 = tpu.memref_slice %arg6[%dma_wait3A_914, %dma_wait3A_915] : memref<10112x128xf32, #tpu.memory_space<vmem_shared>> -> memref<10112x128xf32, #tpu.memory_space<vmem_shared>>
        tpu.wait_indirect_dma semaphore(%run_scoped3A_904 : memref<!tpu.dma_semaphore, #tpu.memory_space<semaphore_mem>>) src(%arg13 : memref<64x128xf32, #tpu.memory_space<vmem>>) dst(%dma_wait3A_916 : memref<10112x128xf32, #tpu.memory_space<vmem_shared>>)
        tpu.yield
      }) : () -> ()
      %add3A_874 = arith.constant 4 : i32
      %add3A_875 = arith.addi %add3A_823, %add3A_874 : i32
      %add3A_876 = arith.constant 2 : i32
      %add3A_877 = arith.addi %add3A_875, %add3A_876 : i32
      %dma_start3A_878 = arith.constant 0 : i32
      %dma_start3A_879 = tpu.memref_slice %arg9[%add3A_877, %dma_start3A_878] : memref<20x64xi32, #tpu.memory_space<vmem>> -> memref<1x64xi32, #tpu.memory_space<vmem>>
      %dma_start3A_880 = tpu.memref_squeeze %dma_start3A_879 : memref<1x64xi32, #tpu.memory_space<vmem>> -> memref<64xi32, #tpu.memory_space<vmem>>
      %dma_start3A_881 = arith.constant 0 : i32
      %dma_start3A_882 = arith.constant 0 : i32
      %dma_start3A_883 = tpu.memref_slice %arg2[%dma_start3A_881, %dma_start3A_882] : memref<10000x128xf32, #tpu.memory_space<hbm>> -> memref<10000x128xf32, #tpu.memory_space<hbm>>
      tpu.enqueue_indirect_dma source(%dma_start3A_883 : memref<10000x128xf32, #tpu.memory_space<hbm>>) target(%arg13 : memref<64x128xf32, #tpu.memory_space<vmem>>) offsets(%dma_start3A_880 : memref<64xi32, #tpu.memory_space<vmem>>) semaphore(%arg18 : memref<!tpu.dma_semaphore, #tpu.memory_space<semaphore_mem>>)
      %add3A_884 = arith.constant 3 : i32
      %add3A_885 = arith.addi %add3A_823, %add3A_884 : i32
      %dma_wait3A_886 = arith.constant 0 : i32
      %dma_wait3A_887 = tpu.memref_slice %arg9[%add3A_885, %dma_wait3A_886] : memref<20x64xi32, #tpu.memory_space<vmem>> -> memref<1x64xi32, #tpu.memory_space<vmem>>
      %dma_wait3A_888 = tpu.memref_squeeze %dma_wait3A_887 : memref<1x64xi32, #tpu.memory_space<vmem>> -> memref<64xi32, #tpu.memory_space<vmem>>
      %dma_wait3A_889 = arith.constant 0 : i32
      %dma_wait3A_890 = arith.constant 0 : i32
      %dma_wait3A_891 = tpu.memref_slice %arg2[%dma_wait3A_889, %dma_wait3A_890] : memref<10000x128xf32, #tpu.memory_space<hbm>> -> memref<10000x128xf32, #tpu.memory_space<hbm>>
      tpu.wait_indirect_dma semaphore(%arg19 : memref<!tpu.dma_semaphore, #tpu.memory_space<semaphore_mem>>) src(%dma_wait3A_891 : memref<10000x128xf32, #tpu.memory_space<hbm>>) dst(%arg14 : memref<64x128xf32, #tpu.memory_space<vmem>>)
      %add3A_892 = arith.constant 3 : i32
      %add3A_893 = arith.addi %add3A_823, %add3A_892 : i32
      "tpu.region"() ({
        %run_scoped3A_904 = tpu.sem_alloc : memref<!tpu.dma_semaphore, #tpu.memory_space<semaphore_mem>>
        %dma_start3A_905 = arith.constant 0 : i32
        %dma_start3A_906 = tpu.memref_slice %arg10[%add3A_893, %dma_start3A_905] : memref<20x64xi32, #tpu.memory_space<vmem>> -> memref<1x64xi32, #tpu.memory_space<vmem>>
        %dma_start3A_907 = tpu.memref_squeeze %dma_start3A_906 : memref<1x64xi32, #tpu.memory_space<vmem>> -> memref<64xi32, #tpu.memory_space<vmem>>
        %dma_start3A_908 = arith.constant 0 : i32
        %dma_start3A_909 = arith.constant 0 : i32
        %dma_start3A_910 = tpu.memref_slice %arg6[%dma_start3A_908, %dma_start3A_909] : memref<10112x128xf32, #tpu.memory_space<vmem_shared>> -> memref<10112x128xf32, #tpu.memory_space<vmem_shared>>
        tpu.enqueue_indirect_dma source(%arg14 : memref<64x128xf32, #tpu.memory_space<vmem>>) target(%dma_start3A_910 : memref<10112x128xf32, #tpu.memory_space<vmem_shared>>) offsets(%dma_start3A_907 : memref<64xi32, #tpu.memory_space<vmem>>) semaphore(%run_scoped3A_904 : memref<!tpu.dma_semaphore, #tpu.memory_space<semaphore_mem>>) {add = true}
        %dma_wait3A_911 = arith.constant 0 : i32
        %dma_wait3A_912 = tpu.memref_slice %arg10[%add3A_893, %dma_wait3A_911] : memref<20x64xi32, #tpu.memory_space<vmem>> -> memref<1x64xi32, #tpu.memory_space<vmem>>
        %dma_wait3A_913 = tpu.memref_squeeze %dma_wait3A_912 : memref<1x64xi32, #tpu.memory_space<vmem>> -> memref<64xi32, #tpu.memory_space<vmem>>
        %dma_wait3A_914 = arith.constant 0 : i32
        %dma_wait3A_915 = arith.constant 0 : i32
        %dma_wait3A_916 = tpu.memref_slice %arg6[%dma_wait3A_914, %dma_wait3A_915] : memref<10112x128xf32, #tpu.memory_space<vmem_shared>> -> memref<10112x128xf32, #tpu.memory_space<vmem_shared>>
        tpu.wait_indirect_dma semaphore(%run_scoped3A_904 : memref<!tpu.dma_semaphore, #tpu.memory_space<semaphore_mem>>) src(%arg14 : memref<64x128xf32, #tpu.memory_space<vmem>>) dst(%dma_wait3A_916 : memref<10112x128xf32, #tpu.memory_space<vmem_shared>>)
        tpu.yield
      }) : () -> ()
      %add3A_894 = arith.constant 4 : i32
      %add3A_895 = arith.addi %add3A_823, %add3A_894 : i32
      %add3A_896 = arith.constant 3 : i32
      %add3A_897 = arith.addi %add3A_895, %add3A_896 : i32
      %dma_start3A_898 = arith.constant 0 : i32
      %dma_start3A_899 = tpu.memref_slice %arg9[%add3A_897, %dma_start3A_898] : memref<20x64xi32, #tpu.memory_space<vmem>> -> memref<1x64xi32, #tpu.memory_space<vmem>>
      %dma_start3A_900 = tpu.memref_squeeze %dma_start3A_899 : memref<1x64xi32, #tpu.memory_space<vmem>> -> memref<64xi32, #tpu.memory_space<vmem>>
      %dma_start3A_901 = arith.constant 0 : i32
      %dma_start3A_902 = arith.constant 0 : i32
      %dma_start3A_903 = tpu.memref_slice %arg2[%dma_start3A_901, %dma_start3A_902] : memref<10000x128xf32, #tpu.memory_space<hbm>> -> memref<10000x128xf32, #tpu.memory_space<hbm>>
      tpu.enqueue_indirect_dma source(%dma_start3A_903 : memref<10000x128xf32, #tpu.memory_space<hbm>>) target(%arg14 : memref<64x128xf32, #tpu.memory_space<vmem>>) offsets(%dma_start3A_900 : memref<64xi32, #tpu.memory_space<vmem>>) semaphore(%arg19 : memref<!tpu.dma_semaphore, #tpu.memory_space<semaphore_mem>>)
    }
    %scan3A_195 = arith.constant 4 : i32
    %dma_wait3A_196 = arith.constant 16 : i32
    %dma_wait3A_197 = arith.constant 0 : i32
    %dma_wait3A_198 = tpu.memref_slice %arg9[%dma_wait3A_196, %dma_wait3A_197] : memref<20x64xi32, #tpu.memory_space<vmem>> -> memref<1x64xi32, #tpu.memory_space<vmem>>
    %dma_wait3A_199 = tpu.memref_squeeze %dma_wait3A_198 : memref<1x64xi32, #tpu.memory_space<vmem>> -> memref<64xi32, #tpu.memory_space<vmem>>
    %dma_wait3A_200 = arith.constant 0 : i32
    %dma_wait3A_201 = arith.constant 0 : i32
    %dma_wait3A_202 = tpu.memref_slice %arg2[%dma_wait3A_200, %dma_wait3A_201] : memref<10000x128xf32, #tpu.memory_space<hbm>> -> memref<10000x128xf32, #tpu.memory_space<hbm>>
    tpu.wait_indirect_dma semaphore(%arg16 : memref<!tpu.dma_semaphore, #tpu.memory_space<semaphore_mem>>) src(%dma_wait3A_202 : memref<10000x128xf32, #tpu.memory_space<hbm>>) dst(%arg11 : memref<64x128xf32, #tpu.memory_space<vmem>>)
    %run_scoped3A_203 = arith.constant 16 : i32
    "tpu.region"() ({
      %run_scoped3A_819 = tpu.sem_alloc : memref<!tpu.dma_semaphore, #tpu.memory_space<semaphore_mem>>
      %dma_start3A_820 = arith.constant 0 : i32
      %dma_start3A_821 = tpu.memref_slice %arg10[%run_scoped3A_203, %dma_start3A_820] : memref<20x64xi32, #tpu.memory_space<vmem>> -> memref<1x64xi32, #tpu.memory_space<vmem>>
      %dma_start3A_822 = tpu.memref_squeeze %dma_start3A_821 : memref<1x64xi32, #tpu.memory_space<vmem>> -> memref<64xi32, #tpu.memory_space<vmem>>
      %dma_start3A_823 = arith.constant 0 : i32
      %dma_start3A_824 = arith.constant 0 : i32
      %dma_start3A_825 = tpu.memref_slice %arg6[%dma_start3A_823, %dma_start3A_824] : memref<10112x128xf32, #tpu.memory_space<vmem_shared>> -> memref<10112x128xf32, #tpu.memory_space<vmem_shared>>
      tpu.enqueue_indirect_dma source(%arg11 : memref<64x128xf32, #tpu.memory_space<vmem>>) target(%dma_start3A_825 : memref<10112x128xf32, #tpu.memory_space<vmem_shared>>) offsets(%dma_start3A_822 : memref<64xi32, #tpu.memory_space<vmem>>) semaphore(%run_scoped3A_819 : memref<!tpu.dma_semaphore, #tpu.memory_space<semaphore_mem>>) {add = true}
      %dma_wait3A_826 = arith.constant 0 : i32
      %dma_wait3A_827 = tpu.memref_slice %arg10[%run_scoped3A_203, %dma_wait3A_826] : memref<20x64xi32, #tpu.memory_space<vmem>> -> memref<1x64xi32, #tpu.memory_space<vmem>>
      %dma_wait3A_828 = tpu.memref_squeeze %dma_wait3A_827 : memref<1x64xi32, #tpu.memory_space<vmem>> -> memref<64xi32, #tpu.memory_space<vmem>>
      %dma_wait3A_829 = arith.constant 0 : i32
      %dma_wait3A_830 = arith.constant 0 : i32
      %dma_wait3A_831 = tpu.memref_slice %arg6[%dma_wait3A_829, %dma_wait3A_830] : memref<10112x128xf32, #tpu.memory_space<vmem_shared>> -> memref<10112x128xf32, #tpu.memory_space<vmem_shared>>
      tpu.wait_indirect_dma semaphore(%run_scoped3A_819 : memref<!tpu.dma_semaphore, #tpu.memory_space<semaphore_mem>>) src(%arg11 : memref<64x128xf32, #tpu.memory_space<vmem>>) dst(%dma_wait3A_831 : memref<10112x128xf32, #tpu.memory_space<vmem_shared>>)
      tpu.yield
    }) : () -> ()
    %dma_wait3A_204 = arith.constant 17 : i32
    %dma_wait3A_205 = arith.constant 0 : i32
    %dma_wait3A_206 = tpu.memref_slice %arg9[%dma_wait3A_204, %dma_wait3A_205] : memref<20x64xi32, #tpu.memory_space<vmem>> -> memref<1x64xi32, #tpu.memory_space<vmem>>
    %dma_wait3A_207 = tpu.memref_squeeze %dma_wait3A_206 : memref<1x64xi32, #tpu.memory_space<vmem>> -> memref<64xi32, #tpu.memory_space<vmem>>
    %dma_wait3A_208 = arith.constant 0 : i32
    %dma_wait3A_209 = arith.constant 0 : i32
    %dma_wait3A_210 = tpu.memref_slice %arg2[%dma_wait3A_208, %dma_wait3A_209] : memref<10000x128xf32, #tpu.memory_space<hbm>> -> memref<10000x128xf32, #tpu.memory_space<hbm>>
    tpu.wait_indirect_dma semaphore(%arg17 : memref<!tpu.dma_semaphore, #tpu.memory_space<semaphore_mem>>) src(%dma_wait3A_210 : memref<10000x128xf32, #tpu.memory_space<hbm>>) dst(%arg12 : memref<64x128xf32, #tpu.memory_space<vmem>>)
    %run_scoped3A_211 = arith.constant 17 : i32
    "tpu.region"() ({
      %run_scoped3A_819 = tpu.sem_alloc : memref<!tpu.dma_semaphore, #tpu.memory_space<semaphore_mem>>
      %dma_start3A_820 = arith.constant 0 : i32
      %dma_start3A_821 = tpu.memref_slice %arg10[%run_scoped3A_211, %dma_start3A_820] : memref<20x64xi32, #tpu.memory_space<vmem>> -> memref<1x64xi32, #tpu.memory_space<vmem>>
      %dma_start3A_822 = tpu.memref_squeeze %dma_start3A_821 : memref<1x64xi32, #tpu.memory_space<vmem>> -> memref<64xi32, #tpu.memory_space<vmem>>
      %dma_start3A_823 = arith.constant 0 : i32
      %dma_start3A_824 = arith.constant 0 : i32
      %dma_start3A_825 = tpu.memref_slice %arg6[%dma_start3A_823, %dma_start3A_824] : memref<10112x128xf32, #tpu.memory_space<vmem_shared>> -> memref<10112x128xf32, #tpu.memory_space<vmem_shared>>
      tpu.enqueue_indirect_dma source(%arg12 : memref<64x128xf32, #tpu.memory_space<vmem>>) target(%dma_start3A_825 : memref<10112x128xf32, #tpu.memory_space<vmem_shared>>) offsets(%dma_start3A_822 : memref<64xi32, #tpu.memory_space<vmem>>) semaphore(%run_scoped3A_819 : memref<!tpu.dma_semaphore, #tpu.memory_space<semaphore_mem>>) {add = true}
      %dma_wait3A_826 = arith.constant 0 : i32
      %dma_wait3A_827 = tpu.memref_slice %arg10[%run_scoped3A_211, %dma_wait3A_826] : memref<20x64xi32, #tpu.memory_space<vmem>> -> memref<1x64xi32, #tpu.memory_space<vmem>>
      %dma_wait3A_828 = tpu.memref_squeeze %dma_wait3A_827 : memref<1x64xi32, #tpu.memory_space<vmem>> -> memref<64xi32, #tpu.memory_space<vmem>>
      %dma_wait3A_829 = arith.constant 0 : i32
      %dma_wait3A_830 = arith.constant 0 : i32
      %dma_wait3A_831 = tpu.memref_slice %arg6[%dma_wait3A_829, %dma_wait3A_830] : memref<10112x128xf32, #tpu.memory_space<vmem_shared>> -> memref<10112x128xf32, #tpu.memory_space<vmem_shared>>
      tpu.wait_indirect_dma semaphore(%run_scoped3A_819 : memref<!tpu.dma_semaphore, #tpu.memory_space<semaphore_mem>>) src(%arg12 : memref<64x128xf32, #tpu.memory_space<vmem>>) dst(%dma_wait3A_831 : memref<10112x128xf32, #tpu.memory_space<vmem_shared>>)
      tpu.yield
    }) : () -> ()
    %dma_wait3A_212 = arith.constant 18 : i32
    %dma_wait3A_213 = arith.constant 0 : i32
    %dma_wait3A_214 = tpu.memref_slice %arg9[%dma_wait3A_212, %dma_wait3A_213] : memref<20x64xi32, #tpu.memory_space<vmem>> -> memref<1x64xi32, #tpu.memory_space<vmem>>
    %dma_wait3A_215 = tpu.memref_squeeze %dma_wait3A_214 : memref<1x64xi32, #tpu.memory_space<vmem>> -> memref<64xi32, #tpu.memory_space<vmem>>
    %dma_wait3A_216 = arith.constant 0 : i32
    %dma_wait3A_217 = arith.constant 0 : i32
    %dma_wait3A_218 = tpu.memref_slice %arg2[%dma_wait3A_216, %dma_wait3A_217] : memref<10000x128xf32, #tpu.memory_space<hbm>> -> memref<10000x128xf32, #tpu.memory_space<hbm>>
    tpu.wait_indirect_dma semaphore(%arg18 : memref<!tpu.dma_semaphore, #tpu.memory_space<semaphore_mem>>) src(%dma_wait3A_218 : memref<10000x128xf32, #tpu.memory_space<hbm>>) dst(%arg13 : memref<64x128xf32, #tpu.memory_space<vmem>>)
    %run_scoped3A_219 = arith.constant 18 : i32
    "tpu.region"() ({
      %run_scoped3A_819 = tpu.sem_alloc : memref<!tpu.dma_semaphore, #tpu.memory_space<semaphore_mem>>
      %dma_start3A_820 = arith.constant 0 : i32
      %dma_start3A_821 = tpu.memref_slice %arg10[%run_scoped3A_219, %dma_start3A_820] : memref<20x64xi32, #tpu.memory_space<vmem>> -> memref<1x64xi32, #tpu.memory_space<vmem>>
      %dma_start3A_822 = tpu.memref_squeeze %dma_start3A_821 : memref<1x64xi32, #tpu.memory_space<vmem>> -> memref<64xi32, #tpu.memory_space<vmem>>
      %dma_start3A_823 = arith.constant 0 : i32
      %dma_start3A_824 = arith.constant 0 : i32
      %dma_start3A_825 = tpu.memref_slice %arg6[%dma_start3A_823, %dma_start3A_824] : memref<10112x128xf32, #tpu.memory_space<vmem_shared>> -> memref<10112x128xf32, #tpu.memory_space<vmem_shared>>
      tpu.enqueue_indirect_dma source(%arg13 : memref<64x128xf32, #tpu.memory_space<vmem>>) target(%dma_start3A_825 : memref<10112x128xf32, #tpu.memory_space<vmem_shared>>) offsets(%dma_start3A_822 : memref<64xi32, #tpu.memory_space<vmem>>) semaphore(%run_scoped3A_819 : memref<!tpu.dma_semaphore, #tpu.memory_space<semaphore_mem>>) {add = true}
      %dma_wait3A_826 = arith.constant 0 : i32
      %dma_wait3A_827 = tpu.memref_slice %arg10[%run_scoped3A_219, %dma_wait3A_826] : memref<20x64xi32, #tpu.memory_space<vmem>> -> memref<1x64xi32, #tpu.memory_space<vmem>>
      %dma_wait3A_828 = tpu.memref_squeeze %dma_wait3A_827 : memref<1x64xi32, #tpu.memory_space<vmem>> -> memref<64xi32, #tpu.memory_space<vmem>>
      %dma_wait3A_829 = arith.constant 0 : i32
      %dma_wait3A_830 = arith.constant 0 : i32
      %dma_wait3A_831 = tpu.memref_slice %arg6[%dma_wait3A_829, %dma_wait3A_830] : memref<10112x128xf32, #tpu.memory_space<vmem_shared>> -> memref<10112x128xf32, #tpu.memory_space<vmem_shared>>
      tpu.wait_indirect_dma semaphore(%run_scoped3A_819 : memref<!tpu.dma_semaphore, #tpu.memory_space<semaphore_mem>>) src(%arg13 : memref<64x128xf32, #tpu.memory_space<vmem>>) dst(%dma_wait3A_831 : memref<10112x128xf32, #tpu.memory_space<vmem_shared>>)
      tpu.yield
    }) : () -> ()
    %dma_wait3A_220 = arith.constant 19 : i32
    %dma_wait3A_221 = arith.constant 0 : i32
    %dma_wait3A_222 = tpu.memref_slice %arg9[%dma_wait3A_220, %dma_wait3A_221] : memref<20x64xi32, #tpu.memory_space<vmem>> -> memref<1x64xi32, #tpu.memory_space<vmem>>
    %dma_wait3A_223 = tpu.memref_squeeze %dma_wait3A_222 : memref<1x64xi32, #tpu.memory_space<vmem>> -> memref<64xi32, #tpu.memory_space<vmem>>
    %dma_wait3A_224 = arith.constant 0 : i32
    %dma_wait3A_225 = arith.constant 0 : i32
    %dma_wait3A_226 = tpu.memref_slice %arg2[%dma_wait3A_224, %dma_wait3A_225] : memref<10000x128xf32, #tpu.memory_space<hbm>> -> memref<10000x128xf32, #tpu.memory_space<hbm>>
    tpu.wait_indirect_dma semaphore(%arg19 : memref<!tpu.dma_semaphore, #tpu.memory_space<semaphore_mem>>) src(%dma_wait3A_226 : memref<10000x128xf32, #tpu.memory_space<hbm>>) dst(%arg14 : memref<64x128xf32, #tpu.memory_space<vmem>>)
    %run_scoped3A_227 = arith.constant 19 : i32
    "tpu.region"() ({
      %run_scoped3A_819 = tpu.sem_alloc : memref<!tpu.dma_semaphore, #tpu.memory_space<semaphore_mem>>
      %dma_start3A_820 = arith.constant 0 : i32
      %dma_start3A_821 = tpu.memref_slice %arg10[%run_scoped3A_227, %dma_start3A_820] : memref<20x64xi32, #tpu.memory_space<vmem>> -> memref<1x64xi32, #tpu.memory_space<vmem>>
      %dma_start3A_822 = tpu.memref_squeeze %dma_start3A_821 : memref<1x64xi32, #tpu.memory_space<vmem>> -> memref<64xi32, #tpu.memory_space<vmem>>
      %dma_start3A_823 = arith.constant 0 : i32
      %dma_start3A_824 = arith.constant 0 : i32
      %dma_start3A_825 = tpu.memref_slice %arg6[%dma_start3A_823, %dma_start3A_824] : memref<10112x128xf32, #tpu.memory_space<vmem_shared>> -> memref<10112x128xf32, #tpu.memory_space<vmem_shared>>
      tpu.enqueue_indirect_dma source(%arg14 : memref<64x128xf32, #tpu.memory_space<vmem>>) target(%dma_start3A_825 : memref<10112x128xf32, #tpu.memory_space<vmem_shared>>) offsets(%dma_start3A_822 : memref<64xi32, #tpu.memory_space<vmem>>) semaphore(%run_scoped3A_819 : memref<!tpu.dma_semaphore, #tpu.memory_space<semaphore_mem>>) {add = true}
      %dma_wait3A_826 = arith.constant 0 : i32
      %dma_wait3A_827 = tpu.memref_slice %arg10[%run_scoped3A_227, %dma_wait3A_826] : memref<20x64xi32, #tpu.memory_space<vmem>> -> memref<1x64xi32, #tpu.memory_space<vmem>>
      %dma_wait3A_828 = tpu.memref_squeeze %dma_wait3A_827 : memref<1x64xi32, #tpu.memory_space<vmem>> -> memref<64xi32, #tpu.memory_space<vmem>>
      %dma_wait3A_829 = arith.constant 0 : i32
      %dma_wait3A_830 = arith.constant 0 : i32
      %dma_wait3A_831 = tpu.memref_slice %arg6[%dma_wait3A_829, %dma_wait3A_830] : memref<10112x128xf32, #tpu.memory_space<vmem_shared>> -> memref<10112x128xf32, #tpu.memory_space<vmem_shared>>
      tpu.wait_indirect_dma semaphore(%run_scoped3A_819 : memref<!tpu.dma_semaphore, #tpu.memory_space<semaphore_mem>>) src(%arg14 : memref<64x128xf32, #tpu.memory_space<vmem>>) dst(%dma_wait3A_831 : memref<10112x128xf32, #tpu.memory_space<vmem_shared>>)
      tpu.yield
    }) : () -> ()
    %dma_start3A_228 = arith.constant 3 : i32
    %dma_start3A_229 = arith.constant 0 : i32
    %dma_start3A_230 = arith.constant 0 : i32
    %dma_start3A_231 = tpu.memref_slice %arg3[%add3A, %dma_start3A_228, %dma_start3A_229, %dma_start3A_230] : memref<32x8x20x64xi32, #tpu.memory_space<hbm>> -> memref<1x1x20x64xi32, #tpu.memory_space<hbm>>
    %dma_start3A_232 = tpu.memref_squeeze %dma_start3A_231 : memref<1x1x20x64xi32, #tpu.memory_space<hbm>> -> memref<20x64xi32, #tpu.memory_space<hbm>>
    %dma_start3A_233 = arith.constant 0 : i32
    %dma_start3A_234 = arith.constant 0 : i32
    %dma_start3A_235 = tpu.memref_slice %arg3[%add3A, %dma_start3A_228, %dma_start3A_233, %dma_start3A_234] : memref<32x8x20x64xi32, #tpu.memory_space<hbm>> -> memref<1x1x20x64xi32, #tpu.memory_space<hbm>>
    %dma_start3A_236 = tpu.memref_squeeze %dma_start3A_235 : memref<1x1x20x64xi32, #tpu.memory_space<hbm>> -> memref<20x64xi32, #tpu.memory_space<hbm>>
    tpu.enqueue_dma source(%dma_start3A_236 : memref<20x64xi32, #tpu.memory_space<hbm>>) target(%arg9 : memref<20x64xi32, #tpu.memory_space<vmem>>) target_semaphore(%arg21 : memref<!tpu.dma_semaphore, #tpu.memory_space<semaphore_mem>>)
    %dma_start3A_237 = arith.constant 3 : i32
    %dma_start3A_238 = arith.constant 0 : i32
    %dma_start3A_239 = arith.constant 0 : i32
    %dma_start3A_240 = tpu.memref_slice %arg4[%add3A, %dma_start3A_237, %dma_start3A_238, %dma_start3A_239] : memref<32x8x20x64xi32, #tpu.memory_space<hbm>> -> memref<1x1x20x64xi32, #tpu.memory_space<hbm>>
    %dma_start3A_241 = tpu.memref_squeeze %dma_start3A_240 : memref<1x1x20x64xi32, #tpu.memory_space<hbm>> -> memref<20x64xi32, #tpu.memory_space<hbm>>
    %dma_start3A_242 = arith.constant 0 : i32
    %dma_start3A_243 = arith.constant 0 : i32
    %dma_start3A_244 = tpu.memref_slice %arg4[%add3A, %dma_start3A_237, %dma_start3A_242, %dma_start3A_243] : memref<32x8x20x64xi32, #tpu.memory_space<hbm>> -> memref<1x1x20x64xi32, #tpu.memory_space<hbm>>
    %dma_start3A_245 = tpu.memref_squeeze %dma_start3A_244 : memref<1x1x20x64xi32, #tpu.memory_space<hbm>> -> memref<20x64xi32, #tpu.memory_space<hbm>>
    tpu.enqueue_dma source(%dma_start3A_245 : memref<20x64xi32, #tpu.memory_space<hbm>>) target(%arg10 : memref<20x64xi32, #tpu.memory_space<vmem>>) target_semaphore(%arg21 : memref<!tpu.dma_semaphore, #tpu.memory_space<semaphore_mem>>)
    %dma_wait3A_246 = arith.constant 2 : i32
    %dma_wait3A_247 = arith.constant 0 : i32
    %dma_wait3A_248 = arith.constant 0 : i32
    %dma_wait3A_249 = tpu.memref_slice %arg3[%add3A, %dma_wait3A_246, %dma_wait3A_247, %dma_wait3A_248] : memref<32x8x20x64xi32, #tpu.memory_space<hbm>> -> memref<1x1x20x64xi32, #tpu.memory_space<hbm>>
    %dma_wait3A_250 = tpu.memref_squeeze %dma_wait3A_249 : memref<1x1x20x64xi32, #tpu.memory_space<hbm>> -> memref<20x64xi32, #tpu.memory_space<hbm>>
    %dma_wait3A_251 = arith.constant 0 : i32
    %dma_wait3A_252 = arith.constant 0 : i32
    %dma_wait3A_253 = tpu.memref_slice %arg3[%add3A, %dma_wait3A_246, %dma_wait3A_251, %dma_wait3A_252] : memref<32x8x20x64xi32, #tpu.memory_space<hbm>> -> memref<1x1x20x64xi32, #tpu.memory_space<hbm>>
    %dma_wait3A_254 = tpu.memref_squeeze %dma_wait3A_253 : memref<1x1x20x64xi32, #tpu.memory_space<hbm>> -> memref<20x64xi32, #tpu.memory_space<hbm>>
    tpu.wait_dma2 semaphore(%arg20 : memref<!tpu.dma_semaphore, #tpu.memory_space<semaphore_mem>>) src(%dma_wait3A_254 : memref<20x64xi32, #tpu.memory_space<hbm>>) dst(%arg7 : memref<20x64xi32, #tpu.memory_space<vmem>>)
    %dma_wait3A_255 = arith.constant 2 : i32
    %dma_wait3A_256 = arith.constant 0 : i32
    %dma_wait3A_257 = arith.constant 0 : i32
    %dma_wait3A_258 = tpu.memref_slice %arg4[%add3A, %dma_wait3A_255, %dma_wait3A_256, %dma_wait3A_257] : memref<32x8x20x64xi32, #tpu.memory_space<hbm>> -> memref<1x1x20x64xi32, #tpu.memory_space<hbm>>
    %dma_wait3A_259 = tpu.memref_squeeze %dma_wait3A_258 : memref<1x1x20x64xi32, #tpu.memory_space<hbm>> -> memref<20x64xi32, #tpu.memory_space<hbm>>
    %dma_wait3A_260 = arith.constant 0 : i32
    %dma_wait3A_261 = arith.constant 0 : i32
    %dma_wait3A_262 = tpu.memref_slice %arg4[%add3A, %dma_wait3A_255, %dma_wait3A_260, %dma_wait3A_261] : memref<32x8x20x64xi32, #tpu.memory_space<hbm>> -> memref<1x1x20x64xi32, #tpu.memory_space<hbm>>
    %dma_wait3A_263 = tpu.memref_squeeze %dma_wait3A_262 : memref<1x1x20x64xi32, #tpu.memory_space<hbm>> -> memref<20x64xi32, #tpu.memory_space<hbm>>
    tpu.wait_dma2 semaphore(%arg20 : memref<!tpu.dma_semaphore, #tpu.memory_space<semaphore_mem>>) src(%dma_wait3A_263 : memref<20x64xi32, #tpu.memory_space<hbm>>) dst(%arg8 : memref<20x64xi32, #tpu.memory_space<vmem>>)
    %dma_start3A_264 = arith.constant 0 : i32
    %dma_start3A_265 = arith.constant 0 : i32
    %dma_start3A_266 = tpu.memref_slice %arg7[%dma_start3A_264, %dma_start3A_265] : memref<20x64xi32, #tpu.memory_space<vmem>> -> memref<1x64xi32, #tpu.memory_space<vmem>>
    %dma_start3A_267 = tpu.memref_squeeze %dma_start3A_266 : memref<1x64xi32, #tpu.memory_space<vmem>> -> memref<64xi32, #tpu.memory_space<vmem>>
    %dma_start3A_268 = arith.constant 0 : i32
    %dma_start3A_269 = arith.constant 0 : i32
    %dma_start3A_270 = tpu.memref_slice %arg2[%dma_start3A_268, %dma_start3A_269] : memref<10000x128xf32, #tpu.memory_space<hbm>> -> memref<10000x128xf32, #tpu.memory_space<hbm>>
    tpu.enqueue_indirect_dma source(%dma_start3A_270 : memref<10000x128xf32, #tpu.memory_space<hbm>>) target(%arg11 : memref<64x128xf32, #tpu.memory_space<vmem>>) offsets(%dma_start3A_267 : memref<64xi32, #tpu.memory_space<vmem>>) semaphore(%arg16 : memref<!tpu.dma_semaphore, #tpu.memory_space<semaphore_mem>>)
    %dma_start3A_271 = arith.constant 1 : i32
    %dma_start3A_272 = arith.constant 0 : i32
    %dma_start3A_273 = tpu.memref_slice %arg7[%dma_start3A_271, %dma_start3A_272] : memref<20x64xi32, #tpu.memory_space<vmem>> -> memref<1x64xi32, #tpu.memory_space<vmem>>
    %dma_start3A_274 = tpu.memref_squeeze %dma_start3A_273 : memref<1x64xi32, #tpu.memory_space<vmem>> -> memref<64xi32, #tpu.memory_space<vmem>>
    %dma_start3A_275 = arith.constant 0 : i32
    %dma_start3A_276 = arith.constant 0 : i32
    %dma_start3A_277 = tpu.memref_slice %arg2[%dma_start3A_275, %dma_start3A_276] : memref<10000x128xf32, #tpu.memory_space<hbm>> -> memref<10000x128xf32, #tpu.memory_space<hbm>>
    tpu.enqueue_indirect_dma source(%dma_start3A_277 : memref<10000x128xf32, #tpu.memory_space<hbm>>) target(%arg12 : memref<64x128xf32, #tpu.memory_space<vmem>>) offsets(%dma_start3A_274 : memref<64xi32, #tpu.memory_space<vmem>>) semaphore(%arg17 : memref<!tpu.dma_semaphore, #tpu.memory_space<semaphore_mem>>)
    %dma_start3A_278 = arith.constant 2 : i32
    %dma_start3A_279 = arith.constant 0 : i32
    %dma_start3A_280 = tpu.memref_slice %arg7[%dma_start3A_278, %dma_start3A_279] : memref<20x64xi32, #tpu.memory_space<vmem>> -> memref<1x64xi32, #tpu.memory_space<vmem>>
    %dma_start3A_281 = tpu.memref_squeeze %dma_start3A_280 : memref<1x64xi32, #tpu.memory_space<vmem>> -> memref<64xi32, #tpu.memory_space<vmem>>
    %dma_start3A_282 = arith.constant 0 : i32
    %dma_start3A_283 = arith.constant 0 : i32
    %dma_start3A_284 = tpu.memref_slice %arg2[%dma_start3A_282, %dma_start3A_283] : memref<10000x128xf32, #tpu.memory_space<hbm>> -> memref<10000x128xf32, #tpu.memory_space<hbm>>
    tpu.enqueue_indirect_dma source(%dma_start3A_284 : memref<10000x128xf32, #tpu.memory_space<hbm>>) target(%arg13 : memref<64x128xf32, #tpu.memory_space<vmem>>) offsets(%dma_start3A_281 : memref<64xi32, #tpu.memory_space<vmem>>) semaphore(%arg18 : memref<!tpu.dma_semaphore, #tpu.memory_space<semaphore_mem>>)
    %dma_start3A_285 = arith.constant 3 : i32
    %dma_start3A_286 = arith.constant 0 : i32
    %dma_start3A_287 = tpu.memref_slice %arg7[%dma_start3A_285, %dma_start3A_286] : memref<20x64xi32, #tpu.memory_space<vmem>> -> memref<1x64xi32, #tpu.memory_space<vmem>>
    %dma_start3A_288 = tpu.memref_squeeze %dma_start3A_287 : memref<1x64xi32, #tpu.memory_space<vmem>> -> memref<64xi32, #tpu.memory_space<vmem>>
    %dma_start3A_289 = arith.constant 0 : i32
    %dma_start3A_290 = arith.constant 0 : i32
    %dma_start3A_291 = tpu.memref_slice %arg2[%dma_start3A_289, %dma_start3A_290] : memref<10000x128xf32, #tpu.memory_space<hbm>> -> memref<10000x128xf32, #tpu.memory_space<hbm>>
    tpu.enqueue_indirect_dma source(%dma_start3A_291 : memref<10000x128xf32, #tpu.memory_space<hbm>>) target(%arg14 : memref<64x128xf32, #tpu.memory_space<vmem>>) offsets(%dma_start3A_288 : memref<64xi32, #tpu.memory_space<vmem>>) semaphore(%arg19 : memref<!tpu.dma_semaphore, #tpu.memory_space<semaphore_mem>>)
    %scan3A_292 = arith.constant 0 : i32
    %scan3A_293 = arith.constant 4 : i32
    %scan3A_294 = arith.addi %scan3A_292, %scan3A_293 : i32
    %scan3A_295 = arith.constant 1 : i32
    scf.for %scan3A_819 = %scan3A_292 to %scan3A_294 step %scan3A_295  : i32 {
      %mul3A_820 = arith.constant 4 : i32
      %mul3A_821 = arith.muli %scan3A_819, %mul3A_820 : i32
      %add3A_822 = arith.constant 0 : i32
      %add3A_823 = arith.addi %add3A_822, %mul3A_821 : i32
      %add3A_824 = arith.constant 0 : i32
      %add3A_825 = arith.addi %add3A_823, %add3A_824 : i32
      %dma_wait3A_826 = arith.constant 0 : i32
      %dma_wait3A_827 = tpu.memref_slice %arg7[%add3A_825, %dma_wait3A_826] : memref<20x64xi32, #tpu.memory_space<vmem>> -> memref<1x64xi32, #tpu.memory_space<vmem>>
      %dma_wait3A_828 = tpu.memref_squeeze %dma_wait3A_827 : memref<1x64xi32, #tpu.memory_space<vmem>> -> memref<64xi32, #tpu.memory_space<vmem>>
      %dma_wait3A_829 = arith.constant 0 : i32
      %dma_wait3A_830 = arith.constant 0 : i32
      %dma_wait3A_831 = tpu.memref_slice %arg2[%dma_wait3A_829, %dma_wait3A_830] : memref<10000x128xf32, #tpu.memory_space<hbm>> -> memref<10000x128xf32, #tpu.memory_space<hbm>>
      tpu.wait_indirect_dma semaphore(%arg16 : memref<!tpu.dma_semaphore, #tpu.memory_space<semaphore_mem>>) src(%dma_wait3A_831 : memref<10000x128xf32, #tpu.memory_space<hbm>>) dst(%arg11 : memref<64x128xf32, #tpu.memory_space<vmem>>)
      %add3A_832 = arith.constant 0 : i32
      %add3A_833 = arith.addi %add3A_823, %add3A_832 : i32
      "tpu.region"() ({
        %run_scoped3A_904 = tpu.sem_alloc : memref<!tpu.dma_semaphore, #tpu.memory_space<semaphore_mem>>
        %dma_start3A_905 = arith.constant 0 : i32
        %dma_start3A_906 = tpu.memref_slice %arg8[%add3A_833, %dma_start3A_905] : memref<20x64xi32, #tpu.memory_space<vmem>> -> memref<1x64xi32, #tpu.memory_space<vmem>>
        %dma_start3A_907 = tpu.memref_squeeze %dma_start3A_906 : memref<1x64xi32, #tpu.memory_space<vmem>> -> memref<64xi32, #tpu.memory_space<vmem>>
        %dma_start3A_908 = arith.constant 0 : i32
        %dma_start3A_909 = arith.constant 0 : i32
        %dma_start3A_910 = tpu.memref_slice %arg6[%dma_start3A_908, %dma_start3A_909] : memref<10112x128xf32, #tpu.memory_space<vmem_shared>> -> memref<10112x128xf32, #tpu.memory_space<vmem_shared>>
        tpu.enqueue_indirect_dma source(%arg11 : memref<64x128xf32, #tpu.memory_space<vmem>>) target(%dma_start3A_910 : memref<10112x128xf32, #tpu.memory_space<vmem_shared>>) offsets(%dma_start3A_907 : memref<64xi32, #tpu.memory_space<vmem>>) semaphore(%run_scoped3A_904 : memref<!tpu.dma_semaphore, #tpu.memory_space<semaphore_mem>>) {add = true}
        %dma_wait3A_911 = arith.constant 0 : i32
        %dma_wait3A_912 = tpu.memref_slice %arg8[%add3A_833, %dma_wait3A_911] : memref<20x64xi32, #tpu.memory_space<vmem>> -> memref<1x64xi32, #tpu.memory_space<vmem>>
        %dma_wait3A_913 = tpu.memref_squeeze %dma_wait3A_912 : memref<1x64xi32, #tpu.memory_space<vmem>> -> memref<64xi32, #tpu.memory_space<vmem>>
        %dma_wait3A_914 = arith.constant 0 : i32
        %dma_wait3A_915 = arith.constant 0 : i32
        %dma_wait3A_916 = tpu.memref_slice %arg6[%dma_wait3A_914, %dma_wait3A_915] : memref<10112x128xf32, #tpu.memory_space<vmem_shared>> -> memref<10112x128xf32, #tpu.memory_space<vmem_shared>>
        tpu.wait_indirect_dma semaphore(%run_scoped3A_904 : memref<!tpu.dma_semaphore, #tpu.memory_space<semaphore_mem>>) src(%arg11 : memref<64x128xf32, #tpu.memory_space<vmem>>) dst(%dma_wait3A_916 : memref<10112x128xf32, #tpu.memory_space<vmem_shared>>)
        tpu.yield
      }) : () -> ()
      %add3A_834 = arith.constant 4 : i32
      %add3A_835 = arith.addi %add3A_823, %add3A_834 : i32
      %add3A_836 = arith.constant 0 : i32
      %add3A_837 = arith.addi %add3A_835, %add3A_836 : i32
      %dma_start3A_838 = arith.constant 0 : i32
      %dma_start3A_839 = tpu.memref_slice %arg7[%add3A_837, %dma_start3A_838] : memref<20x64xi32, #tpu.memory_space<vmem>> -> memref<1x64xi32, #tpu.memory_space<vmem>>
      %dma_start3A_840 = tpu.memref_squeeze %dma_start3A_839 : memref<1x64xi32, #tpu.memory_space<vmem>> -> memref<64xi32, #tpu.memory_space<vmem>>
      %dma_start3A_841 = arith.constant 0 : i32
      %dma_start3A_842 = arith.constant 0 : i32
      %dma_start3A_843 = tpu.memref_slice %arg2[%dma_start3A_841, %dma_start3A_842] : memref<10000x128xf32, #tpu.memory_space<hbm>> -> memref<10000x128xf32, #tpu.memory_space<hbm>>
      tpu.enqueue_indirect_dma source(%dma_start3A_843 : memref<10000x128xf32, #tpu.memory_space<hbm>>) target(%arg11 : memref<64x128xf32, #tpu.memory_space<vmem>>) offsets(%dma_start3A_840 : memref<64xi32, #tpu.memory_space<vmem>>) semaphore(%arg16 : memref<!tpu.dma_semaphore, #tpu.memory_space<semaphore_mem>>)
      %add3A_844 = arith.constant 1 : i32
      %add3A_845 = arith.addi %add3A_823, %add3A_844 : i32
      %dma_wait3A_846 = arith.constant 0 : i32
      %dma_wait3A_847 = tpu.memref_slice %arg7[%add3A_845, %dma_wait3A_846] : memref<20x64xi32, #tpu.memory_space<vmem>> -> memref<1x64xi32, #tpu.memory_space<vmem>>
      %dma_wait3A_848 = tpu.memref_squeeze %dma_wait3A_847 : memref<1x64xi32, #tpu.memory_space<vmem>> -> memref<64xi32, #tpu.memory_space<vmem>>
      %dma_wait3A_849 = arith.constant 0 : i32
      %dma_wait3A_850 = arith.constant 0 : i32
      %dma_wait3A_851 = tpu.memref_slice %arg2[%dma_wait3A_849, %dma_wait3A_850] : memref<10000x128xf32, #tpu.memory_space<hbm>> -> memref<10000x128xf32, #tpu.memory_space<hbm>>
      tpu.wait_indirect_dma semaphore(%arg17 : memref<!tpu.dma_semaphore, #tpu.memory_space<semaphore_mem>>) src(%dma_wait3A_851 : memref<10000x128xf32, #tpu.memory_space<hbm>>) dst(%arg12 : memref<64x128xf32, #tpu.memory_space<vmem>>)
      %add3A_852 = arith.constant 1 : i32
      %add3A_853 = arith.addi %add3A_823, %add3A_852 : i32
      "tpu.region"() ({
        %run_scoped3A_904 = tpu.sem_alloc : memref<!tpu.dma_semaphore, #tpu.memory_space<semaphore_mem>>
        %dma_start3A_905 = arith.constant 0 : i32
        %dma_start3A_906 = tpu.memref_slice %arg8[%add3A_853, %dma_start3A_905] : memref<20x64xi32, #tpu.memory_space<vmem>> -> memref<1x64xi32, #tpu.memory_space<vmem>>
        %dma_start3A_907 = tpu.memref_squeeze %dma_start3A_906 : memref<1x64xi32, #tpu.memory_space<vmem>> -> memref<64xi32, #tpu.memory_space<vmem>>
        %dma_start3A_908 = arith.constant 0 : i32
        %dma_start3A_909 = arith.constant 0 : i32
        %dma_start3A_910 = tpu.memref_slice %arg6[%dma_start3A_908, %dma_start3A_909] : memref<10112x128xf32, #tpu.memory_space<vmem_shared>> -> memref<10112x128xf32, #tpu.memory_space<vmem_shared>>
        tpu.enqueue_indirect_dma source(%arg12 : memref<64x128xf32, #tpu.memory_space<vmem>>) target(%dma_start3A_910 : memref<10112x128xf32, #tpu.memory_space<vmem_shared>>) offsets(%dma_start3A_907 : memref<64xi32, #tpu.memory_space<vmem>>) semaphore(%run_scoped3A_904 : memref<!tpu.dma_semaphore, #tpu.memory_space<semaphore_mem>>) {add = true}
        %dma_wait3A_911 = arith.constant 0 : i32
        %dma_wait3A_912 = tpu.memref_slice %arg8[%add3A_853, %dma_wait3A_911] : memref<20x64xi32, #tpu.memory_space<vmem>> -> memref<1x64xi32, #tpu.memory_space<vmem>>
        %dma_wait3A_913 = tpu.memref_squeeze %dma_wait3A_912 : memref<1x64xi32, #tpu.memory_space<vmem>> -> memref<64xi32, #tpu.memory_space<vmem>>
        %dma_wait3A_914 = arith.constant 0 : i32
        %dma_wait3A_915 = arith.constant 0 : i32
        %dma_wait3A_916 = tpu.memref_slice %arg6[%dma_wait3A_914, %dma_wait3A_915] : memref<10112x128xf32, #tpu.memory_space<vmem_shared>> -> memref<10112x128xf32, #tpu.memory_space<vmem_shared>>
        tpu.wait_indirect_dma semaphore(%run_scoped3A_904 : memref<!tpu.dma_semaphore, #tpu.memory_space<semaphore_mem>>) src(%arg12 : memref<64x128xf32, #tpu.memory_space<vmem>>) dst(%dma_wait3A_916 : memref<10112x128xf32, #tpu.memory_space<vmem_shared>>)
        tpu.yield
      }) : () -> ()
      %add3A_854 = arith.constant 4 : i32
      %add3A_855 = arith.addi %add3A_823, %add3A_854 : i32
      %add3A_856 = arith.constant 1 : i32
      %add3A_857 = arith.addi %add3A_855, %add3A_856 : i32
      %dma_start3A_858 = arith.constant 0 : i32
      %dma_start3A_859 = tpu.memref_slice %arg7[%add3A_857, %dma_start3A_858] : memref<20x64xi32, #tpu.memory_space<vmem>> -> memref<1x64xi32, #tpu.memory_space<vmem>>
      %dma_start3A_860 = tpu.memref_squeeze %dma_start3A_859 : memref<1x64xi32, #tpu.memory_space<vmem>> -> memref<64xi32, #tpu.memory_space<vmem>>
      %dma_start3A_861 = arith.constant 0 : i32
      %dma_start3A_862 = arith.constant 0 : i32
      %dma_start3A_863 = tpu.memref_slice %arg2[%dma_start3A_861, %dma_start3A_862] : memref<10000x128xf32, #tpu.memory_space<hbm>> -> memref<10000x128xf32, #tpu.memory_space<hbm>>
      tpu.enqueue_indirect_dma source(%dma_start3A_863 : memref<10000x128xf32, #tpu.memory_space<hbm>>) target(%arg12 : memref<64x128xf32, #tpu.memory_space<vmem>>) offsets(%dma_start3A_860 : memref<64xi32, #tpu.memory_space<vmem>>) semaphore(%arg17 : memref<!tpu.dma_semaphore, #tpu.memory_space<semaphore_mem>>)
      %add3A_864 = arith.constant 2 : i32
      %add3A_865 = arith.addi %add3A_823, %add3A_864 : i32
      %dma_wait3A_866 = arith.constant 0 : i32
      %dma_wait3A_867 = tpu.memref_slice %arg7[%add3A_865, %dma_wait3A_866] : memref<20x64xi32, #tpu.memory_space<vmem>> -> memref<1x64xi32, #tpu.memory_space<vmem>>
      %dma_wait3A_868 = tpu.memref_squeeze %dma_wait3A_867 : memref<1x64xi32, #tpu.memory_space<vmem>> -> memref<64xi32, #tpu.memory_space<vmem>>
      %dma_wait3A_869 = arith.constant 0 : i32
      %dma_wait3A_870 = arith.constant 0 : i32
      %dma_wait3A_871 = tpu.memref_slice %arg2[%dma_wait3A_869, %dma_wait3A_870] : memref<10000x128xf32, #tpu.memory_space<hbm>> -> memref<10000x128xf32, #tpu.memory_space<hbm>>
      tpu.wait_indirect_dma semaphore(%arg18 : memref<!tpu.dma_semaphore, #tpu.memory_space<semaphore_mem>>) src(%dma_wait3A_871 : memref<10000x128xf32, #tpu.memory_space<hbm>>) dst(%arg13 : memref<64x128xf32, #tpu.memory_space<vmem>>)
      %add3A_872 = arith.constant 2 : i32
      %add3A_873 = arith.addi %add3A_823, %add3A_872 : i32
      "tpu.region"() ({
        %run_scoped3A_904 = tpu.sem_alloc : memref<!tpu.dma_semaphore, #tpu.memory_space<semaphore_mem>>
        %dma_start3A_905 = arith.constant 0 : i32
        %dma_start3A_906 = tpu.memref_slice %arg8[%add3A_873, %dma_start3A_905] : memref<20x64xi32, #tpu.memory_space<vmem>> -> memref<1x64xi32, #tpu.memory_space<vmem>>
        %dma_start3A_907 = tpu.memref_squeeze %dma_start3A_906 : memref<1x64xi32, #tpu.memory_space<vmem>> -> memref<64xi32, #tpu.memory_space<vmem>>
        %dma_start3A_908 = arith.constant 0 : i32
        %dma_start3A_909 = arith.constant 0 : i32
        %dma_start3A_910 = tpu.memref_slice %arg6[%dma_start3A_908, %dma_start3A_909] : memref<10112x128xf32, #tpu.memory_space<vmem_shared>> -> memref<10112x128xf32, #tpu.memory_space<vmem_shared>>
        tpu.enqueue_indirect_dma source(%arg13 : memref<64x128xf32, #tpu.memory_space<vmem>>) target(%dma_start3A_910 : memref<10112x128xf32, #tpu.memory_space<vmem_shared>>) offsets(%dma_start3A_907 : memref<64xi32, #tpu.memory_space<vmem>>) semaphore(%run_scoped3A_904 : memref<!tpu.dma_semaphore, #tpu.memory_space<semaphore_mem>>) {add = true}
        %dma_wait3A_911 = arith.constant 0 : i32
        %dma_wait3A_912 = tpu.memref_slice %arg8[%add3A_873, %dma_wait3A_911] : memref<20x64xi32, #tpu.memory_space<vmem>> -> memref<1x64xi32, #tpu.memory_space<vmem>>
        %dma_wait3A_913 = tpu.memref_squeeze %dma_wait3A_912 : memref<1x64xi32, #tpu.memory_space<vmem>> -> memref<64xi32, #tpu.memory_space<vmem>>
        %dma_wait3A_914 = arith.constant 0 : i32
        %dma_wait3A_915 = arith.constant 0 : i32
        %dma_wait3A_916 = tpu.memref_slice %arg6[%dma_wait3A_914, %dma_wait3A_915] : memref<10112x128xf32, #tpu.memory_space<vmem_shared>> -> memref<10112x128xf32, #tpu.memory_space<vmem_shared>>
        tpu.wait_indirect_dma semaphore(%run_scoped3A_904 : memref<!tpu.dma_semaphore, #tpu.memory_space<semaphore_mem>>) src(%arg13 : memref<64x128xf32, #tpu.memory_space<vmem>>) dst(%dma_wait3A_916 : memref<10112x128xf32, #tpu.memory_space<vmem_shared>>)
        tpu.yield
      }) : () -> ()
      %add3A_874 = arith.constant 4 : i32
      %add3A_875 = arith.addi %add3A_823, %add3A_874 : i32
      %add3A_876 = arith.constant 2 : i32
      %add3A_877 = arith.addi %add3A_875, %add3A_876 : i32
      %dma_start3A_878 = arith.constant 0 : i32
      %dma_start3A_879 = tpu.memref_slice %arg7[%add3A_877, %dma_start3A_878] : memref<20x64xi32, #tpu.memory_space<vmem>> -> memref<1x64xi32, #tpu.memory_space<vmem>>
      %dma_start3A_880 = tpu.memref_squeeze %dma_start3A_879 : memref<1x64xi32, #tpu.memory_space<vmem>> -> memref<64xi32, #tpu.memory_space<vmem>>
      %dma_start3A_881 = arith.constant 0 : i32
      %dma_start3A_882 = arith.constant 0 : i32
      %dma_start3A_883 = tpu.memref_slice %arg2[%dma_start3A_881, %dma_start3A_882] : memref<10000x128xf32, #tpu.memory_space<hbm>> -> memref<10000x128xf32, #tpu.memory_space<hbm>>
      tpu.enqueue_indirect_dma source(%dma_start3A_883 : memref<10000x128xf32, #tpu.memory_space<hbm>>) target(%arg13 : memref<64x128xf32, #tpu.memory_space<vmem>>) offsets(%dma_start3A_880 : memref<64xi32, #tpu.memory_space<vmem>>) semaphore(%arg18 : memref<!tpu.dma_semaphore, #tpu.memory_space<semaphore_mem>>)
      %add3A_884 = arith.constant 3 : i32
      %add3A_885 = arith.addi %add3A_823, %add3A_884 : i32
      %dma_wait3A_886 = arith.constant 0 : i32
      %dma_wait3A_887 = tpu.memref_slice %arg7[%add3A_885, %dma_wait3A_886] : memref<20x64xi32, #tpu.memory_space<vmem>> -> memref<1x64xi32, #tpu.memory_space<vmem>>
      %dma_wait3A_888 = tpu.memref_squeeze %dma_wait3A_887 : memref<1x64xi32, #tpu.memory_space<vmem>> -> memref<64xi32, #tpu.memory_space<vmem>>
      %dma_wait3A_889 = arith.constant 0 : i32
      %dma_wait3A_890 = arith.constant 0 : i32
      %dma_wait3A_891 = tpu.memref_slice %arg2[%dma_wait3A_889, %dma_wait3A_890] : memref<10000x128xf32, #tpu.memory_space<hbm>> -> memref<10000x128xf32, #tpu.memory_space<hbm>>
      tpu.wait_indirect_dma semaphore(%arg19 : memref<!tpu.dma_semaphore, #tpu.memory_space<semaphore_mem>>) src(%dma_wait3A_891 : memref<10000x128xf32, #tpu.memory_space<hbm>>) dst(%arg14 : memref<64x128xf32, #tpu.memory_space<vmem>>)
      %add3A_892 = arith.constant 3 : i32
      %add3A_893 = arith.addi %add3A_823, %add3A_892 : i32
      "tpu.region"() ({
        %run_scoped3A_904 = tpu.sem_alloc : memref<!tpu.dma_semaphore, #tpu.memory_space<semaphore_mem>>
        %dma_start3A_905 = arith.constant 0 : i32
        %dma_start3A_906 = tpu.memref_slice %arg8[%add3A_893, %dma_start3A_905] : memref<20x64xi32, #tpu.memory_space<vmem>> -> memref<1x64xi32, #tpu.memory_space<vmem>>
        %dma_start3A_907 = tpu.memref_squeeze %dma_start3A_906 : memref<1x64xi32, #tpu.memory_space<vmem>> -> memref<64xi32, #tpu.memory_space<vmem>>
        %dma_start3A_908 = arith.constant 0 : i32
        %dma_start3A_909 = arith.constant 0 : i32
        %dma_start3A_910 = tpu.memref_slice %arg6[%dma_start3A_908, %dma_start3A_909] : memref<10112x128xf32, #tpu.memory_space<vmem_shared>> -> memref<10112x128xf32, #tpu.memory_space<vmem_shared>>
        tpu.enqueue_indirect_dma source(%arg14 : memref<64x128xf32, #tpu.memory_space<vmem>>) target(%dma_start3A_910 : memref<10112x128xf32, #tpu.memory_space<vmem_shared>>) offsets(%dma_start3A_907 : memref<64xi32, #tpu.memory_space<vmem>>) semaphore(%run_scoped3A_904 : memref<!tpu.dma_semaphore, #tpu.memory_space<semaphore_mem>>) {add = true}
        %dma_wait3A_911 = arith.constant 0 : i32
        %dma_wait3A_912 = tpu.memref_slice %arg8[%add3A_893, %dma_wait3A_911] : memref<20x64xi32, #tpu.memory_space<vmem>> -> memref<1x64xi32, #tpu.memory_space<vmem>>
        %dma_wait3A_913 = tpu.memref_squeeze %dma_wait3A_912 : memref<1x64xi32, #tpu.memory_space<vmem>> -> memref<64xi32, #tpu.memory_space<vmem>>
        %dma_wait3A_914 = arith.constant 0 : i32
        %dma_wait3A_915 = arith.constant 0 : i32
        %dma_wait3A_916 = tpu.memref_slice %arg6[%dma_wait3A_914, %dma_wait3A_915] : memref<10112x128xf32, #tpu.memory_space<vmem_shared>> -> memref<10112x128xf32, #tpu.memory_space<vmem_shared>>
        tpu.wait_indirect_dma semaphore(%run_scoped3A_904 : memref<!tpu.dma_semaphore, #tpu.memory_space<semaphore_mem>>) src(%arg14 : memref<64x128xf32, #tpu.memory_space<vmem>>) dst(%dma_wait3A_916 : memref<10112x128xf32, #tpu.memory_space<vmem_shared>>)
        tpu.yield
      }) : () -> ()
      %add3A_894 = arith.constant 4 : i32
      %add3A_895 = arith.addi %add3A_823, %add3A_894 : i32
      %add3A_896 = arith.constant 3 : i32
      %add3A_897 = arith.addi %add3A_895, %add3A_896 : i32
      %dma_start3A_898 = arith.constant 0 : i32
      %dma_start3A_899 = tpu.memref_slice %arg7[%add3A_897, %dma_start3A_898] : memref<20x64xi32, #tpu.memory_space<vmem>> -> memref<1x64xi32, #tpu.memory_space<vmem>>
      %dma_start3A_900 = tpu.memref_squeeze %dma_start3A_899 : memref<1x64xi32, #tpu.memory_space<vmem>> -> memref<64xi32, #tpu.memory_space<vmem>>
      %dma_start3A_901 = arith.constant 0 : i32
      %dma_start3A_902 = arith.constant 0 : i32
      %dma_start3A_903 = tpu.memref_slice %arg2[%dma_start3A_901, %dma_start3A_902] : memref<10000x128xf32, #tpu.memory_space<hbm>> -> memref<10000x128xf32, #tpu.memory_space<hbm>>
      tpu.enqueue_indirect_dma source(%dma_start3A_903 : memref<10000x128xf32, #tpu.memory_space<hbm>>) target(%arg14 : memref<64x128xf32, #tpu.memory_space<vmem>>) offsets(%dma_start3A_900 : memref<64xi32, #tpu.memory_space<vmem>>) semaphore(%arg19 : memref<!tpu.dma_semaphore, #tpu.memory_space<semaphore_mem>>)
    }
    %scan3A_296 = arith.constant 4 : i32
    %dma_wait3A_297 = arith.constant 16 : i32
    %dma_wait3A_298 = arith.constant 0 : i32
    %dma_wait3A_299 = tpu.memref_slice %arg7[%dma_wait3A_297, %dma_wait3A_298] : memref<20x64xi32, #tpu.memory_space<vmem>> -> memref<1x64xi32, #tpu.memory_space<vmem>>
    %dma_wait3A_300 = tpu.memref_squeeze %dma_wait3A_299 : memref<1x64xi32, #tpu.memory_space<vmem>> -> memref<64xi32, #tpu.memory_space<vmem>>
    %dma_wait3A_301 = arith.constant 0 : i32
    %dma_wait3A_302 = arith.constant 0 : i32
    %dma_wait3A_303 = tpu.memref_slice %arg2[%dma_wait3A_301, %dma_wait3A_302] : memref<10000x128xf32, #tpu.memory_space<hbm>> -> memref<10000x128xf32, #tpu.memory_space<hbm>>
    tpu.wait_indirect_dma semaphore(%arg16 : memref<!tpu.dma_semaphore, #tpu.memory_space<semaphore_mem>>) src(%dma_wait3A_303 : memref<10000x128xf32, #tpu.memory_space<hbm>>) dst(%arg11 : memref<64x128xf32, #tpu.memory_space<vmem>>)
    %run_scoped3A_304 = arith.constant 16 : i32
    "tpu.region"() ({
      %run_scoped3A_819 = tpu.sem_alloc : memref<!tpu.dma_semaphore, #tpu.memory_space<semaphore_mem>>
      %dma_start3A_820 = arith.constant 0 : i32
      %dma_start3A_821 = tpu.memref_slice %arg8[%run_scoped3A_304, %dma_start3A_820] : memref<20x64xi32, #tpu.memory_space<vmem>> -> memref<1x64xi32, #tpu.memory_space<vmem>>
      %dma_start3A_822 = tpu.memref_squeeze %dma_start3A_821 : memref<1x64xi32, #tpu.memory_space<vmem>> -> memref<64xi32, #tpu.memory_space<vmem>>
      %dma_start3A_823 = arith.constant 0 : i32
      %dma_start3A_824 = arith.constant 0 : i32
      %dma_start3A_825 = tpu.memref_slice %arg6[%dma_start3A_823, %dma_start3A_824] : memref<10112x128xf32, #tpu.memory_space<vmem_shared>> -> memref<10112x128xf32, #tpu.memory_space<vmem_shared>>
      tpu.enqueue_indirect_dma source(%arg11 : memref<64x128xf32, #tpu.memory_space<vmem>>) target(%dma_start3A_825 : memref<10112x128xf32, #tpu.memory_space<vmem_shared>>) offsets(%dma_start3A_822 : memref<64xi32, #tpu.memory_space<vmem>>) semaphore(%run_scoped3A_819 : memref<!tpu.dma_semaphore, #tpu.memory_space<semaphore_mem>>) {add = true}
      %dma_wait3A_826 = arith.constant 0 : i32
      %dma_wait3A_827 = tpu.memref_slice %arg8[%run_scoped3A_304, %dma_wait3A_826] : memref<20x64xi32, #tpu.memory_space<vmem>> -> memref<1x64xi32, #tpu.memory_space<vmem>>
      %dma_wait3A_828 = tpu.memref_squeeze %dma_wait3A_827 : memref<1x64xi32, #tpu.memory_space<vmem>> -> memref<64xi32, #tpu.memory_space<vmem>>
      %dma_wait3A_829 = arith.constant 0 : i32
      %dma_wait3A_830 = arith.constant 0 : i32
      %dma_wait3A_831 = tpu.memref_slice %arg6[%dma_wait3A_829, %dma_wait3A_830] : memref<10112x128xf32, #tpu.memory_space<vmem_shared>> -> memref<10112x128xf32, #tpu.memory_space<vmem_shared>>
      tpu.wait_indirect_dma semaphore(%run_scoped3A_819 : memref<!tpu.dma_semaphore, #tpu.memory_space<semaphore_mem>>) src(%arg11 : memref<64x128xf32, #tpu.memory_space<vmem>>) dst(%dma_wait3A_831 : memref<10112x128xf32, #tpu.memory_space<vmem_shared>>)
      tpu.yield
    }) : () -> ()
    %dma_wait3A_305 = arith.constant 17 : i32
    %dma_wait3A_306 = arith.constant 0 : i32
    %dma_wait3A_307 = tpu.memref_slice %arg7[%dma_wait3A_305, %dma_wait3A_306] : memref<20x64xi32, #tpu.memory_space<vmem>> -> memref<1x64xi32, #tpu.memory_space<vmem>>
    %dma_wait3A_308 = tpu.memref_squeeze %dma_wait3A_307 : memref<1x64xi32, #tpu.memory_space<vmem>> -> memref<64xi32, #tpu.memory_space<vmem>>
    %dma_wait3A_309 = arith.constant 0 : i32
    %dma_wait3A_310 = arith.constant 0 : i32
    %dma_wait3A_311 = tpu.memref_slice %arg2[%dma_wait3A_309, %dma_wait3A_310] : memref<10000x128xf32, #tpu.memory_space<hbm>> -> memref<10000x128xf32, #tpu.memory_space<hbm>>
    tpu.wait_indirect_dma semaphore(%arg17 : memref<!tpu.dma_semaphore, #tpu.memory_space<semaphore_mem>>) src(%dma_wait3A_311 : memref<10000x128xf32, #tpu.memory_space<hbm>>) dst(%arg12 : memref<64x128xf32, #tpu.memory_space<vmem>>)
    %run_scoped3A_312 = arith.constant 17 : i32
    "tpu.region"() ({
      %run_scoped3A_819 = tpu.sem_alloc : memref<!tpu.dma_semaphore, #tpu.memory_space<semaphore_mem>>
      %dma_start3A_820 = arith.constant 0 : i32
      %dma_start3A_821 = tpu.memref_slice %arg8[%run_scoped3A_312, %dma_start3A_820] : memref<20x64xi32, #tpu.memory_space<vmem>> -> memref<1x64xi32, #tpu.memory_space<vmem>>
      %dma_start3A_822 = tpu.memref_squeeze %dma_start3A_821 : memref<1x64xi32, #tpu.memory_space<vmem>> -> memref<64xi32, #tpu.memory_space<vmem>>
      %dma_start3A_823 = arith.constant 0 : i32
      %dma_start3A_824 = arith.constant 0 : i32
      %dma_start3A_825 = tpu.memref_slice %arg6[%dma_start3A_823, %dma_start3A_824] : memref<10112x128xf32, #tpu.memory_space<vmem_shared>> -> memref<10112x128xf32, #tpu.memory_space<vmem_shared>>
      tpu.enqueue_indirect_dma source(%arg12 : memref<64x128xf32, #tpu.memory_space<vmem>>) target(%dma_start3A_825 : memref<10112x128xf32, #tpu.memory_space<vmem_shared>>) offsets(%dma_start3A_822 : memref<64xi32, #tpu.memory_space<vmem>>) semaphore(%run_scoped3A_819 : memref<!tpu.dma_semaphore, #tpu.memory_space<semaphore_mem>>) {add = true}
      %dma_wait3A_826 = arith.constant 0 : i32
      %dma_wait3A_827 = tpu.memref_slice %arg8[%run_scoped3A_312, %dma_wait3A_826] : memref<20x64xi32, #tpu.memory_space<vmem>> -> memref<1x64xi32, #tpu.memory_space<vmem>>
      %dma_wait3A_828 = tpu.memref_squeeze %dma_wait3A_827 : memref<1x64xi32, #tpu.memory_space<vmem>> -> memref<64xi32, #tpu.memory_space<vmem>>
      %dma_wait3A_829 = arith.constant 0 : i32
      %dma_wait3A_830 = arith.constant 0 : i32
      %dma_wait3A_831 = tpu.memref_slice %arg6[%dma_wait3A_829, %dma_wait3A_830] : memref<10112x128xf32, #tpu.memory_space<vmem_shared>> -> memref<10112x128xf32, #tpu.memory_space<vmem_shared>>
      tpu.wait_indirect_dma semaphore(%run_scoped3A_819 : memref<!tpu.dma_semaphore, #tpu.memory_space<semaphore_mem>>) src(%arg12 : memref<64x128xf32, #tpu.memory_space<vmem>>) dst(%dma_wait3A_831 : memref<10112x128xf32, #tpu.memory_space<vmem_shared>>)
      tpu.yield
    }) : () -> ()
    %dma_wait3A_313 = arith.constant 18 : i32
    %dma_wait3A_314 = arith.constant 0 : i32
    %dma_wait3A_315 = tpu.memref_slice %arg7[%dma_wait3A_313, %dma_wait3A_314] : memref<20x64xi32, #tpu.memory_space<vmem>> -> memref<1x64xi32, #tpu.memory_space<vmem>>
    %dma_wait3A_316 = tpu.memref_squeeze %dma_wait3A_315 : memref<1x64xi32, #tpu.memory_space<vmem>> -> memref<64xi32, #tpu.memory_space<vmem>>
    %dma_wait3A_317 = arith.constant 0 : i32
    %dma_wait3A_318 = arith.constant 0 : i32
    %dma_wait3A_319 = tpu.memref_slice %arg2[%dma_wait3A_317, %dma_wait3A_318] : memref<10000x128xf32, #tpu.memory_space<hbm>> -> memref<10000x128xf32, #tpu.memory_space<hbm>>
    tpu.wait_indirect_dma semaphore(%arg18 : memref<!tpu.dma_semaphore, #tpu.memory_space<semaphore_mem>>) src(%dma_wait3A_319 : memref<10000x128xf32, #tpu.memory_space<hbm>>) dst(%arg13 : memref<64x128xf32, #tpu.memory_space<vmem>>)
    %run_scoped3A_320 = arith.constant 18 : i32
    "tpu.region"() ({
      %run_scoped3A_819 = tpu.sem_alloc : memref<!tpu.dma_semaphore, #tpu.memory_space<semaphore_mem>>
      %dma_start3A_820 = arith.constant 0 : i32
      %dma_start3A_821 = tpu.memref_slice %arg8[%run_scoped3A_320, %dma_start3A_820] : memref<20x64xi32, #tpu.memory_space<vmem>> -> memref<1x64xi32, #tpu.memory_space<vmem>>
      %dma_start3A_822 = tpu.memref_squeeze %dma_start3A_821 : memref<1x64xi32, #tpu.memory_space<vmem>> -> memref<64xi32, #tpu.memory_space<vmem>>
      %dma_start3A_823 = arith.constant 0 : i32
      %dma_start3A_824 = arith.constant 0 : i32
      %dma_start3A_825 = tpu.memref_slice %arg6[%dma_start3A_823, %dma_start3A_824] : memref<10112x128xf32, #tpu.memory_space<vmem_shared>> -> memref<10112x128xf32, #tpu.memory_space<vmem_shared>>
      tpu.enqueue_indirect_dma source(%arg13 : memref<64x128xf32, #tpu.memory_space<vmem>>) target(%dma_start3A_825 : memref<10112x128xf32, #tpu.memory_space<vmem_shared>>) offsets(%dma_start3A_822 : memref<64xi32, #tpu.memory_space<vmem>>) semaphore(%run_scoped3A_819 : memref<!tpu.dma_semaphore, #tpu.memory_space<semaphore_mem>>) {add = true}
      %dma_wait3A_826 = arith.constant 0 : i32
      %dma_wait3A_827 = tpu.memref_slice %arg8[%run_scoped3A_320, %dma_wait3A_826] : memref<20x64xi32, #tpu.memory_space<vmem>> -> memref<1x64xi32, #tpu.memory_space<vmem>>
      %dma_wait3A_828 = tpu.memref_squeeze %dma_wait3A_827 : memref<1x64xi32, #tpu.memory_space<vmem>> -> memref<64xi32, #tpu.memory_space<vmem>>
      %dma_wait3A_829 = arith.constant 0 : i32
      %dma_wait3A_830 = arith.constant 0 : i32
      %dma_wait3A_831 = tpu.memref_slice %arg6[%dma_wait3A_829, %dma_wait3A_830] : memref<10112x128xf32, #tpu.memory_space<vmem_shared>> -> memref<10112x128xf32, #tpu.memory_space<vmem_shared>>
      tpu.wait_indirect_dma semaphore(%run_scoped3A_819 : memref<!tpu.dma_semaphore, #tpu.memory_space<semaphore_mem>>) src(%arg13 : memref<64x128xf32, #tpu.memory_space<vmem>>) dst(%dma_wait3A_831 : memref<10112x128xf32, #tpu.memory_space<vmem_shared>>)
      tpu.yield
    }) : () -> ()
    %dma_wait3A_321 = arith.constant 19 : i32
    %dma_wait3A_322 = arith.constant 0 : i32
    %dma_wait3A_323 = tpu.memref_slice %arg7[%dma_wait3A_321, %dma_wait3A_322] : memref<20x64xi32, #tpu.memory_space<vmem>> -> memref<1x64xi32, #tpu.memory_space<vmem>>
    %dma_wait3A_324 = tpu.memref_squeeze %dma_wait3A_323 : memref<1x64xi32, #tpu.memory_space<vmem>> -> memref<64xi32, #tpu.memory_space<vmem>>
    %dma_wait3A_325 = arith.constant 0 : i32
    %dma_wait3A_326 = arith.constant 0 : i32
    %dma_wait3A_327 = tpu.memref_slice %arg2[%dma_wait3A_325, %dma_wait3A_326] : memref<10000x128xf32, #tpu.memory_space<hbm>> -> memref<10000x128xf32, #tpu.memory_space<hbm>>
    tpu.wait_indirect_dma semaphore(%arg19 : memref<!tpu.dma_semaphore, #tpu.memory_space<semaphore_mem>>) src(%dma_wait3A_327 : memref<10000x128xf32, #tpu.memory_space<hbm>>) dst(%arg14 : memref<64x128xf32, #tpu.memory_space<vmem>>)
    %run_scoped3A_328 = arith.constant 19 : i32
    "tpu.region"() ({
      %run_scoped3A_819 = tpu.sem_alloc : memref<!tpu.dma_semaphore, #tpu.memory_space<semaphore_mem>>
      %dma_start3A_820 = arith.constant 0 : i32
      %dma_start3A_821 = tpu.memref_slice %arg8[%run_scoped3A_328, %dma_start3A_820] : memref<20x64xi32, #tpu.memory_space<vmem>> -> memref<1x64xi32, #tpu.memory_space<vmem>>
      %dma_start3A_822 = tpu.memref_squeeze %dma_start3A_821 : memref<1x64xi32, #tpu.memory_space<vmem>> -> memref<64xi32, #tpu.memory_space<vmem>>
      %dma_start3A_823 = arith.constant 0 : i32
      %dma_start3A_824 = arith.constant 0 : i32
      %dma_start3A_825 = tpu.memref_slice %arg6[%dma_start3A_823, %dma_start3A_824] : memref<10112x128xf32, #tpu.memory_space<vmem_shared>> -> memref<10112x128xf32, #tpu.memory_space<vmem_shared>>
      tpu.enqueue_indirect_dma source(%arg14 : memref<64x128xf32, #tpu.memory_space<vmem>>) target(%dma_start3A_825 : memref<10112x128xf32, #tpu.memory_space<vmem_shared>>) offsets(%dma_start3A_822 : memref<64xi32, #tpu.memory_space<vmem>>) semaphore(%run_scoped3A_819 : memref<!tpu.dma_semaphore, #tpu.memory_space<semaphore_mem>>) {add = true}
      %dma_wait3A_826 = arith.constant 0 : i32
      %dma_wait3A_827 = tpu.memref_slice %arg8[%run_scoped3A_328, %dma_wait3A_826] : memref<20x64xi32, #tpu.memory_space<vmem>> -> memref<1x64xi32, #tpu.memory_space<vmem>>
      %dma_wait3A_828 = tpu.memref_squeeze %dma_wait3A_827 : memref<1x64xi32, #tpu.memory_space<vmem>> -> memref<64xi32, #tpu.memory_space<vmem>>
      %dma_wait3A_829 = arith.constant 0 : i32
      %dma_wait3A_830 = arith.constant 0 : i32
      %dma_wait3A_831 = tpu.memref_slice %arg6[%dma_wait3A_829, %dma_wait3A_830] : memref<10112x128xf32, #tpu.memory_space<vmem_shared>> -> memref<10112x128xf32, #tpu.memory_space<vmem_shared>>
      tpu.wait_indirect_dma semaphore(%run_scoped3A_819 : memref<!tpu.dma_semaphore, #tpu.memory_space<semaphore_mem>>) src(%arg14 : memref<64x128xf32, #tpu.memory_space<vmem>>) dst(%dma_wait3A_831 : memref<10112x128xf32, #tpu.memory_space<vmem_shared>>)
      tpu.yield
    }) : () -> ()
    %dma_start3A_329 = arith.constant 4 : i32
    %dma_start3A_330 = arith.constant 0 : i32
    %dma_start3A_331 = arith.constant 0 : i32
    %dma_start3A_332 = tpu.memref_slice %arg3[%add3A, %dma_start3A_329, %dma_start3A_330, %dma_start3A_331] : memref<32x8x20x64xi32, #tpu.memory_space<hbm>> -> memref<1x1x20x64xi32, #tpu.memory_space<hbm>>
    %dma_start3A_333 = tpu.memref_squeeze %dma_start3A_332 : memref<1x1x20x64xi32, #tpu.memory_space<hbm>> -> memref<20x64xi32, #tpu.memory_space<hbm>>
    %dma_start3A_334 = arith.constant 0 : i32
    %dma_start3A_335 = arith.constant 0 : i32
    %dma_start3A_336 = tpu.memref_slice %arg3[%add3A, %dma_start3A_329, %dma_start3A_334, %dma_start3A_335] : memref<32x8x20x64xi32, #tpu.memory_space<hbm>> -> memref<1x1x20x64xi32, #tpu.memory_space<hbm>>
    %dma_start3A_337 = tpu.memref_squeeze %dma_start3A_336 : memref<1x1x20x64xi32, #tpu.memory_space<hbm>> -> memref<20x64xi32, #tpu.memory_space<hbm>>
    tpu.enqueue_dma source(%dma_start3A_337 : memref<20x64xi32, #tpu.memory_space<hbm>>) target(%arg7 : memref<20x64xi32, #tpu.memory_space<vmem>>) target_semaphore(%arg20 : memref<!tpu.dma_semaphore, #tpu.memory_space<semaphore_mem>>)
    %dma_start3A_338 = arith.constant 4 : i32
    %dma_start3A_339 = arith.constant 0 : i32
    %dma_start3A_340 = arith.constant 0 : i32
    %dma_start3A_341 = tpu.memref_slice %arg4[%add3A, %dma_start3A_338, %dma_start3A_339, %dma_start3A_340] : memref<32x8x20x64xi32, #tpu.memory_space<hbm>> -> memref<1x1x20x64xi32, #tpu.memory_space<hbm>>
    %dma_start3A_342 = tpu.memref_squeeze %dma_start3A_341 : memref<1x1x20x64xi32, #tpu.memory_space<hbm>> -> memref<20x64xi32, #tpu.memory_space<hbm>>
    %dma_start3A_343 = arith.constant 0 : i32
    %dma_start3A_344 = arith.constant 0 : i32
    %dma_start3A_345 = tpu.memref_slice %arg4[%add3A, %dma_start3A_338, %dma_start3A_343, %dma_start3A_344] : memref<32x8x20x64xi32, #tpu.memory_space<hbm>> -> memref<1x1x20x64xi32, #tpu.memory_space<hbm>>
    %dma_start3A_346 = tpu.memref_squeeze %dma_start3A_345 : memref<1x1x20x64xi32, #tpu.memory_space<hbm>> -> memref<20x64xi32, #tpu.memory_space<hbm>>
    tpu.enqueue_dma source(%dma_start3A_346 : memref<20x64xi32, #tpu.memory_space<hbm>>) target(%arg8 : memref<20x64xi32, #tpu.memory_space<vmem>>) target_semaphore(%arg20 : memref<!tpu.dma_semaphore, #tpu.memory_space<semaphore_mem>>)
    %dma_wait3A_347 = arith.constant 3 : i32
    %dma_wait3A_348 = arith.constant 0 : i32
    %dma_wait3A_349 = arith.constant 0 : i32
    %dma_wait3A_350 = tpu.memref_slice %arg3[%add3A, %dma_wait3A_347, %dma_wait3A_348, %dma_wait3A_349] : memref<32x8x20x64xi32, #tpu.memory_space<hbm>> -> memref<1x1x20x64xi32, #tpu.memory_space<hbm>>
    %dma_wait3A_351 = tpu.memref_squeeze %dma_wait3A_350 : memref<1x1x20x64xi32, #tpu.memory_space<hbm>> -> memref<20x64xi32, #tpu.memory_space<hbm>>
    %dma_wait3A_352 = arith.constant 0 : i32
    %dma_wait3A_353 = arith.constant 0 : i32
    %dma_wait3A_354 = tpu.memref_slice %arg3[%add3A, %dma_wait3A_347, %dma_wait3A_352, %dma_wait3A_353] : memref<32x8x20x64xi32, #tpu.memory_space<hbm>> -> memref<1x1x20x64xi32, #tpu.memory_space<hbm>>
    %dma_wait3A_355 = tpu.memref_squeeze %dma_wait3A_354 : memref<1x1x20x64xi32, #tpu.memory_space<hbm>> -> memref<20x64xi32, #tpu.memory_space<hbm>>
    tpu.wait_dma2 semaphore(%arg21 : memref<!tpu.dma_semaphore, #tpu.memory_space<semaphore_mem>>) src(%dma_wait3A_355 : memref<20x64xi32, #tpu.memory_space<hbm>>) dst(%arg9 : memref<20x64xi32, #tpu.memory_space<vmem>>)
    %dma_wait3A_356 = arith.constant 3 : i32
    %dma_wait3A_357 = arith.constant 0 : i32
    %dma_wait3A_358 = arith.constant 0 : i32
    %dma_wait3A_359 = tpu.memref_slice %arg4[%add3A, %dma_wait3A_356, %dma_wait3A_357, %dma_wait3A_358] : memref<32x8x20x64xi32, #tpu.memory_space<hbm>> -> memref<1x1x20x64xi32, #tpu.memory_space<hbm>>
    %dma_wait3A_360 = tpu.memref_squeeze %dma_wait3A_359 : memref<1x1x20x64xi32, #tpu.memory_space<hbm>> -> memref<20x64xi32, #tpu.memory_space<hbm>>
    %dma_wait3A_361 = arith.constant 0 : i32
    %dma_wait3A_362 = arith.constant 0 : i32
    %dma_wait3A_363 = tpu.memref_slice %arg4[%add3A, %dma_wait3A_356, %dma_wait3A_361, %dma_wait3A_362] : memref<32x8x20x64xi32, #tpu.memory_space<hbm>> -> memref<1x1x20x64xi32, #tpu.memory_space<hbm>>
    %dma_wait3A_364 = tpu.memref_squeeze %dma_wait3A_363 : memref<1x1x20x64xi32, #tpu.memory_space<hbm>> -> memref<20x64xi32, #tpu.memory_space<hbm>>
    tpu.wait_dma2 semaphore(%arg21 : memref<!tpu.dma_semaphore, #tpu.memory_space<semaphore_mem>>) src(%dma_wait3A_364 : memref<20x64xi32, #tpu.memory_space<hbm>>) dst(%arg10 : memref<20x64xi32, #tpu.memory_space<vmem>>)
    %dma_start3A_365 = arith.constant 0 : i32
    %dma_start3A_366 = arith.constant 0 : i32
    %dma_start3A_367 = tpu.memref_slice %arg9[%dma_start3A_365, %dma_start3A_366] : memref<20x64xi32, #tpu.memory_space<vmem>> -> memref<1x64xi32, #tpu.memory_space<vmem>>
    %dma_start3A_368 = tpu.memref_squeeze %dma_start3A_367 : memref<1x64xi32, #tpu.memory_space<vmem>> -> memref<64xi32, #tpu.memory_space<vmem>>
    %dma_start3A_369 = arith.constant 0 : i32
    %dma_start3A_370 = arith.constant 0 : i32
    %dma_start3A_371 = tpu.memref_slice %arg2[%dma_start3A_369, %dma_start3A_370] : memref<10000x128xf32, #tpu.memory_space<hbm>> -> memref<10000x128xf32, #tpu.memory_space<hbm>>
    tpu.enqueue_indirect_dma source(%dma_start3A_371 : memref<10000x128xf32, #tpu.memory_space<hbm>>) target(%arg11 : memref<64x128xf32, #tpu.memory_space<vmem>>) offsets(%dma_start3A_368 : memref<64xi32, #tpu.memory_space<vmem>>) semaphore(%arg16 : memref<!tpu.dma_semaphore, #tpu.memory_space<semaphore_mem>>)
    %dma_start3A_372 = arith.constant 1 : i32
    %dma_start3A_373 = arith.constant 0 : i32
    %dma_start3A_374 = tpu.memref_slice %arg9[%dma_start3A_372, %dma_start3A_373] : memref<20x64xi32, #tpu.memory_space<vmem>> -> memref<1x64xi32, #tpu.memory_space<vmem>>
    %dma_start3A_375 = tpu.memref_squeeze %dma_start3A_374 : memref<1x64xi32, #tpu.memory_space<vmem>> -> memref<64xi32, #tpu.memory_space<vmem>>
    %dma_start3A_376 = arith.constant 0 : i32
    %dma_start3A_377 = arith.constant 0 : i32
    %dma_start3A_378 = tpu.memref_slice %arg2[%dma_start3A_376, %dma_start3A_377] : memref<10000x128xf32, #tpu.memory_space<hbm>> -> memref<10000x128xf32, #tpu.memory_space<hbm>>
    tpu.enqueue_indirect_dma source(%dma_start3A_378 : memref<10000x128xf32, #tpu.memory_space<hbm>>) target(%arg12 : memref<64x128xf32, #tpu.memory_space<vmem>>) offsets(%dma_start3A_375 : memref<64xi32, #tpu.memory_space<vmem>>) semaphore(%arg17 : memref<!tpu.dma_semaphore, #tpu.memory_space<semaphore_mem>>)
    %dma_start3A_379 = arith.constant 2 : i32
    %dma_start3A_380 = arith.constant 0 : i32
    %dma_start3A_381 = tpu.memref_slice %arg9[%dma_start3A_379, %dma_start3A_380] : memref<20x64xi32, #tpu.memory_space<vmem>> -> memref<1x64xi32, #tpu.memory_space<vmem>>
    %dma_start3A_382 = tpu.memref_squeeze %dma_start3A_381 : memref<1x64xi32, #tpu.memory_space<vmem>> -> memref<64xi32, #tpu.memory_space<vmem>>
    %dma_start3A_383 = arith.constant 0 : i32
    %dma_start3A_384 = arith.constant 0 : i32
    %dma_start3A_385 = tpu.memref_slice %arg2[%dma_start3A_383, %dma_start3A_384] : memref<10000x128xf32, #tpu.memory_space<hbm>> -> memref<10000x128xf32, #tpu.memory_space<hbm>>
    tpu.enqueue_indirect_dma source(%dma_start3A_385 : memref<10000x128xf32, #tpu.memory_space<hbm>>) target(%arg13 : memref<64x128xf32, #tpu.memory_space<vmem>>) offsets(%dma_start3A_382 : memref<64xi32, #tpu.memory_space<vmem>>) semaphore(%arg18 : memref<!tpu.dma_semaphore, #tpu.memory_space<semaphore_mem>>)
    %dma_start3A_386 = arith.constant 3 : i32
    %dma_start3A_387 = arith.constant 0 : i32
    %dma_start3A_388 = tpu.memref_slice %arg9[%dma_start3A_386, %dma_start3A_387] : memref<20x64xi32, #tpu.memory_space<vmem>> -> memref<1x64xi32, #tpu.memory_space<vmem>>
    %dma_start3A_389 = tpu.memref_squeeze %dma_start3A_388 : memref<1x64xi32, #tpu.memory_space<vmem>> -> memref<64xi32, #tpu.memory_space<vmem>>
    %dma_start3A_390 = arith.constant 0 : i32
    %dma_start3A_391 = arith.constant 0 : i32
    %dma_start3A_392 = tpu.memref_slice %arg2[%dma_start3A_390, %dma_start3A_391] : memref<10000x128xf32, #tpu.memory_space<hbm>> -> memref<10000x128xf32, #tpu.memory_space<hbm>>
    tpu.enqueue_indirect_dma source(%dma_start3A_392 : memref<10000x128xf32, #tpu.memory_space<hbm>>) target(%arg14 : memref<64x128xf32, #tpu.memory_space<vmem>>) offsets(%dma_start3A_389 : memref<64xi32, #tpu.memory_space<vmem>>) semaphore(%arg19 : memref<!tpu.dma_semaphore, #tpu.memory_space<semaphore_mem>>)
    %scan3A_393 = arith.constant 0 : i32
    %scan3A_394 = arith.constant 4 : i32
    %scan3A_395 = arith.addi %scan3A_393, %scan3A_394 : i32
    %scan3A_396 = arith.constant 1 : i32
    scf.for %scan3A_819 = %scan3A_393 to %scan3A_395 step %scan3A_396  : i32 {
      %mul3A_820 = arith.constant 4 : i32
      %mul3A_821 = arith.muli %scan3A_819, %mul3A_820 : i32
      %add3A_822 = arith.constant 0 : i32
      %add3A_823 = arith.addi %add3A_822, %mul3A_821 : i32
      %add3A_824 = arith.constant 0 : i32
      %add3A_825 = arith.addi %add3A_823, %add3A_824 : i32
      %dma_wait3A_826 = arith.constant 0 : i32
      %dma_wait3A_827 = tpu.memref_slice %arg9[%add3A_825, %dma_wait3A_826] : memref<20x64xi32, #tpu.memory_space<vmem>> -> memref<1x64xi32, #tpu.memory_space<vmem>>
      %dma_wait3A_828 = tpu.memref_squeeze %dma_wait3A_827 : memref<1x64xi32, #tpu.memory_space<vmem>> -> memref<64xi32, #tpu.memory_space<vmem>>
      %dma_wait3A_829 = arith.constant 0 : i32
      %dma_wait3A_830 = arith.constant 0 : i32
      %dma_wait3A_831 = tpu.memref_slice %arg2[%dma_wait3A_829, %dma_wait3A_830] : memref<10000x128xf32, #tpu.memory_space<hbm>> -> memref<10000x128xf32, #tpu.memory_space<hbm>>
      tpu.wait_indirect_dma semaphore(%arg16 : memref<!tpu.dma_semaphore, #tpu.memory_space<semaphore_mem>>) src(%dma_wait3A_831 : memref<10000x128xf32, #tpu.memory_space<hbm>>) dst(%arg11 : memref<64x128xf32, #tpu.memory_space<vmem>>)
      %add3A_832 = arith.constant 0 : i32
      %add3A_833 = arith.addi %add3A_823, %add3A_832 : i32
      "tpu.region"() ({
        %run_scoped3A_904 = tpu.sem_alloc : memref<!tpu.dma_semaphore, #tpu.memory_space<semaphore_mem>>
        %dma_start3A_905 = arith.constant 0 : i32
        %dma_start3A_906 = tpu.memref_slice %arg10[%add3A_833, %dma_start3A_905] : memref<20x64xi32, #tpu.memory_space<vmem>> -> memref<1x64xi32, #tpu.memory_space<vmem>>
        %dma_start3A_907 = tpu.memref_squeeze %dma_start3A_906 : memref<1x64xi32, #tpu.memory_space<vmem>> -> memref<64xi32, #tpu.memory_space<vmem>>
        %dma_start3A_908 = arith.constant 0 : i32
        %dma_start3A_909 = arith.constant 0 : i32
        %dma_start3A_910 = tpu.memref_slice %arg6[%dma_start3A_908, %dma_start3A_909] : memref<10112x128xf32, #tpu.memory_space<vmem_shared>> -> memref<10112x128xf32, #tpu.memory_space<vmem_shared>>
        tpu.enqueue_indirect_dma source(%arg11 : memref<64x128xf32, #tpu.memory_space<vmem>>) target(%dma_start3A_910 : memref<10112x128xf32, #tpu.memory_space<vmem_shared>>) offsets(%dma_start3A_907 : memref<64xi32, #tpu.memory_space<vmem>>) semaphore(%run_scoped3A_904 : memref<!tpu.dma_semaphore, #tpu.memory_space<semaphore_mem>>) {add = true}
        %dma_wait3A_911 = arith.constant 0 : i32
        %dma_wait3A_912 = tpu.memref_slice %arg10[%add3A_833, %dma_wait3A_911] : memref<20x64xi32, #tpu.memory_space<vmem>> -> memref<1x64xi32, #tpu.memory_space<vmem>>
        %dma_wait3A_913 = tpu.memref_squeeze %dma_wait3A_912 : memref<1x64xi32, #tpu.memory_space<vmem>> -> memref<64xi32, #tpu.memory_space<vmem>>
        %dma_wait3A_914 = arith.constant 0 : i32
        %dma_wait3A_915 = arith.constant 0 : i32
        %dma_wait3A_916 = tpu.memref_slice %arg6[%dma_wait3A_914, %dma_wait3A_915] : memref<10112x128xf32, #tpu.memory_space<vmem_shared>> -> memref<10112x128xf32, #tpu.memory_space<vmem_shared>>
        tpu.wait_indirect_dma semaphore(%run_scoped3A_904 : memref<!tpu.dma_semaphore, #tpu.memory_space<semaphore_mem>>) src(%arg11 : memref<64x128xf32, #tpu.memory_space<vmem>>) dst(%dma_wait3A_916 : memref<10112x128xf32, #tpu.memory_space<vmem_shared>>)
        tpu.yield
      }) : () -> ()
      %add3A_834 = arith.constant 4 : i32
      %add3A_835 = arith.addi %add3A_823, %add3A_834 : i32
      %add3A_836 = arith.constant 0 : i32
      %add3A_837 = arith.addi %add3A_835, %add3A_836 : i32
      %dma_start3A_838 = arith.constant 0 : i32
      %dma_start3A_839 = tpu.memref_slice %arg9[%add3A_837, %dma_start3A_838] : memref<20x64xi32, #tpu.memory_space<vmem>> -> memref<1x64xi32, #tpu.memory_space<vmem>>
      %dma_start3A_840 = tpu.memref_squeeze %dma_start3A_839 : memref<1x64xi32, #tpu.memory_space<vmem>> -> memref<64xi32, #tpu.memory_space<vmem>>
      %dma_start3A_841 = arith.constant 0 : i32
      %dma_start3A_842 = arith.constant 0 : i32
      %dma_start3A_843 = tpu.memref_slice %arg2[%dma_start3A_841, %dma_start3A_842] : memref<10000x128xf32, #tpu.memory_space<hbm>> -> memref<10000x128xf32, #tpu.memory_space<hbm>>
      tpu.enqueue_indirect_dma source(%dma_start3A_843 : memref<10000x128xf32, #tpu.memory_space<hbm>>) target(%arg11 : memref<64x128xf32, #tpu.memory_space<vmem>>) offsets(%dma_start3A_840 : memref<64xi32, #tpu.memory_space<vmem>>) semaphore(%arg16 : memref<!tpu.dma_semaphore, #tpu.memory_space<semaphore_mem>>)
      %add3A_844 = arith.constant 1 : i32
      %add3A_845 = arith.addi %add3A_823, %add3A_844 : i32
      %dma_wait3A_846 = arith.constant 0 : i32
      %dma_wait3A_847 = tpu.memref_slice %arg9[%add3A_845, %dma_wait3A_846] : memref<20x64xi32, #tpu.memory_space<vmem>> -> memref<1x64xi32, #tpu.memory_space<vmem>>
      %dma_wait3A_848 = tpu.memref_squeeze %dma_wait3A_847 : memref<1x64xi32, #tpu.memory_space<vmem>> -> memref<64xi32, #tpu.memory_space<vmem>>
      %dma_wait3A_849 = arith.constant 0 : i32
      %dma_wait3A_850 = arith.constant 0 : i32
      %dma_wait3A_851 = tpu.memref_slice %arg2[%dma_wait3A_849, %dma_wait3A_850] : memref<10000x128xf32, #tpu.memory_space<hbm>> -> memref<10000x128xf32, #tpu.memory_space<hbm>>
      tpu.wait_indirect_dma semaphore(%arg17 : memref<!tpu.dma_semaphore, #tpu.memory_space<semaphore_mem>>) src(%dma_wait3A_851 : memref<10000x128xf32, #tpu.memory_space<hbm>>) dst(%arg12 : memref<64x128xf32, #tpu.memory_space<vmem>>)
      %add3A_852 = arith.constant 1 : i32
      %add3A_853 = arith.addi %add3A_823, %add3A_852 : i32
      "tpu.region"() ({
        %run_scoped3A_904 = tpu.sem_alloc : memref<!tpu.dma_semaphore, #tpu.memory_space<semaphore_mem>>
        %dma_start3A_905 = arith.constant 0 : i32
        %dma_start3A_906 = tpu.memref_slice %arg10[%add3A_853, %dma_start3A_905] : memref<20x64xi32, #tpu.memory_space<vmem>> -> memref<1x64xi32, #tpu.memory_space<vmem>>
        %dma_start3A_907 = tpu.memref_squeeze %dma_start3A_906 : memref<1x64xi32, #tpu.memory_space<vmem>> -> memref<64xi32, #tpu.memory_space<vmem>>
        %dma_start3A_908 = arith.constant 0 : i32
        %dma_start3A_909 = arith.constant 0 : i32
        %dma_start3A_910 = tpu.memref_slice %arg6[%dma_start3A_908, %dma_start3A_909] : memref<10112x128xf32, #tpu.memory_space<vmem_shared>> -> memref<10112x128xf32, #tpu.memory_space<vmem_shared>>
        tpu.enqueue_indirect_dma source(%arg12 : memref<64x128xf32, #tpu.memory_space<vmem>>) target(%dma_start3A_910 : memref<10112x128xf32, #tpu.memory_space<vmem_shared>>) offsets(%dma_start3A_907 : memref<64xi32, #tpu.memory_space<vmem>>) semaphore(%run_scoped3A_904 : memref<!tpu.dma_semaphore, #tpu.memory_space<semaphore_mem>>) {add = true}
        %dma_wait3A_911 = arith.constant 0 : i32
        %dma_wait3A_912 = tpu.memref_slice %arg10[%add3A_853, %dma_wait3A_911] : memref<20x64xi32, #tpu.memory_space<vmem>> -> memref<1x64xi32, #tpu.memory_space<vmem>>
        %dma_wait3A_913 = tpu.memref_squeeze %dma_wait3A_912 : memref<1x64xi32, #tpu.memory_space<vmem>> -> memref<64xi32, #tpu.memory_space<vmem>>
        %dma_wait3A_914 = arith.constant 0 : i32
        %dma_wait3A_915 = arith.constant 0 : i32
        %dma_wait3A_916 = tpu.memref_slice %arg6[%dma_wait3A_914, %dma_wait3A_915] : memref<10112x128xf32, #tpu.memory_space<vmem_shared>> -> memref<10112x128xf32, #tpu.memory_space<vmem_shared>>
        tpu.wait_indirect_dma semaphore(%run_scoped3A_904 : memref<!tpu.dma_semaphore, #tpu.memory_space<semaphore_mem>>) src(%arg12 : memref<64x128xf32, #tpu.memory_space<vmem>>) dst(%dma_wait3A_916 : memref<10112x128xf32, #tpu.memory_space<vmem_shared>>)
        tpu.yield
      }) : () -> ()
      %add3A_854 = arith.constant 4 : i32
      %add3A_855 = arith.addi %add3A_823, %add3A_854 : i32
      %add3A_856 = arith.constant 1 : i32
      %add3A_857 = arith.addi %add3A_855, %add3A_856 : i32
      %dma_start3A_858 = arith.constant 0 : i32
      %dma_start3A_859 = tpu.memref_slice %arg9[%add3A_857, %dma_start3A_858] : memref<20x64xi32, #tpu.memory_space<vmem>> -> memref<1x64xi32, #tpu.memory_space<vmem>>
      %dma_start3A_860 = tpu.memref_squeeze %dma_start3A_859 : memref<1x64xi32, #tpu.memory_space<vmem>> -> memref<64xi32, #tpu.memory_space<vmem>>
      %dma_start3A_861 = arith.constant 0 : i32
      %dma_start3A_862 = arith.constant 0 : i32
      %dma_start3A_863 = tpu.memref_slice %arg2[%dma_start3A_861, %dma_start3A_862] : memref<10000x128xf32, #tpu.memory_space<hbm>> -> memref<10000x128xf32, #tpu.memory_space<hbm>>
      tpu.enqueue_indirect_dma source(%dma_start3A_863 : memref<10000x128xf32, #tpu.memory_space<hbm>>) target(%arg12 : memref<64x128xf32, #tpu.memory_space<vmem>>) offsets(%dma_start3A_860 : memref<64xi32, #tpu.memory_space<vmem>>) semaphore(%arg17 : memref<!tpu.dma_semaphore, #tpu.memory_space<semaphore_mem>>)
      %add3A_864 = arith.constant 2 : i32
      %add3A_865 = arith.addi %add3A_823, %add3A_864 : i32
      %dma_wait3A_866 = arith.constant 0 : i32
      %dma_wait3A_867 = tpu.memref_slice %arg9[%add3A_865, %dma_wait3A_866] : memref<20x64xi32, #tpu.memory_space<vmem>> -> memref<1x64xi32, #tpu.memory_space<vmem>>
      %dma_wait3A_868 = tpu.memref_squeeze %dma_wait3A_867 : memref<1x64xi32, #tpu.memory_space<vmem>> -> memref<64xi32, #tpu.memory_space<vmem>>
      %dma_wait3A_869 = arith.constant 0 : i32
      %dma_wait3A_870 = arith.constant 0 : i32
      %dma_wait3A_871 = tpu.memref_slice %arg2[%dma_wait3A_869, %dma_wait3A_870] : memref<10000x128xf32, #tpu.memory_space<hbm>> -> memref<10000x128xf32, #tpu.memory_space<hbm>>
      tpu.wait_indirect_dma semaphore(%arg18 : memref<!tpu.dma_semaphore, #tpu.memory_space<semaphore_mem>>) src(%dma_wait3A_871 : memref<10000x128xf32, #tpu.memory_space<hbm>>) dst(%arg13 : memref<64x128xf32, #tpu.memory_space<vmem>>)
      %add3A_872 = arith.constant 2 : i32
      %add3A_873 = arith.addi %add3A_823, %add3A_872 : i32
      "tpu.region"() ({
        %run_scoped3A_904 = tpu.sem_alloc : memref<!tpu.dma_semaphore, #tpu.memory_space<semaphore_mem>>
        %dma_start3A_905 = arith.constant 0 : i32
        %dma_start3A_906 = tpu.memref_slice %arg10[%add3A_873, %dma_start3A_905] : memref<20x64xi32, #tpu.memory_space<vmem>> -> memref<1x64xi32, #tpu.memory_space<vmem>>
        %dma_start3A_907 = tpu.memref_squeeze %dma_start3A_906 : memref<1x64xi32, #tpu.memory_space<vmem>> -> memref<64xi32, #tpu.memory_space<vmem>>
        %dma_start3A_908 = arith.constant 0 : i32
        %dma_start3A_909 = arith.constant 0 : i32
        %dma_start3A_910 = tpu.memref_slice %arg6[%dma_start3A_908, %dma_start3A_909] : memref<10112x128xf32, #tpu.memory_space<vmem_shared>> -> memref<10112x128xf32, #tpu.memory_space<vmem_shared>>
        tpu.enqueue_indirect_dma source(%arg13 : memref<64x128xf32, #tpu.memory_space<vmem>>) target(%dma_start3A_910 : memref<10112x128xf32, #tpu.memory_space<vmem_shared>>) offsets(%dma_start3A_907 : memref<64xi32, #tpu.memory_space<vmem>>) semaphore(%run_scoped3A_904 : memref<!tpu.dma_semaphore, #tpu.memory_space<semaphore_mem>>) {add = true}
        %dma_wait3A_911 = arith.constant 0 : i32
        %dma_wait3A_912 = tpu.memref_slice %arg10[%add3A_873, %dma_wait3A_911] : memref<20x64xi32, #tpu.memory_space<vmem>> -> memref<1x64xi32, #tpu.memory_space<vmem>>
        %dma_wait3A_913 = tpu.memref_squeeze %dma_wait3A_912 : memref<1x64xi32, #tpu.memory_space<vmem>> -> memref<64xi32, #tpu.memory_space<vmem>>
        %dma_wait3A_914 = arith.constant 0 : i32
        %dma_wait3A_915 = arith.constant 0 : i32
        %dma_wait3A_916 = tpu.memref_slice %arg6[%dma_wait3A_914, %dma_wait3A_915] : memref<10112x128xf32, #tpu.memory_space<vmem_shared>> -> memref<10112x128xf32, #tpu.memory_space<vmem_shared>>
        tpu.wait_indirect_dma semaphore(%run_scoped3A_904 : memref<!tpu.dma_semaphore, #tpu.memory_space<semaphore_mem>>) src(%arg13 : memref<64x128xf32, #tpu.memory_space<vmem>>) dst(%dma_wait3A_916 : memref<10112x128xf32, #tpu.memory_space<vmem_shared>>)
        tpu.yield
      }) : () -> ()
      %add3A_874 = arith.constant 4 : i32
      %add3A_875 = arith.addi %add3A_823, %add3A_874 : i32
      %add3A_876 = arith.constant 2 : i32
      %add3A_877 = arith.addi %add3A_875, %add3A_876 : i32
      %dma_start3A_878 = arith.constant 0 : i32
      %dma_start3A_879 = tpu.memref_slice %arg9[%add3A_877, %dma_start3A_878] : memref<20x64xi32, #tpu.memory_space<vmem>> -> memref<1x64xi32, #tpu.memory_space<vmem>>
      %dma_start3A_880 = tpu.memref_squeeze %dma_start3A_879 : memref<1x64xi32, #tpu.memory_space<vmem>> -> memref<64xi32, #tpu.memory_space<vmem>>
      %dma_start3A_881 = arith.constant 0 : i32
      %dma_start3A_882 = arith.constant 0 : i32
      %dma_start3A_883 = tpu.memref_slice %arg2[%dma_start3A_881, %dma_start3A_882] : memref<10000x128xf32, #tpu.memory_space<hbm>> -> memref<10000x128xf32, #tpu.memory_space<hbm>>
      tpu.enqueue_indirect_dma source(%dma_start3A_883 : memref<10000x128xf32, #tpu.memory_space<hbm>>) target(%arg13 : memref<64x128xf32, #tpu.memory_space<vmem>>) offsets(%dma_start3A_880 : memref<64xi32, #tpu.memory_space<vmem>>) semaphore(%arg18 : memref<!tpu.dma_semaphore, #tpu.memory_space<semaphore_mem>>)
      %add3A_884 = arith.constant 3 : i32
      %add3A_885 = arith.addi %add3A_823, %add3A_884 : i32
      %dma_wait3A_886 = arith.constant 0 : i32
      %dma_wait3A_887 = tpu.memref_slice %arg9[%add3A_885, %dma_wait3A_886] : memref<20x64xi32, #tpu.memory_space<vmem>> -> memref<1x64xi32, #tpu.memory_space<vmem>>
      %dma_wait3A_888 = tpu.memref_squeeze %dma_wait3A_887 : memref<1x64xi32, #tpu.memory_space<vmem>> -> memref<64xi32, #tpu.memory_space<vmem>>
      %dma_wait3A_889 = arith.constant 0 : i32
      %dma_wait3A_890 = arith.constant 0 : i32
      %dma_wait3A_891 = tpu.memref_slice %arg2[%dma_wait3A_889, %dma_wait3A_890] : memref<10000x128xf32, #tpu.memory_space<hbm>> -> memref<10000x128xf32, #tpu.memory_space<hbm>>
      tpu.wait_indirect_dma semaphore(%arg19 : memref<!tpu.dma_semaphore, #tpu.memory_space<semaphore_mem>>) src(%dma_wait3A_891 : memref<10000x128xf32, #tpu.memory_space<hbm>>) dst(%arg14 : memref<64x128xf32, #tpu.memory_space<vmem>>)
      %add3A_892 = arith.constant 3 : i32
      %add3A_893 = arith.addi %add3A_823, %add3A_892 : i32
      "tpu.region"() ({
        %run_scoped3A_904 = tpu.sem_alloc : memref<!tpu.dma_semaphore, #tpu.memory_space<semaphore_mem>>
        %dma_start3A_905 = arith.constant 0 : i32
        %dma_start3A_906 = tpu.memref_slice %arg10[%add3A_893, %dma_start3A_905] : memref<20x64xi32, #tpu.memory_space<vmem>> -> memref<1x64xi32, #tpu.memory_space<vmem>>
        %dma_start3A_907 = tpu.memref_squeeze %dma_start3A_906 : memref<1x64xi32, #tpu.memory_space<vmem>> -> memref<64xi32, #tpu.memory_space<vmem>>
        %dma_start3A_908 = arith.constant 0 : i32
        %dma_start3A_909 = arith.constant 0 : i32
        %dma_start3A_910 = tpu.memref_slice %arg6[%dma_start3A_908, %dma_start3A_909] : memref<10112x128xf32, #tpu.memory_space<vmem_shared>> -> memref<10112x128xf32, #tpu.memory_space<vmem_shared>>
        tpu.enqueue_indirect_dma source(%arg14 : memref<64x128xf32, #tpu.memory_space<vmem>>) target(%dma_start3A_910 : memref<10112x128xf32, #tpu.memory_space<vmem_shared>>) offsets(%dma_start3A_907 : memref<64xi32, #tpu.memory_space<vmem>>) semaphore(%run_scoped3A_904 : memref<!tpu.dma_semaphore, #tpu.memory_space<semaphore_mem>>) {add = true}
        %dma_wait3A_911 = arith.constant 0 : i32
        %dma_wait3A_912 = tpu.memref_slice %arg10[%add3A_893, %dma_wait3A_911] : memref<20x64xi32, #tpu.memory_space<vmem>> -> memref<1x64xi32, #tpu.memory_space<vmem>>
        %dma_wait3A_913 = tpu.memref_squeeze %dma_wait3A_912 : memref<1x64xi32, #tpu.memory_space<vmem>> -> memref<64xi32, #tpu.memory_space<vmem>>
        %dma_wait3A_914 = arith.constant 0 : i32
        %dma_wait3A_915 = arith.constant 0 : i32
        %dma_wait3A_916 = tpu.memref_slice %arg6[%dma_wait3A_914, %dma_wait3A_915] : memref<10112x128xf32, #tpu.memory_space<vmem_shared>> -> memref<10112x128xf32, #tpu.memory_space<vmem_shared>>
        tpu.wait_indirect_dma semaphore(%run_scoped3A_904 : memref<!tpu.dma_semaphore, #tpu.memory_space<semaphore_mem>>) src(%arg14 : memref<64x128xf32, #tpu.memory_space<vmem>>) dst(%dma_wait3A_916 : memref<10112x128xf32, #tpu.memory_space<vmem_shared>>)
        tpu.yield
      }) : () -> ()
      %add3A_894 = arith.constant 4 : i32
      %add3A_895 = arith.addi %add3A_823, %add3A_894 : i32
      %add3A_896 = arith.constant 3 : i32
      %add3A_897 = arith.addi %add3A_895, %add3A_896 : i32
      %dma_start3A_898 = arith.constant 0 : i32
      %dma_start3A_899 = tpu.memref_slice %arg9[%add3A_897, %dma_start3A_898] : memref<20x64xi32, #tpu.memory_space<vmem>> -> memref<1x64xi32, #tpu.memory_space<vmem>>
      %dma_start3A_900 = tpu.memref_squeeze %dma_start3A_899 : memref<1x64xi32, #tpu.memory_space<vmem>> -> memref<64xi32, #tpu.memory_space<vmem>>
      %dma_start3A_901 = arith.constant 0 : i32
      %dma_start3A_902 = arith.constant 0 : i32
      %dma_start3A_903 = tpu.memref_slice %arg2[%dma_start3A_901, %dma_start3A_902] : memref<10000x128xf32, #tpu.memory_space<hbm>> -> memref<10000x128xf32, #tpu.memory_space<hbm>>
      tpu.enqueue_indirect_dma source(%dma_start3A_903 : memref<10000x128xf32, #tpu.memory_space<hbm>>) target(%arg14 : memref<64x128xf32, #tpu.memory_space<vmem>>) offsets(%dma_start3A_900 : memref<64xi32, #tpu.memory_space<vmem>>) semaphore(%arg19 : memref<!tpu.dma_semaphore, #tpu.memory_space<semaphore_mem>>)
    }
    %scan3A_397 = arith.constant 4 : i32
    %dma_wait3A_398 = arith.constant 16 : i32
    %dma_wait3A_399 = arith.constant 0 : i32
    %dma_wait3A_400 = tpu.memref_slice %arg9[%dma_wait3A_398, %dma_wait3A_399] : memref<20x64xi32, #tpu.memory_space<vmem>> -> memref<1x64xi32, #tpu.memory_space<vmem>>
    %dma_wait3A_401 = tpu.memref_squeeze %dma_wait3A_400 : memref<1x64xi32, #tpu.memory_space<vmem>> -> memref<64xi32, #tpu.memory_space<vmem>>
    %dma_wait3A_402 = arith.constant 0 : i32
    %dma_wait3A_403 = arith.constant 0 : i32
    %dma_wait3A_404 = tpu.memref_slice %arg2[%dma_wait3A_402, %dma_wait3A_403] : memref<10000x128xf32, #tpu.memory_space<hbm>> -> memref<10000x128xf32, #tpu.memory_space<hbm>>
    tpu.wait_indirect_dma semaphore(%arg16 : memref<!tpu.dma_semaphore, #tpu.memory_space<semaphore_mem>>) src(%dma_wait3A_404 : memref<10000x128xf32, #tpu.memory_space<hbm>>) dst(%arg11 : memref<64x128xf32, #tpu.memory_space<vmem>>)
    %run_scoped3A_405 = arith.constant 16 : i32
    "tpu.region"() ({
      %run_scoped3A_819 = tpu.sem_alloc : memref<!tpu.dma_semaphore, #tpu.memory_space<semaphore_mem>>
      %dma_start3A_820 = arith.constant 0 : i32
      %dma_start3A_821 = tpu.memref_slice %arg10[%run_scoped3A_405, %dma_start3A_820] : memref<20x64xi32, #tpu.memory_space<vmem>> -> memref<1x64xi32, #tpu.memory_space<vmem>>
      %dma_start3A_822 = tpu.memref_squeeze %dma_start3A_821 : memref<1x64xi32, #tpu.memory_space<vmem>> -> memref<64xi32, #tpu.memory_space<vmem>>
      %dma_start3A_823 = arith.constant 0 : i32
      %dma_start3A_824 = arith.constant 0 : i32
      %dma_start3A_825 = tpu.memref_slice %arg6[%dma_start3A_823, %dma_start3A_824] : memref<10112x128xf32, #tpu.memory_space<vmem_shared>> -> memref<10112x128xf32, #tpu.memory_space<vmem_shared>>
      tpu.enqueue_indirect_dma source(%arg11 : memref<64x128xf32, #tpu.memory_space<vmem>>) target(%dma_start3A_825 : memref<10112x128xf32, #tpu.memory_space<vmem_shared>>) offsets(%dma_start3A_822 : memref<64xi32, #tpu.memory_space<vmem>>) semaphore(%run_scoped3A_819 : memref<!tpu.dma_semaphore, #tpu.memory_space<semaphore_mem>>) {add = true}
      %dma_wait3A_826 = arith.constant 0 : i32
      %dma_wait3A_827 = tpu.memref_slice %arg10[%run_scoped3A_405, %dma_wait3A_826] : memref<20x64xi32, #tpu.memory_space<vmem>> -> memref<1x64xi32, #tpu.memory_space<vmem>>
      %dma_wait3A_828 = tpu.memref_squeeze %dma_wait3A_827 : memref<1x64xi32, #tpu.memory_space<vmem>> -> memref<64xi32, #tpu.memory_space<vmem>>
      %dma_wait3A_829 = arith.constant 0 : i32
      %dma_wait3A_830 = arith.constant 0 : i32
      %dma_wait3A_831 = tpu.memref_slice %arg6[%dma_wait3A_829, %dma_wait3A_830] : memref<10112x128xf32, #tpu.memory_space<vmem_shared>> -> memref<10112x128xf32, #tpu.memory_space<vmem_shared>>
      tpu.wait_indirect_dma semaphore(%run_scoped3A_819 : memref<!tpu.dma_semaphore, #tpu.memory_space<semaphore_mem>>) src(%arg11 : memref<64x128xf32, #tpu.memory_space<vmem>>) dst(%dma_wait3A_831 : memref<10112x128xf32, #tpu.memory_space<vmem_shared>>)
      tpu.yield
    }) : () -> ()
    %dma_wait3A_406 = arith.constant 17 : i32
    %dma_wait3A_407 = arith.constant 0 : i32
    %dma_wait3A_408 = tpu.memref_slice %arg9[%dma_wait3A_406, %dma_wait3A_407] : memref<20x64xi32, #tpu.memory_space<vmem>> -> memref<1x64xi32, #tpu.memory_space<vmem>>
    %dma_wait3A_409 = tpu.memref_squeeze %dma_wait3A_408 : memref<1x64xi32, #tpu.memory_space<vmem>> -> memref<64xi32, #tpu.memory_space<vmem>>
    %dma_wait3A_410 = arith.constant 0 : i32
    %dma_wait3A_411 = arith.constant 0 : i32
    %dma_wait3A_412 = tpu.memref_slice %arg2[%dma_wait3A_410, %dma_wait3A_411] : memref<10000x128xf32, #tpu.memory_space<hbm>> -> memref<10000x128xf32, #tpu.memory_space<hbm>>
    tpu.wait_indirect_dma semaphore(%arg17 : memref<!tpu.dma_semaphore, #tpu.memory_space<semaphore_mem>>) src(%dma_wait3A_412 : memref<10000x128xf32, #tpu.memory_space<hbm>>) dst(%arg12 : memref<64x128xf32, #tpu.memory_space<vmem>>)
    %run_scoped3A_413 = arith.constant 17 : i32
    "tpu.region"() ({
      %run_scoped3A_819 = tpu.sem_alloc : memref<!tpu.dma_semaphore, #tpu.memory_space<semaphore_mem>>
      %dma_start3A_820 = arith.constant 0 : i32
      %dma_start3A_821 = tpu.memref_slice %arg10[%run_scoped3A_413, %dma_start3A_820] : memref<20x64xi32, #tpu.memory_space<vmem>> -> memref<1x64xi32, #tpu.memory_space<vmem>>
      %dma_start3A_822 = tpu.memref_squeeze %dma_start3A_821 : memref<1x64xi32, #tpu.memory_space<vmem>> -> memref<64xi32, #tpu.memory_space<vmem>>
      %dma_start3A_823 = arith.constant 0 : i32
      %dma_start3A_824 = arith.constant 0 : i32
      %dma_start3A_825 = tpu.memref_slice %arg6[%dma_start3A_823, %dma_start3A_824] : memref<10112x128xf32, #tpu.memory_space<vmem_shared>> -> memref<10112x128xf32, #tpu.memory_space<vmem_shared>>
      tpu.enqueue_indirect_dma source(%arg12 : memref<64x128xf32, #tpu.memory_space<vmem>>) target(%dma_start3A_825 : memref<10112x128xf32, #tpu.memory_space<vmem_shared>>) offsets(%dma_start3A_822 : memref<64xi32, #tpu.memory_space<vmem>>) semaphore(%run_scoped3A_819 : memref<!tpu.dma_semaphore, #tpu.memory_space<semaphore_mem>>) {add = true}
      %dma_wait3A_826 = arith.constant 0 : i32
      %dma_wait3A_827 = tpu.memref_slice %arg10[%run_scoped3A_413, %dma_wait3A_826] : memref<20x64xi32, #tpu.memory_space<vmem>> -> memref<1x64xi32, #tpu.memory_space<vmem>>
      %dma_wait3A_828 = tpu.memref_squeeze %dma_wait3A_827 : memref<1x64xi32, #tpu.memory_space<vmem>> -> memref<64xi32, #tpu.memory_space<vmem>>
      %dma_wait3A_829 = arith.constant 0 : i32
      %dma_wait3A_830 = arith.constant 0 : i32
      %dma_wait3A_831 = tpu.memref_slice %arg6[%dma_wait3A_829, %dma_wait3A_830] : memref<10112x128xf32, #tpu.memory_space<vmem_shared>> -> memref<10112x128xf32, #tpu.memory_space<vmem_shared>>
      tpu.wait_indirect_dma semaphore(%run_scoped3A_819 : memref<!tpu.dma_semaphore, #tpu.memory_space<semaphore_mem>>) src(%arg12 : memref<64x128xf32, #tpu.memory_space<vmem>>) dst(%dma_wait3A_831 : memref<10112x128xf32, #tpu.memory_space<vmem_shared>>)
      tpu.yield
    }) : () -> ()
    %dma_wait3A_414 = arith.constant 18 : i32
    %dma_wait3A_415 = arith.constant 0 : i32
    %dma_wait3A_416 = tpu.memref_slice %arg9[%dma_wait3A_414, %dma_wait3A_415] : memref<20x64xi32, #tpu.memory_space<vmem>> -> memref<1x64xi32, #tpu.memory_space<vmem>>
    %dma_wait3A_417 = tpu.memref_squeeze %dma_wait3A_416 : memref<1x64xi32, #tpu.memory_space<vmem>> -> memref<64xi32, #tpu.memory_space<vmem>>
    %dma_wait3A_418 = arith.constant 0 : i32
    %dma_wait3A_419 = arith.constant 0 : i32
    %dma_wait3A_420 = tpu.memref_slice %arg2[%dma_wait3A_418, %dma_wait3A_419] : memref<10000x128xf32, #tpu.memory_space<hbm>> -> memref<10000x128xf32, #tpu.memory_space<hbm>>
    tpu.wait_indirect_dma semaphore(%arg18 : memref<!tpu.dma_semaphore, #tpu.memory_space<semaphore_mem>>) src(%dma_wait3A_420 : memref<10000x128xf32, #tpu.memory_space<hbm>>) dst(%arg13 : memref<64x128xf32, #tpu.memory_space<vmem>>)
    %run_scoped3A_421 = arith.constant 18 : i32
    "tpu.region"() ({
      %run_scoped3A_819 = tpu.sem_alloc : memref<!tpu.dma_semaphore, #tpu.memory_space<semaphore_mem>>
      %dma_start3A_820 = arith.constant 0 : i32
      %dma_start3A_821 = tpu.memref_slice %arg10[%run_scoped3A_421, %dma_start3A_820] : memref<20x64xi32, #tpu.memory_space<vmem>> -> memref<1x64xi32, #tpu.memory_space<vmem>>
      %dma_start3A_822 = tpu.memref_squeeze %dma_start3A_821 : memref<1x64xi32, #tpu.memory_space<vmem>> -> memref<64xi32, #tpu.memory_space<vmem>>
      %dma_start3A_823 = arith.constant 0 : i32
      %dma_start3A_824 = arith.constant 0 : i32
      %dma_start3A_825 = tpu.memref_slice %arg6[%dma_start3A_823, %dma_start3A_824] : memref<10112x128xf32, #tpu.memory_space<vmem_shared>> -> memref<10112x128xf32, #tpu.memory_space<vmem_shared>>
      tpu.enqueue_indirect_dma source(%arg13 : memref<64x128xf32, #tpu.memory_space<vmem>>) target(%dma_start3A_825 : memref<10112x128xf32, #tpu.memory_space<vmem_shared>>) offsets(%dma_start3A_822 : memref<64xi32, #tpu.memory_space<vmem>>) semaphore(%run_scoped3A_819 : memref<!tpu.dma_semaphore, #tpu.memory_space<semaphore_mem>>) {add = true}
      %dma_wait3A_826 = arith.constant 0 : i32
      %dma_wait3A_827 = tpu.memref_slice %arg10[%run_scoped3A_421, %dma_wait3A_826] : memref<20x64xi32, #tpu.memory_space<vmem>> -> memref<1x64xi32, #tpu.memory_space<vmem>>
      %dma_wait3A_828 = tpu.memref_squeeze %dma_wait3A_827 : memref<1x64xi32, #tpu.memory_space<vmem>> -> memref<64xi32, #tpu.memory_space<vmem>>
      %dma_wait3A_829 = arith.constant 0 : i32
      %dma_wait3A_830 = arith.constant 0 : i32
      %dma_wait3A_831 = tpu.memref_slice %arg6[%dma_wait3A_829, %dma_wait3A_830] : memref<10112x128xf32, #tpu.memory_space<vmem_shared>> -> memref<10112x128xf32, #tpu.memory_space<vmem_shared>>
      tpu.wait_indirect_dma semaphore(%run_scoped3A_819 : memref<!tpu.dma_semaphore, #tpu.memory_space<semaphore_mem>>) src(%arg13 : memref<64x128xf32, #tpu.memory_space<vmem>>) dst(%dma_wait3A_831 : memref<10112x128xf32, #tpu.memory_space<vmem_shared>>)
      tpu.yield
    }) : () -> ()
    %dma_wait3A_422 = arith.constant 19 : i32
    %dma_wait3A_423 = arith.constant 0 : i32
    %dma_wait3A_424 = tpu.memref_slice %arg9[%dma_wait3A_422, %dma_wait3A_423] : memref<20x64xi32, #tpu.memory_space<vmem>> -> memref<1x64xi32, #tpu.memory_space<vmem>>
    %dma_wait3A_425 = tpu.memref_squeeze %dma_wait3A_424 : memref<1x64xi32, #tpu.memory_space<vmem>> -> memref<64xi32, #tpu.memory_space<vmem>>
    %dma_wait3A_426 = arith.constant 0 : i32
    %dma_wait3A_427 = arith.constant 0 : i32
    %dma_wait3A_428 = tpu.memref_slice %arg2[%dma_wait3A_426, %dma_wait3A_427] : memref<10000x128xf32, #tpu.memory_space<hbm>> -> memref<10000x128xf32, #tpu.memory_space<hbm>>
    tpu.wait_indirect_dma semaphore(%arg19 : memref<!tpu.dma_semaphore, #tpu.memory_space<semaphore_mem>>) src(%dma_wait3A_428 : memref<10000x128xf32, #tpu.memory_space<hbm>>) dst(%arg14 : memref<64x128xf32, #tpu.memory_space<vmem>>)
    %run_scoped3A_429 = arith.constant 19 : i32
    "tpu.region"() ({
      %run_scoped3A_819 = tpu.sem_alloc : memref<!tpu.dma_semaphore, #tpu.memory_space<semaphore_mem>>
      %dma_start3A_820 = arith.constant 0 : i32
      %dma_start3A_821 = tpu.memref_slice %arg10[%run_scoped3A_429, %dma_start3A_820] : memref<20x64xi32, #tpu.memory_space<vmem>> -> memref<1x64xi32, #tpu.memory_space<vmem>>
      %dma_start3A_822 = tpu.memref_squeeze %dma_start3A_821 : memref<1x64xi32, #tpu.memory_space<vmem>> -> memref<64xi32, #tpu.memory_space<vmem>>
      %dma_start3A_823 = arith.constant 0 : i32
      %dma_start3A_824 = arith.constant 0 : i32
      %dma_start3A_825 = tpu.memref_slice %arg6[%dma_start3A_823, %dma_start3A_824] : memref<10112x128xf32, #tpu.memory_space<vmem_shared>> -> memref<10112x128xf32, #tpu.memory_space<vmem_shared>>
      tpu.enqueue_indirect_dma source(%arg14 : memref<64x128xf32, #tpu.memory_space<vmem>>) target(%dma_start3A_825 : memref<10112x128xf32, #tpu.memory_space<vmem_shared>>) offsets(%dma_start3A_822 : memref<64xi32, #tpu.memory_space<vmem>>) semaphore(%run_scoped3A_819 : memref<!tpu.dma_semaphore, #tpu.memory_space<semaphore_mem>>) {add = true}
      %dma_wait3A_826 = arith.constant 0 : i32
      %dma_wait3A_827 = tpu.memref_slice %arg10[%run_scoped3A_429, %dma_wait3A_826] : memref<20x64xi32, #tpu.memory_space<vmem>> -> memref<1x64xi32, #tpu.memory_space<vmem>>
      %dma_wait3A_828 = tpu.memref_squeeze %dma_wait3A_827 : memref<1x64xi32, #tpu.memory_space<vmem>> -> memref<64xi32, #tpu.memory_space<vmem>>
      %dma_wait3A_829 = arith.constant 0 : i32
      %dma_wait3A_830 = arith.constant 0 : i32
      %dma_wait3A_831 = tpu.memref_slice %arg6[%dma_wait3A_829, %dma_wait3A_830] : memref<10112x128xf32, #tpu.memory_space<vmem_shared>> -> memref<10112x128xf32, #tpu.memory_space<vmem_shared>>
      tpu.wait_indirect_dma semaphore(%run_scoped3A_819 : memref<!tpu.dma_semaphore, #tpu.memory_space<semaphore_mem>>) src(%arg14 : memref<64x128xf32, #tpu.memory_space<vmem>>) dst(%dma_wait3A_831 : memref<10112x128xf32, #tpu.memory_space<vmem_shared>>)
      tpu.yield
    }) : () -> ()
    %dma_start3A_430 = arith.constant 5 : i32
    %dma_start3A_431 = arith.constant 0 : i32
    %dma_start3A_432 = arith.constant 0 : i32
    %dma_start3A_433 = tpu.memref_slice %arg3[%add3A, %dma_start3A_430, %dma_start3A_431, %dma_start3A_432] : memref<32x8x20x64xi32, #tpu.memory_space<hbm>> -> memref<1x1x20x64xi32, #tpu.memory_space<hbm>>
    %dma_start3A_434 = tpu.memref_squeeze %dma_start3A_433 : memref<1x1x20x64xi32, #tpu.memory_space<hbm>> -> memref<20x64xi32, #tpu.memory_space<hbm>>
    %dma_start3A_435 = arith.constant 0 : i32
    %dma_start3A_436 = arith.constant 0 : i32
    %dma_start3A_437 = tpu.memref_slice %arg3[%add3A, %dma_start3A_430, %dma_start3A_435, %dma_start3A_436] : memref<32x8x20x64xi32, #tpu.memory_space<hbm>> -> memref<1x1x20x64xi32, #tpu.memory_space<hbm>>
    %dma_start3A_438 = tpu.memref_squeeze %dma_start3A_437 : memref<1x1x20x64xi32, #tpu.memory_space<hbm>> -> memref<20x64xi32, #tpu.memory_space<hbm>>
    tpu.enqueue_dma source(%dma_start3A_438 : memref<20x64xi32, #tpu.memory_space<hbm>>) target(%arg9 : memref<20x64xi32, #tpu.memory_space<vmem>>) target_semaphore(%arg21 : memref<!tpu.dma_semaphore, #tpu.memory_space<semaphore_mem>>)
    %dma_start3A_439 = arith.constant 5 : i32
    %dma_start3A_440 = arith.constant 0 : i32
    %dma_start3A_441 = arith.constant 0 : i32
    %dma_start3A_442 = tpu.memref_slice %arg4[%add3A, %dma_start3A_439, %dma_start3A_440, %dma_start3A_441] : memref<32x8x20x64xi32, #tpu.memory_space<hbm>> -> memref<1x1x20x64xi32, #tpu.memory_space<hbm>>
    %dma_start3A_443 = tpu.memref_squeeze %dma_start3A_442 : memref<1x1x20x64xi32, #tpu.memory_space<hbm>> -> memref<20x64xi32, #tpu.memory_space<hbm>>
    %dma_start3A_444 = arith.constant 0 : i32
    %dma_start3A_445 = arith.constant 0 : i32
    %dma_start3A_446 = tpu.memref_slice %arg4[%add3A, %dma_start3A_439, %dma_start3A_444, %dma_start3A_445] : memref<32x8x20x64xi32, #tpu.memory_space<hbm>> -> memref<1x1x20x64xi32, #tpu.memory_space<hbm>>
    %dma_start3A_447 = tpu.memref_squeeze %dma_start3A_446 : memref<1x1x20x64xi32, #tpu.memory_space<hbm>> -> memref<20x64xi32, #tpu.memory_space<hbm>>
    tpu.enqueue_dma source(%dma_start3A_447 : memref<20x64xi32, #tpu.memory_space<hbm>>) target(%arg10 : memref<20x64xi32, #tpu.memory_space<vmem>>) target_semaphore(%arg21 : memref<!tpu.dma_semaphore, #tpu.memory_space<semaphore_mem>>)
    %dma_wait3A_448 = arith.constant 4 : i32
    %dma_wait3A_449 = arith.constant 0 : i32
    %dma_wait3A_450 = arith.constant 0 : i32
    %dma_wait3A_451 = tpu.memref_slice %arg3[%add3A, %dma_wait3A_448, %dma_wait3A_449, %dma_wait3A_450] : memref<32x8x20x64xi32, #tpu.memory_space<hbm>> -> memref<1x1x20x64xi32, #tpu.memory_space<hbm>>
    %dma_wait3A_452 = tpu.memref_squeeze %dma_wait3A_451 : memref<1x1x20x64xi32, #tpu.memory_space<hbm>> -> memref<20x64xi32, #tpu.memory_space<hbm>>
    %dma_wait3A_453 = arith.constant 0 : i32
    %dma_wait3A_454 = arith.constant 0 : i32
    %dma_wait3A_455 = tpu.memref_slice %arg3[%add3A, %dma_wait3A_448, %dma_wait3A_453, %dma_wait3A_454] : memref<32x8x20x64xi32, #tpu.memory_space<hbm>> -> memref<1x1x20x64xi32, #tpu.memory_space<hbm>>
    %dma_wait3A_456 = tpu.memref_squeeze %dma_wait3A_455 : memref<1x1x20x64xi32, #tpu.memory_space<hbm>> -> memref<20x64xi32, #tpu.memory_space<hbm>>
    tpu.wait_dma2 semaphore(%arg20 : memref<!tpu.dma_semaphore, #tpu.memory_space<semaphore_mem>>) src(%dma_wait3A_456 : memref<20x64xi32, #tpu.memory_space<hbm>>) dst(%arg7 : memref<20x64xi32, #tpu.memory_space<vmem>>)
    %dma_wait3A_457 = arith.constant 4 : i32
    %dma_wait3A_458 = arith.constant 0 : i32
    %dma_wait3A_459 = arith.constant 0 : i32
    %dma_wait3A_460 = tpu.memref_slice %arg4[%add3A, %dma_wait3A_457, %dma_wait3A_458, %dma_wait3A_459] : memref<32x8x20x64xi32, #tpu.memory_space<hbm>> -> memref<1x1x20x64xi32, #tpu.memory_space<hbm>>
    %dma_wait3A_461 = tpu.memref_squeeze %dma_wait3A_460 : memref<1x1x20x64xi32, #tpu.memory_space<hbm>> -> memref<20x64xi32, #tpu.memory_space<hbm>>
    %dma_wait3A_462 = arith.constant 0 : i32
    %dma_wait3A_463 = arith.constant 0 : i32
    %dma_wait3A_464 = tpu.memref_slice %arg4[%add3A, %dma_wait3A_457, %dma_wait3A_462, %dma_wait3A_463] : memref<32x8x20x64xi32, #tpu.memory_space<hbm>> -> memref<1x1x20x64xi32, #tpu.memory_space<hbm>>
    %dma_wait3A_465 = tpu.memref_squeeze %dma_wait3A_464 : memref<1x1x20x64xi32, #tpu.memory_space<hbm>> -> memref<20x64xi32, #tpu.memory_space<hbm>>
    tpu.wait_dma2 semaphore(%arg20 : memref<!tpu.dma_semaphore, #tpu.memory_space<semaphore_mem>>) src(%dma_wait3A_465 : memref<20x64xi32, #tpu.memory_space<hbm>>) dst(%arg8 : memref<20x64xi32, #tpu.memory_space<vmem>>)
    %dma_start3A_466 = arith.constant 0 : i32
    %dma_start3A_467 = arith.constant 0 : i32
    %dma_start3A_468 = tpu.memref_slice %arg7[%dma_start3A_466, %dma_start3A_467] : memref<20x64xi32, #tpu.memory_space<vmem>> -> memref<1x64xi32, #tpu.memory_space<vmem>>
    %dma_start3A_469 = tpu.memref_squeeze %dma_start3A_468 : memref<1x64xi32, #tpu.memory_space<vmem>> -> memref<64xi32, #tpu.memory_space<vmem>>
    %dma_start3A_470 = arith.constant 0 : i32
    %dma_start3A_471 = arith.constant 0 : i32
    %dma_start3A_472 = tpu.memref_slice %arg2[%dma_start3A_470, %dma_start3A_471] : memref<10000x128xf32, #tpu.memory_space<hbm>> -> memref<10000x128xf32, #tpu.memory_space<hbm>>
    tpu.enqueue_indirect_dma source(%dma_start3A_472 : memref<10000x128xf32, #tpu.memory_space<hbm>>) target(%arg11 : memref<64x128xf32, #tpu.memory_space<vmem>>) offsets(%dma_start3A_469 : memref<64xi32, #tpu.memory_space<vmem>>) semaphore(%arg16 : memref<!tpu.dma_semaphore, #tpu.memory_space<semaphore_mem>>)
    %dma_start3A_473 = arith.constant 1 : i32
    %dma_start3A_474 = arith.constant 0 : i32
    %dma_start3A_475 = tpu.memref_slice %arg7[%dma_start3A_473, %dma_start3A_474] : memref<20x64xi32, #tpu.memory_space<vmem>> -> memref<1x64xi32, #tpu.memory_space<vmem>>
    %dma_start3A_476 = tpu.memref_squeeze %dma_start3A_475 : memref<1x64xi32, #tpu.memory_space<vmem>> -> memref<64xi32, #tpu.memory_space<vmem>>
    %dma_start3A_477 = arith.constant 0 : i32
    %dma_start3A_478 = arith.constant 0 : i32
    %dma_start3A_479 = tpu.memref_slice %arg2[%dma_start3A_477, %dma_start3A_478] : memref<10000x128xf32, #tpu.memory_space<hbm>> -> memref<10000x128xf32, #tpu.memory_space<hbm>>
    tpu.enqueue_indirect_dma source(%dma_start3A_479 : memref<10000x128xf32, #tpu.memory_space<hbm>>) target(%arg12 : memref<64x128xf32, #tpu.memory_space<vmem>>) offsets(%dma_start3A_476 : memref<64xi32, #tpu.memory_space<vmem>>) semaphore(%arg17 : memref<!tpu.dma_semaphore, #tpu.memory_space<semaphore_mem>>)
    %dma_start3A_480 = arith.constant 2 : i32
    %dma_start3A_481 = arith.constant 0 : i32
    %dma_start3A_482 = tpu.memref_slice %arg7[%dma_start3A_480, %dma_start3A_481] : memref<20x64xi32, #tpu.memory_space<vmem>> -> memref<1x64xi32, #tpu.memory_space<vmem>>
    %dma_start3A_483 = tpu.memref_squeeze %dma_start3A_482 : memref<1x64xi32, #tpu.memory_space<vmem>> -> memref<64xi32, #tpu.memory_space<vmem>>
    %dma_start3A_484 = arith.constant 0 : i32
    %dma_start3A_485 = arith.constant 0 : i32
    %dma_start3A_486 = tpu.memref_slice %arg2[%dma_start3A_484, %dma_start3A_485] : memref<10000x128xf32, #tpu.memory_space<hbm>> -> memref<10000x128xf32, #tpu.memory_space<hbm>>
    tpu.enqueue_indirect_dma source(%dma_start3A_486 : memref<10000x128xf32, #tpu.memory_space<hbm>>) target(%arg13 : memref<64x128xf32, #tpu.memory_space<vmem>>) offsets(%dma_start3A_483 : memref<64xi32, #tpu.memory_space<vmem>>) semaphore(%arg18 : memref<!tpu.dma_semaphore, #tpu.memory_space<semaphore_mem>>)
    %dma_start3A_487 = arith.constant 3 : i32
    %dma_start3A_488 = arith.constant 0 : i32
    %dma_start3A_489 = tpu.memref_slice %arg7[%dma_start3A_487, %dma_start3A_488] : memref<20x64xi32, #tpu.memory_space<vmem>> -> memref<1x64xi32, #tpu.memory_space<vmem>>
    %dma_start3A_490 = tpu.memref_squeeze %dma_start3A_489 : memref<1x64xi32, #tpu.memory_space<vmem>> -> memref<64xi32, #tpu.memory_space<vmem>>
    %dma_start3A_491 = arith.constant 0 : i32
    %dma_start3A_492 = arith.constant 0 : i32
    %dma_start3A_493 = tpu.memref_slice %arg2[%dma_start3A_491, %dma_start3A_492] : memref<10000x128xf32, #tpu.memory_space<hbm>> -> memref<10000x128xf32, #tpu.memory_space<hbm>>
    tpu.enqueue_indirect_dma source(%dma_start3A_493 : memref<10000x128xf32, #tpu.memory_space<hbm>>) target(%arg14 : memref<64x128xf32, #tpu.memory_space<vmem>>) offsets(%dma_start3A_490 : memref<64xi32, #tpu.memory_space<vmem>>) semaphore(%arg19 : memref<!tpu.dma_semaphore, #tpu.memory_space<semaphore_mem>>)
    %scan3A_494 = arith.constant 0 : i32
    %scan3A_495 = arith.constant 4 : i32
    %scan3A_496 = arith.addi %scan3A_494, %scan3A_495 : i32
    %scan3A_497 = arith.constant 1 : i32
    scf.for %scan3A_819 = %scan3A_494 to %scan3A_496 step %scan3A_497  : i32 {
      %mul3A_820 = arith.constant 4 : i32
      %mul3A_821 = arith.muli %scan3A_819, %mul3A_820 : i32
      %add3A_822 = arith.constant 0 : i32
      %add3A_823 = arith.addi %add3A_822, %mul3A_821 : i32
      %add3A_824 = arith.constant 0 : i32
      %add3A_825 = arith.addi %add3A_823, %add3A_824 : i32
      %dma_wait3A_826 = arith.constant 0 : i32
      %dma_wait3A_827 = tpu.memref_slice %arg7[%add3A_825, %dma_wait3A_826] : memref<20x64xi32, #tpu.memory_space<vmem>> -> memref<1x64xi32, #tpu.memory_space<vmem>>
      %dma_wait3A_828 = tpu.memref_squeeze %dma_wait3A_827 : memref<1x64xi32, #tpu.memory_space<vmem>> -> memref<64xi32, #tpu.memory_space<vmem>>
      %dma_wait3A_829 = arith.constant 0 : i32
      %dma_wait3A_830 = arith.constant 0 : i32
      %dma_wait3A_831 = tpu.memref_slice %arg2[%dma_wait3A_829, %dma_wait3A_830] : memref<10000x128xf32, #tpu.memory_space<hbm>> -> memref<10000x128xf32, #tpu.memory_space<hbm>>
      tpu.wait_indirect_dma semaphore(%arg16 : memref<!tpu.dma_semaphore, #tpu.memory_space<semaphore_mem>>) src(%dma_wait3A_831 : memref<10000x128xf32, #tpu.memory_space<hbm>>) dst(%arg11 : memref<64x128xf32, #tpu.memory_space<vmem>>)
      %add3A_832 = arith.constant 0 : i32
      %add3A_833 = arith.addi %add3A_823, %add3A_832 : i32
      "tpu.region"() ({
        %run_scoped3A_904 = tpu.sem_alloc : memref<!tpu.dma_semaphore, #tpu.memory_space<semaphore_mem>>
        %dma_start3A_905 = arith.constant 0 : i32
        %dma_start3A_906 = tpu.memref_slice %arg8[%add3A_833, %dma_start3A_905] : memref<20x64xi32, #tpu.memory_space<vmem>> -> memref<1x64xi32, #tpu.memory_space<vmem>>
        %dma_start3A_907 = tpu.memref_squeeze %dma_start3A_906 : memref<1x64xi32, #tpu.memory_space<vmem>> -> memref<64xi32, #tpu.memory_space<vmem>>
        %dma_start3A_908 = arith.constant 0 : i32
        %dma_start3A_909 = arith.constant 0 : i32
        %dma_start3A_910 = tpu.memref_slice %arg6[%dma_start3A_908, %dma_start3A_909] : memref<10112x128xf32, #tpu.memory_space<vmem_shared>> -> memref<10112x128xf32, #tpu.memory_space<vmem_shared>>
        tpu.enqueue_indirect_dma source(%arg11 : memref<64x128xf32, #tpu.memory_space<vmem>>) target(%dma_start3A_910 : memref<10112x128xf32, #tpu.memory_space<vmem_shared>>) offsets(%dma_start3A_907 : memref<64xi32, #tpu.memory_space<vmem>>) semaphore(%run_scoped3A_904 : memref<!tpu.dma_semaphore, #tpu.memory_space<semaphore_mem>>) {add = true}
        %dma_wait3A_911 = arith.constant 0 : i32
        %dma_wait3A_912 = tpu.memref_slice %arg8[%add3A_833, %dma_wait3A_911] : memref<20x64xi32, #tpu.memory_space<vmem>> -> memref<1x64xi32, #tpu.memory_space<vmem>>
        %dma_wait3A_913 = tpu.memref_squeeze %dma_wait3A_912 : memref<1x64xi32, #tpu.memory_space<vmem>> -> memref<64xi32, #tpu.memory_space<vmem>>
        %dma_wait3A_914 = arith.constant 0 : i32
        %dma_wait3A_915 = arith.constant 0 : i32
        %dma_wait3A_916 = tpu.memref_slice %arg6[%dma_wait3A_914, %dma_wait3A_915] : memref<10112x128xf32, #tpu.memory_space<vmem_shared>> -> memref<10112x128xf32, #tpu.memory_space<vmem_shared>>
        tpu.wait_indirect_dma semaphore(%run_scoped3A_904 : memref<!tpu.dma_semaphore, #tpu.memory_space<semaphore_mem>>) src(%arg11 : memref<64x128xf32, #tpu.memory_space<vmem>>) dst(%dma_wait3A_916 : memref<10112x128xf32, #tpu.memory_space<vmem_shared>>)
        tpu.yield
      }) : () -> ()
      %add3A_834 = arith.constant 4 : i32
      %add3A_835 = arith.addi %add3A_823, %add3A_834 : i32
      %add3A_836 = arith.constant 0 : i32
      %add3A_837 = arith.addi %add3A_835, %add3A_836 : i32
      %dma_start3A_838 = arith.constant 0 : i32
      %dma_start3A_839 = tpu.memref_slice %arg7[%add3A_837, %dma_start3A_838] : memref<20x64xi32, #tpu.memory_space<vmem>> -> memref<1x64xi32, #tpu.memory_space<vmem>>
      %dma_start3A_840 = tpu.memref_squeeze %dma_start3A_839 : memref<1x64xi32, #tpu.memory_space<vmem>> -> memref<64xi32, #tpu.memory_space<vmem>>
      %dma_start3A_841 = arith.constant 0 : i32
      %dma_start3A_842 = arith.constant 0 : i32
      %dma_start3A_843 = tpu.memref_slice %arg2[%dma_start3A_841, %dma_start3A_842] : memref<10000x128xf32, #tpu.memory_space<hbm>> -> memref<10000x128xf32, #tpu.memory_space<hbm>>
      tpu.enqueue_indirect_dma source(%dma_start3A_843 : memref<10000x128xf32, #tpu.memory_space<hbm>>) target(%arg11 : memref<64x128xf32, #tpu.memory_space<vmem>>) offsets(%dma_start3A_840 : memref<64xi32, #tpu.memory_space<vmem>>) semaphore(%arg16 : memref<!tpu.dma_semaphore, #tpu.memory_space<semaphore_mem>>)
      %add3A_844 = arith.constant 1 : i32
      %add3A_845 = arith.addi %add3A_823, %add3A_844 : i32
      %dma_wait3A_846 = arith.constant 0 : i32
      %dma_wait3A_847 = tpu.memref_slice %arg7[%add3A_845, %dma_wait3A_846] : memref<20x64xi32, #tpu.memory_space<vmem>> -> memref<1x64xi32, #tpu.memory_space<vmem>>
      %dma_wait3A_848 = tpu.memref_squeeze %dma_wait3A_847 : memref<1x64xi32, #tpu.memory_space<vmem>> -> memref<64xi32, #tpu.memory_space<vmem>>
      %dma_wait3A_849 = arith.constant 0 : i32
      %dma_wait3A_850 = arith.constant 0 : i32
      %dma_wait3A_851 = tpu.memref_slice %arg2[%dma_wait3A_849, %dma_wait3A_850] : memref<10000x128xf32, #tpu.memory_space<hbm>> -> memref<10000x128xf32, #tpu.memory_space<hbm>>
      tpu.wait_indirect_dma semaphore(%arg17 : memref<!tpu.dma_semaphore, #tpu.memory_space<semaphore_mem>>) src(%dma_wait3A_851 : memref<10000x128xf32, #tpu.memory_space<hbm>>) dst(%arg12 : memref<64x128xf32, #tpu.memory_space<vmem>>)
      %add3A_852 = arith.constant 1 : i32
      %add3A_853 = arith.addi %add3A_823, %add3A_852 : i32
      "tpu.region"() ({
        %run_scoped3A_904 = tpu.sem_alloc : memref<!tpu.dma_semaphore, #tpu.memory_space<semaphore_mem>>
        %dma_start3A_905 = arith.constant 0 : i32
        %dma_start3A_906 = tpu.memref_slice %arg8[%add3A_853, %dma_start3A_905] : memref<20x64xi32, #tpu.memory_space<vmem>> -> memref<1x64xi32, #tpu.memory_space<vmem>>
        %dma_start3A_907 = tpu.memref_squeeze %dma_start3A_906 : memref<1x64xi32, #tpu.memory_space<vmem>> -> memref<64xi32, #tpu.memory_space<vmem>>
        %dma_start3A_908 = arith.constant 0 : i32
        %dma_start3A_909 = arith.constant 0 : i32
        %dma_start3A_910 = tpu.memref_slice %arg6[%dma_start3A_908, %dma_start3A_909] : memref<10112x128xf32, #tpu.memory_space<vmem_shared>> -> memref<10112x128xf32, #tpu.memory_space<vmem_shared>>
        tpu.enqueue_indirect_dma source(%arg12 : memref<64x128xf32, #tpu.memory_space<vmem>>) target(%dma_start3A_910 : memref<10112x128xf32, #tpu.memory_space<vmem_shared>>) offsets(%dma_start3A_907 : memref<64xi32, #tpu.memory_space<vmem>>) semaphore(%run_scoped3A_904 : memref<!tpu.dma_semaphore, #tpu.memory_space<semaphore_mem>>) {add = true}
        %dma_wait3A_911 = arith.constant 0 : i32
        %dma_wait3A_912 = tpu.memref_slice %arg8[%add3A_853, %dma_wait3A_911] : memref<20x64xi32, #tpu.memory_space<vmem>> -> memref<1x64xi32, #tpu.memory_space<vmem>>
        %dma_wait3A_913 = tpu.memref_squeeze %dma_wait3A_912 : memref<1x64xi32, #tpu.memory_space<vmem>> -> memref<64xi32, #tpu.memory_space<vmem>>
        %dma_wait3A_914 = arith.constant 0 : i32
        %dma_wait3A_915 = arith.constant 0 : i32
        %dma_wait3A_916 = tpu.memref_slice %arg6[%dma_wait3A_914, %dma_wait3A_915] : memref<10112x128xf32, #tpu.memory_space<vmem_shared>> -> memref<10112x128xf32, #tpu.memory_space<vmem_shared>>
        tpu.wait_indirect_dma semaphore(%run_scoped3A_904 : memref<!tpu.dma_semaphore, #tpu.memory_space<semaphore_mem>>) src(%arg12 : memref<64x128xf32, #tpu.memory_space<vmem>>) dst(%dma_wait3A_916 : memref<10112x128xf32, #tpu.memory_space<vmem_shared>>)
        tpu.yield
      }) : () -> ()
      %add3A_854 = arith.constant 4 : i32
      %add3A_855 = arith.addi %add3A_823, %add3A_854 : i32
      %add3A_856 = arith.constant 1 : i32
      %add3A_857 = arith.addi %add3A_855, %add3A_856 : i32
      %dma_start3A_858 = arith.constant 0 : i32
      %dma_start3A_859 = tpu.memref_slice %arg7[%add3A_857, %dma_start3A_858] : memref<20x64xi32, #tpu.memory_space<vmem>> -> memref<1x64xi32, #tpu.memory_space<vmem>>
      %dma_start3A_860 = tpu.memref_squeeze %dma_start3A_859 : memref<1x64xi32, #tpu.memory_space<vmem>> -> memref<64xi32, #tpu.memory_space<vmem>>
      %dma_start3A_861 = arith.constant 0 : i32
      %dma_start3A_862 = arith.constant 0 : i32
      %dma_start3A_863 = tpu.memref_slice %arg2[%dma_start3A_861, %dma_start3A_862] : memref<10000x128xf32, #tpu.memory_space<hbm>> -> memref<10000x128xf32, #tpu.memory_space<hbm>>
      tpu.enqueue_indirect_dma source(%dma_start3A_863 : memref<10000x128xf32, #tpu.memory_space<hbm>>) target(%arg12 : memref<64x128xf32, #tpu.memory_space<vmem>>) offsets(%dma_start3A_860 : memref<64xi32, #tpu.memory_space<vmem>>) semaphore(%arg17 : memref<!tpu.dma_semaphore, #tpu.memory_space<semaphore_mem>>)
      %add3A_864 = arith.constant 2 : i32
      %add3A_865 = arith.addi %add3A_823, %add3A_864 : i32
      %dma_wait3A_866 = arith.constant 0 : i32
      %dma_wait3A_867 = tpu.memref_slice %arg7[%add3A_865, %dma_wait3A_866] : memref<20x64xi32, #tpu.memory_space<vmem>> -> memref<1x64xi32, #tpu.memory_space<vmem>>
      %dma_wait3A_868 = tpu.memref_squeeze %dma_wait3A_867 : memref<1x64xi32, #tpu.memory_space<vmem>> -> memref<64xi32, #tpu.memory_space<vmem>>
      %dma_wait3A_869 = arith.constant 0 : i32
      %dma_wait3A_870 = arith.constant 0 : i32
      %dma_wait3A_871 = tpu.memref_slice %arg2[%dma_wait3A_869, %dma_wait3A_870] : memref<10000x128xf32, #tpu.memory_space<hbm>> -> memref<10000x128xf32, #tpu.memory_space<hbm>>
      tpu.wait_indirect_dma semaphore(%arg18 : memref<!tpu.dma_semaphore, #tpu.memory_space<semaphore_mem>>) src(%dma_wait3A_871 : memref<10000x128xf32, #tpu.memory_space<hbm>>) dst(%arg13 : memref<64x128xf32, #tpu.memory_space<vmem>>)
      %add3A_872 = arith.constant 2 : i32
      %add3A_873 = arith.addi %add3A_823, %add3A_872 : i32
      "tpu.region"() ({
        %run_scoped3A_904 = tpu.sem_alloc : memref<!tpu.dma_semaphore, #tpu.memory_space<semaphore_mem>>
        %dma_start3A_905 = arith.constant 0 : i32
        %dma_start3A_906 = tpu.memref_slice %arg8[%add3A_873, %dma_start3A_905] : memref<20x64xi32, #tpu.memory_space<vmem>> -> memref<1x64xi32, #tpu.memory_space<vmem>>
        %dma_start3A_907 = tpu.memref_squeeze %dma_start3A_906 : memref<1x64xi32, #tpu.memory_space<vmem>> -> memref<64xi32, #tpu.memory_space<vmem>>
        %dma_start3A_908 = arith.constant 0 : i32
        %dma_start3A_909 = arith.constant 0 : i32
        %dma_start3A_910 = tpu.memref_slice %arg6[%dma_start3A_908, %dma_start3A_909] : memref<10112x128xf32, #tpu.memory_space<vmem_shared>> -> memref<10112x128xf32, #tpu.memory_space<vmem_shared>>
        tpu.enqueue_indirect_dma source(%arg13 : memref<64x128xf32, #tpu.memory_space<vmem>>) target(%dma_start3A_910 : memref<10112x128xf32, #tpu.memory_space<vmem_shared>>) offsets(%dma_start3A_907 : memref<64xi32, #tpu.memory_space<vmem>>) semaphore(%run_scoped3A_904 : memref<!tpu.dma_semaphore, #tpu.memory_space<semaphore_mem>>) {add = true}
        %dma_wait3A_911 = arith.constant 0 : i32
        %dma_wait3A_912 = tpu.memref_slice %arg8[%add3A_873, %dma_wait3A_911] : memref<20x64xi32, #tpu.memory_space<vmem>> -> memref<1x64xi32, #tpu.memory_space<vmem>>
        %dma_wait3A_913 = tpu.memref_squeeze %dma_wait3A_912 : memref<1x64xi32, #tpu.memory_space<vmem>> -> memref<64xi32, #tpu.memory_space<vmem>>
        %dma_wait3A_914 = arith.constant 0 : i32
        %dma_wait3A_915 = arith.constant 0 : i32
        %dma_wait3A_916 = tpu.memref_slice %arg6[%dma_wait3A_914, %dma_wait3A_915] : memref<10112x128xf32, #tpu.memory_space<vmem_shared>> -> memref<10112x128xf32, #tpu.memory_space<vmem_shared>>
        tpu.wait_indirect_dma semaphore(%run_scoped3A_904 : memref<!tpu.dma_semaphore, #tpu.memory_space<semaphore_mem>>) src(%arg13 : memref<64x128xf32, #tpu.memory_space<vmem>>) dst(%dma_wait3A_916 : memref<10112x128xf32, #tpu.memory_space<vmem_shared>>)
        tpu.yield
      }) : () -> ()
      %add3A_874 = arith.constant 4 : i32
      %add3A_875 = arith.addi %add3A_823, %add3A_874 : i32
      %add3A_876 = arith.constant 2 : i32
      %add3A_877 = arith.addi %add3A_875, %add3A_876 : i32
      %dma_start3A_878 = arith.constant 0 : i32
      %dma_start3A_879 = tpu.memref_slice %arg7[%add3A_877, %dma_start3A_878] : memref<20x64xi32, #tpu.memory_space<vmem>> -> memref<1x64xi32, #tpu.memory_space<vmem>>
      %dma_start3A_880 = tpu.memref_squeeze %dma_start3A_879 : memref<1x64xi32, #tpu.memory_space<vmem>> -> memref<64xi32, #tpu.memory_space<vmem>>
      %dma_start3A_881 = arith.constant 0 : i32
      %dma_start3A_882 = arith.constant 0 : i32
      %dma_start3A_883 = tpu.memref_slice %arg2[%dma_start3A_881, %dma_start3A_882] : memref<10000x128xf32, #tpu.memory_space<hbm>> -> memref<10000x128xf32, #tpu.memory_space<hbm>>
      tpu.enqueue_indirect_dma source(%dma_start3A_883 : memref<10000x128xf32, #tpu.memory_space<hbm>>) target(%arg13 : memref<64x128xf32, #tpu.memory_space<vmem>>) offsets(%dma_start3A_880 : memref<64xi32, #tpu.memory_space<vmem>>) semaphore(%arg18 : memref<!tpu.dma_semaphore, #tpu.memory_space<semaphore_mem>>)
      %add3A_884 = arith.constant 3 : i32
      %add3A_885 = arith.addi %add3A_823, %add3A_884 : i32
      %dma_wait3A_886 = arith.constant 0 : i32
      %dma_wait3A_887 = tpu.memref_slice %arg7[%add3A_885, %dma_wait3A_886] : memref<20x64xi32, #tpu.memory_space<vmem>> -> memref<1x64xi32, #tpu.memory_space<vmem>>
      %dma_wait3A_888 = tpu.memref_squeeze %dma_wait3A_887 : memref<1x64xi32, #tpu.memory_space<vmem>> -> memref<64xi32, #tpu.memory_space<vmem>>
      %dma_wait3A_889 = arith.constant 0 : i32
      %dma_wait3A_890 = arith.constant 0 : i32
      %dma_wait3A_891 = tpu.memref_slice %arg2[%dma_wait3A_889, %dma_wait3A_890] : memref<10000x128xf32, #tpu.memory_space<hbm>> -> memref<10000x128xf32, #tpu.memory_space<hbm>>
      tpu.wait_indirect_dma semaphore(%arg19 : memref<!tpu.dma_semaphore, #tpu.memory_space<semaphore_mem>>) src(%dma_wait3A_891 : memref<10000x128xf32, #tpu.memory_space<hbm>>) dst(%arg14 : memref<64x128xf32, #tpu.memory_space<vmem>>)
      %add3A_892 = arith.constant 3 : i32
      %add3A_893 = arith.addi %add3A_823, %add3A_892 : i32
      "tpu.region"() ({
        %run_scoped3A_904 = tpu.sem_alloc : memref<!tpu.dma_semaphore, #tpu.memory_space<semaphore_mem>>
        %dma_start3A_905 = arith.constant 0 : i32
        %dma_start3A_906 = tpu.memref_slice %arg8[%add3A_893, %dma_start3A_905] : memref<20x64xi32, #tpu.memory_space<vmem>> -> memref<1x64xi32, #tpu.memory_space<vmem>>
        %dma_start3A_907 = tpu.memref_squeeze %dma_start3A_906 : memref<1x64xi32, #tpu.memory_space<vmem>> -> memref<64xi32, #tpu.memory_space<vmem>>
        %dma_start3A_908 = arith.constant 0 : i32
        %dma_start3A_909 = arith.constant 0 : i32
        %dma_start3A_910 = tpu.memref_slice %arg6[%dma_start3A_908, %dma_start3A_909] : memref<10112x128xf32, #tpu.memory_space<vmem_shared>> -> memref<10112x128xf32, #tpu.memory_space<vmem_shared>>
        tpu.enqueue_indirect_dma source(%arg14 : memref<64x128xf32, #tpu.memory_space<vmem>>) target(%dma_start3A_910 : memref<10112x128xf32, #tpu.memory_space<vmem_shared>>) offsets(%dma_start3A_907 : memref<64xi32, #tpu.memory_space<vmem>>) semaphore(%run_scoped3A_904 : memref<!tpu.dma_semaphore, #tpu.memory_space<semaphore_mem>>) {add = true}
        %dma_wait3A_911 = arith.constant 0 : i32
        %dma_wait3A_912 = tpu.memref_slice %arg8[%add3A_893, %dma_wait3A_911] : memref<20x64xi32, #tpu.memory_space<vmem>> -> memref<1x64xi32, #tpu.memory_space<vmem>>
        %dma_wait3A_913 = tpu.memref_squeeze %dma_wait3A_912 : memref<1x64xi32, #tpu.memory_space<vmem>> -> memref<64xi32, #tpu.memory_space<vmem>>
        %dma_wait3A_914 = arith.constant 0 : i32
        %dma_wait3A_915 = arith.constant 0 : i32
        %dma_wait3A_916 = tpu.memref_slice %arg6[%dma_wait3A_914, %dma_wait3A_915] : memref<10112x128xf32, #tpu.memory_space<vmem_shared>> -> memref<10112x128xf32, #tpu.memory_space<vmem_shared>>
        tpu.wait_indirect_dma semaphore(%run_scoped3A_904 : memref<!tpu.dma_semaphore, #tpu.memory_space<semaphore_mem>>) src(%arg14 : memref<64x128xf32, #tpu.memory_space<vmem>>) dst(%dma_wait3A_916 : memref<10112x128xf32, #tpu.memory_space<vmem_shared>>)
        tpu.yield
      }) : () -> ()
      %add3A_894 = arith.constant 4 : i32
      %add3A_895 = arith.addi %add3A_823, %add3A_894 : i32
      %add3A_896 = arith.constant 3 : i32
      %add3A_897 = arith.addi %add3A_895, %add3A_896 : i32
      %dma_start3A_898 = arith.constant 0 : i32
      %dma_start3A_899 = tpu.memref_slice %arg7[%add3A_897, %dma_start3A_898] : memref<20x64xi32, #tpu.memory_space<vmem>> -> memref<1x64xi32, #tpu.memory_space<vmem>>
      %dma_start3A_900 = tpu.memref_squeeze %dma_start3A_899 : memref<1x64xi32, #tpu.memory_space<vmem>> -> memref<64xi32, #tpu.memory_space<vmem>>
      %dma_start3A_901 = arith.constant 0 : i32
      %dma_start3A_902 = arith.constant 0 : i32
      %dma_start3A_903 = tpu.memref_slice %arg2[%dma_start3A_901, %dma_start3A_902] : memref<10000x128xf32, #tpu.memory_space<hbm>> -> memref<10000x128xf32, #tpu.memory_space<hbm>>
      tpu.enqueue_indirect_dma source(%dma_start3A_903 : memref<10000x128xf32, #tpu.memory_space<hbm>>) target(%arg14 : memref<64x128xf32, #tpu.memory_space<vmem>>) offsets(%dma_start3A_900 : memref<64xi32, #tpu.memory_space<vmem>>) semaphore(%arg19 : memref<!tpu.dma_semaphore, #tpu.memory_space<semaphore_mem>>)
    }
    %scan3A_498 = arith.constant 4 : i32
    %dma_wait3A_499 = arith.constant 16 : i32
    %dma_wait3A_500 = arith.constant 0 : i32
    %dma_wait3A_501 = tpu.memref_slice %arg7[%dma_wait3A_499, %dma_wait3A_500] : memref<20x64xi32, #tpu.memory_space<vmem>> -> memref<1x64xi32, #tpu.memory_space<vmem>>
    %dma_wait3A_502 = tpu.memref_squeeze %dma_wait3A_501 : memref<1x64xi32, #tpu.memory_space<vmem>> -> memref<64xi32, #tpu.memory_space<vmem>>
    %dma_wait3A_503 = arith.constant 0 : i32
    %dma_wait3A_504 = arith.constant 0 : i32
    %dma_wait3A_505 = tpu.memref_slice %arg2[%dma_wait3A_503, %dma_wait3A_504] : memref<10000x128xf32, #tpu.memory_space<hbm>> -> memref<10000x128xf32, #tpu.memory_space<hbm>>
    tpu.wait_indirect_dma semaphore(%arg16 : memref<!tpu.dma_semaphore, #tpu.memory_space<semaphore_mem>>) src(%dma_wait3A_505 : memref<10000x128xf32, #tpu.memory_space<hbm>>) dst(%arg11 : memref<64x128xf32, #tpu.memory_space<vmem>>)
    %run_scoped3A_506 = arith.constant 16 : i32
    "tpu.region"() ({
      %run_scoped3A_819 = tpu.sem_alloc : memref<!tpu.dma_semaphore, #tpu.memory_space<semaphore_mem>>
      %dma_start3A_820 = arith.constant 0 : i32
      %dma_start3A_821 = tpu.memref_slice %arg8[%run_scoped3A_506, %dma_start3A_820] : memref<20x64xi32, #tpu.memory_space<vmem>> -> memref<1x64xi32, #tpu.memory_space<vmem>>
      %dma_start3A_822 = tpu.memref_squeeze %dma_start3A_821 : memref<1x64xi32, #tpu.memory_space<vmem>> -> memref<64xi32, #tpu.memory_space<vmem>>
      %dma_start3A_823 = arith.constant 0 : i32
      %dma_start3A_824 = arith.constant 0 : i32
      %dma_start3A_825 = tpu.memref_slice %arg6[%dma_start3A_823, %dma_start3A_824] : memref<10112x128xf32, #tpu.memory_space<vmem_shared>> -> memref<10112x128xf32, #tpu.memory_space<vmem_shared>>
      tpu.enqueue_indirect_dma source(%arg11 : memref<64x128xf32, #tpu.memory_space<vmem>>) target(%dma_start3A_825 : memref<10112x128xf32, #tpu.memory_space<vmem_shared>>) offsets(%dma_start3A_822 : memref<64xi32, #tpu.memory_space<vmem>>) semaphore(%run_scoped3A_819 : memref<!tpu.dma_semaphore, #tpu.memory_space<semaphore_mem>>) {add = true}
      %dma_wait3A_826 = arith.constant 0 : i32
      %dma_wait3A_827 = tpu.memref_slice %arg8[%run_scoped3A_506, %dma_wait3A_826] : memref<20x64xi32, #tpu.memory_space<vmem>> -> memref<1x64xi32, #tpu.memory_space<vmem>>
      %dma_wait3A_828 = tpu.memref_squeeze %dma_wait3A_827 : memref<1x64xi32, #tpu.memory_space<vmem>> -> memref<64xi32, #tpu.memory_space<vmem>>
      %dma_wait3A_829 = arith.constant 0 : i32
      %dma_wait3A_830 = arith.constant 0 : i32
      %dma_wait3A_831 = tpu.memref_slice %arg6[%dma_wait3A_829, %dma_wait3A_830] : memref<10112x128xf32, #tpu.memory_space<vmem_shared>> -> memref<10112x128xf32, #tpu.memory_space<vmem_shared>>
      tpu.wait_indirect_dma semaphore(%run_scoped3A_819 : memref<!tpu.dma_semaphore, #tpu.memory_space<semaphore_mem>>) src(%arg11 : memref<64x128xf32, #tpu.memory_space<vmem>>) dst(%dma_wait3A_831 : memref<10112x128xf32, #tpu.memory_space<vmem_shared>>)
      tpu.yield
    }) : () -> ()
    %dma_wait3A_507 = arith.constant 17 : i32
    %dma_wait3A_508 = arith.constant 0 : i32
    %dma_wait3A_509 = tpu.memref_slice %arg7[%dma_wait3A_507, %dma_wait3A_508] : memref<20x64xi32, #tpu.memory_space<vmem>> -> memref<1x64xi32, #tpu.memory_space<vmem>>
    %dma_wait3A_510 = tpu.memref_squeeze %dma_wait3A_509 : memref<1x64xi32, #tpu.memory_space<vmem>> -> memref<64xi32, #tpu.memory_space<vmem>>
    %dma_wait3A_511 = arith.constant 0 : i32
    %dma_wait3A_512 = arith.constant 0 : i32
    %dma_wait3A_513 = tpu.memref_slice %arg2[%dma_wait3A_511, %dma_wait3A_512] : memref<10000x128xf32, #tpu.memory_space<hbm>> -> memref<10000x128xf32, #tpu.memory_space<hbm>>
    tpu.wait_indirect_dma semaphore(%arg17 : memref<!tpu.dma_semaphore, #tpu.memory_space<semaphore_mem>>) src(%dma_wait3A_513 : memref<10000x128xf32, #tpu.memory_space<hbm>>) dst(%arg12 : memref<64x128xf32, #tpu.memory_space<vmem>>)
    %run_scoped3A_514 = arith.constant 17 : i32
    "tpu.region"() ({
      %run_scoped3A_819 = tpu.sem_alloc : memref<!tpu.dma_semaphore, #tpu.memory_space<semaphore_mem>>
      %dma_start3A_820 = arith.constant 0 : i32
      %dma_start3A_821 = tpu.memref_slice %arg8[%run_scoped3A_514, %dma_start3A_820] : memref<20x64xi32, #tpu.memory_space<vmem>> -> memref<1x64xi32, #tpu.memory_space<vmem>>
      %dma_start3A_822 = tpu.memref_squeeze %dma_start3A_821 : memref<1x64xi32, #tpu.memory_space<vmem>> -> memref<64xi32, #tpu.memory_space<vmem>>
      %dma_start3A_823 = arith.constant 0 : i32
      %dma_start3A_824 = arith.constant 0 : i32
      %dma_start3A_825 = tpu.memref_slice %arg6[%dma_start3A_823, %dma_start3A_824] : memref<10112x128xf32, #tpu.memory_space<vmem_shared>> -> memref<10112x128xf32, #tpu.memory_space<vmem_shared>>
      tpu.enqueue_indirect_dma source(%arg12 : memref<64x128xf32, #tpu.memory_space<vmem>>) target(%dma_start3A_825 : memref<10112x128xf32, #tpu.memory_space<vmem_shared>>) offsets(%dma_start3A_822 : memref<64xi32, #tpu.memory_space<vmem>>) semaphore(%run_scoped3A_819 : memref<!tpu.dma_semaphore, #tpu.memory_space<semaphore_mem>>) {add = true}
      %dma_wait3A_826 = arith.constant 0 : i32
      %dma_wait3A_827 = tpu.memref_slice %arg8[%run_scoped3A_514, %dma_wait3A_826] : memref<20x64xi32, #tpu.memory_space<vmem>> -> memref<1x64xi32, #tpu.memory_space<vmem>>
      %dma_wait3A_828 = tpu.memref_squeeze %dma_wait3A_827 : memref<1x64xi32, #tpu.memory_space<vmem>> -> memref<64xi32, #tpu.memory_space<vmem>>
      %dma_wait3A_829 = arith.constant 0 : i32
      %dma_wait3A_830 = arith.constant 0 : i32
      %dma_wait3A_831 = tpu.memref_slice %arg6[%dma_wait3A_829, %dma_wait3A_830] : memref<10112x128xf32, #tpu.memory_space<vmem_shared>> -> memref<10112x128xf32, #tpu.memory_space<vmem_shared>>
      tpu.wait_indirect_dma semaphore(%run_scoped3A_819 : memref<!tpu.dma_semaphore, #tpu.memory_space<semaphore_mem>>) src(%arg12 : memref<64x128xf32, #tpu.memory_space<vmem>>) dst(%dma_wait3A_831 : memref<10112x128xf32, #tpu.memory_space<vmem_shared>>)
      tpu.yield
    }) : () -> ()
    %dma_wait3A_515 = arith.constant 18 : i32
    %dma_wait3A_516 = arith.constant 0 : i32
    %dma_wait3A_517 = tpu.memref_slice %arg7[%dma_wait3A_515, %dma_wait3A_516] : memref<20x64xi32, #tpu.memory_space<vmem>> -> memref<1x64xi32, #tpu.memory_space<vmem>>
    %dma_wait3A_518 = tpu.memref_squeeze %dma_wait3A_517 : memref<1x64xi32, #tpu.memory_space<vmem>> -> memref<64xi32, #tpu.memory_space<vmem>>
    %dma_wait3A_519 = arith.constant 0 : i32
    %dma_wait3A_520 = arith.constant 0 : i32
    %dma_wait3A_521 = tpu.memref_slice %arg2[%dma_wait3A_519, %dma_wait3A_520] : memref<10000x128xf32, #tpu.memory_space<hbm>> -> memref<10000x128xf32, #tpu.memory_space<hbm>>
    tpu.wait_indirect_dma semaphore(%arg18 : memref<!tpu.dma_semaphore, #tpu.memory_space<semaphore_mem>>) src(%dma_wait3A_521 : memref<10000x128xf32, #tpu.memory_space<hbm>>) dst(%arg13 : memref<64x128xf32, #tpu.memory_space<vmem>>)
    %run_scoped3A_522 = arith.constant 18 : i32
    "tpu.region"() ({
      %run_scoped3A_819 = tpu.sem_alloc : memref<!tpu.dma_semaphore, #tpu.memory_space<semaphore_mem>>
      %dma_start3A_820 = arith.constant 0 : i32
      %dma_start3A_821 = tpu.memref_slice %arg8[%run_scoped3A_522, %dma_start3A_820] : memref<20x64xi32, #tpu.memory_space<vmem>> -> memref<1x64xi32, #tpu.memory_space<vmem>>
      %dma_start3A_822 = tpu.memref_squeeze %dma_start3A_821 : memref<1x64xi32, #tpu.memory_space<vmem>> -> memref<64xi32, #tpu.memory_space<vmem>>
      %dma_start3A_823 = arith.constant 0 : i32
      %dma_start3A_824 = arith.constant 0 : i32
      %dma_start3A_825 = tpu.memref_slice %arg6[%dma_start3A_823, %dma_start3A_824] : memref<10112x128xf32, #tpu.memory_space<vmem_shared>> -> memref<10112x128xf32, #tpu.memory_space<vmem_shared>>
      tpu.enqueue_indirect_dma source(%arg13 : memref<64x128xf32, #tpu.memory_space<vmem>>) target(%dma_start3A_825 : memref<10112x128xf32, #tpu.memory_space<vmem_shared>>) offsets(%dma_start3A_822 : memref<64xi32, #tpu.memory_space<vmem>>) semaphore(%run_scoped3A_819 : memref<!tpu.dma_semaphore, #tpu.memory_space<semaphore_mem>>) {add = true}
      %dma_wait3A_826 = arith.constant 0 : i32
      %dma_wait3A_827 = tpu.memref_slice %arg8[%run_scoped3A_522, %dma_wait3A_826] : memref<20x64xi32, #tpu.memory_space<vmem>> -> memref<1x64xi32, #tpu.memory_space<vmem>>
      %dma_wait3A_828 = tpu.memref_squeeze %dma_wait3A_827 : memref<1x64xi32, #tpu.memory_space<vmem>> -> memref<64xi32, #tpu.memory_space<vmem>>
      %dma_wait3A_829 = arith.constant 0 : i32
      %dma_wait3A_830 = arith.constant 0 : i32
      %dma_wait3A_831 = tpu.memref_slice %arg6[%dma_wait3A_829, %dma_wait3A_830] : memref<10112x128xf32, #tpu.memory_space<vmem_shared>> -> memref<10112x128xf32, #tpu.memory_space<vmem_shared>>
      tpu.wait_indirect_dma semaphore(%run_scoped3A_819 : memref<!tpu.dma_semaphore, #tpu.memory_space<semaphore_mem>>) src(%arg13 : memref<64x128xf32, #tpu.memory_space<vmem>>) dst(%dma_wait3A_831 : memref<10112x128xf32, #tpu.memory_space<vmem_shared>>)
      tpu.yield
    }) : () -> ()
    %dma_wait3A_523 = arith.constant 19 : i32
    %dma_wait3A_524 = arith.constant 0 : i32
    %dma_wait3A_525 = tpu.memref_slice %arg7[%dma_wait3A_523, %dma_wait3A_524] : memref<20x64xi32, #tpu.memory_space<vmem>> -> memref<1x64xi32, #tpu.memory_space<vmem>>
    %dma_wait3A_526 = tpu.memref_squeeze %dma_wait3A_525 : memref<1x64xi32, #tpu.memory_space<vmem>> -> memref<64xi32, #tpu.memory_space<vmem>>
    %dma_wait3A_527 = arith.constant 0 : i32
    %dma_wait3A_528 = arith.constant 0 : i32
    %dma_wait3A_529 = tpu.memref_slice %arg2[%dma_wait3A_527, %dma_wait3A_528] : memref<10000x128xf32, #tpu.memory_space<hbm>> -> memref<10000x128xf32, #tpu.memory_space<hbm>>
    tpu.wait_indirect_dma semaphore(%arg19 : memref<!tpu.dma_semaphore, #tpu.memory_space<semaphore_mem>>) src(%dma_wait3A_529 : memref<10000x128xf32, #tpu.memory_space<hbm>>) dst(%arg14 : memref<64x128xf32, #tpu.memory_space<vmem>>)
    %run_scoped3A_530 = arith.constant 19 : i32
    "tpu.region"() ({
      %run_scoped3A_819 = tpu.sem_alloc : memref<!tpu.dma_semaphore, #tpu.memory_space<semaphore_mem>>
      %dma_start3A_820 = arith.constant 0 : i32
      %dma_start3A_821 = tpu.memref_slice %arg8[%run_scoped3A_530, %dma_start3A_820] : memref<20x64xi32, #tpu.memory_space<vmem>> -> memref<1x64xi32, #tpu.memory_space<vmem>>
      %dma_start3A_822 = tpu.memref_squeeze %dma_start3A_821 : memref<1x64xi32, #tpu.memory_space<vmem>> -> memref<64xi32, #tpu.memory_space<vmem>>
      %dma_start3A_823 = arith.constant 0 : i32
      %dma_start3A_824 = arith.constant 0 : i32
      %dma_start3A_825 = tpu.memref_slice %arg6[%dma_start3A_823, %dma_start3A_824] : memref<10112x128xf32, #tpu.memory_space<vmem_shared>> -> memref<10112x128xf32, #tpu.memory_space<vmem_shared>>
      tpu.enqueue_indirect_dma source(%arg14 : memref<64x128xf32, #tpu.memory_space<vmem>>) target(%dma_start3A_825 : memref<10112x128xf32, #tpu.memory_space<vmem_shared>>) offsets(%dma_start3A_822 : memref<64xi32, #tpu.memory_space<vmem>>) semaphore(%run_scoped3A_819 : memref<!tpu.dma_semaphore, #tpu.memory_space<semaphore_mem>>) {add = true}
      %dma_wait3A_826 = arith.constant 0 : i32
      %dma_wait3A_827 = tpu.memref_slice %arg8[%run_scoped3A_530, %dma_wait3A_826] : memref<20x64xi32, #tpu.memory_space<vmem>> -> memref<1x64xi32, #tpu.memory_space<vmem>>
      %dma_wait3A_828 = tpu.memref_squeeze %dma_wait3A_827 : memref<1x64xi32, #tpu.memory_space<vmem>> -> memref<64xi32, #tpu.memory_space<vmem>>
      %dma_wait3A_829 = arith.constant 0 : i32
      %dma_wait3A_830 = arith.constant 0 : i32
      %dma_wait3A_831 = tpu.memref_slice %arg6[%dma_wait3A_829, %dma_wait3A_830] : memref<10112x128xf32, #tpu.memory_space<vmem_shared>> -> memref<10112x128xf32, #tpu.memory_space<vmem_shared>>
      tpu.wait_indirect_dma semaphore(%run_scoped3A_819 : memref<!tpu.dma_semaphore, #tpu.memory_space<semaphore_mem>>) src(%arg14 : memref<64x128xf32, #tpu.memory_space<vmem>>) dst(%dma_wait3A_831 : memref<10112x128xf32, #tpu.memory_space<vmem_shared>>)
      tpu.yield
    }) : () -> ()
    %dma_start3A_531 = arith.constant 6 : i32
    %dma_start3A_532 = arith.constant 0 : i32
    %dma_start3A_533 = arith.constant 0 : i32
    %dma_start3A_534 = tpu.memref_slice %arg3[%add3A, %dma_start3A_531, %dma_start3A_532, %dma_start3A_533] : memref<32x8x20x64xi32, #tpu.memory_space<hbm>> -> memref<1x1x20x64xi32, #tpu.memory_space<hbm>>
    %dma_start3A_535 = tpu.memref_squeeze %dma_start3A_534 : memref<1x1x20x64xi32, #tpu.memory_space<hbm>> -> memref<20x64xi32, #tpu.memory_space<hbm>>
    %dma_start3A_536 = arith.constant 0 : i32
    %dma_start3A_537 = arith.constant 0 : i32
    %dma_start3A_538 = tpu.memref_slice %arg3[%add3A, %dma_start3A_531, %dma_start3A_536, %dma_start3A_537] : memref<32x8x20x64xi32, #tpu.memory_space<hbm>> -> memref<1x1x20x64xi32, #tpu.memory_space<hbm>>
    %dma_start3A_539 = tpu.memref_squeeze %dma_start3A_538 : memref<1x1x20x64xi32, #tpu.memory_space<hbm>> -> memref<20x64xi32, #tpu.memory_space<hbm>>
    tpu.enqueue_dma source(%dma_start3A_539 : memref<20x64xi32, #tpu.memory_space<hbm>>) target(%arg7 : memref<20x64xi32, #tpu.memory_space<vmem>>) target_semaphore(%arg20 : memref<!tpu.dma_semaphore, #tpu.memory_space<semaphore_mem>>)
    %dma_start3A_540 = arith.constant 6 : i32
    %dma_start3A_541 = arith.constant 0 : i32
    %dma_start3A_542 = arith.constant 0 : i32
    %dma_start3A_543 = tpu.memref_slice %arg4[%add3A, %dma_start3A_540, %dma_start3A_541, %dma_start3A_542] : memref<32x8x20x64xi32, #tpu.memory_space<hbm>> -> memref<1x1x20x64xi32, #tpu.memory_space<hbm>>
    %dma_start3A_544 = tpu.memref_squeeze %dma_start3A_543 : memref<1x1x20x64xi32, #tpu.memory_space<hbm>> -> memref<20x64xi32, #tpu.memory_space<hbm>>
    %dma_start3A_545 = arith.constant 0 : i32
    %dma_start3A_546 = arith.constant 0 : i32
    %dma_start3A_547 = tpu.memref_slice %arg4[%add3A, %dma_start3A_540, %dma_start3A_545, %dma_start3A_546] : memref<32x8x20x64xi32, #tpu.memory_space<hbm>> -> memref<1x1x20x64xi32, #tpu.memory_space<hbm>>
    %dma_start3A_548 = tpu.memref_squeeze %dma_start3A_547 : memref<1x1x20x64xi32, #tpu.memory_space<hbm>> -> memref<20x64xi32, #tpu.memory_space<hbm>>
    tpu.enqueue_dma source(%dma_start3A_548 : memref<20x64xi32, #tpu.memory_space<hbm>>) target(%arg8 : memref<20x64xi32, #tpu.memory_space<vmem>>) target_semaphore(%arg20 : memref<!tpu.dma_semaphore, #tpu.memory_space<semaphore_mem>>)
    %dma_wait3A_549 = arith.constant 5 : i32
    %dma_wait3A_550 = arith.constant 0 : i32
    %dma_wait3A_551 = arith.constant 0 : i32
    %dma_wait3A_552 = tpu.memref_slice %arg3[%add3A, %dma_wait3A_549, %dma_wait3A_550, %dma_wait3A_551] : memref<32x8x20x64xi32, #tpu.memory_space<hbm>> -> memref<1x1x20x64xi32, #tpu.memory_space<hbm>>
    %dma_wait3A_553 = tpu.memref_squeeze %dma_wait3A_552 : memref<1x1x20x64xi32, #tpu.memory_space<hbm>> -> memref<20x64xi32, #tpu.memory_space<hbm>>
    %dma_wait3A_554 = arith.constant 0 : i32
    %dma_wait3A_555 = arith.constant 0 : i32
    %dma_wait3A_556 = tpu.memref_slice %arg3[%add3A, %dma_wait3A_549, %dma_wait3A_554, %dma_wait3A_555] : memref<32x8x20x64xi32, #tpu.memory_space<hbm>> -> memref<1x1x20x64xi32, #tpu.memory_space<hbm>>
    %dma_wait3A_557 = tpu.memref_squeeze %dma_wait3A_556 : memref<1x1x20x64xi32, #tpu.memory_space<hbm>> -> memref<20x64xi32, #tpu.memory_space<hbm>>
    tpu.wait_dma2 semaphore(%arg21 : memref<!tpu.dma_semaphore, #tpu.memory_space<semaphore_mem>>) src(%dma_wait3A_557 : memref<20x64xi32, #tpu.memory_space<hbm>>) dst(%arg9 : memref<20x64xi32, #tpu.memory_space<vmem>>)
    %dma_wait3A_558 = arith.constant 5 : i32
    %dma_wait3A_559 = arith.constant 0 : i32
    %dma_wait3A_560 = arith.constant 0 : i32
    %dma_wait3A_561 = tpu.memref_slice %arg4[%add3A, %dma_wait3A_558, %dma_wait3A_559, %dma_wait3A_560] : memref<32x8x20x64xi32, #tpu.memory_space<hbm>> -> memref<1x1x20x64xi32, #tpu.memory_space<hbm>>
    %dma_wait3A_562 = tpu.memref_squeeze %dma_wait3A_561 : memref<1x1x20x64xi32, #tpu.memory_space<hbm>> -> memref<20x64xi32, #tpu.memory_space<hbm>>
    %dma_wait3A_563 = arith.constant 0 : i32
    %dma_wait3A_564 = arith.constant 0 : i32
    %dma_wait3A_565 = tpu.memref_slice %arg4[%add3A, %dma_wait3A_558, %dma_wait3A_563, %dma_wait3A_564] : memref<32x8x20x64xi32, #tpu.memory_space<hbm>> -> memref<1x1x20x64xi32, #tpu.memory_space<hbm>>
    %dma_wait3A_566 = tpu.memref_squeeze %dma_wait3A_565 : memref<1x1x20x64xi32, #tpu.memory_space<hbm>> -> memref<20x64xi32, #tpu.memory_space<hbm>>
    tpu.wait_dma2 semaphore(%arg21 : memref<!tpu.dma_semaphore, #tpu.memory_space<semaphore_mem>>) src(%dma_wait3A_566 : memref<20x64xi32, #tpu.memory_space<hbm>>) dst(%arg10 : memref<20x64xi32, #tpu.memory_space<vmem>>)
    %dma_start3A_567 = arith.constant 0 : i32
    %dma_start3A_568 = arith.constant 0 : i32
    %dma_start3A_569 = tpu.memref_slice %arg9[%dma_start3A_567, %dma_start3A_568] : memref<20x64xi32, #tpu.memory_space<vmem>> -> memref<1x64xi32, #tpu.memory_space<vmem>>
    %dma_start3A_570 = tpu.memref_squeeze %dma_start3A_569 : memref<1x64xi32, #tpu.memory_space<vmem>> -> memref<64xi32, #tpu.memory_space<vmem>>
    %dma_start3A_571 = arith.constant 0 : i32
    %dma_start3A_572 = arith.constant 0 : i32
    %dma_start3A_573 = tpu.memref_slice %arg2[%dma_start3A_571, %dma_start3A_572] : memref<10000x128xf32, #tpu.memory_space<hbm>> -> memref<10000x128xf32, #tpu.memory_space<hbm>>
    tpu.enqueue_indirect_dma source(%dma_start3A_573 : memref<10000x128xf32, #tpu.memory_space<hbm>>) target(%arg11 : memref<64x128xf32, #tpu.memory_space<vmem>>) offsets(%dma_start3A_570 : memref<64xi32, #tpu.memory_space<vmem>>) semaphore(%arg16 : memref<!tpu.dma_semaphore, #tpu.memory_space<semaphore_mem>>)
    %dma_start3A_574 = arith.constant 1 : i32
    %dma_start3A_575 = arith.constant 0 : i32
    %dma_start3A_576 = tpu.memref_slice %arg9[%dma_start3A_574, %dma_start3A_575] : memref<20x64xi32, #tpu.memory_space<vmem>> -> memref<1x64xi32, #tpu.memory_space<vmem>>
    %dma_start3A_577 = tpu.memref_squeeze %dma_start3A_576 : memref<1x64xi32, #tpu.memory_space<vmem>> -> memref<64xi32, #tpu.memory_space<vmem>>
    %dma_start3A_578 = arith.constant 0 : i32
    %dma_start3A_579 = arith.constant 0 : i32
    %dma_start3A_580 = tpu.memref_slice %arg2[%dma_start3A_578, %dma_start3A_579] : memref<10000x128xf32, #tpu.memory_space<hbm>> -> memref<10000x128xf32, #tpu.memory_space<hbm>>
    tpu.enqueue_indirect_dma source(%dma_start3A_580 : memref<10000x128xf32, #tpu.memory_space<hbm>>) target(%arg12 : memref<64x128xf32, #tpu.memory_space<vmem>>) offsets(%dma_start3A_577 : memref<64xi32, #tpu.memory_space<vmem>>) semaphore(%arg17 : memref<!tpu.dma_semaphore, #tpu.memory_space<semaphore_mem>>)
    %dma_start3A_581 = arith.constant 2 : i32
    %dma_start3A_582 = arith.constant 0 : i32
    %dma_start3A_583 = tpu.memref_slice %arg9[%dma_start3A_581, %dma_start3A_582] : memref<20x64xi32, #tpu.memory_space<vmem>> -> memref<1x64xi32, #tpu.memory_space<vmem>>
    %dma_start3A_584 = tpu.memref_squeeze %dma_start3A_583 : memref<1x64xi32, #tpu.memory_space<vmem>> -> memref<64xi32, #tpu.memory_space<vmem>>
    %dma_start3A_585 = arith.constant 0 : i32
    %dma_start3A_586 = arith.constant 0 : i32
    %dma_start3A_587 = tpu.memref_slice %arg2[%dma_start3A_585, %dma_start3A_586] : memref<10000x128xf32, #tpu.memory_space<hbm>> -> memref<10000x128xf32, #tpu.memory_space<hbm>>
    tpu.enqueue_indirect_dma source(%dma_start3A_587 : memref<10000x128xf32, #tpu.memory_space<hbm>>) target(%arg13 : memref<64x128xf32, #tpu.memory_space<vmem>>) offsets(%dma_start3A_584 : memref<64xi32, #tpu.memory_space<vmem>>) semaphore(%arg18 : memref<!tpu.dma_semaphore, #tpu.memory_space<semaphore_mem>>)
    %dma_start3A_588 = arith.constant 3 : i32
    %dma_start3A_589 = arith.constant 0 : i32
    %dma_start3A_590 = tpu.memref_slice %arg9[%dma_start3A_588, %dma_start3A_589] : memref<20x64xi32, #tpu.memory_space<vmem>> -> memref<1x64xi32, #tpu.memory_space<vmem>>
    %dma_start3A_591 = tpu.memref_squeeze %dma_start3A_590 : memref<1x64xi32, #tpu.memory_space<vmem>> -> memref<64xi32, #tpu.memory_space<vmem>>
    %dma_start3A_592 = arith.constant 0 : i32
    %dma_start3A_593 = arith.constant 0 : i32
    %dma_start3A_594 = tpu.memref_slice %arg2[%dma_start3A_592, %dma_start3A_593] : memref<10000x128xf32, #tpu.memory_space<hbm>> -> memref<10000x128xf32, #tpu.memory_space<hbm>>
    tpu.enqueue_indirect_dma source(%dma_start3A_594 : memref<10000x128xf32, #tpu.memory_space<hbm>>) target(%arg14 : memref<64x128xf32, #tpu.memory_space<vmem>>) offsets(%dma_start3A_591 : memref<64xi32, #tpu.memory_space<vmem>>) semaphore(%arg19 : memref<!tpu.dma_semaphore, #tpu.memory_space<semaphore_mem>>)
    %scan3A_595 = arith.constant 0 : i32
    %scan3A_596 = arith.constant 4 : i32
    %scan3A_597 = arith.addi %scan3A_595, %scan3A_596 : i32
    %scan3A_598 = arith.constant 1 : i32
    scf.for %scan3A_819 = %scan3A_595 to %scan3A_597 step %scan3A_598  : i32 {
      %mul3A_820 = arith.constant 4 : i32
      %mul3A_821 = arith.muli %scan3A_819, %mul3A_820 : i32
      %add3A_822 = arith.constant 0 : i32
      %add3A_823 = arith.addi %add3A_822, %mul3A_821 : i32
      %add3A_824 = arith.constant 0 : i32
      %add3A_825 = arith.addi %add3A_823, %add3A_824 : i32
      %dma_wait3A_826 = arith.constant 0 : i32
      %dma_wait3A_827 = tpu.memref_slice %arg9[%add3A_825, %dma_wait3A_826] : memref<20x64xi32, #tpu.memory_space<vmem>> -> memref<1x64xi32, #tpu.memory_space<vmem>>
      %dma_wait3A_828 = tpu.memref_squeeze %dma_wait3A_827 : memref<1x64xi32, #tpu.memory_space<vmem>> -> memref<64xi32, #tpu.memory_space<vmem>>
      %dma_wait3A_829 = arith.constant 0 : i32
      %dma_wait3A_830 = arith.constant 0 : i32
      %dma_wait3A_831 = tpu.memref_slice %arg2[%dma_wait3A_829, %dma_wait3A_830] : memref<10000x128xf32, #tpu.memory_space<hbm>> -> memref<10000x128xf32, #tpu.memory_space<hbm>>
      tpu.wait_indirect_dma semaphore(%arg16 : memref<!tpu.dma_semaphore, #tpu.memory_space<semaphore_mem>>) src(%dma_wait3A_831 : memref<10000x128xf32, #tpu.memory_space<hbm>>) dst(%arg11 : memref<64x128xf32, #tpu.memory_space<vmem>>)
      %add3A_832 = arith.constant 0 : i32
      %add3A_833 = arith.addi %add3A_823, %add3A_832 : i32
      "tpu.region"() ({
        %run_scoped3A_904 = tpu.sem_alloc : memref<!tpu.dma_semaphore, #tpu.memory_space<semaphore_mem>>
        %dma_start3A_905 = arith.constant 0 : i32
        %dma_start3A_906 = tpu.memref_slice %arg10[%add3A_833, %dma_start3A_905] : memref<20x64xi32, #tpu.memory_space<vmem>> -> memref<1x64xi32, #tpu.memory_space<vmem>>
        %dma_start3A_907 = tpu.memref_squeeze %dma_start3A_906 : memref<1x64xi32, #tpu.memory_space<vmem>> -> memref<64xi32, #tpu.memory_space<vmem>>
        %dma_start3A_908 = arith.constant 0 : i32
        %dma_start3A_909 = arith.constant 0 : i32
        %dma_start3A_910 = tpu.memref_slice %arg6[%dma_start3A_908, %dma_start3A_909] : memref<10112x128xf32, #tpu.memory_space<vmem_shared>> -> memref<10112x128xf32, #tpu.memory_space<vmem_shared>>
        tpu.enqueue_indirect_dma source(%arg11 : memref<64x128xf32, #tpu.memory_space<vmem>>) target(%dma_start3A_910 : memref<10112x128xf32, #tpu.memory_space<vmem_shared>>) offsets(%dma_start3A_907 : memref<64xi32, #tpu.memory_space<vmem>>) semaphore(%run_scoped3A_904 : memref<!tpu.dma_semaphore, #tpu.memory_space<semaphore_mem>>) {add = true}
        %dma_wait3A_911 = arith.constant 0 : i32
        %dma_wait3A_912 = tpu.memref_slice %arg10[%add3A_833, %dma_wait3A_911] : memref<20x64xi32, #tpu.memory_space<vmem>> -> memref<1x64xi32, #tpu.memory_space<vmem>>
        %dma_wait3A_913 = tpu.memref_squeeze %dma_wait3A_912 : memref<1x64xi32, #tpu.memory_space<vmem>> -> memref<64xi32, #tpu.memory_space<vmem>>
        %dma_wait3A_914 = arith.constant 0 : i32
        %dma_wait3A_915 = arith.constant 0 : i32
        %dma_wait3A_916 = tpu.memref_slice %arg6[%dma_wait3A_914, %dma_wait3A_915] : memref<10112x128xf32, #tpu.memory_space<vmem_shared>> -> memref<10112x128xf32, #tpu.memory_space<vmem_shared>>
        tpu.wait_indirect_dma semaphore(%run_scoped3A_904 : memref<!tpu.dma_semaphore, #tpu.memory_space<semaphore_mem>>) src(%arg11 : memref<64x128xf32, #tpu.memory_space<vmem>>) dst(%dma_wait3A_916 : memref<10112x128xf32, #tpu.memory_space<vmem_shared>>)
        tpu.yield
      }) : () -> ()
      %add3A_834 = arith.constant 4 : i32
      %add3A_835 = arith.addi %add3A_823, %add3A_834 : i32
      %add3A_836 = arith.constant 0 : i32
      %add3A_837 = arith.addi %add3A_835, %add3A_836 : i32
      %dma_start3A_838 = arith.constant 0 : i32
      %dma_start3A_839 = tpu.memref_slice %arg9[%add3A_837, %dma_start3A_838] : memref<20x64xi32, #tpu.memory_space<vmem>> -> memref<1x64xi32, #tpu.memory_space<vmem>>
      %dma_start3A_840 = tpu.memref_squeeze %dma_start3A_839 : memref<1x64xi32, #tpu.memory_space<vmem>> -> memref<64xi32, #tpu.memory_space<vmem>>
      %dma_start3A_841 = arith.constant 0 : i32
      %dma_start3A_842 = arith.constant 0 : i32
      %dma_start3A_843 = tpu.memref_slice %arg2[%dma_start3A_841, %dma_start3A_842] : memref<10000x128xf32, #tpu.memory_space<hbm>> -> memref<10000x128xf32, #tpu.memory_space<hbm>>
      tpu.enqueue_indirect_dma source(%dma_start3A_843 : memref<10000x128xf32, #tpu.memory_space<hbm>>) target(%arg11 : memref<64x128xf32, #tpu.memory_space<vmem>>) offsets(%dma_start3A_840 : memref<64xi32, #tpu.memory_space<vmem>>) semaphore(%arg16 : memref<!tpu.dma_semaphore, #tpu.memory_space<semaphore_mem>>)
      %add3A_844 = arith.constant 1 : i32
      %add3A_845 = arith.addi %add3A_823, %add3A_844 : i32
      %dma_wait3A_846 = arith.constant 0 : i32
      %dma_wait3A_847 = tpu.memref_slice %arg9[%add3A_845, %dma_wait3A_846] : memref<20x64xi32, #tpu.memory_space<vmem>> -> memref<1x64xi32, #tpu.memory_space<vmem>>
      %dma_wait3A_848 = tpu.memref_squeeze %dma_wait3A_847 : memref<1x64xi32, #tpu.memory_space<vmem>> -> memref<64xi32, #tpu.memory_space<vmem>>
      %dma_wait3A_849 = arith.constant 0 : i32
      %dma_wait3A_850 = arith.constant 0 : i32
      %dma_wait3A_851 = tpu.memref_slice %arg2[%dma_wait3A_849, %dma_wait3A_850] : memref<10000x128xf32, #tpu.memory_space<hbm>> -> memref<10000x128xf32, #tpu.memory_space<hbm>>
      tpu.wait_indirect_dma semaphore(%arg17 : memref<!tpu.dma_semaphore, #tpu.memory_space<semaphore_mem>>) src(%dma_wait3A_851 : memref<10000x128xf32, #tpu.memory_space<hbm>>) dst(%arg12 : memref<64x128xf32, #tpu.memory_space<vmem>>)
      %add3A_852 = arith.constant 1 : i32
      %add3A_853 = arith.addi %add3A_823, %add3A_852 : i32
      "tpu.region"() ({
        %run_scoped3A_904 = tpu.sem_alloc : memref<!tpu.dma_semaphore, #tpu.memory_space<semaphore_mem>>
        %dma_start3A_905 = arith.constant 0 : i32
        %dma_start3A_906 = tpu.memref_slice %arg10[%add3A_853, %dma_start3A_905] : memref<20x64xi32, #tpu.memory_space<vmem>> -> memref<1x64xi32, #tpu.memory_space<vmem>>
        %dma_start3A_907 = tpu.memref_squeeze %dma_start3A_906 : memref<1x64xi32, #tpu.memory_space<vmem>> -> memref<64xi32, #tpu.memory_space<vmem>>
        %dma_start3A_908 = arith.constant 0 : i32
        %dma_start3A_909 = arith.constant 0 : i32
        %dma_start3A_910 = tpu.memref_slice %arg6[%dma_start3A_908, %dma_start3A_909] : memref<10112x128xf32, #tpu.memory_space<vmem_shared>> -> memref<10112x128xf32, #tpu.memory_space<vmem_shared>>
        tpu.enqueue_indirect_dma source(%arg12 : memref<64x128xf32, #tpu.memory_space<vmem>>) target(%dma_start3A_910 : memref<10112x128xf32, #tpu.memory_space<vmem_shared>>) offsets(%dma_start3A_907 : memref<64xi32, #tpu.memory_space<vmem>>) semaphore(%run_scoped3A_904 : memref<!tpu.dma_semaphore, #tpu.memory_space<semaphore_mem>>) {add = true}
        %dma_wait3A_911 = arith.constant 0 : i32
        %dma_wait3A_912 = tpu.memref_slice %arg10[%add3A_853, %dma_wait3A_911] : memref<20x64xi32, #tpu.memory_space<vmem>> -> memref<1x64xi32, #tpu.memory_space<vmem>>
        %dma_wait3A_913 = tpu.memref_squeeze %dma_wait3A_912 : memref<1x64xi32, #tpu.memory_space<vmem>> -> memref<64xi32, #tpu.memory_space<vmem>>
        %dma_wait3A_914 = arith.constant 0 : i32
        %dma_wait3A_915 = arith.constant 0 : i32
        %dma_wait3A_916 = tpu.memref_slice %arg6[%dma_wait3A_914, %dma_wait3A_915] : memref<10112x128xf32, #tpu.memory_space<vmem_shared>> -> memref<10112x128xf32, #tpu.memory_space<vmem_shared>>
        tpu.wait_indirect_dma semaphore(%run_scoped3A_904 : memref<!tpu.dma_semaphore, #tpu.memory_space<semaphore_mem>>) src(%arg12 : memref<64x128xf32, #tpu.memory_space<vmem>>) dst(%dma_wait3A_916 : memref<10112x128xf32, #tpu.memory_space<vmem_shared>>)
        tpu.yield
      }) : () -> ()
      %add3A_854 = arith.constant 4 : i32
      %add3A_855 = arith.addi %add3A_823, %add3A_854 : i32
      %add3A_856 = arith.constant 1 : i32
      %add3A_857 = arith.addi %add3A_855, %add3A_856 : i32
      %dma_start3A_858 = arith.constant 0 : i32
      %dma_start3A_859 = tpu.memref_slice %arg9[%add3A_857, %dma_start3A_858] : memref<20x64xi32, #tpu.memory_space<vmem>> -> memref<1x64xi32, #tpu.memory_space<vmem>>
      %dma_start3A_860 = tpu.memref_squeeze %dma_start3A_859 : memref<1x64xi32, #tpu.memory_space<vmem>> -> memref<64xi32, #tpu.memory_space<vmem>>
      %dma_start3A_861 = arith.constant 0 : i32
      %dma_start3A_862 = arith.constant 0 : i32
      %dma_start3A_863 = tpu.memref_slice %arg2[%dma_start3A_861, %dma_start3A_862] : memref<10000x128xf32, #tpu.memory_space<hbm>> -> memref<10000x128xf32, #tpu.memory_space<hbm>>
      tpu.enqueue_indirect_dma source(%dma_start3A_863 : memref<10000x128xf32, #tpu.memory_space<hbm>>) target(%arg12 : memref<64x128xf32, #tpu.memory_space<vmem>>) offsets(%dma_start3A_860 : memref<64xi32, #tpu.memory_space<vmem>>) semaphore(%arg17 : memref<!tpu.dma_semaphore, #tpu.memory_space<semaphore_mem>>)
      %add3A_864 = arith.constant 2 : i32
      %add3A_865 = arith.addi %add3A_823, %add3A_864 : i32
      %dma_wait3A_866 = arith.constant 0 : i32
      %dma_wait3A_867 = tpu.memref_slice %arg9[%add3A_865, %dma_wait3A_866] : memref<20x64xi32, #tpu.memory_space<vmem>> -> memref<1x64xi32, #tpu.memory_space<vmem>>
      %dma_wait3A_868 = tpu.memref_squeeze %dma_wait3A_867 : memref<1x64xi32, #tpu.memory_space<vmem>> -> memref<64xi32, #tpu.memory_space<vmem>>
      %dma_wait3A_869 = arith.constant 0 : i32
      %dma_wait3A_870 = arith.constant 0 : i32
      %dma_wait3A_871 = tpu.memref_slice %arg2[%dma_wait3A_869, %dma_wait3A_870] : memref<10000x128xf32, #tpu.memory_space<hbm>> -> memref<10000x128xf32, #tpu.memory_space<hbm>>
      tpu.wait_indirect_dma semaphore(%arg18 : memref<!tpu.dma_semaphore, #tpu.memory_space<semaphore_mem>>) src(%dma_wait3A_871 : memref<10000x128xf32, #tpu.memory_space<hbm>>) dst(%arg13 : memref<64x128xf32, #tpu.memory_space<vmem>>)
      %add3A_872 = arith.constant 2 : i32
      %add3A_873 = arith.addi %add3A_823, %add3A_872 : i32
      "tpu.region"() ({
        %run_scoped3A_904 = tpu.sem_alloc : memref<!tpu.dma_semaphore, #tpu.memory_space<semaphore_mem>>
        %dma_start3A_905 = arith.constant 0 : i32
        %dma_start3A_906 = tpu.memref_slice %arg10[%add3A_873, %dma_start3A_905] : memref<20x64xi32, #tpu.memory_space<vmem>> -> memref<1x64xi32, #tpu.memory_space<vmem>>
        %dma_start3A_907 = tpu.memref_squeeze %dma_start3A_906 : memref<1x64xi32, #tpu.memory_space<vmem>> -> memref<64xi32, #tpu.memory_space<vmem>>
        %dma_start3A_908 = arith.constant 0 : i32
        %dma_start3A_909 = arith.constant 0 : i32
        %dma_start3A_910 = tpu.memref_slice %arg6[%dma_start3A_908, %dma_start3A_909] : memref<10112x128xf32, #tpu.memory_space<vmem_shared>> -> memref<10112x128xf32, #tpu.memory_space<vmem_shared>>
        tpu.enqueue_indirect_dma source(%arg13 : memref<64x128xf32, #tpu.memory_space<vmem>>) target(%dma_start3A_910 : memref<10112x128xf32, #tpu.memory_space<vmem_shared>>) offsets(%dma_start3A_907 : memref<64xi32, #tpu.memory_space<vmem>>) semaphore(%run_scoped3A_904 : memref<!tpu.dma_semaphore, #tpu.memory_space<semaphore_mem>>) {add = true}
        %dma_wait3A_911 = arith.constant 0 : i32
        %dma_wait3A_912 = tpu.memref_slice %arg10[%add3A_873, %dma_wait3A_911] : memref<20x64xi32, #tpu.memory_space<vmem>> -> memref<1x64xi32, #tpu.memory_space<vmem>>
        %dma_wait3A_913 = tpu.memref_squeeze %dma_wait3A_912 : memref<1x64xi32, #tpu.memory_space<vmem>> -> memref<64xi32, #tpu.memory_space<vmem>>
        %dma_wait3A_914 = arith.constant 0 : i32
        %dma_wait3A_915 = arith.constant 0 : i32
        %dma_wait3A_916 = tpu.memref_slice %arg6[%dma_wait3A_914, %dma_wait3A_915] : memref<10112x128xf32, #tpu.memory_space<vmem_shared>> -> memref<10112x128xf32, #tpu.memory_space<vmem_shared>>
        tpu.wait_indirect_dma semaphore(%run_scoped3A_904 : memref<!tpu.dma_semaphore, #tpu.memory_space<semaphore_mem>>) src(%arg13 : memref<64x128xf32, #tpu.memory_space<vmem>>) dst(%dma_wait3A_916 : memref<10112x128xf32, #tpu.memory_space<vmem_shared>>)
        tpu.yield
      }) : () -> ()
      %add3A_874 = arith.constant 4 : i32
      %add3A_875 = arith.addi %add3A_823, %add3A_874 : i32
      %add3A_876 = arith.constant 2 : i32
      %add3A_877 = arith.addi %add3A_875, %add3A_876 : i32
      %dma_start3A_878 = arith.constant 0 : i32
      %dma_start3A_879 = tpu.memref_slice %arg9[%add3A_877, %dma_start3A_878] : memref<20x64xi32, #tpu.memory_space<vmem>> -> memref<1x64xi32, #tpu.memory_space<vmem>>
      %dma_start3A_880 = tpu.memref_squeeze %dma_start3A_879 : memref<1x64xi32, #tpu.memory_space<vmem>> -> memref<64xi32, #tpu.memory_space<vmem>>
      %dma_start3A_881 = arith.constant 0 : i32
      %dma_start3A_882 = arith.constant 0 : i32
      %dma_start3A_883 = tpu.memref_slice %arg2[%dma_start3A_881, %dma_start3A_882] : memref<10000x128xf32, #tpu.memory_space<hbm>> -> memref<10000x128xf32, #tpu.memory_space<hbm>>
      tpu.enqueue_indirect_dma source(%dma_start3A_883 : memref<10000x128xf32, #tpu.memory_space<hbm>>) target(%arg13 : memref<64x128xf32, #tpu.memory_space<vmem>>) offsets(%dma_start3A_880 : memref<64xi32, #tpu.memory_space<vmem>>) semaphore(%arg18 : memref<!tpu.dma_semaphore, #tpu.memory_space<semaphore_mem>>)
      %add3A_884 = arith.constant 3 : i32
      %add3A_885 = arith.addi %add3A_823, %add3A_884 : i32
      %dma_wait3A_886 = arith.constant 0 : i32
      %dma_wait3A_887 = tpu.memref_slice %arg9[%add3A_885, %dma_wait3A_886] : memref<20x64xi32, #tpu.memory_space<vmem>> -> memref<1x64xi32, #tpu.memory_space<vmem>>
      %dma_wait3A_888 = tpu.memref_squeeze %dma_wait3A_887 : memref<1x64xi32, #tpu.memory_space<vmem>> -> memref<64xi32, #tpu.memory_space<vmem>>
      %dma_wait3A_889 = arith.constant 0 : i32
      %dma_wait3A_890 = arith.constant 0 : i32
      %dma_wait3A_891 = tpu.memref_slice %arg2[%dma_wait3A_889, %dma_wait3A_890] : memref<10000x128xf32, #tpu.memory_space<hbm>> -> memref<10000x128xf32, #tpu.memory_space<hbm>>
      tpu.wait_indirect_dma semaphore(%arg19 : memref<!tpu.dma_semaphore, #tpu.memory_space<semaphore_mem>>) src(%dma_wait3A_891 : memref<10000x128xf32, #tpu.memory_space<hbm>>) dst(%arg14 : memref<64x128xf32, #tpu.memory_space<vmem>>)
      %add3A_892 = arith.constant 3 : i32
      %add3A_893 = arith.addi %add3A_823, %add3A_892 : i32
      "tpu.region"() ({
        %run_scoped3A_904 = tpu.sem_alloc : memref<!tpu.dma_semaphore, #tpu.memory_space<semaphore_mem>>
        %dma_start3A_905 = arith.constant 0 : i32
        %dma_start3A_906 = tpu.memref_slice %arg10[%add3A_893, %dma_start3A_905] : memref<20x64xi32, #tpu.memory_space<vmem>> -> memref<1x64xi32, #tpu.memory_space<vmem>>
        %dma_start3A_907 = tpu.memref_squeeze %dma_start3A_906 : memref<1x64xi32, #tpu.memory_space<vmem>> -> memref<64xi32, #tpu.memory_space<vmem>>
        %dma_start3A_908 = arith.constant 0 : i32
        %dma_start3A_909 = arith.constant 0 : i32
        %dma_start3A_910 = tpu.memref_slice %arg6[%dma_start3A_908, %dma_start3A_909] : memref<10112x128xf32, #tpu.memory_space<vmem_shared>> -> memref<10112x128xf32, #tpu.memory_space<vmem_shared>>
        tpu.enqueue_indirect_dma source(%arg14 : memref<64x128xf32, #tpu.memory_space<vmem>>) target(%dma_start3A_910 : memref<10112x128xf32, #tpu.memory_space<vmem_shared>>) offsets(%dma_start3A_907 : memref<64xi32, #tpu.memory_space<vmem>>) semaphore(%run_scoped3A_904 : memref<!tpu.dma_semaphore, #tpu.memory_space<semaphore_mem>>) {add = true}
        %dma_wait3A_911 = arith.constant 0 : i32
        %dma_wait3A_912 = tpu.memref_slice %arg10[%add3A_893, %dma_wait3A_911] : memref<20x64xi32, #tpu.memory_space<vmem>> -> memref<1x64xi32, #tpu.memory_space<vmem>>
        %dma_wait3A_913 = tpu.memref_squeeze %dma_wait3A_912 : memref<1x64xi32, #tpu.memory_space<vmem>> -> memref<64xi32, #tpu.memory_space<vmem>>
        %dma_wait3A_914 = arith.constant 0 : i32
        %dma_wait3A_915 = arith.constant 0 : i32
        %dma_wait3A_916 = tpu.memref_slice %arg6[%dma_wait3A_914, %dma_wait3A_915] : memref<10112x128xf32, #tpu.memory_space<vmem_shared>> -> memref<10112x128xf32, #tpu.memory_space<vmem_shared>>
        tpu.wait_indirect_dma semaphore(%run_scoped3A_904 : memref<!tpu.dma_semaphore, #tpu.memory_space<semaphore_mem>>) src(%arg14 : memref<64x128xf32, #tpu.memory_space<vmem>>) dst(%dma_wait3A_916 : memref<10112x128xf32, #tpu.memory_space<vmem_shared>>)
        tpu.yield
      }) : () -> ()
      %add3A_894 = arith.constant 4 : i32
      %add3A_895 = arith.addi %add3A_823, %add3A_894 : i32
      %add3A_896 = arith.constant 3 : i32
      %add3A_897 = arith.addi %add3A_895, %add3A_896 : i32
      %dma_start3A_898 = arith.constant 0 : i32
      %dma_start3A_899 = tpu.memref_slice %arg9[%add3A_897, %dma_start3A_898] : memref<20x64xi32, #tpu.memory_space<vmem>> -> memref<1x64xi32, #tpu.memory_space<vmem>>
      %dma_start3A_900 = tpu.memref_squeeze %dma_start3A_899 : memref<1x64xi32, #tpu.memory_space<vmem>> -> memref<64xi32, #tpu.memory_space<vmem>>
      %dma_start3A_901 = arith.constant 0 : i32
      %dma_start3A_902 = arith.constant 0 : i32
      %dma_start3A_903 = tpu.memref_slice %arg2[%dma_start3A_901, %dma_start3A_902] : memref<10000x128xf32, #tpu.memory_space<hbm>> -> memref<10000x128xf32, #tpu.memory_space<hbm>>
      tpu.enqueue_indirect_dma source(%dma_start3A_903 : memref<10000x128xf32, #tpu.memory_space<hbm>>) target(%arg14 : memref<64x128xf32, #tpu.memory_space<vmem>>) offsets(%dma_start3A_900 : memref<64xi32, #tpu.memory_space<vmem>>) semaphore(%arg19 : memref<!tpu.dma_semaphore, #tpu.memory_space<semaphore_mem>>)
    }
    %scan3A_599 = arith.constant 4 : i32
    %dma_wait3A_600 = arith.constant 16 : i32
    %dma_wait3A_601 = arith.constant 0 : i32
    %dma_wait3A_602 = tpu.memref_slice %arg9[%dma_wait3A_600, %dma_wait3A_601] : memref<20x64xi32, #tpu.memory_space<vmem>> -> memref<1x64xi32, #tpu.memory_space<vmem>>
    %dma_wait3A_603 = tpu.memref_squeeze %dma_wait3A_602 : memref<1x64xi32, #tpu.memory_space<vmem>> -> memref<64xi32, #tpu.memory_space<vmem>>
    %dma_wait3A_604 = arith.constant 0 : i32
    %dma_wait3A_605 = arith.constant 0 : i32
    %dma_wait3A_606 = tpu.memref_slice %arg2[%dma_wait3A_604, %dma_wait3A_605] : memref<10000x128xf32, #tpu.memory_space<hbm>> -> memref<10000x128xf32, #tpu.memory_space<hbm>>
    tpu.wait_indirect_dma semaphore(%arg16 : memref<!tpu.dma_semaphore, #tpu.memory_space<semaphore_mem>>) src(%dma_wait3A_606 : memref<10000x128xf32, #tpu.memory_space<hbm>>) dst(%arg11 : memref<64x128xf32, #tpu.memory_space<vmem>>)
    %run_scoped3A_607 = arith.constant 16 : i32
    "tpu.region"() ({
      %run_scoped3A_819 = tpu.sem_alloc : memref<!tpu.dma_semaphore, #tpu.memory_space<semaphore_mem>>
      %dma_start3A_820 = arith.constant 0 : i32
      %dma_start3A_821 = tpu.memref_slice %arg10[%run_scoped3A_607, %dma_start3A_820] : memref<20x64xi32, #tpu.memory_space<vmem>> -> memref<1x64xi32, #tpu.memory_space<vmem>>
      %dma_start3A_822 = tpu.memref_squeeze %dma_start3A_821 : memref<1x64xi32, #tpu.memory_space<vmem>> -> memref<64xi32, #tpu.memory_space<vmem>>
      %dma_start3A_823 = arith.constant 0 : i32
      %dma_start3A_824 = arith.constant 0 : i32
      %dma_start3A_825 = tpu.memref_slice %arg6[%dma_start3A_823, %dma_start3A_824] : memref<10112x128xf32, #tpu.memory_space<vmem_shared>> -> memref<10112x128xf32, #tpu.memory_space<vmem_shared>>
      tpu.enqueue_indirect_dma source(%arg11 : memref<64x128xf32, #tpu.memory_space<vmem>>) target(%dma_start3A_825 : memref<10112x128xf32, #tpu.memory_space<vmem_shared>>) offsets(%dma_start3A_822 : memref<64xi32, #tpu.memory_space<vmem>>) semaphore(%run_scoped3A_819 : memref<!tpu.dma_semaphore, #tpu.memory_space<semaphore_mem>>) {add = true}
      %dma_wait3A_826 = arith.constant 0 : i32
      %dma_wait3A_827 = tpu.memref_slice %arg10[%run_scoped3A_607, %dma_wait3A_826] : memref<20x64xi32, #tpu.memory_space<vmem>> -> memref<1x64xi32, #tpu.memory_space<vmem>>
      %dma_wait3A_828 = tpu.memref_squeeze %dma_wait3A_827 : memref<1x64xi32, #tpu.memory_space<vmem>> -> memref<64xi32, #tpu.memory_space<vmem>>
      %dma_wait3A_829 = arith.constant 0 : i32
      %dma_wait3A_830 = arith.constant 0 : i32
      %dma_wait3A_831 = tpu.memref_slice %arg6[%dma_wait3A_829, %dma_wait3A_830] : memref<10112x128xf32, #tpu.memory_space<vmem_shared>> -> memref<10112x128xf32, #tpu.memory_space<vmem_shared>>
      tpu.wait_indirect_dma semaphore(%run_scoped3A_819 : memref<!tpu.dma_semaphore, #tpu.memory_space<semaphore_mem>>) src(%arg11 : memref<64x128xf32, #tpu.memory_space<vmem>>) dst(%dma_wait3A_831 : memref<10112x128xf32, #tpu.memory_space<vmem_shared>>)
      tpu.yield
    }) : () -> ()
    %dma_wait3A_608 = arith.constant 17 : i32
    %dma_wait3A_609 = arith.constant 0 : i32
    %dma_wait3A_610 = tpu.memref_slice %arg9[%dma_wait3A_608, %dma_wait3A_609] : memref<20x64xi32, #tpu.memory_space<vmem>> -> memref<1x64xi32, #tpu.memory_space<vmem>>
    %dma_wait3A_611 = tpu.memref_squeeze %dma_wait3A_610 : memref<1x64xi32, #tpu.memory_space<vmem>> -> memref<64xi32, #tpu.memory_space<vmem>>
    %dma_wait3A_612 = arith.constant 0 : i32
    %dma_wait3A_613 = arith.constant 0 : i32
    %dma_wait3A_614 = tpu.memref_slice %arg2[%dma_wait3A_612, %dma_wait3A_613] : memref<10000x128xf32, #tpu.memory_space<hbm>> -> memref<10000x128xf32, #tpu.memory_space<hbm>>
    tpu.wait_indirect_dma semaphore(%arg17 : memref<!tpu.dma_semaphore, #tpu.memory_space<semaphore_mem>>) src(%dma_wait3A_614 : memref<10000x128xf32, #tpu.memory_space<hbm>>) dst(%arg12 : memref<64x128xf32, #tpu.memory_space<vmem>>)
    %run_scoped3A_615 = arith.constant 17 : i32
    "tpu.region"() ({
      %run_scoped3A_819 = tpu.sem_alloc : memref<!tpu.dma_semaphore, #tpu.memory_space<semaphore_mem>>
      %dma_start3A_820 = arith.constant 0 : i32
      %dma_start3A_821 = tpu.memref_slice %arg10[%run_scoped3A_615, %dma_start3A_820] : memref<20x64xi32, #tpu.memory_space<vmem>> -> memref<1x64xi32, #tpu.memory_space<vmem>>
      %dma_start3A_822 = tpu.memref_squeeze %dma_start3A_821 : memref<1x64xi32, #tpu.memory_space<vmem>> -> memref<64xi32, #tpu.memory_space<vmem>>
      %dma_start3A_823 = arith.constant 0 : i32
      %dma_start3A_824 = arith.constant 0 : i32
      %dma_start3A_825 = tpu.memref_slice %arg6[%dma_start3A_823, %dma_start3A_824] : memref<10112x128xf32, #tpu.memory_space<vmem_shared>> -> memref<10112x128xf32, #tpu.memory_space<vmem_shared>>
      tpu.enqueue_indirect_dma source(%arg12 : memref<64x128xf32, #tpu.memory_space<vmem>>) target(%dma_start3A_825 : memref<10112x128xf32, #tpu.memory_space<vmem_shared>>) offsets(%dma_start3A_822 : memref<64xi32, #tpu.memory_space<vmem>>) semaphore(%run_scoped3A_819 : memref<!tpu.dma_semaphore, #tpu.memory_space<semaphore_mem>>) {add = true}
      %dma_wait3A_826 = arith.constant 0 : i32
      %dma_wait3A_827 = tpu.memref_slice %arg10[%run_scoped3A_615, %dma_wait3A_826] : memref<20x64xi32, #tpu.memory_space<vmem>> -> memref<1x64xi32, #tpu.memory_space<vmem>>
      %dma_wait3A_828 = tpu.memref_squeeze %dma_wait3A_827 : memref<1x64xi32, #tpu.memory_space<vmem>> -> memref<64xi32, #tpu.memory_space<vmem>>
      %dma_wait3A_829 = arith.constant 0 : i32
      %dma_wait3A_830 = arith.constant 0 : i32
      %dma_wait3A_831 = tpu.memref_slice %arg6[%dma_wait3A_829, %dma_wait3A_830] : memref<10112x128xf32, #tpu.memory_space<vmem_shared>> -> memref<10112x128xf32, #tpu.memory_space<vmem_shared>>
      tpu.wait_indirect_dma semaphore(%run_scoped3A_819 : memref<!tpu.dma_semaphore, #tpu.memory_space<semaphore_mem>>) src(%arg12 : memref<64x128xf32, #tpu.memory_space<vmem>>) dst(%dma_wait3A_831 : memref<10112x128xf32, #tpu.memory_space<vmem_shared>>)
      tpu.yield
    }) : () -> ()
    %dma_wait3A_616 = arith.constant 18 : i32
    %dma_wait3A_617 = arith.constant 0 : i32
    %dma_wait3A_618 = tpu.memref_slice %arg9[%dma_wait3A_616, %dma_wait3A_617] : memref<20x64xi32, #tpu.memory_space<vmem>> -> memref<1x64xi32, #tpu.memory_space<vmem>>
    %dma_wait3A_619 = tpu.memref_squeeze %dma_wait3A_618 : memref<1x64xi32, #tpu.memory_space<vmem>> -> memref<64xi32, #tpu.memory_space<vmem>>
    %dma_wait3A_620 = arith.constant 0 : i32
    %dma_wait3A_621 = arith.constant 0 : i32
    %dma_wait3A_622 = tpu.memref_slice %arg2[%dma_wait3A_620, %dma_wait3A_621] : memref<10000x128xf32, #tpu.memory_space<hbm>> -> memref<10000x128xf32, #tpu.memory_space<hbm>>
    tpu.wait_indirect_dma semaphore(%arg18 : memref<!tpu.dma_semaphore, #tpu.memory_space<semaphore_mem>>) src(%dma_wait3A_622 : memref<10000x128xf32, #tpu.memory_space<hbm>>) dst(%arg13 : memref<64x128xf32, #tpu.memory_space<vmem>>)
    %run_scoped3A_623 = arith.constant 18 : i32
    "tpu.region"() ({
      %run_scoped3A_819 = tpu.sem_alloc : memref<!tpu.dma_semaphore, #tpu.memory_space<semaphore_mem>>
      %dma_start3A_820 = arith.constant 0 : i32
      %dma_start3A_821 = tpu.memref_slice %arg10[%run_scoped3A_623, %dma_start3A_820] : memref<20x64xi32, #tpu.memory_space<vmem>> -> memref<1x64xi32, #tpu.memory_space<vmem>>
      %dma_start3A_822 = tpu.memref_squeeze %dma_start3A_821 : memref<1x64xi32, #tpu.memory_space<vmem>> -> memref<64xi32, #tpu.memory_space<vmem>>
      %dma_start3A_823 = arith.constant 0 : i32
      %dma_start3A_824 = arith.constant 0 : i32
      %dma_start3A_825 = tpu.memref_slice %arg6[%dma_start3A_823, %dma_start3A_824] : memref<10112x128xf32, #tpu.memory_space<vmem_shared>> -> memref<10112x128xf32, #tpu.memory_space<vmem_shared>>
      tpu.enqueue_indirect_dma source(%arg13 : memref<64x128xf32, #tpu.memory_space<vmem>>) target(%dma_start3A_825 : memref<10112x128xf32, #tpu.memory_space<vmem_shared>>) offsets(%dma_start3A_822 : memref<64xi32, #tpu.memory_space<vmem>>) semaphore(%run_scoped3A_819 : memref<!tpu.dma_semaphore, #tpu.memory_space<semaphore_mem>>) {add = true}
      %dma_wait3A_826 = arith.constant 0 : i32
      %dma_wait3A_827 = tpu.memref_slice %arg10[%run_scoped3A_623, %dma_wait3A_826] : memref<20x64xi32, #tpu.memory_space<vmem>> -> memref<1x64xi32, #tpu.memory_space<vmem>>
      %dma_wait3A_828 = tpu.memref_squeeze %dma_wait3A_827 : memref<1x64xi32, #tpu.memory_space<vmem>> -> memref<64xi32, #tpu.memory_space<vmem>>
      %dma_wait3A_829 = arith.constant 0 : i32
      %dma_wait3A_830 = arith.constant 0 : i32
      %dma_wait3A_831 = tpu.memref_slice %arg6[%dma_wait3A_829, %dma_wait3A_830] : memref<10112x128xf32, #tpu.memory_space<vmem_shared>> -> memref<10112x128xf32, #tpu.memory_space<vmem_shared>>
      tpu.wait_indirect_dma semaphore(%run_scoped3A_819 : memref<!tpu.dma_semaphore, #tpu.memory_space<semaphore_mem>>) src(%arg13 : memref<64x128xf32, #tpu.memory_space<vmem>>) dst(%dma_wait3A_831 : memref<10112x128xf32, #tpu.memory_space<vmem_shared>>)
      tpu.yield
    }) : () -> ()
    %dma_wait3A_624 = arith.constant 19 : i32
    %dma_wait3A_625 = arith.constant 0 : i32
    %dma_wait3A_626 = tpu.memref_slice %arg9[%dma_wait3A_624, %dma_wait3A_625] : memref<20x64xi32, #tpu.memory_space<vmem>> -> memref<1x64xi32, #tpu.memory_space<vmem>>
    %dma_wait3A_627 = tpu.memref_squeeze %dma_wait3A_626 : memref<1x64xi32, #tpu.memory_space<vmem>> -> memref<64xi32, #tpu.memory_space<vmem>>
    %dma_wait3A_628 = arith.constant 0 : i32
    %dma_wait3A_629 = arith.constant 0 : i32
    %dma_wait3A_630 = tpu.memref_slice %arg2[%dma_wait3A_628, %dma_wait3A_629] : memref<10000x128xf32, #tpu.memory_space<hbm>> -> memref<10000x128xf32, #tpu.memory_space<hbm>>
    tpu.wait_indirect_dma semaphore(%arg19 : memref<!tpu.dma_semaphore, #tpu.memory_space<semaphore_mem>>) src(%dma_wait3A_630 : memref<10000x128xf32, #tpu.memory_space<hbm>>) dst(%arg14 : memref<64x128xf32, #tpu.memory_space<vmem>>)
    %run_scoped3A_631 = arith.constant 19 : i32
    "tpu.region"() ({
      %run_scoped3A_819 = tpu.sem_alloc : memref<!tpu.dma_semaphore, #tpu.memory_space<semaphore_mem>>
      %dma_start3A_820 = arith.constant 0 : i32
      %dma_start3A_821 = tpu.memref_slice %arg10[%run_scoped3A_631, %dma_start3A_820] : memref<20x64xi32, #tpu.memory_space<vmem>> -> memref<1x64xi32, #tpu.memory_space<vmem>>
      %dma_start3A_822 = tpu.memref_squeeze %dma_start3A_821 : memref<1x64xi32, #tpu.memory_space<vmem>> -> memref<64xi32, #tpu.memory_space<vmem>>
      %dma_start3A_823 = arith.constant 0 : i32
      %dma_start3A_824 = arith.constant 0 : i32
      %dma_start3A_825 = tpu.memref_slice %arg6[%dma_start3A_823, %dma_start3A_824] : memref<10112x128xf32, #tpu.memory_space<vmem_shared>> -> memref<10112x128xf32, #tpu.memory_space<vmem_shared>>
      tpu.enqueue_indirect_dma source(%arg14 : memref<64x128xf32, #tpu.memory_space<vmem>>) target(%dma_start3A_825 : memref<10112x128xf32, #tpu.memory_space<vmem_shared>>) offsets(%dma_start3A_822 : memref<64xi32, #tpu.memory_space<vmem>>) semaphore(%run_scoped3A_819 : memref<!tpu.dma_semaphore, #tpu.memory_space<semaphore_mem>>) {add = true}
      %dma_wait3A_826 = arith.constant 0 : i32
      %dma_wait3A_827 = tpu.memref_slice %arg10[%run_scoped3A_631, %dma_wait3A_826] : memref<20x64xi32, #tpu.memory_space<vmem>> -> memref<1x64xi32, #tpu.memory_space<vmem>>
      %dma_wait3A_828 = tpu.memref_squeeze %dma_wait3A_827 : memref<1x64xi32, #tpu.memory_space<vmem>> -> memref<64xi32, #tpu.memory_space<vmem>>
      %dma_wait3A_829 = arith.constant 0 : i32
      %dma_wait3A_830 = arith.constant 0 : i32
      %dma_wait3A_831 = tpu.memref_slice %arg6[%dma_wait3A_829, %dma_wait3A_830] : memref<10112x128xf32, #tpu.memory_space<vmem_shared>> -> memref<10112x128xf32, #tpu.memory_space<vmem_shared>>
      tpu.wait_indirect_dma semaphore(%run_scoped3A_819 : memref<!tpu.dma_semaphore, #tpu.memory_space<semaphore_mem>>) src(%arg14 : memref<64x128xf32, #tpu.memory_space<vmem>>) dst(%dma_wait3A_831 : memref<10112x128xf32, #tpu.memory_space<vmem_shared>>)
      tpu.yield
    }) : () -> ()
    %dma_start3A_632 = arith.constant 7 : i32
    %dma_start3A_633 = arith.constant 0 : i32
    %dma_start3A_634 = arith.constant 0 : i32
    %dma_start3A_635 = tpu.memref_slice %arg3[%add3A, %dma_start3A_632, %dma_start3A_633, %dma_start3A_634] : memref<32x8x20x64xi32, #tpu.memory_space<hbm>> -> memref<1x1x20x64xi32, #tpu.memory_space<hbm>>
    %dma_start3A_636 = tpu.memref_squeeze %dma_start3A_635 : memref<1x1x20x64xi32, #tpu.memory_space<hbm>> -> memref<20x64xi32, #tpu.memory_space<hbm>>
    %dma_start3A_637 = arith.constant 0 : i32
    %dma_start3A_638 = arith.constant 0 : i32
    %dma_start3A_639 = tpu.memref_slice %arg3[%add3A, %dma_start3A_632, %dma_start3A_637, %dma_start3A_638] : memref<32x8x20x64xi32, #tpu.memory_space<hbm>> -> memref<1x1x20x64xi32, #tpu.memory_space<hbm>>
    %dma_start3A_640 = tpu.memref_squeeze %dma_start3A_639 : memref<1x1x20x64xi32, #tpu.memory_space<hbm>> -> memref<20x64xi32, #tpu.memory_space<hbm>>
    tpu.enqueue_dma source(%dma_start3A_640 : memref<20x64xi32, #tpu.memory_space<hbm>>) target(%arg9 : memref<20x64xi32, #tpu.memory_space<vmem>>) target_semaphore(%arg21 : memref<!tpu.dma_semaphore, #tpu.memory_space<semaphore_mem>>)
    %dma_start3A_641 = arith.constant 7 : i32
    %dma_start3A_642 = arith.constant 0 : i32
    %dma_start3A_643 = arith.constant 0 : i32
    %dma_start3A_644 = tpu.memref_slice %arg4[%add3A, %dma_start3A_641, %dma_start3A_642, %dma_start3A_643] : memref<32x8x20x64xi32, #tpu.memory_space<hbm>> -> memref<1x1x20x64xi32, #tpu.memory_space<hbm>>
    %dma_start3A_645 = tpu.memref_squeeze %dma_start3A_644 : memref<1x1x20x64xi32, #tpu.memory_space<hbm>> -> memref<20x64xi32, #tpu.memory_space<hbm>>
    %dma_start3A_646 = arith.constant 0 : i32
    %dma_start3A_647 = arith.constant 0 : i32
    %dma_start3A_648 = tpu.memref_slice %arg4[%add3A, %dma_start3A_641, %dma_start3A_646, %dma_start3A_647] : memref<32x8x20x64xi32, #tpu.memory_space<hbm>> -> memref<1x1x20x64xi32, #tpu.memory_space<hbm>>
    %dma_start3A_649 = tpu.memref_squeeze %dma_start3A_648 : memref<1x1x20x64xi32, #tpu.memory_space<hbm>> -> memref<20x64xi32, #tpu.memory_space<hbm>>
    tpu.enqueue_dma source(%dma_start3A_649 : memref<20x64xi32, #tpu.memory_space<hbm>>) target(%arg10 : memref<20x64xi32, #tpu.memory_space<vmem>>) target_semaphore(%arg21 : memref<!tpu.dma_semaphore, #tpu.memory_space<semaphore_mem>>)
    %dma_wait3A_650 = arith.constant 6 : i32
    %dma_wait3A_651 = arith.constant 0 : i32
    %dma_wait3A_652 = arith.constant 0 : i32
    %dma_wait3A_653 = tpu.memref_slice %arg3[%add3A, %dma_wait3A_650, %dma_wait3A_651, %dma_wait3A_652] : memref<32x8x20x64xi32, #tpu.memory_space<hbm>> -> memref<1x1x20x64xi32, #tpu.memory_space<hbm>>
    %dma_wait3A_654 = tpu.memref_squeeze %dma_wait3A_653 : memref<1x1x20x64xi32, #tpu.memory_space<hbm>> -> memref<20x64xi32, #tpu.memory_space<hbm>>
    %dma_wait3A_655 = arith.constant 0 : i32
    %dma_wait3A_656 = arith.constant 0 : i32
    %dma_wait3A_657 = tpu.memref_slice %arg3[%add3A, %dma_wait3A_650, %dma_wait3A_655, %dma_wait3A_656] : memref<32x8x20x64xi32, #tpu.memory_space<hbm>> -> memref<1x1x20x64xi32, #tpu.memory_space<hbm>>
    %dma_wait3A_658 = tpu.memref_squeeze %dma_wait3A_657 : memref<1x1x20x64xi32, #tpu.memory_space<hbm>> -> memref<20x64xi32, #tpu.memory_space<hbm>>
    tpu.wait_dma2 semaphore(%arg20 : memref<!tpu.dma_semaphore, #tpu.memory_space<semaphore_mem>>) src(%dma_wait3A_658 : memref<20x64xi32, #tpu.memory_space<hbm>>) dst(%arg7 : memref<20x64xi32, #tpu.memory_space<vmem>>)
    %dma_wait3A_659 = arith.constant 6 : i32
    %dma_wait3A_660 = arith.constant 0 : i32
    %dma_wait3A_661 = arith.constant 0 : i32
    %dma_wait3A_662 = tpu.memref_slice %arg4[%add3A, %dma_wait3A_659, %dma_wait3A_660, %dma_wait3A_661] : memref<32x8x20x64xi32, #tpu.memory_space<hbm>> -> memref<1x1x20x64xi32, #tpu.memory_space<hbm>>
    %dma_wait3A_663 = tpu.memref_squeeze %dma_wait3A_662 : memref<1x1x20x64xi32, #tpu.memory_space<hbm>> -> memref<20x64xi32, #tpu.memory_space<hbm>>
    %dma_wait3A_664 = arith.constant 0 : i32
    %dma_wait3A_665 = arith.constant 0 : i32
    %dma_wait3A_666 = tpu.memref_slice %arg4[%add3A, %dma_wait3A_659, %dma_wait3A_664, %dma_wait3A_665] : memref<32x8x20x64xi32, #tpu.memory_space<hbm>> -> memref<1x1x20x64xi32, #tpu.memory_space<hbm>>
    %dma_wait3A_667 = tpu.memref_squeeze %dma_wait3A_666 : memref<1x1x20x64xi32, #tpu.memory_space<hbm>> -> memref<20x64xi32, #tpu.memory_space<hbm>>
    tpu.wait_dma2 semaphore(%arg20 : memref<!tpu.dma_semaphore, #tpu.memory_space<semaphore_mem>>) src(%dma_wait3A_667 : memref<20x64xi32, #tpu.memory_space<hbm>>) dst(%arg8 : memref<20x64xi32, #tpu.memory_space<vmem>>)
    %dma_start3A_668 = arith.constant 0 : i32
    %dma_start3A_669 = arith.constant 0 : i32
    %dma_start3A_670 = tpu.memref_slice %arg7[%dma_start3A_668, %dma_start3A_669] : memref<20x64xi32, #tpu.memory_space<vmem>> -> memref<1x64xi32, #tpu.memory_space<vmem>>
    %dma_start3A_671 = tpu.memref_squeeze %dma_start3A_670 : memref<1x64xi32, #tpu.memory_space<vmem>> -> memref<64xi32, #tpu.memory_space<vmem>>
    %dma_start3A_672 = arith.constant 0 : i32
    %dma_start3A_673 = arith.constant 0 : i32
    %dma_start3A_674 = tpu.memref_slice %arg2[%dma_start3A_672, %dma_start3A_673] : memref<10000x128xf32, #tpu.memory_space<hbm>> -> memref<10000x128xf32, #tpu.memory_space<hbm>>
    tpu.enqueue_indirect_dma source(%dma_start3A_674 : memref<10000x128xf32, #tpu.memory_space<hbm>>) target(%arg11 : memref<64x128xf32, #tpu.memory_space<vmem>>) offsets(%dma_start3A_671 : memref<64xi32, #tpu.memory_space<vmem>>) semaphore(%arg16 : memref<!tpu.dma_semaphore, #tpu.memory_space<semaphore_mem>>)
    %dma_start3A_675 = arith.constant 1 : i32
    %dma_start3A_676 = arith.constant 0 : i32
    %dma_start3A_677 = tpu.memref_slice %arg7[%dma_start3A_675, %dma_start3A_676] : memref<20x64xi32, #tpu.memory_space<vmem>> -> memref<1x64xi32, #tpu.memory_space<vmem>>
    %dma_start3A_678 = tpu.memref_squeeze %dma_start3A_677 : memref<1x64xi32, #tpu.memory_space<vmem>> -> memref<64xi32, #tpu.memory_space<vmem>>
    %dma_start3A_679 = arith.constant 0 : i32
    %dma_start3A_680 = arith.constant 0 : i32
    %dma_start3A_681 = tpu.memref_slice %arg2[%dma_start3A_679, %dma_start3A_680] : memref<10000x128xf32, #tpu.memory_space<hbm>> -> memref<10000x128xf32, #tpu.memory_space<hbm>>
    tpu.enqueue_indirect_dma source(%dma_start3A_681 : memref<10000x128xf32, #tpu.memory_space<hbm>>) target(%arg12 : memref<64x128xf32, #tpu.memory_space<vmem>>) offsets(%dma_start3A_678 : memref<64xi32, #tpu.memory_space<vmem>>) semaphore(%arg17 : memref<!tpu.dma_semaphore, #tpu.memory_space<semaphore_mem>>)
    %dma_start3A_682 = arith.constant 2 : i32
    %dma_start3A_683 = arith.constant 0 : i32
    %dma_start3A_684 = tpu.memref_slice %arg7[%dma_start3A_682, %dma_start3A_683] : memref<20x64xi32, #tpu.memory_space<vmem>> -> memref<1x64xi32, #tpu.memory_space<vmem>>
    %dma_start3A_685 = tpu.memref_squeeze %dma_start3A_684 : memref<1x64xi32, #tpu.memory_space<vmem>> -> memref<64xi32, #tpu.memory_space<vmem>>
    %dma_start3A_686 = arith.constant 0 : i32
    %dma_start3A_687 = arith.constant 0 : i32
    %dma_start3A_688 = tpu.memref_slice %arg2[%dma_start3A_686, %dma_start3A_687] : memref<10000x128xf32, #tpu.memory_space<hbm>> -> memref<10000x128xf32, #tpu.memory_space<hbm>>
    tpu.enqueue_indirect_dma source(%dma_start3A_688 : memref<10000x128xf32, #tpu.memory_space<hbm>>) target(%arg13 : memref<64x128xf32, #tpu.memory_space<vmem>>) offsets(%dma_start3A_685 : memref<64xi32, #tpu.memory_space<vmem>>) semaphore(%arg18 : memref<!tpu.dma_semaphore, #tpu.memory_space<semaphore_mem>>)
    %dma_start3A_689 = arith.constant 3 : i32
    %dma_start3A_690 = arith.constant 0 : i32
    %dma_start3A_691 = tpu.memref_slice %arg7[%dma_start3A_689, %dma_start3A_690] : memref<20x64xi32, #tpu.memory_space<vmem>> -> memref<1x64xi32, #tpu.memory_space<vmem>>
    %dma_start3A_692 = tpu.memref_squeeze %dma_start3A_691 : memref<1x64xi32, #tpu.memory_space<vmem>> -> memref<64xi32, #tpu.memory_space<vmem>>
    %dma_start3A_693 = arith.constant 0 : i32
    %dma_start3A_694 = arith.constant 0 : i32
    %dma_start3A_695 = tpu.memref_slice %arg2[%dma_start3A_693, %dma_start3A_694] : memref<10000x128xf32, #tpu.memory_space<hbm>> -> memref<10000x128xf32, #tpu.memory_space<hbm>>
    tpu.enqueue_indirect_dma source(%dma_start3A_695 : memref<10000x128xf32, #tpu.memory_space<hbm>>) target(%arg14 : memref<64x128xf32, #tpu.memory_space<vmem>>) offsets(%dma_start3A_692 : memref<64xi32, #tpu.memory_space<vmem>>) semaphore(%arg19 : memref<!tpu.dma_semaphore, #tpu.memory_space<semaphore_mem>>)
    %scan3A_696 = arith.constant 0 : i32
    %scan3A_697 = arith.constant 4 : i32
    %scan3A_698 = arith.addi %scan3A_696, %scan3A_697 : i32
    %scan3A_699 = arith.constant 1 : i32
    scf.for %scan3A_819 = %scan3A_696 to %scan3A_698 step %scan3A_699  : i32 {
      %mul3A_820 = arith.constant 4 : i32
      %mul3A_821 = arith.muli %scan3A_819, %mul3A_820 : i32
      %add3A_822 = arith.constant 0 : i32
      %add3A_823 = arith.addi %add3A_822, %mul3A_821 : i32
      %add3A_824 = arith.constant 0 : i32
      %add3A_825 = arith.addi %add3A_823, %add3A_824 : i32
      %dma_wait3A_826 = arith.constant 0 : i32
      %dma_wait3A_827 = tpu.memref_slice %arg7[%add3A_825, %dma_wait3A_826] : memref<20x64xi32, #tpu.memory_space<vmem>> -> memref<1x64xi32, #tpu.memory_space<vmem>>
      %dma_wait3A_828 = tpu.memref_squeeze %dma_wait3A_827 : memref<1x64xi32, #tpu.memory_space<vmem>> -> memref<64xi32, #tpu.memory_space<vmem>>
      %dma_wait3A_829 = arith.constant 0 : i32
      %dma_wait3A_830 = arith.constant 0 : i32
      %dma_wait3A_831 = tpu.memref_slice %arg2[%dma_wait3A_829, %dma_wait3A_830] : memref<10000x128xf32, #tpu.memory_space<hbm>> -> memref<10000x128xf32, #tpu.memory_space<hbm>>
      tpu.wait_indirect_dma semaphore(%arg16 : memref<!tpu.dma_semaphore, #tpu.memory_space<semaphore_mem>>) src(%dma_wait3A_831 : memref<10000x128xf32, #tpu.memory_space<hbm>>) dst(%arg11 : memref<64x128xf32, #tpu.memory_space<vmem>>)
      %add3A_832 = arith.constant 0 : i32
      %add3A_833 = arith.addi %add3A_823, %add3A_832 : i32
      "tpu.region"() ({
        %run_scoped3A_904 = tpu.sem_alloc : memref<!tpu.dma_semaphore, #tpu.memory_space<semaphore_mem>>
        %dma_start3A_905 = arith.constant 0 : i32
        %dma_start3A_906 = tpu.memref_slice %arg8[%add3A_833, %dma_start3A_905] : memref<20x64xi32, #tpu.memory_space<vmem>> -> memref<1x64xi32, #tpu.memory_space<vmem>>
        %dma_start3A_907 = tpu.memref_squeeze %dma_start3A_906 : memref<1x64xi32, #tpu.memory_space<vmem>> -> memref<64xi32, #tpu.memory_space<vmem>>
        %dma_start3A_908 = arith.constant 0 : i32
        %dma_start3A_909 = arith.constant 0 : i32
        %dma_start3A_910 = tpu.memref_slice %arg6[%dma_start3A_908, %dma_start3A_909] : memref<10112x128xf32, #tpu.memory_space<vmem_shared>> -> memref<10112x128xf32, #tpu.memory_space<vmem_shared>>
        tpu.enqueue_indirect_dma source(%arg11 : memref<64x128xf32, #tpu.memory_space<vmem>>) target(%dma_start3A_910 : memref<10112x128xf32, #tpu.memory_space<vmem_shared>>) offsets(%dma_start3A_907 : memref<64xi32, #tpu.memory_space<vmem>>) semaphore(%run_scoped3A_904 : memref<!tpu.dma_semaphore, #tpu.memory_space<semaphore_mem>>) {add = true}
        %dma_wait3A_911 = arith.constant 0 : i32
        %dma_wait3A_912 = tpu.memref_slice %arg8[%add3A_833, %dma_wait3A_911] : memref<20x64xi32, #tpu.memory_space<vmem>> -> memref<1x64xi32, #tpu.memory_space<vmem>>
        %dma_wait3A_913 = tpu.memref_squeeze %dma_wait3A_912 : memref<1x64xi32, #tpu.memory_space<vmem>> -> memref<64xi32, #tpu.memory_space<vmem>>
        %dma_wait3A_914 = arith.constant 0 : i32
        %dma_wait3A_915 = arith.constant 0 : i32
        %dma_wait3A_916 = tpu.memref_slice %arg6[%dma_wait3A_914, %dma_wait3A_915] : memref<10112x128xf32, #tpu.memory_space<vmem_shared>> -> memref<10112x128xf32, #tpu.memory_space<vmem_shared>>
        tpu.wait_indirect_dma semaphore(%run_scoped3A_904 : memref<!tpu.dma_semaphore, #tpu.memory_space<semaphore_mem>>) src(%arg11 : memref<64x128xf32, #tpu.memory_space<vmem>>) dst(%dma_wait3A_916 : memref<10112x128xf32, #tpu.memory_space<vmem_shared>>)
        tpu.yield
      }) : () -> ()
      %add3A_834 = arith.constant 4 : i32
      %add3A_835 = arith.addi %add3A_823, %add3A_834 : i32
      %add3A_836 = arith.constant 0 : i32
      %add3A_837 = arith.addi %add3A_835, %add3A_836 : i32
      %dma_start3A_838 = arith.constant 0 : i32
      %dma_start3A_839 = tpu.memref_slice %arg7[%add3A_837, %dma_start3A_838] : memref<20x64xi32, #tpu.memory_space<vmem>> -> memref<1x64xi32, #tpu.memory_space<vmem>>
      %dma_start3A_840 = tpu.memref_squeeze %dma_start3A_839 : memref<1x64xi32, #tpu.memory_space<vmem>> -> memref<64xi32, #tpu.memory_space<vmem>>
      %dma_start3A_841 = arith.constant 0 : i32
      %dma_start3A_842 = arith.constant 0 : i32
      %dma_start3A_843 = tpu.memref_slice %arg2[%dma_start3A_841, %dma_start3A_842] : memref<10000x128xf32, #tpu.memory_space<hbm>> -> memref<10000x128xf32, #tpu.memory_space<hbm>>
      tpu.enqueue_indirect_dma source(%dma_start3A_843 : memref<10000x128xf32, #tpu.memory_space<hbm>>) target(%arg11 : memref<64x128xf32, #tpu.memory_space<vmem>>) offsets(%dma_start3A_840 : memref<64xi32, #tpu.memory_space<vmem>>) semaphore(%arg16 : memref<!tpu.dma_semaphore, #tpu.memory_space<semaphore_mem>>)
      %add3A_844 = arith.constant 1 : i32
      %add3A_845 = arith.addi %add3A_823, %add3A_844 : i32
      %dma_wait3A_846 = arith.constant 0 : i32
      %dma_wait3A_847 = tpu.memref_slice %arg7[%add3A_845, %dma_wait3A_846] : memref<20x64xi32, #tpu.memory_space<vmem>> -> memref<1x64xi32, #tpu.memory_space<vmem>>
      %dma_wait3A_848 = tpu.memref_squeeze %dma_wait3A_847 : memref<1x64xi32, #tpu.memory_space<vmem>> -> memref<64xi32, #tpu.memory_space<vmem>>
      %dma_wait3A_849 = arith.constant 0 : i32
      %dma_wait3A_850 = arith.constant 0 : i32
      %dma_wait3A_851 = tpu.memref_slice %arg2[%dma_wait3A_849, %dma_wait3A_850] : memref<10000x128xf32, #tpu.memory_space<hbm>> -> memref<10000x128xf32, #tpu.memory_space<hbm>>
      tpu.wait_indirect_dma semaphore(%arg17 : memref<!tpu.dma_semaphore, #tpu.memory_space<semaphore_mem>>) src(%dma_wait3A_851 : memref<10000x128xf32, #tpu.memory_space<hbm>>) dst(%arg12 : memref<64x128xf32, #tpu.memory_space<vmem>>)
      %add3A_852 = arith.constant 1 : i32
      %add3A_853 = arith.addi %add3A_823, %add3A_852 : i32
      "tpu.region"() ({
        %run_scoped3A_904 = tpu.sem_alloc : memref<!tpu.dma_semaphore, #tpu.memory_space<semaphore_mem>>
        %dma_start3A_905 = arith.constant 0 : i32
        %dma_start3A_906 = tpu.memref_slice %arg8[%add3A_853, %dma_start3A_905] : memref<20x64xi32, #tpu.memory_space<vmem>> -> memref<1x64xi32, #tpu.memory_space<vmem>>
        %dma_start3A_907 = tpu.memref_squeeze %dma_start3A_906 : memref<1x64xi32, #tpu.memory_space<vmem>> -> memref<64xi32, #tpu.memory_space<vmem>>
        %dma_start3A_908 = arith.constant 0 : i32
        %dma_start3A_909 = arith.constant 0 : i32
        %dma_start3A_910 = tpu.memref_slice %arg6[%dma_start3A_908, %dma_start3A_909] : memref<10112x128xf32, #tpu.memory_space<vmem_shared>> -> memref<10112x128xf32, #tpu.memory_space<vmem_shared>>
        tpu.enqueue_indirect_dma source(%arg12 : memref<64x128xf32, #tpu.memory_space<vmem>>) target(%dma_start3A_910 : memref<10112x128xf32, #tpu.memory_space<vmem_shared>>) offsets(%dma_start3A_907 : memref<64xi32, #tpu.memory_space<vmem>>) semaphore(%run_scoped3A_904 : memref<!tpu.dma_semaphore, #tpu.memory_space<semaphore_mem>>) {add = true}
        %dma_wait3A_911 = arith.constant 0 : i32
        %dma_wait3A_912 = tpu.memref_slice %arg8[%add3A_853, %dma_wait3A_911] : memref<20x64xi32, #tpu.memory_space<vmem>> -> memref<1x64xi32, #tpu.memory_space<vmem>>
        %dma_wait3A_913 = tpu.memref_squeeze %dma_wait3A_912 : memref<1x64xi32, #tpu.memory_space<vmem>> -> memref<64xi32, #tpu.memory_space<vmem>>
        %dma_wait3A_914 = arith.constant 0 : i32
        %dma_wait3A_915 = arith.constant 0 : i32
        %dma_wait3A_916 = tpu.memref_slice %arg6[%dma_wait3A_914, %dma_wait3A_915] : memref<10112x128xf32, #tpu.memory_space<vmem_shared>> -> memref<10112x128xf32, #tpu.memory_space<vmem_shared>>
        tpu.wait_indirect_dma semaphore(%run_scoped3A_904 : memref<!tpu.dma_semaphore, #tpu.memory_space<semaphore_mem>>) src(%arg12 : memref<64x128xf32, #tpu.memory_space<vmem>>) dst(%dma_wait3A_916 : memref<10112x128xf32, #tpu.memory_space<vmem_shared>>)
        tpu.yield
      }) : () -> ()
      %add3A_854 = arith.constant 4 : i32
      %add3A_855 = arith.addi %add3A_823, %add3A_854 : i32
      %add3A_856 = arith.constant 1 : i32
      %add3A_857 = arith.addi %add3A_855, %add3A_856 : i32
      %dma_start3A_858 = arith.constant 0 : i32
      %dma_start3A_859 = tpu.memref_slice %arg7[%add3A_857, %dma_start3A_858] : memref<20x64xi32, #tpu.memory_space<vmem>> -> memref<1x64xi32, #tpu.memory_space<vmem>>
      %dma_start3A_860 = tpu.memref_squeeze %dma_start3A_859 : memref<1x64xi32, #tpu.memory_space<vmem>> -> memref<64xi32, #tpu.memory_space<vmem>>
      %dma_start3A_861 = arith.constant 0 : i32
      %dma_start3A_862 = arith.constant 0 : i32
      %dma_start3A_863 = tpu.memref_slice %arg2[%dma_start3A_861, %dma_start3A_862] : memref<10000x128xf32, #tpu.memory_space<hbm>> -> memref<10000x128xf32, #tpu.memory_space<hbm>>
      tpu.enqueue_indirect_dma source(%dma_start3A_863 : memref<10000x128xf32, #tpu.memory_space<hbm>>) target(%arg12 : memref<64x128xf32, #tpu.memory_space<vmem>>) offsets(%dma_start3A_860 : memref<64xi32, #tpu.memory_space<vmem>>) semaphore(%arg17 : memref<!tpu.dma_semaphore, #tpu.memory_space<semaphore_mem>>)
      %add3A_864 = arith.constant 2 : i32
      %add3A_865 = arith.addi %add3A_823, %add3A_864 : i32
      %dma_wait3A_866 = arith.constant 0 : i32
      %dma_wait3A_867 = tpu.memref_slice %arg7[%add3A_865, %dma_wait3A_866] : memref<20x64xi32, #tpu.memory_space<vmem>> -> memref<1x64xi32, #tpu.memory_space<vmem>>
      %dma_wait3A_868 = tpu.memref_squeeze %dma_wait3A_867 : memref<1x64xi32, #tpu.memory_space<vmem>> -> memref<64xi32, #tpu.memory_space<vmem>>
      %dma_wait3A_869 = arith.constant 0 : i32
      %dma_wait3A_870 = arith.constant 0 : i32
      %dma_wait3A_871 = tpu.memref_slice %arg2[%dma_wait3A_869, %dma_wait3A_870] : memref<10000x128xf32, #tpu.memory_space<hbm>> -> memref<10000x128xf32, #tpu.memory_space<hbm>>
      tpu.wait_indirect_dma semaphore(%arg18 : memref<!tpu.dma_semaphore, #tpu.memory_space<semaphore_mem>>) src(%dma_wait3A_871 : memref<10000x128xf32, #tpu.memory_space<hbm>>) dst(%arg13 : memref<64x128xf32, #tpu.memory_space<vmem>>)
      %add3A_872 = arith.constant 2 : i32
      %add3A_873 = arith.addi %add3A_823, %add3A_872 : i32
      "tpu.region"() ({
        %run_scoped3A_904 = tpu.sem_alloc : memref<!tpu.dma_semaphore, #tpu.memory_space<semaphore_mem>>
        %dma_start3A_905 = arith.constant 0 : i32
        %dma_start3A_906 = tpu.memref_slice %arg8[%add3A_873, %dma_start3A_905] : memref<20x64xi32, #tpu.memory_space<vmem>> -> memref<1x64xi32, #tpu.memory_space<vmem>>
        %dma_start3A_907 = tpu.memref_squeeze %dma_start3A_906 : memref<1x64xi32, #tpu.memory_space<vmem>> -> memref<64xi32, #tpu.memory_space<vmem>>
        %dma_start3A_908 = arith.constant 0 : i32
        %dma_start3A_909 = arith.constant 0 : i32
        %dma_start3A_910 = tpu.memref_slice %arg6[%dma_start3A_908, %dma_start3A_909] : memref<10112x128xf32, #tpu.memory_space<vmem_shared>> -> memref<10112x128xf32, #tpu.memory_space<vmem_shared>>
        tpu.enqueue_indirect_dma source(%arg13 : memref<64x128xf32, #tpu.memory_space<vmem>>) target(%dma_start3A_910 : memref<10112x128xf32, #tpu.memory_space<vmem_shared>>) offsets(%dma_start3A_907 : memref<64xi32, #tpu.memory_space<vmem>>) semaphore(%run_scoped3A_904 : memref<!tpu.dma_semaphore, #tpu.memory_space<semaphore_mem>>) {add = true}
        %dma_wait3A_911 = arith.constant 0 : i32
        %dma_wait3A_912 = tpu.memref_slice %arg8[%add3A_873, %dma_wait3A_911] : memref<20x64xi32, #tpu.memory_space<vmem>> -> memref<1x64xi32, #tpu.memory_space<vmem>>
        %dma_wait3A_913 = tpu.memref_squeeze %dma_wait3A_912 : memref<1x64xi32, #tpu.memory_space<vmem>> -> memref<64xi32, #tpu.memory_space<vmem>>
        %dma_wait3A_914 = arith.constant 0 : i32
        %dma_wait3A_915 = arith.constant 0 : i32
        %dma_wait3A_916 = tpu.memref_slice %arg6[%dma_wait3A_914, %dma_wait3A_915] : memref<10112x128xf32, #tpu.memory_space<vmem_shared>> -> memref<10112x128xf32, #tpu.memory_space<vmem_shared>>
        tpu.wait_indirect_dma semaphore(%run_scoped3A_904 : memref<!tpu.dma_semaphore, #tpu.memory_space<semaphore_mem>>) src(%arg13 : memref<64x128xf32, #tpu.memory_space<vmem>>) dst(%dma_wait3A_916 : memref<10112x128xf32, #tpu.memory_space<vmem_shared>>)
        tpu.yield
      }) : () -> ()
      %add3A_874 = arith.constant 4 : i32
      %add3A_875 = arith.addi %add3A_823, %add3A_874 : i32
      %add3A_876 = arith.constant 2 : i32
      %add3A_877 = arith.addi %add3A_875, %add3A_876 : i32
      %dma_start3A_878 = arith.constant 0 : i32
      %dma_start3A_879 = tpu.memref_slice %arg7[%add3A_877, %dma_start3A_878] : memref<20x64xi32, #tpu.memory_space<vmem>> -> memref<1x64xi32, #tpu.memory_space<vmem>>
      %dma_start3A_880 = tpu.memref_squeeze %dma_start3A_879 : memref<1x64xi32, #tpu.memory_space<vmem>> -> memref<64xi32, #tpu.memory_space<vmem>>
      %dma_start3A_881 = arith.constant 0 : i32
      %dma_start3A_882 = arith.constant 0 : i32
      %dma_start3A_883 = tpu.memref_slice %arg2[%dma_start3A_881, %dma_start3A_882] : memref<10000x128xf32, #tpu.memory_space<hbm>> -> memref<10000x128xf32, #tpu.memory_space<hbm>>
      tpu.enqueue_indirect_dma source(%dma_start3A_883 : memref<10000x128xf32, #tpu.memory_space<hbm>>) target(%arg13 : memref<64x128xf32, #tpu.memory_space<vmem>>) offsets(%dma_start3A_880 : memref<64xi32, #tpu.memory_space<vmem>>) semaphore(%arg18 : memref<!tpu.dma_semaphore, #tpu.memory_space<semaphore_mem>>)
      %add3A_884 = arith.constant 3 : i32
      %add3A_885 = arith.addi %add3A_823, %add3A_884 : i32
      %dma_wait3A_886 = arith.constant 0 : i32
      %dma_wait3A_887 = tpu.memref_slice %arg7[%add3A_885, %dma_wait3A_886] : memref<20x64xi32, #tpu.memory_space<vmem>> -> memref<1x64xi32, #tpu.memory_space<vmem>>
      %dma_wait3A_888 = tpu.memref_squeeze %dma_wait3A_887 : memref<1x64xi32, #tpu.memory_space<vmem>> -> memref<64xi32, #tpu.memory_space<vmem>>
      %dma_wait3A_889 = arith.constant 0 : i32
      %dma_wait3A_890 = arith.constant 0 : i32
      %dma_wait3A_891 = tpu.memref_slice %arg2[%dma_wait3A_889, %dma_wait3A_890] : memref<10000x128xf32, #tpu.memory_space<hbm>> -> memref<10000x128xf32, #tpu.memory_space<hbm>>
      tpu.wait_indirect_dma semaphore(%arg19 : memref<!tpu.dma_semaphore, #tpu.memory_space<semaphore_mem>>) src(%dma_wait3A_891 : memref<10000x128xf32, #tpu.memory_space<hbm>>) dst(%arg14 : memref<64x128xf32, #tpu.memory_space<vmem>>)
      %add3A_892 = arith.constant 3 : i32
      %add3A_893 = arith.addi %add3A_823, %add3A_892 : i32
      "tpu.region"() ({
        %run_scoped3A_904 = tpu.sem_alloc : memref<!tpu.dma_semaphore, #tpu.memory_space<semaphore_mem>>
        %dma_start3A_905 = arith.constant 0 : i32
        %dma_start3A_906 = tpu.memref_slice %arg8[%add3A_893, %dma_start3A_905] : memref<20x64xi32, #tpu.memory_space<vmem>> -> memref<1x64xi32, #tpu.memory_space<vmem>>
        %dma_start3A_907 = tpu.memref_squeeze %dma_start3A_906 : memref<1x64xi32, #tpu.memory_space<vmem>> -> memref<64xi32, #tpu.memory_space<vmem>>
        %dma_start3A_908 = arith.constant 0 : i32
        %dma_start3A_909 = arith.constant 0 : i32
        %dma_start3A_910 = tpu.memref_slice %arg6[%dma_start3A_908, %dma_start3A_909] : memref<10112x128xf32, #tpu.memory_space<vmem_shared>> -> memref<10112x128xf32, #tpu.memory_space<vmem_shared>>
        tpu.enqueue_indirect_dma source(%arg14 : memref<64x128xf32, #tpu.memory_space<vmem>>) target(%dma_start3A_910 : memref<10112x128xf32, #tpu.memory_space<vmem_shared>>) offsets(%dma_start3A_907 : memref<64xi32, #tpu.memory_space<vmem>>) semaphore(%run_scoped3A_904 : memref<!tpu.dma_semaphore, #tpu.memory_space<semaphore_mem>>) {add = true}
        %dma_wait3A_911 = arith.constant 0 : i32
        %dma_wait3A_912 = tpu.memref_slice %arg8[%add3A_893, %dma_wait3A_911] : memref<20x64xi32, #tpu.memory_space<vmem>> -> memref<1x64xi32, #tpu.memory_space<vmem>>
        %dma_wait3A_913 = tpu.memref_squeeze %dma_wait3A_912 : memref<1x64xi32, #tpu.memory_space<vmem>> -> memref<64xi32, #tpu.memory_space<vmem>>
        %dma_wait3A_914 = arith.constant 0 : i32
        %dma_wait3A_915 = arith.constant 0 : i32
        %dma_wait3A_916 = tpu.memref_slice %arg6[%dma_wait3A_914, %dma_wait3A_915] : memref<10112x128xf32, #tpu.memory_space<vmem_shared>> -> memref<10112x128xf32, #tpu.memory_space<vmem_shared>>
        tpu.wait_indirect_dma semaphore(%run_scoped3A_904 : memref<!tpu.dma_semaphore, #tpu.memory_space<semaphore_mem>>) src(%arg14 : memref<64x128xf32, #tpu.memory_space<vmem>>) dst(%dma_wait3A_916 : memref<10112x128xf32, #tpu.memory_space<vmem_shared>>)
        tpu.yield
      }) : () -> ()
      %add3A_894 = arith.constant 4 : i32
      %add3A_895 = arith.addi %add3A_823, %add3A_894 : i32
      %add3A_896 = arith.constant 3 : i32
      %add3A_897 = arith.addi %add3A_895, %add3A_896 : i32
      %dma_start3A_898 = arith.constant 0 : i32
      %dma_start3A_899 = tpu.memref_slice %arg7[%add3A_897, %dma_start3A_898] : memref<20x64xi32, #tpu.memory_space<vmem>> -> memref<1x64xi32, #tpu.memory_space<vmem>>
      %dma_start3A_900 = tpu.memref_squeeze %dma_start3A_899 : memref<1x64xi32, #tpu.memory_space<vmem>> -> memref<64xi32, #tpu.memory_space<vmem>>
      %dma_start3A_901 = arith.constant 0 : i32
      %dma_start3A_902 = arith.constant 0 : i32
      %dma_start3A_903 = tpu.memref_slice %arg2[%dma_start3A_901, %dma_start3A_902] : memref<10000x128xf32, #tpu.memory_space<hbm>> -> memref<10000x128xf32, #tpu.memory_space<hbm>>
      tpu.enqueue_indirect_dma source(%dma_start3A_903 : memref<10000x128xf32, #tpu.memory_space<hbm>>) target(%arg14 : memref<64x128xf32, #tpu.memory_space<vmem>>) offsets(%dma_start3A_900 : memref<64xi32, #tpu.memory_space<vmem>>) semaphore(%arg19 : memref<!tpu.dma_semaphore, #tpu.memory_space<semaphore_mem>>)
    }
    %scan3A_700 = arith.constant 4 : i32
    %dma_wait3A_701 = arith.constant 16 : i32
    %dma_wait3A_702 = arith.constant 0 : i32
    %dma_wait3A_703 = tpu.memref_slice %arg7[%dma_wait3A_701, %dma_wait3A_702] : memref<20x64xi32, #tpu.memory_space<vmem>> -> memref<1x64xi32, #tpu.memory_space<vmem>>
    %dma_wait3A_704 = tpu.memref_squeeze %dma_wait3A_703 : memref<1x64xi32, #tpu.memory_space<vmem>> -> memref<64xi32, #tpu.memory_space<vmem>>
    %dma_wait3A_705 = arith.constant 0 : i32
    %dma_wait3A_706 = arith.constant 0 : i32
    %dma_wait3A_707 = tpu.memref_slice %arg2[%dma_wait3A_705, %dma_wait3A_706] : memref<10000x128xf32, #tpu.memory_space<hbm>> -> memref<10000x128xf32, #tpu.memory_space<hbm>>
    tpu.wait_indirect_dma semaphore(%arg16 : memref<!tpu.dma_semaphore, #tpu.memory_space<semaphore_mem>>) src(%dma_wait3A_707 : memref<10000x128xf32, #tpu.memory_space<hbm>>) dst(%arg11 : memref<64x128xf32, #tpu.memory_space<vmem>>)
    %run_scoped3A_708 = arith.constant 16 : i32
    "tpu.region"() ({
      %run_scoped3A_819 = tpu.sem_alloc : memref<!tpu.dma_semaphore, #tpu.memory_space<semaphore_mem>>
      %dma_start3A_820 = arith.constant 0 : i32
      %dma_start3A_821 = tpu.memref_slice %arg8[%run_scoped3A_708, %dma_start3A_820] : memref<20x64xi32, #tpu.memory_space<vmem>> -> memref<1x64xi32, #tpu.memory_space<vmem>>
      %dma_start3A_822 = tpu.memref_squeeze %dma_start3A_821 : memref<1x64xi32, #tpu.memory_space<vmem>> -> memref<64xi32, #tpu.memory_space<vmem>>
      %dma_start3A_823 = arith.constant 0 : i32
      %dma_start3A_824 = arith.constant 0 : i32
      %dma_start3A_825 = tpu.memref_slice %arg6[%dma_start3A_823, %dma_start3A_824] : memref<10112x128xf32, #tpu.memory_space<vmem_shared>> -> memref<10112x128xf32, #tpu.memory_space<vmem_shared>>
      tpu.enqueue_indirect_dma source(%arg11 : memref<64x128xf32, #tpu.memory_space<vmem>>) target(%dma_start3A_825 : memref<10112x128xf32, #tpu.memory_space<vmem_shared>>) offsets(%dma_start3A_822 : memref<64xi32, #tpu.memory_space<vmem>>) semaphore(%run_scoped3A_819 : memref<!tpu.dma_semaphore, #tpu.memory_space<semaphore_mem>>) {add = true}
      %dma_wait3A_826 = arith.constant 0 : i32
      %dma_wait3A_827 = tpu.memref_slice %arg8[%run_scoped3A_708, %dma_wait3A_826] : memref<20x64xi32, #tpu.memory_space<vmem>> -> memref<1x64xi32, #tpu.memory_space<vmem>>
      %dma_wait3A_828 = tpu.memref_squeeze %dma_wait3A_827 : memref<1x64xi32, #tpu.memory_space<vmem>> -> memref<64xi32, #tpu.memory_space<vmem>>
      %dma_wait3A_829 = arith.constant 0 : i32
      %dma_wait3A_830 = arith.constant 0 : i32
      %dma_wait3A_831 = tpu.memref_slice %arg6[%dma_wait3A_829, %dma_wait3A_830] : memref<10112x128xf32, #tpu.memory_space<vmem_shared>> -> memref<10112x128xf32, #tpu.memory_space<vmem_shared>>
      tpu.wait_indirect_dma semaphore(%run_scoped3A_819 : memref<!tpu.dma_semaphore, #tpu.memory_space<semaphore_mem>>) src(%arg11 : memref<64x128xf32, #tpu.memory_space<vmem>>) dst(%dma_wait3A_831 : memref<10112x128xf32, #tpu.memory_space<vmem_shared>>)
      tpu.yield
    }) : () -> ()
    %dma_wait3A_709 = arith.constant 17 : i32
    %dma_wait3A_710 = arith.constant 0 : i32
    %dma_wait3A_711 = tpu.memref_slice %arg7[%dma_wait3A_709, %dma_wait3A_710] : memref<20x64xi32, #tpu.memory_space<vmem>> -> memref<1x64xi32, #tpu.memory_space<vmem>>
    %dma_wait3A_712 = tpu.memref_squeeze %dma_wait3A_711 : memref<1x64xi32, #tpu.memory_space<vmem>> -> memref<64xi32, #tpu.memory_space<vmem>>
    %dma_wait3A_713 = arith.constant 0 : i32
    %dma_wait3A_714 = arith.constant 0 : i32
    %dma_wait3A_715 = tpu.memref_slice %arg2[%dma_wait3A_713, %dma_wait3A_714] : memref<10000x128xf32, #tpu.memory_space<hbm>> -> memref<10000x128xf32, #tpu.memory_space<hbm>>
    tpu.wait_indirect_dma semaphore(%arg17 : memref<!tpu.dma_semaphore, #tpu.memory_space<semaphore_mem>>) src(%dma_wait3A_715 : memref<10000x128xf32, #tpu.memory_space<hbm>>) dst(%arg12 : memref<64x128xf32, #tpu.memory_space<vmem>>)
    %run_scoped3A_716 = arith.constant 17 : i32
    "tpu.region"() ({
      %run_scoped3A_819 = tpu.sem_alloc : memref<!tpu.dma_semaphore, #tpu.memory_space<semaphore_mem>>
      %dma_start3A_820 = arith.constant 0 : i32
      %dma_start3A_821 = tpu.memref_slice %arg8[%run_scoped3A_716, %dma_start3A_820] : memref<20x64xi32, #tpu.memory_space<vmem>> -> memref<1x64xi32, #tpu.memory_space<vmem>>
      %dma_start3A_822 = tpu.memref_squeeze %dma_start3A_821 : memref<1x64xi32, #tpu.memory_space<vmem>> -> memref<64xi32, #tpu.memory_space<vmem>>
      %dma_start3A_823 = arith.constant 0 : i32
      %dma_start3A_824 = arith.constant 0 : i32
      %dma_start3A_825 = tpu.memref_slice %arg6[%dma_start3A_823, %dma_start3A_824] : memref<10112x128xf32, #tpu.memory_space<vmem_shared>> -> memref<10112x128xf32, #tpu.memory_space<vmem_shared>>
      tpu.enqueue_indirect_dma source(%arg12 : memref<64x128xf32, #tpu.memory_space<vmem>>) target(%dma_start3A_825 : memref<10112x128xf32, #tpu.memory_space<vmem_shared>>) offsets(%dma_start3A_822 : memref<64xi32, #tpu.memory_space<vmem>>) semaphore(%run_scoped3A_819 : memref<!tpu.dma_semaphore, #tpu.memory_space<semaphore_mem>>) {add = true}
      %dma_wait3A_826 = arith.constant 0 : i32
      %dma_wait3A_827 = tpu.memref_slice %arg8[%run_scoped3A_716, %dma_wait3A_826] : memref<20x64xi32, #tpu.memory_space<vmem>> -> memref<1x64xi32, #tpu.memory_space<vmem>>
      %dma_wait3A_828 = tpu.memref_squeeze %dma_wait3A_827 : memref<1x64xi32, #tpu.memory_space<vmem>> -> memref<64xi32, #tpu.memory_space<vmem>>
      %dma_wait3A_829 = arith.constant 0 : i32
      %dma_wait3A_830 = arith.constant 0 : i32
      %dma_wait3A_831 = tpu.memref_slice %arg6[%dma_wait3A_829, %dma_wait3A_830] : memref<10112x128xf32, #tpu.memory_space<vmem_shared>> -> memref<10112x128xf32, #tpu.memory_space<vmem_shared>>
      tpu.wait_indirect_dma semaphore(%run_scoped3A_819 : memref<!tpu.dma_semaphore, #tpu.memory_space<semaphore_mem>>) src(%arg12 : memref<64x128xf32, #tpu.memory_space<vmem>>) dst(%dma_wait3A_831 : memref<10112x128xf32, #tpu.memory_space<vmem_shared>>)
      tpu.yield
    }) : () -> ()
    %dma_wait3A_717 = arith.constant 18 : i32
    %dma_wait3A_718 = arith.constant 0 : i32
    %dma_wait3A_719 = tpu.memref_slice %arg7[%dma_wait3A_717, %dma_wait3A_718] : memref<20x64xi32, #tpu.memory_space<vmem>> -> memref<1x64xi32, #tpu.memory_space<vmem>>
    %dma_wait3A_720 = tpu.memref_squeeze %dma_wait3A_719 : memref<1x64xi32, #tpu.memory_space<vmem>> -> memref<64xi32, #tpu.memory_space<vmem>>
    %dma_wait3A_721 = arith.constant 0 : i32
    %dma_wait3A_722 = arith.constant 0 : i32
    %dma_wait3A_723 = tpu.memref_slice %arg2[%dma_wait3A_721, %dma_wait3A_722] : memref<10000x128xf32, #tpu.memory_space<hbm>> -> memref<10000x128xf32, #tpu.memory_space<hbm>>
    tpu.wait_indirect_dma semaphore(%arg18 : memref<!tpu.dma_semaphore, #tpu.memory_space<semaphore_mem>>) src(%dma_wait3A_723 : memref<10000x128xf32, #tpu.memory_space<hbm>>) dst(%arg13 : memref<64x128xf32, #tpu.memory_space<vmem>>)
    %run_scoped3A_724 = arith.constant 18 : i32
    "tpu.region"() ({
      %run_scoped3A_819 = tpu.sem_alloc : memref<!tpu.dma_semaphore, #tpu.memory_space<semaphore_mem>>
      %dma_start3A_820 = arith.constant 0 : i32
      %dma_start3A_821 = tpu.memref_slice %arg8[%run_scoped3A_724, %dma_start3A_820] : memref<20x64xi32, #tpu.memory_space<vmem>> -> memref<1x64xi32, #tpu.memory_space<vmem>>
      %dma_start3A_822 = tpu.memref_squeeze %dma_start3A_821 : memref<1x64xi32, #tpu.memory_space<vmem>> -> memref<64xi32, #tpu.memory_space<vmem>>
      %dma_start3A_823 = arith.constant 0 : i32
      %dma_start3A_824 = arith.constant 0 : i32
      %dma_start3A_825 = tpu.memref_slice %arg6[%dma_start3A_823, %dma_start3A_824] : memref<10112x128xf32, #tpu.memory_space<vmem_shared>> -> memref<10112x128xf32, #tpu.memory_space<vmem_shared>>
      tpu.enqueue_indirect_dma source(%arg13 : memref<64x128xf32, #tpu.memory_space<vmem>>) target(%dma_start3A_825 : memref<10112x128xf32, #tpu.memory_space<vmem_shared>>) offsets(%dma_start3A_822 : memref<64xi32, #tpu.memory_space<vmem>>) semaphore(%run_scoped3A_819 : memref<!tpu.dma_semaphore, #tpu.memory_space<semaphore_mem>>) {add = true}
      %dma_wait3A_826 = arith.constant 0 : i32
      %dma_wait3A_827 = tpu.memref_slice %arg8[%run_scoped3A_724, %dma_wait3A_826] : memref<20x64xi32, #tpu.memory_space<vmem>> -> memref<1x64xi32, #tpu.memory_space<vmem>>
      %dma_wait3A_828 = tpu.memref_squeeze %dma_wait3A_827 : memref<1x64xi32, #tpu.memory_space<vmem>> -> memref<64xi32, #tpu.memory_space<vmem>>
      %dma_wait3A_829 = arith.constant 0 : i32
      %dma_wait3A_830 = arith.constant 0 : i32
      %dma_wait3A_831 = tpu.memref_slice %arg6[%dma_wait3A_829, %dma_wait3A_830] : memref<10112x128xf32, #tpu.memory_space<vmem_shared>> -> memref<10112x128xf32, #tpu.memory_space<vmem_shared>>
      tpu.wait_indirect_dma semaphore(%run_scoped3A_819 : memref<!tpu.dma_semaphore, #tpu.memory_space<semaphore_mem>>) src(%arg13 : memref<64x128xf32, #tpu.memory_space<vmem>>) dst(%dma_wait3A_831 : memref<10112x128xf32, #tpu.memory_space<vmem_shared>>)
      tpu.yield
    }) : () -> ()
    %dma_wait3A_725 = arith.constant 19 : i32
    %dma_wait3A_726 = arith.constant 0 : i32
    %dma_wait3A_727 = tpu.memref_slice %arg7[%dma_wait3A_725, %dma_wait3A_726] : memref<20x64xi32, #tpu.memory_space<vmem>> -> memref<1x64xi32, #tpu.memory_space<vmem>>
    %dma_wait3A_728 = tpu.memref_squeeze %dma_wait3A_727 : memref<1x64xi32, #tpu.memory_space<vmem>> -> memref<64xi32, #tpu.memory_space<vmem>>
    %dma_wait3A_729 = arith.constant 0 : i32
    %dma_wait3A_730 = arith.constant 0 : i32
    %dma_wait3A_731 = tpu.memref_slice %arg2[%dma_wait3A_729, %dma_wait3A_730] : memref<10000x128xf32, #tpu.memory_space<hbm>> -> memref<10000x128xf32, #tpu.memory_space<hbm>>
    tpu.wait_indirect_dma semaphore(%arg19 : memref<!tpu.dma_semaphore, #tpu.memory_space<semaphore_mem>>) src(%dma_wait3A_731 : memref<10000x128xf32, #tpu.memory_space<hbm>>) dst(%arg14 : memref<64x128xf32, #tpu.memory_space<vmem>>)
    %run_scoped3A_732 = arith.constant 19 : i32
    "tpu.region"() ({
      %run_scoped3A_819 = tpu.sem_alloc : memref<!tpu.dma_semaphore, #tpu.memory_space<semaphore_mem>>
      %dma_start3A_820 = arith.constant 0 : i32
      %dma_start3A_821 = tpu.memref_slice %arg8[%run_scoped3A_732, %dma_start3A_820] : memref<20x64xi32, #tpu.memory_space<vmem>> -> memref<1x64xi32, #tpu.memory_space<vmem>>
      %dma_start3A_822 = tpu.memref_squeeze %dma_start3A_821 : memref<1x64xi32, #tpu.memory_space<vmem>> -> memref<64xi32, #tpu.memory_space<vmem>>
      %dma_start3A_823 = arith.constant 0 : i32
      %dma_start3A_824 = arith.constant 0 : i32
      %dma_start3A_825 = tpu.memref_slice %arg6[%dma_start3A_823, %dma_start3A_824] : memref<10112x128xf32, #tpu.memory_space<vmem_shared>> -> memref<10112x128xf32, #tpu.memory_space<vmem_shared>>
      tpu.enqueue_indirect_dma source(%arg14 : memref<64x128xf32, #tpu.memory_space<vmem>>) target(%dma_start3A_825 : memref<10112x128xf32, #tpu.memory_space<vmem_shared>>) offsets(%dma_start3A_822 : memref<64xi32, #tpu.memory_space<vmem>>) semaphore(%run_scoped3A_819 : memref<!tpu.dma_semaphore, #tpu.memory_space<semaphore_mem>>) {add = true}
      %dma_wait3A_826 = arith.constant 0 : i32
      %dma_wait3A_827 = tpu.memref_slice %arg8[%run_scoped3A_732, %dma_wait3A_826] : memref<20x64xi32, #tpu.memory_space<vmem>> -> memref<1x64xi32, #tpu.memory_space<vmem>>
      %dma_wait3A_828 = tpu.memref_squeeze %dma_wait3A_827 : memref<1x64xi32, #tpu.memory_space<vmem>> -> memref<64xi32, #tpu.memory_space<vmem>>
      %dma_wait3A_829 = arith.constant 0 : i32
      %dma_wait3A_830 = arith.constant 0 : i32
      %dma_wait3A_831 = tpu.memref_slice %arg6[%dma_wait3A_829, %dma_wait3A_830] : memref<10112x128xf32, #tpu.memory_space<vmem_shared>> -> memref<10112x128xf32, #tpu.memory_space<vmem_shared>>
      tpu.wait_indirect_dma semaphore(%run_scoped3A_819 : memref<!tpu.dma_semaphore, #tpu.memory_space<semaphore_mem>>) src(%arg14 : memref<64x128xf32, #tpu.memory_space<vmem>>) dst(%dma_wait3A_831 : memref<10112x128xf32, #tpu.memory_space<vmem_shared>>)
      tpu.yield
    }) : () -> ()
    %dma_wait3A_733 = arith.constant 7 : i32
    %dma_wait3A_734 = arith.constant 0 : i32
    %dma_wait3A_735 = arith.constant 0 : i32
    %dma_wait3A_736 = tpu.memref_slice %arg3[%add3A, %dma_wait3A_733, %dma_wait3A_734, %dma_wait3A_735] : memref<32x8x20x64xi32, #tpu.memory_space<hbm>> -> memref<1x1x20x64xi32, #tpu.memory_space<hbm>>
    %dma_wait3A_737 = tpu.memref_squeeze %dma_wait3A_736 : memref<1x1x20x64xi32, #tpu.memory_space<hbm>> -> memref<20x64xi32, #tpu.memory_space<hbm>>
    %dma_wait3A_738 = arith.constant 0 : i32
    %dma_wait3A_739 = arith.constant 0 : i32
    %dma_wait3A_740 = tpu.memref_slice %arg3[%add3A, %dma_wait3A_733, %dma_wait3A_738, %dma_wait3A_739] : memref<32x8x20x64xi32, #tpu.memory_space<hbm>> -> memref<1x1x20x64xi32, #tpu.memory_space<hbm>>
    %dma_wait3A_741 = tpu.memref_squeeze %dma_wait3A_740 : memref<1x1x20x64xi32, #tpu.memory_space<hbm>> -> memref<20x64xi32, #tpu.memory_space<hbm>>
    tpu.wait_dma2 semaphore(%arg21 : memref<!tpu.dma_semaphore, #tpu.memory_space<semaphore_mem>>) src(%dma_wait3A_741 : memref<20x64xi32, #tpu.memory_space<hbm>>) dst(%arg9 : memref<20x64xi32, #tpu.memory_space<vmem>>)
    %dma_wait3A_742 = arith.constant 7 : i32
    %dma_wait3A_743 = arith.constant 0 : i32
    %dma_wait3A_744 = arith.constant 0 : i32
    %dma_wait3A_745 = tpu.memref_slice %arg4[%add3A, %dma_wait3A_742, %dma_wait3A_743, %dma_wait3A_744] : memref<32x8x20x64xi32, #tpu.memory_space<hbm>> -> memref<1x1x20x64xi32, #tpu.memory_space<hbm>>
    %dma_wait3A_746 = tpu.memref_squeeze %dma_wait3A_745 : memref<1x1x20x64xi32, #tpu.memory_space<hbm>> -> memref<20x64xi32, #tpu.memory_space<hbm>>
    %dma_wait3A_747 = arith.constant 0 : i32
    %dma_wait3A_748 = arith.constant 0 : i32
    %dma_wait3A_749 = tpu.memref_slice %arg4[%add3A, %dma_wait3A_742, %dma_wait3A_747, %dma_wait3A_748] : memref<32x8x20x64xi32, #tpu.memory_space<hbm>> -> memref<1x1x20x64xi32, #tpu.memory_space<hbm>>
    %dma_wait3A_750 = tpu.memref_squeeze %dma_wait3A_749 : memref<1x1x20x64xi32, #tpu.memory_space<hbm>> -> memref<20x64xi32, #tpu.memory_space<hbm>>
    tpu.wait_dma2 semaphore(%arg21 : memref<!tpu.dma_semaphore, #tpu.memory_space<semaphore_mem>>) src(%dma_wait3A_750 : memref<20x64xi32, #tpu.memory_space<hbm>>) dst(%arg10 : memref<20x64xi32, #tpu.memory_space<vmem>>)
    %dma_start3A_751 = arith.constant 0 : i32
    %dma_start3A_752 = arith.constant 0 : i32
    %dma_start3A_753 = tpu.memref_slice %arg9[%dma_start3A_751, %dma_start3A_752] : memref<20x64xi32, #tpu.memory_space<vmem>> -> memref<1x64xi32, #tpu.memory_space<vmem>>
    %dma_start3A_754 = tpu.memref_squeeze %dma_start3A_753 : memref<1x64xi32, #tpu.memory_space<vmem>> -> memref<64xi32, #tpu.memory_space<vmem>>
    %dma_start3A_755 = arith.constant 0 : i32
    %dma_start3A_756 = arith.constant 0 : i32
    %dma_start3A_757 = tpu.memref_slice %arg2[%dma_start3A_755, %dma_start3A_756] : memref<10000x128xf32, #tpu.memory_space<hbm>> -> memref<10000x128xf32, #tpu.memory_space<hbm>>
    tpu.enqueue_indirect_dma source(%dma_start3A_757 : memref<10000x128xf32, #tpu.memory_space<hbm>>) target(%arg11 : memref<64x128xf32, #tpu.memory_space<vmem>>) offsets(%dma_start3A_754 : memref<64xi32, #tpu.memory_space<vmem>>) semaphore(%arg16 : memref<!tpu.dma_semaphore, #tpu.memory_space<semaphore_mem>>)
    %dma_start3A_758 = arith.constant 1 : i32
    %dma_start3A_759 = arith.constant 0 : i32
    %dma_start3A_760 = tpu.memref_slice %arg9[%dma_start3A_758, %dma_start3A_759] : memref<20x64xi32, #tpu.memory_space<vmem>> -> memref<1x64xi32, #tpu.memory_space<vmem>>
    %dma_start3A_761 = tpu.memref_squeeze %dma_start3A_760 : memref<1x64xi32, #tpu.memory_space<vmem>> -> memref<64xi32, #tpu.memory_space<vmem>>
    %dma_start3A_762 = arith.constant 0 : i32
    %dma_start3A_763 = arith.constant 0 : i32
    %dma_start3A_764 = tpu.memref_slice %arg2[%dma_start3A_762, %dma_start3A_763] : memref<10000x128xf32, #tpu.memory_space<hbm>> -> memref<10000x128xf32, #tpu.memory_space<hbm>>
    tpu.enqueue_indirect_dma source(%dma_start3A_764 : memref<10000x128xf32, #tpu.memory_space<hbm>>) target(%arg12 : memref<64x128xf32, #tpu.memory_space<vmem>>) offsets(%dma_start3A_761 : memref<64xi32, #tpu.memory_space<vmem>>) semaphore(%arg17 : memref<!tpu.dma_semaphore, #tpu.memory_space<semaphore_mem>>)
    %dma_start3A_765 = arith.constant 2 : i32
    %dma_start3A_766 = arith.constant 0 : i32
    %dma_start3A_767 = tpu.memref_slice %arg9[%dma_start3A_765, %dma_start3A_766] : memref<20x64xi32, #tpu.memory_space<vmem>> -> memref<1x64xi32, #tpu.memory_space<vmem>>
    %dma_start3A_768 = tpu.memref_squeeze %dma_start3A_767 : memref<1x64xi32, #tpu.memory_space<vmem>> -> memref<64xi32, #tpu.memory_space<vmem>>
    %dma_start3A_769 = arith.constant 0 : i32
    %dma_start3A_770 = arith.constant 0 : i32
    %dma_start3A_771 = tpu.memref_slice %arg2[%dma_start3A_769, %dma_start3A_770] : memref<10000x128xf32, #tpu.memory_space<hbm>> -> memref<10000x128xf32, #tpu.memory_space<hbm>>
    tpu.enqueue_indirect_dma source(%dma_start3A_771 : memref<10000x128xf32, #tpu.memory_space<hbm>>) target(%arg13 : memref<64x128xf32, #tpu.memory_space<vmem>>) offsets(%dma_start3A_768 : memref<64xi32, #tpu.memory_space<vmem>>) semaphore(%arg18 : memref<!tpu.dma_semaphore, #tpu.memory_space<semaphore_mem>>)
    %dma_start3A_772 = arith.constant 3 : i32
    %dma_start3A_773 = arith.constant 0 : i32
    %dma_start3A_774 = tpu.memref_slice %arg9[%dma_start3A_772, %dma_start3A_773] : memref<20x64xi32, #tpu.memory_space<vmem>> -> memref<1x64xi32, #tpu.memory_space<vmem>>
    %dma_start3A_775 = tpu.memref_squeeze %dma_start3A_774 : memref<1x64xi32, #tpu.memory_space<vmem>> -> memref<64xi32, #tpu.memory_space<vmem>>
    %dma_start3A_776 = arith.constant 0 : i32
    %dma_start3A_777 = arith.constant 0 : i32
    %dma_start3A_778 = tpu.memref_slice %arg2[%dma_start3A_776, %dma_start3A_777] : memref<10000x128xf32, #tpu.memory_space<hbm>> -> memref<10000x128xf32, #tpu.memory_space<hbm>>
    tpu.enqueue_indirect_dma source(%dma_start3A_778 : memref<10000x128xf32, #tpu.memory_space<hbm>>) target(%arg14 : memref<64x128xf32, #tpu.memory_space<vmem>>) offsets(%dma_start3A_775 : memref<64xi32, #tpu.memory_space<vmem>>) semaphore(%arg19 : memref<!tpu.dma_semaphore, #tpu.memory_space<semaphore_mem>>)
    %scan3A_779 = arith.constant 0 : i32
    %scan3A_780 = arith.constant 4 : i32
    %scan3A_781 = arith.addi %scan3A_779, %scan3A_780 : i32
    %scan3A_782 = arith.constant 1 : i32
    scf.for %scan3A_819 = %scan3A_779 to %scan3A_781 step %scan3A_782  : i32 {
      %mul3A_820 = arith.constant 4 : i32
      %mul3A_821 = arith.muli %scan3A_819, %mul3A_820 : i32
      %add3A_822 = arith.constant 0 : i32
      %add3A_823 = arith.addi %add3A_822, %mul3A_821 : i32
      %add3A_824 = arith.constant 0 : i32
      %add3A_825 = arith.addi %add3A_823, %add3A_824 : i32
      %dma_wait3A_826 = arith.constant 0 : i32
      %dma_wait3A_827 = tpu.memref_slice %arg9[%add3A_825, %dma_wait3A_826] : memref<20x64xi32, #tpu.memory_space<vmem>> -> memref<1x64xi32, #tpu.memory_space<vmem>>
      %dma_wait3A_828 = tpu.memref_squeeze %dma_wait3A_827 : memref<1x64xi32, #tpu.memory_space<vmem>> -> memref<64xi32, #tpu.memory_space<vmem>>
      %dma_wait3A_829 = arith.constant 0 : i32
      %dma_wait3A_830 = arith.constant 0 : i32
      %dma_wait3A_831 = tpu.memref_slice %arg2[%dma_wait3A_829, %dma_wait3A_830] : memref<10000x128xf32, #tpu.memory_space<hbm>> -> memref<10000x128xf32, #tpu.memory_space<hbm>>
      tpu.wait_indirect_dma semaphore(%arg16 : memref<!tpu.dma_semaphore, #tpu.memory_space<semaphore_mem>>) src(%dma_wait3A_831 : memref<10000x128xf32, #tpu.memory_space<hbm>>) dst(%arg11 : memref<64x128xf32, #tpu.memory_space<vmem>>)
      %add3A_832 = arith.constant 0 : i32
      %add3A_833 = arith.addi %add3A_823, %add3A_832 : i32
      "tpu.region"() ({
        %run_scoped3A_904 = tpu.sem_alloc : memref<!tpu.dma_semaphore, #tpu.memory_space<semaphore_mem>>
        %dma_start3A_905 = arith.constant 0 : i32
        %dma_start3A_906 = tpu.memref_slice %arg10[%add3A_833, %dma_start3A_905] : memref<20x64xi32, #tpu.memory_space<vmem>> -> memref<1x64xi32, #tpu.memory_space<vmem>>
        %dma_start3A_907 = tpu.memref_squeeze %dma_start3A_906 : memref<1x64xi32, #tpu.memory_space<vmem>> -> memref<64xi32, #tpu.memory_space<vmem>>
        %dma_start3A_908 = arith.constant 0 : i32
        %dma_start3A_909 = arith.constant 0 : i32
        %dma_start3A_910 = tpu.memref_slice %arg6[%dma_start3A_908, %dma_start3A_909] : memref<10112x128xf32, #tpu.memory_space<vmem_shared>> -> memref<10112x128xf32, #tpu.memory_space<vmem_shared>>
        tpu.enqueue_indirect_dma source(%arg11 : memref<64x128xf32, #tpu.memory_space<vmem>>) target(%dma_start3A_910 : memref<10112x128xf32, #tpu.memory_space<vmem_shared>>) offsets(%dma_start3A_907 : memref<64xi32, #tpu.memory_space<vmem>>) semaphore(%run_scoped3A_904 : memref<!tpu.dma_semaphore, #tpu.memory_space<semaphore_mem>>) {add = true}
        %dma_wait3A_911 = arith.constant 0 : i32
        %dma_wait3A_912 = tpu.memref_slice %arg10[%add3A_833, %dma_wait3A_911] : memref<20x64xi32, #tpu.memory_space<vmem>> -> memref<1x64xi32, #tpu.memory_space<vmem>>
        %dma_wait3A_913 = tpu.memref_squeeze %dma_wait3A_912 : memref<1x64xi32, #tpu.memory_space<vmem>> -> memref<64xi32, #tpu.memory_space<vmem>>
        %dma_wait3A_914 = arith.constant 0 : i32
        %dma_wait3A_915 = arith.constant 0 : i32
        %dma_wait3A_916 = tpu.memref_slice %arg6[%dma_wait3A_914, %dma_wait3A_915] : memref<10112x128xf32, #tpu.memory_space<vmem_shared>> -> memref<10112x128xf32, #tpu.memory_space<vmem_shared>>
        tpu.wait_indirect_dma semaphore(%run_scoped3A_904 : memref<!tpu.dma_semaphore, #tpu.memory_space<semaphore_mem>>) src(%arg11 : memref<64x128xf32, #tpu.memory_space<vmem>>) dst(%dma_wait3A_916 : memref<10112x128xf32, #tpu.memory_space<vmem_shared>>)
        tpu.yield
      }) : () -> ()
      %add3A_834 = arith.constant 4 : i32
      %add3A_835 = arith.addi %add3A_823, %add3A_834 : i32
      %add3A_836 = arith.constant 0 : i32
      %add3A_837 = arith.addi %add3A_835, %add3A_836 : i32
      %dma_start3A_838 = arith.constant 0 : i32
      %dma_start3A_839 = tpu.memref_slice %arg9[%add3A_837, %dma_start3A_838] : memref<20x64xi32, #tpu.memory_space<vmem>> -> memref<1x64xi32, #tpu.memory_space<vmem>>
      %dma_start3A_840 = tpu.memref_squeeze %dma_start3A_839 : memref<1x64xi32, #tpu.memory_space<vmem>> -> memref<64xi32, #tpu.memory_space<vmem>>
      %dma_start3A_841 = arith.constant 0 : i32
      %dma_start3A_842 = arith.constant 0 : i32
      %dma_start3A_843 = tpu.memref_slice %arg2[%dma_start3A_841, %dma_start3A_842] : memref<10000x128xf32, #tpu.memory_space<hbm>> -> memref<10000x128xf32, #tpu.memory_space<hbm>>
      tpu.enqueue_indirect_dma source(%dma_start3A_843 : memref<10000x128xf32, #tpu.memory_space<hbm>>) target(%arg11 : memref<64x128xf32, #tpu.memory_space<vmem>>) offsets(%dma_start3A_840 : memref<64xi32, #tpu.memory_space<vmem>>) semaphore(%arg16 : memref<!tpu.dma_semaphore, #tpu.memory_space<semaphore_mem>>)
      %add3A_844 = arith.constant 1 : i32
      %add3A_845 = arith.addi %add3A_823, %add3A_844 : i32
      %dma_wait3A_846 = arith.constant 0 : i32
      %dma_wait3A_847 = tpu.memref_slice %arg9[%add3A_845, %dma_wait3A_846] : memref<20x64xi32, #tpu.memory_space<vmem>> -> memref<1x64xi32, #tpu.memory_space<vmem>>
      %dma_wait3A_848 = tpu.memref_squeeze %dma_wait3A_847 : memref<1x64xi32, #tpu.memory_space<vmem>> -> memref<64xi32, #tpu.memory_space<vmem>>
      %dma_wait3A_849 = arith.constant 0 : i32
      %dma_wait3A_850 = arith.constant 0 : i32
      %dma_wait3A_851 = tpu.memref_slice %arg2[%dma_wait3A_849, %dma_wait3A_850] : memref<10000x128xf32, #tpu.memory_space<hbm>> -> memref<10000x128xf32, #tpu.memory_space<hbm>>
      tpu.wait_indirect_dma semaphore(%arg17 : memref<!tpu.dma_semaphore, #tpu.memory_space<semaphore_mem>>) src(%dma_wait3A_851 : memref<10000x128xf32, #tpu.memory_space<hbm>>) dst(%arg12 : memref<64x128xf32, #tpu.memory_space<vmem>>)
      %add3A_852 = arith.constant 1 : i32
      %add3A_853 = arith.addi %add3A_823, %add3A_852 : i32
      "tpu.region"() ({
        %run_scoped3A_904 = tpu.sem_alloc : memref<!tpu.dma_semaphore, #tpu.memory_space<semaphore_mem>>
        %dma_start3A_905 = arith.constant 0 : i32
        %dma_start3A_906 = tpu.memref_slice %arg10[%add3A_853, %dma_start3A_905] : memref<20x64xi32, #tpu.memory_space<vmem>> -> memref<1x64xi32, #tpu.memory_space<vmem>>
        %dma_start3A_907 = tpu.memref_squeeze %dma_start3A_906 : memref<1x64xi32, #tpu.memory_space<vmem>> -> memref<64xi32, #tpu.memory_space<vmem>>
        %dma_start3A_908 = arith.constant 0 : i32
        %dma_start3A_909 = arith.constant 0 : i32
        %dma_start3A_910 = tpu.memref_slice %arg6[%dma_start3A_908, %dma_start3A_909] : memref<10112x128xf32, #tpu.memory_space<vmem_shared>> -> memref<10112x128xf32, #tpu.memory_space<vmem_shared>>
        tpu.enqueue_indirect_dma source(%arg12 : memref<64x128xf32, #tpu.memory_space<vmem>>) target(%dma_start3A_910 : memref<10112x128xf32, #tpu.memory_space<vmem_shared>>) offsets(%dma_start3A_907 : memref<64xi32, #tpu.memory_space<vmem>>) semaphore(%run_scoped3A_904 : memref<!tpu.dma_semaphore, #tpu.memory_space<semaphore_mem>>) {add = true}
        %dma_wait3A_911 = arith.constant 0 : i32
        %dma_wait3A_912 = tpu.memref_slice %arg10[%add3A_853, %dma_wait3A_911] : memref<20x64xi32, #tpu.memory_space<vmem>> -> memref<1x64xi32, #tpu.memory_space<vmem>>
        %dma_wait3A_913 = tpu.memref_squeeze %dma_wait3A_912 : memref<1x64xi32, #tpu.memory_space<vmem>> -> memref<64xi32, #tpu.memory_space<vmem>>
        %dma_wait3A_914 = arith.constant 0 : i32
        %dma_wait3A_915 = arith.constant 0 : i32
        %dma_wait3A_916 = tpu.memref_slice %arg6[%dma_wait3A_914, %dma_wait3A_915] : memref<10112x128xf32, #tpu.memory_space<vmem_shared>> -> memref<10112x128xf32, #tpu.memory_space<vmem_shared>>
        tpu.wait_indirect_dma semaphore(%run_scoped3A_904 : memref<!tpu.dma_semaphore, #tpu.memory_space<semaphore_mem>>) src(%arg12 : memref<64x128xf32, #tpu.memory_space<vmem>>) dst(%dma_wait3A_916 : memref<10112x128xf32, #tpu.memory_space<vmem_shared>>)
        tpu.yield
      }) : () -> ()
      %add3A_854 = arith.constant 4 : i32
      %add3A_855 = arith.addi %add3A_823, %add3A_854 : i32
      %add3A_856 = arith.constant 1 : i32
      %add3A_857 = arith.addi %add3A_855, %add3A_856 : i32
      %dma_start3A_858 = arith.constant 0 : i32
      %dma_start3A_859 = tpu.memref_slice %arg9[%add3A_857, %dma_start3A_858] : memref<20x64xi32, #tpu.memory_space<vmem>> -> memref<1x64xi32, #tpu.memory_space<vmem>>
      %dma_start3A_860 = tpu.memref_squeeze %dma_start3A_859 : memref<1x64xi32, #tpu.memory_space<vmem>> -> memref<64xi32, #tpu.memory_space<vmem>>
      %dma_start3A_861 = arith.constant 0 : i32
      %dma_start3A_862 = arith.constant 0 : i32
      %dma_start3A_863 = tpu.memref_slice %arg2[%dma_start3A_861, %dma_start3A_862] : memref<10000x128xf32, #tpu.memory_space<hbm>> -> memref<10000x128xf32, #tpu.memory_space<hbm>>
      tpu.enqueue_indirect_dma source(%dma_start3A_863 : memref<10000x128xf32, #tpu.memory_space<hbm>>) target(%arg12 : memref<64x128xf32, #tpu.memory_space<vmem>>) offsets(%dma_start3A_860 : memref<64xi32, #tpu.memory_space<vmem>>) semaphore(%arg17 : memref<!tpu.dma_semaphore, #tpu.memory_space<semaphore_mem>>)
      %add3A_864 = arith.constant 2 : i32
      %add3A_865 = arith.addi %add3A_823, %add3A_864 : i32
      %dma_wait3A_866 = arith.constant 0 : i32
      %dma_wait3A_867 = tpu.memref_slice %arg9[%add3A_865, %dma_wait3A_866] : memref<20x64xi32, #tpu.memory_space<vmem>> -> memref<1x64xi32, #tpu.memory_space<vmem>>
      %dma_wait3A_868 = tpu.memref_squeeze %dma_wait3A_867 : memref<1x64xi32, #tpu.memory_space<vmem>> -> memref<64xi32, #tpu.memory_space<vmem>>
      %dma_wait3A_869 = arith.constant 0 : i32
      %dma_wait3A_870 = arith.constant 0 : i32
      %dma_wait3A_871 = tpu.memref_slice %arg2[%dma_wait3A_869, %dma_wait3A_870] : memref<10000x128xf32, #tpu.memory_space<hbm>> -> memref<10000x128xf32, #tpu.memory_space<hbm>>
      tpu.wait_indirect_dma semaphore(%arg18 : memref<!tpu.dma_semaphore, #tpu.memory_space<semaphore_mem>>) src(%dma_wait3A_871 : memref<10000x128xf32, #tpu.memory_space<hbm>>) dst(%arg13 : memref<64x128xf32, #tpu.memory_space<vmem>>)
      %add3A_872 = arith.constant 2 : i32
      %add3A_873 = arith.addi %add3A_823, %add3A_872 : i32
      "tpu.region"() ({
        %run_scoped3A_904 = tpu.sem_alloc : memref<!tpu.dma_semaphore, #tpu.memory_space<semaphore_mem>>
        %dma_start3A_905 = arith.constant 0 : i32
        %dma_start3A_906 = tpu.memref_slice %arg10[%add3A_873, %dma_start3A_905] : memref<20x64xi32, #tpu.memory_space<vmem>> -> memref<1x64xi32, #tpu.memory_space<vmem>>
        %dma_start3A_907 = tpu.memref_squeeze %dma_start3A_906 : memref<1x64xi32, #tpu.memory_space<vmem>> -> memref<64xi32, #tpu.memory_space<vmem>>
        %dma_start3A_908 = arith.constant 0 : i32
        %dma_start3A_909 = arith.constant 0 : i32
        %dma_start3A_910 = tpu.memref_slice %arg6[%dma_start3A_908, %dma_start3A_909] : memref<10112x128xf32, #tpu.memory_space<vmem_shared>> -> memref<10112x128xf32, #tpu.memory_space<vmem_shared>>
        tpu.enqueue_indirect_dma source(%arg13 : memref<64x128xf32, #tpu.memory_space<vmem>>) target(%dma_start3A_910 : memref<10112x128xf32, #tpu.memory_space<vmem_shared>>) offsets(%dma_start3A_907 : memref<64xi32, #tpu.memory_space<vmem>>) semaphore(%run_scoped3A_904 : memref<!tpu.dma_semaphore, #tpu.memory_space<semaphore_mem>>) {add = true}
        %dma_wait3A_911 = arith.constant 0 : i32
        %dma_wait3A_912 = tpu.memref_slice %arg10[%add3A_873, %dma_wait3A_911] : memref<20x64xi32, #tpu.memory_space<vmem>> -> memref<1x64xi32, #tpu.memory_space<vmem>>
        %dma_wait3A_913 = tpu.memref_squeeze %dma_wait3A_912 : memref<1x64xi32, #tpu.memory_space<vmem>> -> memref<64xi32, #tpu.memory_space<vmem>>
        %dma_wait3A_914 = arith.constant 0 : i32
        %dma_wait3A_915 = arith.constant 0 : i32
        %dma_wait3A_916 = tpu.memref_slice %arg6[%dma_wait3A_914, %dma_wait3A_915] : memref<10112x128xf32, #tpu.memory_space<vmem_shared>> -> memref<10112x128xf32, #tpu.memory_space<vmem_shared>>
        tpu.wait_indirect_dma semaphore(%run_scoped3A_904 : memref<!tpu.dma_semaphore, #tpu.memory_space<semaphore_mem>>) src(%arg13 : memref<64x128xf32, #tpu.memory_space<vmem>>) dst(%dma_wait3A_916 : memref<10112x128xf32, #tpu.memory_space<vmem_shared>>)
        tpu.yield
      }) : () -> ()
      %add3A_874 = arith.constant 4 : i32
      %add3A_875 = arith.addi %add3A_823, %add3A_874 : i32
      %add3A_876 = arith.constant 2 : i32
      %add3A_877 = arith.addi %add3A_875, %add3A_876 : i32
      %dma_start3A_878 = arith.constant 0 : i32
      %dma_start3A_879 = tpu.memref_slice %arg9[%add3A_877, %dma_start3A_878] : memref<20x64xi32, #tpu.memory_space<vmem>> -> memref<1x64xi32, #tpu.memory_space<vmem>>
      %dma_start3A_880 = tpu.memref_squeeze %dma_start3A_879 : memref<1x64xi32, #tpu.memory_space<vmem>> -> memref<64xi32, #tpu.memory_space<vmem>>
      %dma_start3A_881 = arith.constant 0 : i32
      %dma_start3A_882 = arith.constant 0 : i32
      %dma_start3A_883 = tpu.memref_slice %arg2[%dma_start3A_881, %dma_start3A_882] : memref<10000x128xf32, #tpu.memory_space<hbm>> -> memref<10000x128xf32, #tpu.memory_space<hbm>>
      tpu.enqueue_indirect_dma source(%dma_start3A_883 : memref<10000x128xf32, #tpu.memory_space<hbm>>) target(%arg13 : memref<64x128xf32, #tpu.memory_space<vmem>>) offsets(%dma_start3A_880 : memref<64xi32, #tpu.memory_space<vmem>>) semaphore(%arg18 : memref<!tpu.dma_semaphore, #tpu.memory_space<semaphore_mem>>)
      %add3A_884 = arith.constant 3 : i32
      %add3A_885 = arith.addi %add3A_823, %add3A_884 : i32
      %dma_wait3A_886 = arith.constant 0 : i32
      %dma_wait3A_887 = tpu.memref_slice %arg9[%add3A_885, %dma_wait3A_886] : memref<20x64xi32, #tpu.memory_space<vmem>> -> memref<1x64xi32, #tpu.memory_space<vmem>>
      %dma_wait3A_888 = tpu.memref_squeeze %dma_wait3A_887 : memref<1x64xi32, #tpu.memory_space<vmem>> -> memref<64xi32, #tpu.memory_space<vmem>>
      %dma_wait3A_889 = arith.constant 0 : i32
      %dma_wait3A_890 = arith.constant 0 : i32
      %dma_wait3A_891 = tpu.memref_slice %arg2[%dma_wait3A_889, %dma_wait3A_890] : memref<10000x128xf32, #tpu.memory_space<hbm>> -> memref<10000x128xf32, #tpu.memory_space<hbm>>
      tpu.wait_indirect_dma semaphore(%arg19 : memref<!tpu.dma_semaphore, #tpu.memory_space<semaphore_mem>>) src(%dma_wait3A_891 : memref<10000x128xf32, #tpu.memory_space<hbm>>) dst(%arg14 : memref<64x128xf32, #tpu.memory_space<vmem>>)
      %add3A_892 = arith.constant 3 : i32
      %add3A_893 = arith.addi %add3A_823, %add3A_892 : i32
      "tpu.region"() ({
        %run_scoped3A_904 = tpu.sem_alloc : memref<!tpu.dma_semaphore, #tpu.memory_space<semaphore_mem>>
        %dma_start3A_905 = arith.constant 0 : i32
        %dma_start3A_906 = tpu.memref_slice %arg10[%add3A_893, %dma_start3A_905] : memref<20x64xi32, #tpu.memory_space<vmem>> -> memref<1x64xi32, #tpu.memory_space<vmem>>
        %dma_start3A_907 = tpu.memref_squeeze %dma_start3A_906 : memref<1x64xi32, #tpu.memory_space<vmem>> -> memref<64xi32, #tpu.memory_space<vmem>>
        %dma_start3A_908 = arith.constant 0 : i32
        %dma_start3A_909 = arith.constant 0 : i32
        %dma_start3A_910 = tpu.memref_slice %arg6[%dma_start3A_908, %dma_start3A_909] : memref<10112x128xf32, #tpu.memory_space<vmem_shared>> -> memref<10112x128xf32, #tpu.memory_space<vmem_shared>>
        tpu.enqueue_indirect_dma source(%arg14 : memref<64x128xf32, #tpu.memory_space<vmem>>) target(%dma_start3A_910 : memref<10112x128xf32, #tpu.memory_space<vmem_shared>>) offsets(%dma_start3A_907 : memref<64xi32, #tpu.memory_space<vmem>>) semaphore(%run_scoped3A_904 : memref<!tpu.dma_semaphore, #tpu.memory_space<semaphore_mem>>) {add = true}
        %dma_wait3A_911 = arith.constant 0 : i32
        %dma_wait3A_912 = tpu.memref_slice %arg10[%add3A_893, %dma_wait3A_911] : memref<20x64xi32, #tpu.memory_space<vmem>> -> memref<1x64xi32, #tpu.memory_space<vmem>>
        %dma_wait3A_913 = tpu.memref_squeeze %dma_wait3A_912 : memref<1x64xi32, #tpu.memory_space<vmem>> -> memref<64xi32, #tpu.memory_space<vmem>>
        %dma_wait3A_914 = arith.constant 0 : i32
        %dma_wait3A_915 = arith.constant 0 : i32
        %dma_wait3A_916 = tpu.memref_slice %arg6[%dma_wait3A_914, %dma_wait3A_915] : memref<10112x128xf32, #tpu.memory_space<vmem_shared>> -> memref<10112x128xf32, #tpu.memory_space<vmem_shared>>
        tpu.wait_indirect_dma semaphore(%run_scoped3A_904 : memref<!tpu.dma_semaphore, #tpu.memory_space<semaphore_mem>>) src(%arg14 : memref<64x128xf32, #tpu.memory_space<vmem>>) dst(%dma_wait3A_916 : memref<10112x128xf32, #tpu.memory_space<vmem_shared>>)
        tpu.yield
      }) : () -> ()
      %add3A_894 = arith.constant 4 : i32
      %add3A_895 = arith.addi %add3A_823, %add3A_894 : i32
      %add3A_896 = arith.constant 3 : i32
      %add3A_897 = arith.addi %add3A_895, %add3A_896 : i32
      %dma_start3A_898 = arith.constant 0 : i32
      %dma_start3A_899 = tpu.memref_slice %arg9[%add3A_897, %dma_start3A_898] : memref<20x64xi32, #tpu.memory_space<vmem>> -> memref<1x64xi32, #tpu.memory_space<vmem>>
      %dma_start3A_900 = tpu.memref_squeeze %dma_start3A_899 : memref<1x64xi32, #tpu.memory_space<vmem>> -> memref<64xi32, #tpu.memory_space<vmem>>
      %dma_start3A_901 = arith.constant 0 : i32
      %dma_start3A_902 = arith.constant 0 : i32
      %dma_start3A_903 = tpu.memref_slice %arg2[%dma_start3A_901, %dma_start3A_902] : memref<10000x128xf32, #tpu.memory_space<hbm>> -> memref<10000x128xf32, #tpu.memory_space<hbm>>
      tpu.enqueue_indirect_dma source(%dma_start3A_903 : memref<10000x128xf32, #tpu.memory_space<hbm>>) target(%arg14 : memref<64x128xf32, #tpu.memory_space<vmem>>) offsets(%dma_start3A_900 : memref<64xi32, #tpu.memory_space<vmem>>) semaphore(%arg19 : memref<!tpu.dma_semaphore, #tpu.memory_space<semaphore_mem>>)
    }
    %scan3A_783 = arith.constant 4 : i32
    %dma_wait3A_784 = arith.constant 16 : i32
    %dma_wait3A_785 = arith.constant 0 : i32
    %dma_wait3A_786 = tpu.memref_slice %arg9[%dma_wait3A_784, %dma_wait3A_785] : memref<20x64xi32, #tpu.memory_space<vmem>> -> memref<1x64xi32, #tpu.memory_space<vmem>>
    %dma_wait3A_787 = tpu.memref_squeeze %dma_wait3A_786 : memref<1x64xi32, #tpu.memory_space<vmem>> -> memref<64xi32, #tpu.memory_space<vmem>>
    %dma_wait3A_788 = arith.constant 0 : i32
    %dma_wait3A_789 = arith.constant 0 : i32
    %dma_wait3A_790 = tpu.memref_slice %arg2[%dma_wait3A_788, %dma_wait3A_789] : memref<10000x128xf32, #tpu.memory_space<hbm>> -> memref<10000x128xf32, #tpu.memory_space<hbm>>
    tpu.wait_indirect_dma semaphore(%arg16 : memref<!tpu.dma_semaphore, #tpu.memory_space<semaphore_mem>>) src(%dma_wait3A_790 : memref<10000x128xf32, #tpu.memory_space<hbm>>) dst(%arg11 : memref<64x128xf32, #tpu.memory_space<vmem>>)
    %run_scoped3A_791 = arith.constant 16 : i32
    "tpu.region"() ({
      %run_scoped3A_819 = tpu.sem_alloc : memref<!tpu.dma_semaphore, #tpu.memory_space<semaphore_mem>>
      %dma_start3A_820 = arith.constant 0 : i32
      %dma_start3A_821 = tpu.memref_slice %arg10[%run_scoped3A_791, %dma_start3A_820] : memref<20x64xi32, #tpu.memory_space<vmem>> -> memref<1x64xi32, #tpu.memory_space<vmem>>
      %dma_start3A_822 = tpu.memref_squeeze %dma_start3A_821 : memref<1x64xi32, #tpu.memory_space<vmem>> -> memref<64xi32, #tpu.memory_space<vmem>>
      %dma_start3A_823 = arith.constant 0 : i32
      %dma_start3A_824 = arith.constant 0 : i32
      %dma_start3A_825 = tpu.memref_slice %arg6[%dma_start3A_823, %dma_start3A_824] : memref<10112x128xf32, #tpu.memory_space<vmem_shared>> -> memref<10112x128xf32, #tpu.memory_space<vmem_shared>>
      tpu.enqueue_indirect_dma source(%arg11 : memref<64x128xf32, #tpu.memory_space<vmem>>) target(%dma_start3A_825 : memref<10112x128xf32, #tpu.memory_space<vmem_shared>>) offsets(%dma_start3A_822 : memref<64xi32, #tpu.memory_space<vmem>>) semaphore(%run_scoped3A_819 : memref<!tpu.dma_semaphore, #tpu.memory_space<semaphore_mem>>) {add = true}
      %dma_wait3A_826 = arith.constant 0 : i32
      %dma_wait3A_827 = tpu.memref_slice %arg10[%run_scoped3A_791, %dma_wait3A_826] : memref<20x64xi32, #tpu.memory_space<vmem>> -> memref<1x64xi32, #tpu.memory_space<vmem>>
      %dma_wait3A_828 = tpu.memref_squeeze %dma_wait3A_827 : memref<1x64xi32, #tpu.memory_space<vmem>> -> memref<64xi32, #tpu.memory_space<vmem>>
      %dma_wait3A_829 = arith.constant 0 : i32
      %dma_wait3A_830 = arith.constant 0 : i32
      %dma_wait3A_831 = tpu.memref_slice %arg6[%dma_wait3A_829, %dma_wait3A_830] : memref<10112x128xf32, #tpu.memory_space<vmem_shared>> -> memref<10112x128xf32, #tpu.memory_space<vmem_shared>>
      tpu.wait_indirect_dma semaphore(%run_scoped3A_819 : memref<!tpu.dma_semaphore, #tpu.memory_space<semaphore_mem>>) src(%arg11 : memref<64x128xf32, #tpu.memory_space<vmem>>) dst(%dma_wait3A_831 : memref<10112x128xf32, #tpu.memory_space<vmem_shared>>)
      tpu.yield
    }) : () -> ()
    %dma_wait3A_792 = arith.constant 17 : i32
    %dma_wait3A_793 = arith.constant 0 : i32
    %dma_wait3A_794 = tpu.memref_slice %arg9[%dma_wait3A_792, %dma_wait3A_793] : memref<20x64xi32, #tpu.memory_space<vmem>> -> memref<1x64xi32, #tpu.memory_space<vmem>>
    %dma_wait3A_795 = tpu.memref_squeeze %dma_wait3A_794 : memref<1x64xi32, #tpu.memory_space<vmem>> -> memref<64xi32, #tpu.memory_space<vmem>>
    %dma_wait3A_796 = arith.constant 0 : i32
    %dma_wait3A_797 = arith.constant 0 : i32
    %dma_wait3A_798 = tpu.memref_slice %arg2[%dma_wait3A_796, %dma_wait3A_797] : memref<10000x128xf32, #tpu.memory_space<hbm>> -> memref<10000x128xf32, #tpu.memory_space<hbm>>
    tpu.wait_indirect_dma semaphore(%arg17 : memref<!tpu.dma_semaphore, #tpu.memory_space<semaphore_mem>>) src(%dma_wait3A_798 : memref<10000x128xf32, #tpu.memory_space<hbm>>) dst(%arg12 : memref<64x128xf32, #tpu.memory_space<vmem>>)
    %run_scoped3A_799 = arith.constant 17 : i32
    "tpu.region"() ({
      %run_scoped3A_819 = tpu.sem_alloc : memref<!tpu.dma_semaphore, #tpu.memory_space<semaphore_mem>>
      %dma_start3A_820 = arith.constant 0 : i32
      %dma_start3A_821 = tpu.memref_slice %arg10[%run_scoped3A_799, %dma_start3A_820] : memref<20x64xi32, #tpu.memory_space<vmem>> -> memref<1x64xi32, #tpu.memory_space<vmem>>
      %dma_start3A_822 = tpu.memref_squeeze %dma_start3A_821 : memref<1x64xi32, #tpu.memory_space<vmem>> -> memref<64xi32, #tpu.memory_space<vmem>>
      %dma_start3A_823 = arith.constant 0 : i32
      %dma_start3A_824 = arith.constant 0 : i32
      %dma_start3A_825 = tpu.memref_slice %arg6[%dma_start3A_823, %dma_start3A_824] : memref<10112x128xf32, #tpu.memory_space<vmem_shared>> -> memref<10112x128xf32, #tpu.memory_space<vmem_shared>>
      tpu.enqueue_indirect_dma source(%arg12 : memref<64x128xf32, #tpu.memory_space<vmem>>) target(%dma_start3A_825 : memref<10112x128xf32, #tpu.memory_space<vmem_shared>>) offsets(%dma_start3A_822 : memref<64xi32, #tpu.memory_space<vmem>>) semaphore(%run_scoped3A_819 : memref<!tpu.dma_semaphore, #tpu.memory_space<semaphore_mem>>) {add = true}
      %dma_wait3A_826 = arith.constant 0 : i32
      %dma_wait3A_827 = tpu.memref_slice %arg10[%run_scoped3A_799, %dma_wait3A_826] : memref<20x64xi32, #tpu.memory_space<vmem>> -> memref<1x64xi32, #tpu.memory_space<vmem>>
      %dma_wait3A_828 = tpu.memref_squeeze %dma_wait3A_827 : memref<1x64xi32, #tpu.memory_space<vmem>> -> memref<64xi32, #tpu.memory_space<vmem>>
      %dma_wait3A_829 = arith.constant 0 : i32
      %dma_wait3A_830 = arith.constant 0 : i32
      %dma_wait3A_831 = tpu.memref_slice %arg6[%dma_wait3A_829, %dma_wait3A_830] : memref<10112x128xf32, #tpu.memory_space<vmem_shared>> -> memref<10112x128xf32, #tpu.memory_space<vmem_shared>>
      tpu.wait_indirect_dma semaphore(%run_scoped3A_819 : memref<!tpu.dma_semaphore, #tpu.memory_space<semaphore_mem>>) src(%arg12 : memref<64x128xf32, #tpu.memory_space<vmem>>) dst(%dma_wait3A_831 : memref<10112x128xf32, #tpu.memory_space<vmem_shared>>)
      tpu.yield
    }) : () -> ()
    %dma_wait3A_800 = arith.constant 18 : i32
    %dma_wait3A_801 = arith.constant 0 : i32
    %dma_wait3A_802 = tpu.memref_slice %arg9[%dma_wait3A_800, %dma_wait3A_801] : memref<20x64xi32, #tpu.memory_space<vmem>> -> memref<1x64xi32, #tpu.memory_space<vmem>>
    %dma_wait3A_803 = tpu.memref_squeeze %dma_wait3A_802 : memref<1x64xi32, #tpu.memory_space<vmem>> -> memref<64xi32, #tpu.memory_space<vmem>>
    %dma_wait3A_804 = arith.constant 0 : i32
    %dma_wait3A_805 = arith.constant 0 : i32
    %dma_wait3A_806 = tpu.memref_slice %arg2[%dma_wait3A_804, %dma_wait3A_805] : memref<10000x128xf32, #tpu.memory_space<hbm>> -> memref<10000x128xf32, #tpu.memory_space<hbm>>
    tpu.wait_indirect_dma semaphore(%arg18 : memref<!tpu.dma_semaphore, #tpu.memory_space<semaphore_mem>>) src(%dma_wait3A_806 : memref<10000x128xf32, #tpu.memory_space<hbm>>) dst(%arg13 : memref<64x128xf32, #tpu.memory_space<vmem>>)
    %run_scoped3A_807 = arith.constant 18 : i32
    "tpu.region"() ({
      %run_scoped3A_819 = tpu.sem_alloc : memref<!tpu.dma_semaphore, #tpu.memory_space<semaphore_mem>>
      %dma_start3A_820 = arith.constant 0 : i32
      %dma_start3A_821 = tpu.memref_slice %arg10[%run_scoped3A_807, %dma_start3A_820] : memref<20x64xi32, #tpu.memory_space<vmem>> -> memref<1x64xi32, #tpu.memory_space<vmem>>
      %dma_start3A_822 = tpu.memref_squeeze %dma_start3A_821 : memref<1x64xi32, #tpu.memory_space<vmem>> -> memref<64xi32, #tpu.memory_space<vmem>>
      %dma_start3A_823 = arith.constant 0 : i32
      %dma_start3A_824 = arith.constant 0 : i32
      %dma_start3A_825 = tpu.memref_slice %arg6[%dma_start3A_823, %dma_start3A_824] : memref<10112x128xf32, #tpu.memory_space<vmem_shared>> -> memref<10112x128xf32, #tpu.memory_space<vmem_shared>>
      tpu.enqueue_indirect_dma source(%arg13 : memref<64x128xf32, #tpu.memory_space<vmem>>) target(%dma_start3A_825 : memref<10112x128xf32, #tpu.memory_space<vmem_shared>>) offsets(%dma_start3A_822 : memref<64xi32, #tpu.memory_space<vmem>>) semaphore(%run_scoped3A_819 : memref<!tpu.dma_semaphore, #tpu.memory_space<semaphore_mem>>) {add = true}
      %dma_wait3A_826 = arith.constant 0 : i32
      %dma_wait3A_827 = tpu.memref_slice %arg10[%run_scoped3A_807, %dma_wait3A_826] : memref<20x64xi32, #tpu.memory_space<vmem>> -> memref<1x64xi32, #tpu.memory_space<vmem>>
      %dma_wait3A_828 = tpu.memref_squeeze %dma_wait3A_827 : memref<1x64xi32, #tpu.memory_space<vmem>> -> memref<64xi32, #tpu.memory_space<vmem>>
      %dma_wait3A_829 = arith.constant 0 : i32
      %dma_wait3A_830 = arith.constant 0 : i32
      %dma_wait3A_831 = tpu.memref_slice %arg6[%dma_wait3A_829, %dma_wait3A_830] : memref<10112x128xf32, #tpu.memory_space<vmem_shared>> -> memref<10112x128xf32, #tpu.memory_space<vmem_shared>>
      tpu.wait_indirect_dma semaphore(%run_scoped3A_819 : memref<!tpu.dma_semaphore, #tpu.memory_space<semaphore_mem>>) src(%arg13 : memref<64x128xf32, #tpu.memory_space<vmem>>) dst(%dma_wait3A_831 : memref<10112x128xf32, #tpu.memory_space<vmem_shared>>)
      tpu.yield
    }) : () -> ()
    %dma_wait3A_808 = arith.constant 19 : i32
    %dma_wait3A_809 = arith.constant 0 : i32
    %dma_wait3A_810 = tpu.memref_slice %arg9[%dma_wait3A_808, %dma_wait3A_809] : memref<20x64xi32, #tpu.memory_space<vmem>> -> memref<1x64xi32, #tpu.memory_space<vmem>>
    %dma_wait3A_811 = tpu.memref_squeeze %dma_wait3A_810 : memref<1x64xi32, #tpu.memory_space<vmem>> -> memref<64xi32, #tpu.memory_space<vmem>>
    %dma_wait3A_812 = arith.constant 0 : i32
    %dma_wait3A_813 = arith.constant 0 : i32
    %dma_wait3A_814 = tpu.memref_slice %arg2[%dma_wait3A_812, %dma_wait3A_813] : memref<10000x128xf32, #tpu.memory_space<hbm>> -> memref<10000x128xf32, #tpu.memory_space<hbm>>
    tpu.wait_indirect_dma semaphore(%arg19 : memref<!tpu.dma_semaphore, #tpu.memory_space<semaphore_mem>>) src(%dma_wait3A_814 : memref<10000x128xf32, #tpu.memory_space<hbm>>) dst(%arg14 : memref<64x128xf32, #tpu.memory_space<vmem>>)
    %run_scoped3A_815 = arith.constant 19 : i32
    "tpu.region"() ({
      %run_scoped3A_819 = tpu.sem_alloc : memref<!tpu.dma_semaphore, #tpu.memory_space<semaphore_mem>>
      %dma_start3A_820 = arith.constant 0 : i32
      %dma_start3A_821 = tpu.memref_slice %arg10[%run_scoped3A_815, %dma_start3A_820] : memref<20x64xi32, #tpu.memory_space<vmem>> -> memref<1x64xi32, #tpu.memory_space<vmem>>
      %dma_start3A_822 = tpu.memref_squeeze %dma_start3A_821 : memref<1x64xi32, #tpu.memory_space<vmem>> -> memref<64xi32, #tpu.memory_space<vmem>>
      %dma_start3A_823 = arith.constant 0 : i32
      %dma_start3A_824 = arith.constant 0 : i32
      %dma_start3A_825 = tpu.memref_slice %arg6[%dma_start3A_823, %dma_start3A_824] : memref<10112x128xf32, #tpu.memory_space<vmem_shared>> -> memref<10112x128xf32, #tpu.memory_space<vmem_shared>>
      tpu.enqueue_indirect_dma source(%arg14 : memref<64x128xf32, #tpu.memory_space<vmem>>) target(%dma_start3A_825 : memref<10112x128xf32, #tpu.memory_space<vmem_shared>>) offsets(%dma_start3A_822 : memref<64xi32, #tpu.memory_space<vmem>>) semaphore(%run_scoped3A_819 : memref<!tpu.dma_semaphore, #tpu.memory_space<semaphore_mem>>) {add = true}
      %dma_wait3A_826 = arith.constant 0 : i32
      %dma_wait3A_827 = tpu.memref_slice %arg10[%run_scoped3A_815, %dma_wait3A_826] : memref<20x64xi32, #tpu.memory_space<vmem>> -> memref<1x64xi32, #tpu.memory_space<vmem>>
      %dma_wait3A_828 = tpu.memref_squeeze %dma_wait3A_827 : memref<1x64xi32, #tpu.memory_space<vmem>> -> memref<64xi32, #tpu.memory_space<vmem>>
      %dma_wait3A_829 = arith.constant 0 : i32
      %dma_wait3A_830 = arith.constant 0 : i32
      %dma_wait3A_831 = tpu.memref_slice %arg6[%dma_wait3A_829, %dma_wait3A_830] : memref<10112x128xf32, #tpu.memory_space<vmem_shared>> -> memref<10112x128xf32, #tpu.memory_space<vmem_shared>>
      tpu.wait_indirect_dma semaphore(%run_scoped3A_819 : memref<!tpu.dma_semaphore, #tpu.memory_space<semaphore_mem>>) src(%arg14 : memref<64x128xf32, #tpu.memory_space<vmem>>) dst(%dma_wait3A_831 : memref<10112x128xf32, #tpu.memory_space<vmem_shared>>)
      tpu.yield
    }) : () -> ()
    %barrier3A_816 = arith.constant 0 : index
    tpu.barrier barrier_id(%barrier3A_816)
    %mul3A_817 = arith.constant 632 : i32
    %mul3A_818 = arith.muli %arg1, %mul3A_817 : i32
    "tpu.region"() ({
      %run_scoped3A_819 = tpu.sem_alloc : memref<!tpu.dma_semaphore, #tpu.memory_space<semaphore_mem>>
      %dma_start3A_820 = arith.constant 0 : i32
      %dma_start3A_821 = tpu.memref_slice %arg5[%arg0, %mul3A_818, %dma_start3A_820] : memref<2x10112x128xf32, #tpu.memory_space<hbm>> -> memref<1x632x128xf32, #tpu.memory_space<hbm>>
      %dma_start3A_822 = tpu.memref_squeeze %dma_start3A_821 : memref<1x632x128xf32, #tpu.memory_space<hbm>> -> memref<632x128xf32, #tpu.memory_space<hbm>>
      %dma_start3A_823 = arith.constant 0 : i32
      %dma_start3A_824 = tpu.memref_slice %arg6[%mul3A_818, %dma_start3A_823] : memref<10112x128xf32, #tpu.memory_space<vmem_shared>> -> memref<632x128xf32, #tpu.memory_space<vmem_shared>>
      tpu.enqueue_dma source(%dma_start3A_824 : memref<632x128xf32, #tpu.memory_space<vmem_shared>>) target(%dma_start3A_822 : memref<632x128xf32, #tpu.memory_space<hbm>>) target_semaphore(%run_scoped3A_819 : memref<!tpu.dma_semaphore, #tpu.memory_space<semaphore_mem>>)
      %dma_wait3A_825 = arith.constant 0 : i32
      %dma_wait3A_826 = tpu.memref_slice %arg5[%arg0, %mul3A_818, %dma_wait3A_825] : memref<2x10112x128xf32, #tpu.memory_space<hbm>> -> memref<1x632x128xf32, #tpu.memory_space<hbm>>
      %dma_wait3A_827 = tpu.memref_squeeze %dma_wait3A_826 : memref<1x632x128xf32, #tpu.memory_space<hbm>> -> memref<632x128xf32, #tpu.memory_space<hbm>>
      %dma_wait3A_828 = arith.constant 0 : i32
      %dma_wait3A_829 = tpu.memref_slice %arg6[%mul3A_818, %dma_wait3A_828] : memref<10112x128xf32, #tpu.memory_space<vmem_shared>> -> memref<632x128xf32, #tpu.memory_space<vmem_shared>>
      tpu.wait_dma2 semaphore(%run_scoped3A_819 : memref<!tpu.dma_semaphore, #tpu.memory_space<semaphore_mem>>) src(%dma_wait3A_829 : memref<632x128xf32, #tpu.memory_space<vmem_shared>>) dst(%dma_wait3A_827 : memref<632x128xf32, #tpu.memory_space<hbm>>)
      tpu.yield
    }) : () -> ()
    return
  }
}

module attributes {stable_mosaic.version = 14 : i64} {
  func.func @body(%arg0: i32, %arg1: memref<2000x128xf32, #tpu.memory_space<vmem>>, %arg2: memref<128x128xf32, #tpu.memory_space<vmem>>, %arg3: memref<1x128xf32, #tpu.memory_space<vmem>>, %arg4: memref<2000x128xf32, #tpu.memory_space<vmem>>) attributes {dimension_semantics = [#tpu.dimension_semantics<arbitrary>], iteration_bounds = array<i64: 5>, scalar_prefetch = 0 : i64, scratch_operands = 0 : i64, tpu.core_type = #tpu.core_type<tc>, window_params = [{transform_indices = @transform_0, window_bounds = array<i64: 2000, 128>}, {pipeline_mode = #tpu.pipeline_mode<synchronous>, transform_indices = @transform_1, window_bounds = array<i64: 128, 128>}, {pipeline_mode = #tpu.pipeline_mode<synchronous>, transform_indices = @transform_2, window_bounds = array<i64: 1, 128>}, {transform_indices = @transform_3, window_bounds = array<i64: 2000, 128>}]} {
    %get3A = arith.constant 0 : index
    %get3A_0 = arith.constant 0 : index
    %get3A_1 = vector.load %arg1[%get3A, %get3A_0] : memref<2000x128xf32, #tpu.memory_space<vmem>>, vector<2000x128xf32>
    %convert_element_type3A = arith.truncf %get3A_1 : vector<2000x128xf32> to vector<2000x128xbf16>
    %get3A_2 = arith.constant 0 : index
    %get3A_3 = arith.constant 0 : index
    %get3A_4 = vector.load %arg2[%get3A_2, %get3A_3] : memref<128x128xf32, #tpu.memory_space<vmem>>, vector<128x128xf32>
    %convert_element_type3A_5 = arith.truncf %get3A_4 : vector<128x128xf32> to vector<128x128xbf16>
    %dot_general3A = arith.constant dense<0.000000e+00> : vector<2000x128xf32>
    %dot_general3A_6 = tpu.matmul %convert_element_type3A, %convert_element_type3A_5, %dot_general3A {dimension_numbers = #tpu.dot_dimension_numbers<[1], [0], [0], [1], [0, 0, 1, 1], [], []>, transpose_lhs_hint = false} : vector<2000x128xbf16>, vector<128x128xbf16>, vector<2000x128xf32> -> vector<2000x128xf32>
    %get3A_7 = arith.constant 0 : index
    %get3A_8 = arith.constant 0 : index
    %get3A_9 = vector.load %arg3[%get3A_7, %get3A_8] : memref<1x128xf32, #tpu.memory_space<vmem>>, vector<1x128xf32>
    %add3A = vector.broadcast %get3A_9 : vector<1x128xf32> to vector<2000x128xf32>
    %add3A_10 = arith.addf %dot_general3A_6, %add3A : vector<2000x128xf32>
    %max3A = arith.constant 0.000000e+00 : f32
    %max3A_11 = vector.broadcast %max3A : f32 to vector<2000x128xf32>
    %max3A_12 = arith.maximumf %add3A_10, %max3A_11 : vector<2000x128xf32>
    %swap3A = arith.constant 0 : index
    %swap3A_13 = arith.constant 0 : index
    %swap3A_14 = vector.load %arg4[%swap3A, %swap3A_13] : memref<2000x128xf32, #tpu.memory_space<vmem>>, vector<2000x128xf32>
    tpu.vector_store %arg4[%swap3A, %swap3A_13], %max3A_12 {strides = array<i32>} : memref<2000x128xf32, #tpu.memory_space<vmem>>, vector<2000x128xf32>,
    return
  }
  func.func @transform_0(%arg0: i32) -> (i32, i32) {
    %c0_i32 = arith.constant 0 : i32
    %c0_i32_0 = arith.constant 0 : i32
    return %arg0, %c0_i32 : i32, i32
  }
  func.func @transform_1(%arg0: i32) -> (i32, i32) {
    %c0_i32 = arith.constant 0 : i32
    %c0_i32_0 = arith.constant 0 : i32
    %c0_i32_1 = arith.constant 0 : i32
    return %c0_i32, %c0_i32_0 : i32, i32
  }
  func.func @transform_2(%arg0: i32) -> (i32, i32) {
    %c0_i32 = arith.constant 0 : i32
    %c0_i32_0 = arith.constant 0 : i32
    %c0_i32_1 = arith.constant 0 : i32
    return %c0_i32, %c0_i32_0 : i32, i32
  }
  func.func @transform_3(%arg0: i32) -> (i32, i32) {
    %c0_i32 = arith.constant 0 : i32
    %c0_i32_0 = arith.constant 0 : i32
    return %arg0, %c0_i32 : i32, i32
  }
}

module attributes {stable_mosaic.version = 14 : i64} {
  func.func @body(%arg0: i32, %arg1: memref<2x2000x128xf32, #tpu.memory_space<vmem>>, %arg2: memref<2000x128xf32, #tpu.memory_space<vmem>>) attributes {dimension_semantics = [#tpu.dimension_semantics<arbitrary>], iteration_bounds = array<i64: 5>, scalar_prefetch = 0 : i64, scratch_operands = 0 : i64, tpu.core_type = #tpu.core_type<tc>, window_params = [{transform_indices = @transform_0, window_bounds = array<i64: 2, 2000, 128>}, {transform_indices = @transform_1, window_bounds = array<i64: 2000, 128>}]} {
    %get3A = arith.constant 0 : index
    %get3A_0 = arith.constant 0 : index
    %get3A_1 = arith.constant 0 : index
    %get3A_2 = vector.load %arg1[%get3A, %get3A_0, %get3A_1] : memref<2x2000x128xf32, #tpu.memory_space<vmem>>, vector<1x2000x128xf32>
    %get3A_3 = vector.shape_cast %get3A_2 : vector<1x2000x128xf32> to vector<2000x128xf32>
    %get3A_4 = arith.constant 1 : index
    %get3A_5 = arith.constant 0 : index
    %get3A_6 = arith.constant 0 : index
    %get3A_7 = vector.load %arg1[%get3A_4, %get3A_5, %get3A_6] : memref<2x2000x128xf32, #tpu.memory_space<vmem>>, vector<1x2000x128xf32>
    %get3A_8 = vector.shape_cast %get3A_7 : vector<1x2000x128xf32> to vector<2000x128xf32>
    %add3A = arith.addf %get3A_3, %get3A_8 : vector<2000x128xf32>
    %swap3A = arith.constant 0 : index
    %swap3A_9 = arith.constant 0 : index
    %swap3A_10 = vector.load %arg2[%swap3A, %swap3A_9] : memref<2000x128xf32, #tpu.memory_space<vmem>>, vector<2000x128xf32>
    tpu.vector_store %arg2[%swap3A, %swap3A_9], %add3A {strides = array<i32>} : memref<2000x128xf32, #tpu.memory_space<vmem>>, vector<2000x128xf32>,
    return
  }
  func.func @transform_0(%arg0: i32) -> (i32, i32, i32) {
    %c0_i32 = arith.constant 0 : i32
    %c0_i32_0 = arith.constant 0 : i32
    %c0_i32_1 = arith.constant 0 : i32
    return %c0_i32, %arg0, %c0_i32_0 : i32, i32, i32
  }
  func.func @transform_1(%arg0: i32) -> (i32, i32) {
    %c0_i32 = arith.constant 0 : i32
    %c0_i32_0 = arith.constant 0 : i32
    return %arg0, %c0_i32 : i32, i32
  }
}

</mosaic_0001>

<sc_bundles>
// kernel: kernel.6.cloned.1.call-start
scs
__scs_entry_jumppad:
0x0: {  	(pc) =	sbr.rel $0x88, $3  }
0x1: {  	(tag) =	ssettag $0x0;
	lr =	simm.s32 $0x1  }
0x2: {  	[smem:$0x3F9C] =	sst lr;
	_ =	strace $0xD0000000  }
0x3: {  	_ = 	snop  }
0x4: {  	_ = 	snop  }
0x5: {  	_ = 	snop  }
0x6: {  	_ = 	snop  }
0x7: {  	_ = 	snop  }
__scs_overlays_trampoline_lowered:
0x8: {  	[smem:$0x3FAB] =	sst s0  }
0x9: {  	[smem:$0x3FAC] =	sst s1  }
0xa: {  	[smem:$0x3FAD] =	sst s2  }
0xb: {  	[smem:$0x3FAE] =	sst s3  }
0xc: {  	[smem:$0x3FAF] =	sst s4  }
0xd: {  	[smem:$0x3FB0] =	sst s5  }
0xe: {  	[smem:$0x3FB1] =	sst s6  }
0xf: {  	[smem:$0x3FB2] =	sst s7  }
0x10: {  	[smem:$0x3FB3] =	sst s8  }
0x11: {  	[smem:$0x3FB4] =	sst s9;
	s0 =	simm.s32 @!p0 $0x0  }
0x12: {  	s1 =	sld [smem:$0x3F9A];
	s0 =	simm.s32 @p0 $0x1  }
0x13: {  	[smem:$0x3FB5] =	sst s0;
	s0 =	simm.s32 @!p1 $0x0  }
0x14: {  	s2 =	sld [smem:$0x3F99];
	s0 =	simm.s32 @p1 $0x1  }
0x15: {  	[smem:$0x3FB6] =	sst s0;
	s0 =	simm.s32 @!p2 $0x0  }
0x16: {  	s3 =	sld [smem:$0x3FDB];
	s0 =	simm.s32 @p2 $0x1  }
0x17: {  	s4 =	simm.s32 $0x1BF5;
	[smem:$0x3FB8] =	sst s0  }
0x18: {  	s0 =	sld [smem:$0x3F9B];
	_ =	swait.ge [sflag:s4], $0x0  }
0x19: {  	s7 =	sld [smem:$0x3F9C]  }
0x1a: {  	s8 =	sadd.s32 $0xFFFFE003, lr  }
0x1b: {  	s9 =	sadd.s32 $0xFFFFFEF7, lr;
	s5 =	simm.s32 $0xFFFFFFFF;
	p2 =	slt.u32 s8, $0xFFFFF086  }
0x1c: {  	p1 =	slt.u32 s9, $0xF7A;
	s5 =	simm.s32 @!p2 $0x0  }
0x1d: {  	s5 =	simm.s32 @p1 $0x1;
	p0 =	seq.s32 s7, s2  }
0x1e: {  	s7 =	smul.u32 @!p0 $0xF7A, s2;
	p2 =	seq.s32 @!p0 s5, $0x0  }
0x1f: {  	s9 =	smul.u32 $0xF7A, s1;
	s8 =	simm.s32 @!p0 $0x1BF5;
	p2 =	por !p2, p0  }
0x20: {  	[sflag:s8] =	ssyncset.s32 @!p0 $0xFFFFF086;
	s6 =	sadd.s32 @!p0 s3, s7;
	s7 =	simm.s32 @!p0 $0x108  }
0x21: {  	s3 =	sadd.s32 s3, s9;
	s6 =	sadd.s32 @!p0 $0x88, s6;
	s7 =	simm.s32 @p2 $0x1082  }
0x22: {  	[simem:s7], [sflag:s8] =	dma.local @!p0 [hbm:s6], $0xF7A  }
0x23: {  	s9 =	sor.u32 $0xD0000000, s2;
	s6 =	simm.s32 $0x108;
	_ =	swait.ge @!p0 [sflag:s8], $0x0  }
0x24: {  	s3 =	sadd.s32 $0x88, s3;
	s6 =	simm.s32 @!p1 $0x1082;
	[sflag:s4] =	ssyncset.s32 $0xFFFFF086  }
0x25: {  	[simem:s6], [sflag:s4] =	dma.local [hbm:s3], $0xF7A  }
0x26: {  	[smem:$0x3F9C] =	sst s1;
	(tag) =	ssettag s2;
	_ =	strace s9  }
0x27: {  	s1 =	sld [smem:$0x3FAC]  }
0x28: {  	s2 =	sld [smem:$0x3FAD]  }
0x29: {  	s4 =	sld [smem:$0x3FAF]  }
0x2a: {  	p0 =	seq.s32 s5, $0x0;
	s5 =	sld [smem:$0x3FB0]  }
0x2b: {  	s6 =	sld [smem:$0x3FB1]  }
0x2c: {  	s7 =	sld [smem:$0x3FB2]  }
0x2d: {  	s3 =	simm.s32 $0x108;
	s8 =	sld [smem:$0x3FB3]  }
0x2e: {  	s3 =	simm.s32 @!p0 $0x1082;
	s9 =	sld [smem:$0x3FB4]  }
0x2f: {  	lr =	sadd.s32 s0, s3;
	s0 =	sld [smem:$0x3FAB]  }
0x30: {  	s3 =	sld [smem:$0x3FAE]  }
0x31: {  	[smem:$0x3FB7] =	sst s10  }
0x32: {  	s10 =	sld [smem:$0x3FB5];
	_ =	sdelay $0x3  }
0x33: {  	p0 =	seq.s32 s10, $0x1;
	s10 =	sld [smem:$0x3FB7];
	_ =	sdelay $0x3  }
0x34: {  	[smem:$0x3FB7] =	sst s10  }
0x35: {  	s10 =	sld [smem:$0x3FB6];
	_ =	sdelay $0x3  }
0x36: {  	p1 =	seq.s32 s10, $0x1;
	s10 =	sld [smem:$0x3FB7];
	_ =	sdelay $0x3  }
0x37: {  	[smem:$0x3FB7] =	sst s10  }
0x38: {  	s10 =	sld [smem:$0x3FB8]  }
0x39: {  	_ = 	snop;
	(pc) =	sbr.ind lr, $3  }
0x3a: {  	_ = 	snop  }
0x3b: {  	_ = 	snop  }
0x3c: {  	p2 =	seq.s32 s10, $0x1;
	s10 =	sld [smem:$0x3FB7]  }
0x3d: {  	_ =	shalt  }
0x3e: {  	_ =	shalt  }
0x3f: {  	_ =	shalt  }
0x40: {  	_ =	shalt  }
0x41: {  	_ =	shalt  }
0x42: {  	_ =	shalt  }
0x43: {  	_ =	shalt  }
0x44: {  	_ =	shalt  }
0x45: {  	_ =	shalt  }
0x46: {  	_ =	shalt  }
0x47: {  	_ =	shalt  }
0x48: {  	_ =	shalt  }
0x49: {  	_ =	shalt  }
0x4a: {  	_ =	shalt  }
0x4b: {  	_ =	shalt  }
0x4c: {  	_ =	shalt  }
0x4d: {  	_ =	shalt  }
0x4e: {  	_ =	shalt  }
0x4f: {  	_ =	shalt  }
0x50: {  	_ =	shalt  }
0x51: {  	_ =	shalt  }
0x52: {  	_ =	shalt  }
0x53: {  	_ =	shalt  }
0x54: {  	_ =	shalt  }
0x55: {  	_ =	shalt  }
0x56: {  	_ =	shalt  }
0x57: {  	_ =	shalt  }
0x58: {  	_ =	shalt  }
0x59: {  	_ =	shalt  }
0x5a: {  	_ =	shalt  }
0x5b: {  	_ =	shalt  }
0x5c: {  	_ =	shalt  }
0x5d: {  	_ =	shalt  }
0x5e: {  	_ =	shalt  }
0x5f: {  	_ =	shalt  }
0x60: {  	_ =	shalt  }
0x61: {  	_ =	shalt  }
0x62: {  	_ =	shalt  }
0x63: {  	_ =	shalt  }
0x64: {  	_ =	shalt  }
0x65: {  	_ =	shalt  }
0x66: {  	_ =	shalt  }
0x67: {  	_ =	shalt  }
0x68: {  	_ =	shalt  }
0x69: {  	_ =	shalt  }
0x6a: {  	_ =	shalt  }
0x6b: {  	_ =	shalt  }
0x6c: {  	_ =	shalt  }
0x6d: {  	_ =	shalt  }
0x6e: {  	_ =	shalt  }
0x6f: {  	_ =	shalt  }
0x70: {  	_ =	shalt  }
0x71: {  	_ =	shalt  }
0x72: {  	_ =	shalt  }
0x73: {  	_ =	shalt  }
0x74: {  	_ =	shalt  }
0x75: {  	_ =	shalt  }
0x76: {  	_ =	shalt  }
0x77: {  	_ =	shalt  }
0x78: {  	_ =	shalt  }
0x79: {  	_ =	shalt  }
0x7a: {  	_ =	shalt  }
0x7b: {  	_ =	shalt  }
0x7c: {  	_ =	shalt  }
0x7d: {  	_ =	shalt  }
0x7e: {  	_ =	shalt  }
0x7f: {  	_ =	shalt  }
0x80: {  	_ =	shalt  }
0x81: {  	_ =	shalt  }
0x82: {  	_ =	shalt  }
0x83: {  	_ =	shalt  }
0x84: {  	_ =	shalt  }
0x85: {  	_ =	shalt  }
0x86: {  	_ =	shalt  }
0x87: {  	_ =	shalt  }
.Lfunc_end0:
.L_simem_size_0:
called_computation_lowered:
.L_overlay_start_0:
0x88: {  	s2 =	sld [smem:$0x3FD9]  }
0x89: {  	s3 =	sld [smem:$0x3FFE];
	_ =	sdelay $0x1  }
0x8a: {  	s1 =	srdreg.scid  }
0x8b: {  	s0 =	sand.u32 $0x1, s1  }
0x8c: {  	s14 =	sshll.u32 s0, $0xA;
	s2 =	sadd.s32 s3, s2  }
0x8d: {  	s2 =	sadd.s32 s2, s14  }
0x8e: {  	[smem:$0x3FC3] =	sst s2  }
0x8f: {  	_ = 	snop  }
0x90: {  	s2 =	sld [smem:$0x3FD0];
	_ =	sdelay $0x2  }
0x91: {  	s15 =	simm.s32 $0xA;
	s4 =	simm.s32 $0x10  }
0x92: {  	[smem:s4], [sflag:s15] =	dma.local [hbm:s2], $0x1  }
0x93: {  	_ =	swait.eq [sflag:s15], $0x1  }
0x94: {  	[sflag:s15] =	ssyncset.done $0x0  }
0x95: {  	s16 =	sld [smem:$0x10];
	[sflag:s15] =	ssyncadd.s32 $0xFFFFFFFF  }
0x96: {  	s17 =	sld [smem:$0x12];
	(tm) =	ssettm $0x1  }
0x97: {  	s18 =	sld [smem:$0x3FFB];
	_ =	sdelay $0x3  }
0x98: {  	_ =	strace s18  }
0x99: {  	s4 =	sld [smem:$0x3FFC];
	_ =	sdelay $0x3  }
0x9a: {  	_ =	strace s4  }
0x9b: {  	s4 =	sld [smem:$0x3FFD];
	_ =	sdelay $0x3  }
0x9c: {  	_ =	strace s4  }
0x9d: {  	_ =	strace $0x8FFFFFFF  }
0x9e: {  	s19 =	sld [smem:$0x3FDB];
	_ =	sdelay $0x1  }
0x9f: {  	s5 =	simm.s32 $_scs_section_size  }
0xa0: {  	s6 =	simm.s32 $_size__tile_overlayer_lowered;
	s7 =	simm.s32 $_tile_overlayer_lowered  }
0xa1: {  	s22 =	simm.s32 $0x1BFF;
	s21 =	sshll.u32 s7, $0x1;
	s4 =	sadd.s32 s5, s19  }
0xa2: {  	s8 =	simm.s32 $0x0;
	s20 =	sshll.u32 s6, $0x1;
	s6 =	sadd.s32 s21, s4  }
0xa3: {  	[timem:s8], [sflag:s22] =	dma.local [hbm:s6], s20  }
0xa4: {  	_ =	swait.ge [sflag:s22], s20  }
0xa5: {  	s5 =	ssub.s32 $0x0, s20;
	[sflag:s22] =	ssyncset.done $0x0  }
0xa6: {  	[sflag:s22] =	ssyncadd.s32 s5;
	_ =	sdelay $0x1  }
0xa7: {  	s23 =	simm.s32 $0x1B8B  }
0xa8: {  	_ =	swait.ge [sflag:s23], $0x1  }
0xa9: {  	[sflag:s23] =	ssyncset.done $0x0  }
0xaa: {  	s25 =	simm.s32 $0x1B8E;
	s24 =	sld [smem:$0x3FFE];
	[sflag:s23] =	ssyncadd.s32 $0xFFFFFFFF  }
0xab: {  	s26 =	simm.s32 $execute0_lowered;
	[smem:$0x3FD2] =	sst s25  }
0xac: {  	s6 =	sshll.u32 s26, $0x1;
	_ =	strace $0x80000046;
	[dreg:$0x1] =	wrdreg $0xFFFFFFFF  }
0xad: {  	s28 =	simm.s32 $_size_execute0_lowered;
	s4 =	sadd.s32 s4, s6;
	[dreg:$0x0] =	wrdreg $0x0  }
0xae: {  	s6 =	sshll.u32 s28, $0x1;
	[dreg:$0x2] =	wrdreg s4  }
0xaf: {  	[dreg:$0x3] =	wrdreg s6  }
0xb0: {  	[dreg:$0x4] =	wrdreg $0xC0  }
0xb1: {  	_ =	task [dreg:s8], $0x5FFFF  }
0xb2: {  	[dreg:$0x1] =	wrdreg $0xFFFFFFFF  }
0xb3: {  	[dreg:$0x0] =	wrdreg $0x60  }
0xb4: {  	[dreg:$0x2] =	wrdreg s16  }
0xb5: {  	[dreg:$0x3] =	wrdreg s17  }
0xb6: {  	[dreg:$0x4] =	wrdreg s24  }
0xb7: {  	[dreg:$0x5] =	wrdreg $0x0  }
0xb8: {  	[dreg:$0x6] =	wrdreg $0x9  }
0xb9: {  	_ =	task.clear_ibuf [dreg:s8], $0x7FFFF;
	_ =	strace $0x90000046  }
0xba: {  	s29 =	simm.s32 $0x9;
	_ =	strace $0x80000048  }
0xbb: {  	_ =	swait.ge [sflag:s29], $0x1  }
0xbc: {  	[sflag:s29] =	ssyncadd.s32 $0xFFFFFFFF  }
0xbd: {  	_ =	strace $0x90000048  }
0xbe: {  	_ =	sfence  }
0xbf: {  	s30 =	sld [smem:$0x0];
	_ =	sdelay $0x2  }
0xc0: {  	s31 =	sshll.u32 s1, $0xD;
	s1 =	sshrl.u32 s1, $0x2  }
0xc1: {  	s3 =	sand.u32 $0x4000, s31;
	s1 =	sadd.s32 s1, s30  }
0xc2: {  	s0 =	sor.u32 s3, s0;
	s1 =	sshll.u32 s1, $0x11  }
0xc3: {  	s0 =	sor.u32 s1, s0  }
0xc4: {  	s0 =	sadd.s32 $0x8F2B, s0  }
0xc5: {  	[sflag:s0] =	ssyncadd.remote.s32 $0x1  }
0xc6: {  	_ =	sfence.sel $0xFFFF  }
0xc7: {  	[dreg:$0x0] =	wrdreg $0xFFFFFFFF;
	(pc) =	sbr.abs _section_cstart, $3  }
0xc8: {  	[dreg:$0x1] =	wrdreg $0xFFFFFFFF  }
0xc9: {  	_ =	task.clear_ibuf [dreg:s8], $0x2FFFF;
	_ =	strace $0x9FFFFFFF  }
0xca: {  	(tm) =	ssettm $0x7FFFFFFF  }
0xcb: {  	_ =	shalt  }
tec
execute0_lowered:
.L_overlay_start_1:
0x0: {  	(tag) =	ssettag $0x1  }
0x1: {  	s1 =	rddreg [dreg:$0x0]  }
0x2: {  	s0 =	rddreg [dreg:$0x1]  }
0x3: {  	s2 =	rddreg [dreg:$0x2]  }
0x4: {  	s3 =	rddreg [dreg:$0x3]  }
0x5: {  	s4 =	srdreg.scid;
	s9 =	stileid.u32  }
0x6: {  	s29 =	simm.s32 $0x1EC00;
	s30 =	simm.s32 $0x7;
	s31 =	simm.s32 $0x5  }
0x7: {  	s5 =	sand.u32 $0x1, s4;
	s4 =	simm.s32 $0x0;
	s7 =	smul.u32 $0x13C00, s9  }
0x8: {  	s6 =	smul.u32 $0x13C000, s5;
	s8 =	sshll.u32 s5, $0x4;
	[smem:$0x7FF] =	sst s4  }
0x9: {  	s5 =	ssub.s32 $0x2, s5;
	s8 =	sor.u32 s9, s8;
	s9 =	smul.u32 $0x4F000, s9  }
0xa: {  	_ =	strace $0x80000047;
	s25 =	sshrl.u32 s5, $0x1;
	s24 =	smul.u32 $0x6000, s8  }
0xb: {  	s6 =	sadd.s32 s7, s6;
	s8 =	sadd.s32 $0x1400, s2;
	s5 =	ssub.s32 s5, s25  }
0xc: {  	s6 =	sshrl.u32 s6, $0x3;
	s12 =	sshrl.u32 s9, $0x2;
	s7 =	sshrl.u32 s24, $0x3  }
0xd: {  	s2 =	sadd.s32 s6, s2;
	s9 =	sadd.s32 s12, s3;
	s10 =	sadd.s32 s0, s7  }
0xe: {  	s26 =	sor.u32 $0x180, s7;
	s28 =	sadd.s32 s8, s7;
	[dreg:$0x5] =	wrdreg s10  }
0xf: {  	s12 =	simm.s32 $0x1;
	[dreg:$0x6] =	wrdreg s28;
	s11 =	sadd.s32 s0, s26  }
0x10: {  	s13 =	sor.u32 $0x300, s7;
	s6 =	sadd.s32 s8, s26;
	[dreg:$0x7] =	wrdreg s11  }
0x11: {  	s15 =	sadd.s32 $0x480, s7;
	s14 =	sadd.s32 s0, s13;
	[dreg:$0x8] =	wrdreg s6  }
0x12: {  	s17 =	sadd.s32 $0x600, s7;
	s10 =	sadd.s32 s8, s13;
	[dreg:$0x9] =	wrdreg s14  }
0x13: {  	s19 =	sadd.s32 $0x780, s7;
	s16 =	sadd.s32 s0, s15;
	[dreg:$0xa] =	wrdreg s10  }
0x14: {  	s21 =	sadd.s32 $0x900, s7;
	s18 =	sadd.s32 s0, s17;
	[dreg:$0xb] =	wrdreg s16  }
0x15: {  	s23 =	sadd.s32 $0xA80, s7;
	s20 =	sadd.s32 s0, s19;
	[dreg:$0xd] =	wrdreg s18  }
0x16: {  	s7 =	simm.s32 $0x14800;
	s22 =	sadd.s32 s0, s21;
	[dreg:$0xf] =	wrdreg s20  }
0x17: {  	s24 =	sadd.s32 s8, s21;
	s0 =	sadd.s32 s0, s23;
	[dreg:$0x11] =	wrdreg s22  }
0x18: {  	s25 =	sadd.s32 s8, s23;
	s26 =	sadd.s32 $0x19400, s2;
	[dreg:$0x12] =	wrdreg s24  }
0x19: {  	s28 =	smax.u32 s5, $0x1;
	s5 =	simm.s32 $0x13C00;
	[dreg:$0x13] =	wrdreg s0  }
0x1a: {  	s21 =	simm.s32 $0x16000;
	s2 =	simm.s32 $0x16C00;
	[dreg:$0x14] =	wrdreg s25  }
0x1b: {  	s13 =	simm.s32 $0x0;
	s6 =	sadd.s32 s8, s15;
	[dreg:$0x15] =	wrdreg s26  }
0x1c: {  	s10 =	sadd.s32 s8, s17;
	[dreg:$0x16] =	wrdreg s28;
	s0 =	simm.s32 $0x40  }
0x1d: {  	s11 =	simm.s32 $0x1CC00;
	s14 =	simm.s32 $0x2;
	s17 =	simm.s32 $0x3  }
0x1e: {  	s20 =	simm.s32 $0x4;
	s16 =	simm.s32 $0x6;
	[dreg:$0xc] =	wrdreg s6  }
0x1f: {  	[dreg:$0xe] =	wrdreg s10;
	s6 =	sadd.s32 s8, s19;
	s10 =	simm.s32 $0x15400  }
0x20: {  	v0 =	vimm.f32 $0.0e+00;
	s8 =	simm.s32 $0x1AC00;
	[dreg:$0x10] =	wrdreg s6;
	s6 =	simm.s32 $0x18C00  }
.LBB2_1:
0x21: {  	s15 =	rddreg [dreg:$0x5]  }
0x22: {  	[tilespmem:s5], [sflag:$0x5] =	stream.linear.gather [hbm4b:s15+s4], $0xA00, $0x38;
	[tilespmem:$0x1F000] =	vst v63  }
0x23: {  	s24 =	rddreg [dreg:$0x6]  }
0x24: {  	[tilespmem:s7], [sflag:$0x5] =	stream.linear.gather [hbm4b:s24+s4], $0xA00, $0x38;
	[tilespmem:$0x1F000] =	vst v63  }
0x25: {  	s25 =	rddreg [dreg:$0x7]  }
0x26: {  	[tilespmem:s10], [sflag:$0x6] =	stream.linear.gather [hbm4b:s25+s4], $0xA00, $0x38;
	[tilespmem:$0x1F000] =	vst v63  }
0x27: {  	s26 =	rddreg [dreg:$0x8]  }
0x28: {  	[tilespmem:s21], [sflag:$0x6] =	stream.linear.gather [hbm4b:s26+s4], $0xA00, $0x38;
	[tilespmem:$0x1F000] =	vst v63  }
0x29: {  	[tilespmem:$0x1EC00] =	vst v0  }
0x2a: {  	[tilespmem:$0x1EC10] =	vst v0  }
0x2b: {  	[tilespmem:$0x1EC20] =	vst v0  }
0x2c: {  	[tilespmem:$0x1EC30] =	vst v0  }
0x2d: {  	[tilespmem:$0x1EC40] =	vst v0  }
0x2e: {  	[tilespmem:$0x1EC50] =	vst v0  }
0x2f: {  	[tilespmem:$0x1EC60] =	vst v0  }
0x30: {  	[tilespmem:$0x1EC70] =	vst v0  }
0x31: {  	[tilespmem:$0x1EC80] =	vst v0  }
0x32: {  	[tilespmem:$0x1EC90] =	vst v0  }
0x33: {  	[tilespmem:$0x1ECA0] =	vst v0  }
0x34: {  	[tilespmem:$0x1ECB0] =	vst v0  }
0x35: {  	[tilespmem:$0x1ECC0] =	vst v0  }
0x36: {  	[tilespmem:$0x1ECD0] =	vst v0  }
0x37: {  	[tilespmem:$0x1ECE0] =	vst v0  }
0x38: {  	[tilespmem:$0x1ECF0] =	vst v0  }
0x39: {  	[tilespmem:$0x1ED00] =	vst v0  }
0x3a: {  	[tilespmem:$0x1ED10] =	vst v0  }
0x3b: {  	[tilespmem:$0x1ED20] =	vst v0  }
0x3c: {  	[tilespmem:$0x1ED30] =	vst v0  }
0x3d: {  	[tilespmem:$0x1ED40] =	vst v0  }
0x3e: {  	[tilespmem:$0x1ED50] =	vst v0  }
0x3f: {  	[tilespmem:$0x1ED60] =	vst v0  }
0x40: {  	[tilespmem:$0x1ED70] =	vst v0  }
0x41: {  	[tilespmem:$0x1ED80] =	vst v0  }
0x42: {  	[tilespmem:$0x1ED90] =	vst v0  }
0x43: {  	[tilespmem:$0x1EDA0] =	vst v0  }
0x44: {  	[tilespmem:$0x1EDB0] =	vst v0  }
0x45: {  	[tilespmem:$0x1EDC0] =	vst v0  }
0x46: {  	[tilespmem:$0x1EDD0] =	vst v0  }
0x47: {  	[tilespmem:$0x1EDE0] =	vst v0  }
0x48: {  	[tilespmem:$0x1EDF0] =	vst v0  }
0x49: {  	[tilespmem:$0x1EE00] =	vst v0  }
0x4a: {  	[tilespmem:$0x1EE10] =	vst v0  }
0x4b: {  	[tilespmem:$0x1EE20] =	vst v0  }
0x4c: {  	[tilespmem:$0x1EE30] =	vst v0  }
0x4d: {  	[tilespmem:$0x1EE40] =	vst v0  }
0x4e: {  	[tilespmem:$0x1EE50] =	vst v0  }
0x4f: {  	[tilespmem:$0x1EE60] =	vst v0  }
0x50: {  	[tilespmem:$0x1EE70] =	vst v0  }
0x51: {  	[tilespmem:$0x1EE80] =	vst v0  }
0x52: {  	[tilespmem:$0x1EE90] =	vst v0  }
0x53: {  	[tilespmem:$0x1EEA0] =	vst v0  }
0x54: {  	[tilespmem:$0x1EEB0] =	vst v0  }
0x55: {  	[tilespmem:$0x1EEC0] =	vst v0  }
0x56: {  	[tilespmem:$0x1EED0] =	vst v0  }
0x57: {  	[tilespmem:$0x1EEE0] =	vst v0  }
0x58: {  	[tilespmem:$0x1EEF0] =	vst v0  }
0x59: {  	[tilespmem:$0x1EF00] =	vst v0  }
0x5a: {  	[tilespmem:$0x1EF10] =	vst v0  }
0x5b: {  	[tilespmem:$0x1EF20] =	vst v0  }
0x5c: {  	[tilespmem:$0x1EF30] =	vst v0  }
0x5d: {  	[tilespmem:$0x1EF40] =	vst v0  }
0x5e: {  	[tilespmem:$0x1EF50] =	vst v0  }
0x5f: {  	[tilespmem:$0x1EF60] =	vst v0  }
0x60: {  	[tilespmem:$0x1EF70] =	vst v0  }
0x61: {  	[tilespmem:$0x1EF80] =	vst v0  }
0x62: {  	[tilespmem:$0x1EF90] =	vst v0  }
0x63: {  	[tilespmem:$0x1EFA0] =	vst v0  }
0x64: {  	[tilespmem:$0x1EFB0] =	vst v0  }
0x65: {  	[tilespmem:$0x1EFC0] =	vst v0  }
0x66: {  	[tilespmem:$0x1EFD0] =	vst v0  }
0x67: {  	[tilespmem:$0x1EFE0] =	vst v0  }
0x68: {  	s28 =	sadd.s32 $0x0, s9;
	[tilespmem:$0x1EFF0] =	vst v0  }
0x69: {  	[spmem:s28] =	stream.linear.scatter [tilespmem:s29], [sflag:$0x7], $0x400, $0x38;
	[tilespmem:$0x1F000] =	vst v63  }
0x6a: {  	s15 =	simm.s32 $0x1000;
	_ =	swait.ge [sflag:s30], $0x400  }
.LBB2_2:
0x6b: {  	s18 =	sshra.s32 s15, $0x2;
	[sflag:s30] =	ssyncset.done $0x0;
	p0 =	sne.s32 s15, $0x4E000  }
.Ltmp0:
0x6c: {  	s18 =	sadd.s32 s18, s9;
	[sflag:s30] =	ssyncadd.s32 $0xFFFFFC00;
	(pc) =	sbr.rel @p0 .LBB2_2-.Ltmp0, $3  }
0x6d: {  	[spmem:s18] =	stream.linear.scatter [tilespmem:s29], [sflag:$0x7], $0x400, $0x38;
	[tilespmem:$0x1F000] =	vst v63  }
0x6e: {  	s15 =	sadd.s32 $0x1000, s15;
	_ =	sdelay $0x1  }
0x6f: {  	_ =	swait.ge [sflag:s30], $0x400  }
0x70: {  	[sflag:s30] =	ssyncset.done $0x0  }
0x71: {  	[sflag:s30] =	ssyncadd.s32 $0xFFFFFC00  }
0x72: {  	[bflag:$0x0] =	sbarrier.arrive $0xFFFF  }
0x73: {  	_ =	swait.ge [sflag:s31], $0xA00  }
0x74: {  	[sflag:s31] =	ssyncset.done $0x0  }
0x75: {  	[sflag:s31] =	ssyncadd.s32 $0xFFFFF600  }
0x76: {  	_ =	swait.ge [sflag:s31], $0xA00  }
0x77: {  	[sflag:s31] =	ssyncset.done $0x0  }
0x78: {  	[sflag:s31] =	ssyncadd.s32 $0xFFFFF600  }
0x79: {  	[tilespmem:s2], [sflag:$0x1] =	stream.indirect.gather [hbm4b:s1+s0], $0x80, s5, s0, $0xb8;
	[tilespmem:$0x1F000] =	vst v63  }
0x7a: {  	s23 =	simm.s32 $0x13C80  }
0x7b: {  	[tilespmem:s6], [sflag:$0x2] =	stream.indirect.gather [hbm4b:s1+s0], $0x80, s23, s0, $0xb8;
	[tilespmem:$0x1F000] =	vst v63  }
0x7c: {  	s24 =	simm.s32 $0x13D00  }
0x7d: {  	[tilespmem:s8], [sflag:$0x3] =	stream.indirect.gather [hbm4b:s1+s0], $0x80, s24, s0, $0xb8;
	[tilespmem:$0x1F000] =	vst v63  }
0x7e: {  	s25 =	simm.s32 $0x13D80  }
0x7f: {  	[tilespmem:s11], [sflag:$0x4] =	stream.indirect.gather [hbm4b:s1+s0], $0x80, s25, s0, $0xb8;
	[tilespmem:$0x1F000] =	vst v63  }
0x80: {  	_ =	swait.ge [sflag:s12], $0x2000  }
0x81: {  	[sflag:s12] =	ssyncset.done $0x0  }
0x82: {  	[sflag:s12] =	ssyncadd.s32 $0xFFFFE000  }
0x83: {  	[spmem:s3] =	stream.indirect.scatter.add.f32 [tilespmem:s2], [sflag:$0x7], $0x80, s7, s0, $0xb8;
	[tilespmem:$0x1F000] =	vst v63  }
0x84: {  	_ =	swait.ge [sflag:s30], $0x2000  }
0x85: {  	[sflag:s30] =	ssyncset.done $0x0  }
0x86: {  	s26 =	simm.s32 $0x13E00;
	[sflag:s30] =	ssyncadd.s32 $0xFFFFE000  }
0x87: {  	[tilespmem:s2], [sflag:$0x1] =	stream.indirect.gather [hbm4b:s1+s0], $0x80, s26, s0, $0xb8;
	[tilespmem:$0x1F000] =	vst v63  }
0x88: {  	_ =	swait.ge [sflag:s14], $0x2000  }
0x89: {  	[sflag:s14] =	ssyncset.done $0x0  }
0x8a: {  	s28 =	simm.s32 $0x14880;
	[sflag:s14] =	ssyncadd.s32 $0xFFFFE000  }
0x8b: {  	[spmem:s3] =	stream.indirect.scatter.add.f32 [tilespmem:s6], [sflag:$0x7], $0x80, s28, s0, $0xb8;
	[tilespmem:$0x1F000] =	vst v63  }
0x8c: {  	_ =	swait.ge [sflag:s30], $0x2000  }
0x8d: {  	[sflag:s30] =	ssyncset.done $0x0  }
0x8e: {  	s15 =	simm.s32 $0x13E80;
	[sflag:s30] =	ssyncadd.s32 $0xFFFFE000  }
0x8f: {  	[tilespmem:s6], [sflag:$0x2] =	stream.indirect.gather [hbm4b:s1+s0], $0x80, s15, s0, $0xb8;
	[tilespmem:$0x1F000] =	vst v63  }
0x90: {  	_ =	swait.ge [sflag:s17], $0x2000  }
0x91: {  	[sflag:s17] =	ssyncset.done $0x0  }
0x92: {  	s18 =	simm.s32 $0x14900;
	[sflag:s17] =	ssyncadd.s32 $0xFFFFE000  }
0x93: {  	[spmem:s3] =	stream.indirect.scatter.add.f32 [tilespmem:s8], [sflag:$0x7], $0x80, s18, s0, $0xb8;
	[tilespmem:$0x1F000] =	vst v63  }
0x94: {  	_ =	swait.ge [sflag:s30], $0x2000  }
0x95: {  	[sflag:s30] =	ssyncset.done $0x0  }
0x96: {  	s19 =	simm.s32 $0x13F00;
	[sflag:s30] =	ssyncadd.s32 $0xFFFFE000  }
0x97: {  	[tilespmem:s8], [sflag:$0x3] =	stream.indirect.gather [hbm4b:s1+s0], $0x80, s19, s0, $0xb8;
	[tilespmem:$0x1F000] =	vst v63  }
0x98: {  	_ =	swait.ge [sflag:s20], $0x2000  }
0x99: {  	[sflag:s20] =	ssyncset.done $0x0  }
0x9a: {  	s22 =	simm.s32 $0x14980;
	[sflag:s20] =	ssyncadd.s32 $0xFFFFE000  }
0x9b: {  	[spmem:s3] =	stream.indirect.scatter.add.f32 [tilespmem:s11], [sflag:$0x7], $0x80, s22, s0, $0xb8;
	[tilespmem:$0x1F000] =	vst v63  }
0x9c: {  	_ =	swait.ge [sflag:s30], $0x2000  }
0x9d: {  	[sflag:s30] =	ssyncset.done $0x0  }
0x9e: {  	s23 =	simm.s32 $0x13F80;
	[sflag:s30] =	ssyncadd.s32 $0xFFFFE000  }
0x9f: {  	[tilespmem:s11], [sflag:$0x4] =	stream.indirect.gather [hbm4b:s1+s0], $0x80, s23, s0, $0xb8;
	[tilespmem:$0x1F000] =	vst v63  }
0xa0: {  	_ =	swait.ge [sflag:s12], $0x2000  }
0xa1: {  	[sflag:s12] =	ssyncset.done $0x0  }
0xa2: {  	s24 =	simm.s32 $0x14A00;
	[sflag:s12] =	ssyncadd.s32 $0xFFFFE000  }
0xa3: {  	[spmem:s3] =	stream.indirect.scatter.add.f32 [tilespmem:s2], [sflag:$0x7], $0x80, s24, s0, $0xb8;
	[tilespmem:$0x1F000] =	vst v63  }
0xa4: {  	_ =	swait.ge [sflag:s30], $0x2000  }
0xa5: {  	[sflag:s30] =	ssyncset.done $0x0  }
0xa6: {  	s25 =	simm.s32 $0x14000;
	[sflag:s30] =	ssyncadd.s32 $0xFFFFE000  }
0xa7: {  	[tilespmem:s2], [sflag:$0x1] =	stream.indirect.gather [hbm4b:s1+s0], $0x80, s25, s0, $0xb8;
	[tilespmem:$0x1F000] =	vst v63  }
0xa8: {  	_ =	swait.ge [sflag:s14], $0x2000  }
0xa9: {  	[sflag:s14] =	ssyncset.done $0x0  }
0xaa: {  	s26 =	simm.s32 $0x14A80;
	[sflag:s14] =	ssyncadd.s32 $0xFFFFE000  }
0xab: {  	[spmem:s3] =	stream.indirect.scatter.add.f32 [tilespmem:s6], [sflag:$0x7], $0x80, s26, s0, $0xb8;
	[tilespmem:$0x1F000] =	vst v63  }
0xac: {  	_ =	swait.ge [sflag:s30], $0x2000  }
0xad: {  	[sflag:s30] =	ssyncset.done $0x0  }
0xae: {  	s15 =	simm.s32 $0x14080;
	[sflag:s30] =	ssyncadd.s32 $0xFFFFE000  }
0xaf: {  	[tilespmem:s6], [sflag:$0x2] =	stream.indirect.gather [hbm4b:s1+s0], $0x80, s15, s0, $0xb8;
	[tilespmem:$0x1F000] =	vst v63  }
0xb0: {  	_ =	swait.ge [sflag:s17], $0x2000  }
0xb1: {  	[sflag:s17] =	ssyncset.done $0x0  }
0xb2: {  	s18 =	simm.s32 $0x14B00;
	[sflag:s17] =	ssyncadd.s32 $0xFFFFE000  }
0xb3: {  	[spmem:s3] =	stream.indirect.scatter.add.f32 [tilespmem:s8], [sflag:$0x7], $0x80, s18, s0, $0xb8;
	[tilespmem:$0x1F000] =	vst v63  }
0xb4: {  	_ =	swait.ge [sflag:s30], $0x2000  }
0xb5: {  	[sflag:s30] =	ssyncset.done $0x0  }
0xb6: {  	s19 =	simm.s32 $0x14100;
	[sflag:s30] =	ssyncadd.s32 $0xFFFFE000  }
0xb7: {  	[tilespmem:s8], [sflag:$0x3] =	stream.indirect.gather [hbm4b:s1+s0], $0x80, s19, s0, $0xb8;
	[tilespmem:$0x1F000] =	vst v63  }
0xb8: {  	_ =	swait.ge [sflag:s20], $0x2000  }
0xb9: {  	[sflag:s20] =	ssyncset.done $0x0  }
0xba: {  	s22 =	simm.s32 $0x14B80;
	[sflag:s20] =	ssyncadd.s32 $0xFFFFE000  }
0xbb: {  	[spmem:s3] =	stream.indirect.scatter.add.f32 [tilespmem:s11], [sflag:$0x7], $0x80, s22, s0, $0xb8;
	[tilespmem:$0x1F000] =	vst v63  }
0xbc: {  	_ =	swait.ge [sflag:s30], $0x2000  }
0xbd: {  	[sflag:s30] =	ssyncset.done $0x0  }
0xbe: {  	s23 =	simm.s32 $0x14180;
	[sflag:s30] =	ssyncadd.s32 $0xFFFFE000  }
0xbf: {  	[tilespmem:s11], [sflag:$0x4] =	stream.indirect.gather [hbm4b:s1+s0], $0x80, s23, s0, $0xb8;
	[tilespmem:$0x1F000] =	vst v63  }
0xc0: {  	_ =	swait.ge [sflag:s12], $0x2000  }
0xc1: {  	[sflag:s12] =	ssyncset.done $0x0  }
0xc2: {  	s24 =	simm.s32 $0x14C00;
	[sflag:s12] =	ssyncadd.s32 $0xFFFFE000  }
0xc3: {  	[spmem:s3] =	stream.indirect.scatter.add.f32 [tilespmem:s2], [sflag:$0x7], $0x80, s24, s0, $0xb8;
	[tilespmem:$0x1F000] =	vst v63  }
0xc4: {  	_ =	swait.ge [sflag:s30], $0x2000  }
0xc5: {  	[sflag:s30] =	ssyncset.done $0x0  }
0xc6: {  	s25 =	simm.s32 $0x14200;
	[sflag:s30] =	ssyncadd.s32 $0xFFFFE000  }
0xc7: {  	[tilespmem:s2], [sflag:$0x1] =	stream.indirect.gather [hbm4b:s1+s0], $0x80, s25, s0, $0xb8;
	[tilespmem:$0x1F000] =	vst v63  }
0xc8: {  	_ =	swait.ge [sflag:s14], $0x2000  }
0xc9: {  	[sflag:s14] =	ssyncset.done $0x0  }
0xca: {  	s26 =	simm.s32 $0x14C80;
	[sflag:s14] =	ssyncadd.s32 $0xFFFFE000  }
0xcb: {  	[spmem:s3] =	stream.indirect.scatter.add.f32 [tilespmem:s6], [sflag:$0x7], $0x80, s26, s0, $0xb8;
	[tilespmem:$0x1F000] =	vst v63  }
0xcc: {  	_ =	swait.ge [sflag:s30], $0x2000  }
0xcd: {  	[sflag:s30] =	ssyncset.done $0x0  }
0xce: {  	s15 =	simm.s32 $0x14280;
	[sflag:s30] =	ssyncadd.s32 $0xFFFFE000  }
0xcf: {  	[tilespmem:s6], [sflag:$0x2] =	stream.indirect.gather [hbm4b:s1+s0], $0x80, s15, s0, $0xb8;
	[tilespmem:$0x1F000] =	vst v63  }
0xd0: {  	_ =	swait.ge [sflag:s17], $0x2000  }
0xd1: {  	[sflag:s17] =	ssyncset.done $0x0  }
0xd2: {  	s18 =	simm.s32 $0x14D00;
	[sflag:s17] =	ssyncadd.s32 $0xFFFFE000  }
0xd3: {  	[spmem:s3] =	stream.indirect.scatter.add.f32 [tilespmem:s8], [sflag:$0x7], $0x80, s18, s0, $0xb8;
	[tilespmem:$0x1F000] =	vst v63  }
0xd4: {  	_ =	swait.ge [sflag:s30], $0x2000  }
0xd5: {  	[sflag:s30] =	ssyncset.done $0x0  }
0xd6: {  	s19 =	simm.s32 $0x14300;
	[sflag:s30] =	ssyncadd.s32 $0xFFFFE000  }
0xd7: {  	[tilespmem:s8], [sflag:$0x3] =	stream.indirect.gather [hbm4b:s1+s0], $0x80, s19, s0, $0xb8;
	[tilespmem:$0x1F000] =	vst v63  }
0xd8: {  	_ =	swait.ge [sflag:s20], $0x2000  }
0xd9: {  	[sflag:s20] =	ssyncset.done $0x0  }
0xda: {  	s22 =	simm.s32 $0x14D80;
	[sflag:s20] =	ssyncadd.s32 $0xFFFFE000  }
0xdb: {  	[spmem:s3] =	stream.indirect.scatter.add.f32 [tilespmem:s11], [sflag:$0x7], $0x80, s22, s0, $0xb8;
	[tilespmem:$0x1F000] =	vst v63  }
0xdc: {  	_ =	swait.ge [sflag:s30], $0x2000  }
0xdd: {  	[sflag:s30] =	ssyncset.done $0x0  }
0xde: {  	s23 =	simm.s32 $0x14380;
	[sflag:s30] =	ssyncadd.s32 $0xFFFFE000  }
0xdf: {  	[tilespmem:s11], [sflag:$0x4] =	stream.indirect.gather [hbm4b:s1+s0], $0x80, s23, s0, $0xb8;
	[tilespmem:$0x1F000] =	vst v63  }
0xe0: {  	_ =	swait.ge [sflag:s12], $0x2000  }
0xe1: {  	[sflag:s12] =	ssyncset.done $0x0  }
0xe2: {  	s24 =	simm.s32 $0x14E00;
	[sflag:s12] =	ssyncadd.s32 $0xFFFFE000  }
0xe3: {  	[spmem:s3] =	stream.indirect.scatter.add.f32 [tilespmem:s2], [sflag:$0x7], $0x80, s24, s0, $0xb8;
	[tilespmem:$0x1F000] =	vst v63  }
0xe4: {  	_ =	swait.ge [sflag:s30], $0x2000  }
0xe5: {  	[sflag:s30] =	ssyncset.done $0x0  }
0xe6: {  	s25 =	simm.s32 $0x14400;
	[sflag:s30] =	ssyncadd.s32 $0xFFFFE000  }
0xe7: {  	[tilespmem:s2], [sflag:$0x1] =	stream.indirect.gather [hbm4b:s1+s0], $0x80, s25, s0, $0xb8;
	[tilespmem:$0x1F000] =	vst v63  }
0xe8: {  	_ =	swait.ge [sflag:s14], $0x2000  }
0xe9: {  	[sflag:s14] =	ssyncset.done $0x0  }
0xea: {  	s26 =	simm.s32 $0x14E80;
	[sflag:s14] =	ssyncadd.s32 $0xFFFFE000  }
0xeb: {  	[spmem:s3] =	stream.indirect.scatter.add.f32 [tilespmem:s6], [sflag:$0x7], $0x80, s26, s0, $0xb8;
	[tilespmem:$0x1F000] =	vst v63  }
0xec: {  	_ =	swait.ge [sflag:s30], $0x2000  }
0xed: {  	[sflag:s30] =	ssyncset.done $0x0  }
0xee: {  	s15 =	simm.s32 $0x14480;
	[sflag:s30] =	ssyncadd.s32 $0xFFFFE000  }
0xef: {  	[tilespmem:s6], [sflag:$0x2] =	stream.indirect.gather [hbm4b:s1+s0], $0x80, s15, s0, $0xb8;
	[tilespmem:$0x1F000] =	vst v63  }
0xf0: {  	_ =	swait.ge [sflag:s17], $0x2000  }
0xf1: {  	[sflag:s17] =	ssyncset.done $0x0  }
0xf2: {  	s18 =	simm.s32 $0x14F00;
	[sflag:s17] =	ssyncadd.s32 $0xFFFFE000  }
0xf3: {  	[spmem:s3] =	stream.indirect.scatter.add.f32 [tilespmem:s8], [sflag:$0x7], $0x80, s18, s0, $0xb8;
	[tilespmem:$0x1F000] =	vst v63  }
0xf4: {  	_ =	swait.ge [sflag:s30], $0x2000  }
0xf5: {  	[sflag:s30] =	ssyncset.done $0x0  }
0xf6: {  	s19 =	simm.s32 $0x14500;
	[sflag:s30] =	ssyncadd.s32 $0xFFFFE000  }
0xf7: {  	[tilespmem:s8], [sflag:$0x3] =	stream.indirect.gather [hbm4b:s1+s0], $0x80, s19, s0, $0xb8;
	[tilespmem:$0x1F000] =	vst v63  }
0xf8: {  	_ =	swait.ge [sflag:s20], $0x2000  }
0xf9: {  	[sflag:s20] =	ssyncset.done $0x0  }
0xfa: {  	s22 =	simm.s32 $0x14F80;
	[sflag:s20] =	ssyncadd.s32 $0xFFFFE000  }
0xfb: {  	[spmem:s3] =	stream.indirect.scatter.add.f32 [tilespmem:s11], [sflag:$0x7], $0x80, s22, s0, $0xb8;
	[tilespmem:$0x1F000] =	vst v63  }
0xfc: {  	_ =	swait.ge [sflag:s30], $0x2000  }
0xfd: {  	[sflag:s30] =	ssyncset.done $0x0  }
0xfe: {  	s23 =	simm.s32 $0x14580;
	[sflag:s30] =	ssyncadd.s32 $0xFFFFE000  }
0xff: {  	[tilespmem:s11], [sflag:$0x4] =	stream.indirect.gather [hbm4b:s1+s0], $0x80, s23, s0, $0xb8;
	[tilespmem:$0x1F000] =	vst v63  }
0x100: {  	_ =	swait.ge [sflag:s12], $0x2000  }
0x101: {  	[sflag:s12] =	ssyncset.done $0x0  }
0x102: {  	s24 =	simm.s32 $0x15000;
	[sflag:s12] =	ssyncadd.s32 $0xFFFFE000  }
0x103: {  	[spmem:s3] =	stream.indirect.scatter.add.f32 [tilespmem:s2], [sflag:$0x7], $0x80, s24, s0, $0xb8;
	[tilespmem:$0x1F000] =	vst v63  }
0x104: {  	_ =	swait.ge [sflag:s30], $0x2000  }
0x105: {  	[sflag:s30] =	ssyncset.done $0x0  }
0x106: {  	[sflag:s30] =	ssyncadd.s32 $0xFFFFE000  }
0x107: {  	_ =	swait.ge [sflag:s14], $0x2000  }
0x108: {  	[sflag:s14] =	ssyncset.done $0x0  }
0x109: {  	s25 =	simm.s32 $0x15080;
	[sflag:s14] =	ssyncadd.s32 $0xFFFFE000  }
0x10a: {  	[spmem:s3] =	stream.indirect.scatter.add.f32 [tilespmem:s6], [sflag:$0x7], $0x80, s25, s0, $0xb8;
	[tilespmem:$0x1F000] =	vst v63  }
0x10b: {  	_ =	swait.ge [sflag:s30], $0x2000  }
0x10c: {  	[sflag:s30] =	ssyncset.done $0x0  }
0x10d: {  	[sflag:s30] =	ssyncadd.s32 $0xFFFFE000  }
0x10e: {  	_ =	swait.ge [sflag:s17], $0x2000  }
0x10f: {  	[sflag:s17] =	ssyncset.done $0x0  }
0x110: {  	s26 =	simm.s32 $0x15100;
	[sflag:s17] =	ssyncadd.s32 $0xFFFFE000  }
0x111: {  	[spmem:s3] =	stream.indirect.scatter.add.f32 [tilespmem:s8], [sflag:$0x7], $0x80, s26, s0, $0xb8;
	[tilespmem:$0x1F000] =	vst v63  }
0x112: {  	_ =	swait.ge [sflag:s30], $0x2000  }
0x113: {  	[sflag:s30] =	ssyncset.done $0x0  }
0x114: {  	[sflag:s30] =	ssyncadd.s32 $0xFFFFE000  }
0x115: {  	_ =	swait.ge [sflag:s20], $0x2000  }
0x116: {  	[sflag:s20] =	ssyncset.done $0x0  }
0x117: {  	s15 =	simm.s32 $0x15180;
	[sflag:s20] =	ssyncadd.s32 $0xFFFFE000  }
0x118: {  	[spmem:s3] =	stream.indirect.scatter.add.f32 [tilespmem:s11], [sflag:$0x7], $0x80, s15, s0, $0xb8;
	[tilespmem:$0x1F000] =	vst v63  }
0x119: {  	_ =	swait.ge [sflag:s30], $0x2000  }
0x11a: {  	[sflag:s30] =	ssyncset.done $0x0  }
0x11b: {  	s18 =	simm.s32 $0x13C00;
	s15 =	rddreg [dreg:$0x9];
	[sflag:s30] =	ssyncadd.s32 $0xFFFFE000  }
0x11c: {  	[tilespmem:s18], [sflag:$0x5] =	stream.linear.gather [hbm4b:s15+s4], $0xA00, $0x38;
	[tilespmem:$0x1F000] =	vst v63  }
0x11d: {  	s19 =	rddreg [dreg:$0xa]  }
0x11e: {  	[tilespmem:s7], [sflag:$0x5] =	stream.linear.gather [hbm4b:s19+s4], $0xA00, $0x38;
	[tilespmem:$0x1F000] =	vst v63  }
0x11f: {  	_ =	swait.ge [sflag:s16], $0xA00  }
0x120: {  	[sflag:s16] =	ssyncset.done $0x0  }
0x121: {  	[sflag:s16] =	ssyncadd.s32 $0xFFFFF600  }
0x122: {  	_ =	swait.ge [sflag:s16], $0xA00  }
0x123: {  	[sflag:s16] =	ssyncset.done $0x0  }
0x124: {  	[sflag:s16] =	ssyncadd.s32 $0xFFFFF600  }
0x125: {  	[tilespmem:s2], [sflag:$0x1] =	stream.indirect.gather [hbm4b:s1+s0], $0x80, s10, s0, $0xb8;
	[tilespmem:$0x1F000] =	vst v63  }
0x126: {  	s22 =	simm.s32 $0x15480  }
0x127: {  	[tilespmem:s6], [sflag:$0x2] =	stream.indirect.gather [hbm4b:s1+s0], $0x80, s22, s0, $0xb8;
	[tilespmem:$0x1F000] =	vst v63  }
0x128: {  	s23 =	simm.s32 $0x15500  }
0x129: {  	[tilespmem:s8], [sflag:$0x3] =	stream.indirect.gather [hbm4b:s1+s0], $0x80, s23, s0, $0xb8;
	[tilespmem:$0x1F000] =	vst v63  }
0x12a: {  	s24 =	simm.s32 $0x15580  }
0x12b: {  	[tilespmem:s11], [sflag:$0x4] =	stream.indirect.gather [hbm4b:s1+s0], $0x80, s24, s0, $0xb8;
	[tilespmem:$0x1F000] =	vst v63  }
0x12c: {  	_ =	swait.ge [sflag:s12], $0x2000  }
0x12d: {  	[sflag:s12] =	ssyncset.done $0x0  }
0x12e: {  	[sflag:s12] =	ssyncadd.s32 $0xFFFFE000  }
0x12f: {  	[spmem:s3] =	stream.indirect.scatter.add.f32 [tilespmem:s2], [sflag:$0x7], $0x80, s21, s0, $0xb8;
	[tilespmem:$0x1F000] =	vst v63  }
0x130: {  	_ =	swait.ge [sflag:s30], $0x2000  }
0x131: {  	[sflag:s30] =	ssyncset.done $0x0  }
0x132: {  	s25 =	simm.s32 $0x15600;
	[sflag:s30] =	ssyncadd.s32 $0xFFFFE000  }
0x133: {  	[tilespmem:s2], [sflag:$0x1] =	stream.indirect.gather [hbm4b:s1+s0], $0x80, s25, s0, $0xb8;
	[tilespmem:$0x1F000] =	vst v63  }
0x134: {  	_ =	swait.ge [sflag:s14], $0x2000  }
0x135: {  	[sflag:s14] =	ssyncset.done $0x0  }
0x136: {  	s26 =	simm.s32 $0x16080;
	[sflag:s14] =	ssyncadd.s32 $0xFFFFE000  }
0x137: {  	[spmem:s3] =	stream.indirect.scatter.add.f32 [tilespmem:s6], [sflag:$0x7], $0x80, s26, s0, $0xb8;
	[tilespmem:$0x1F000] =	vst v63  }
0x138: {  	_ =	swait.ge [sflag:s30], $0x2000  }
0x139: {  	[sflag:s30] =	ssyncset.done $0x0  }
0x13a: {  	s7 =	simm.s32 $0x15680;
	[sflag:s30] =	ssyncadd.s32 $0xFFFFE000  }
0x13b: {  	[tilespmem:s6], [sflag:$0x2] =	stream.indirect.gather [hbm4b:s1+s0], $0x80, s7, s0, $0xb8;
	[tilespmem:$0x1F000] =	vst v63  }
0x13c: {  	_ =	swait.ge [sflag:s17], $0x2000  }
0x13d: {  	[sflag:s17] =	ssyncset.done $0x0  }
0x13e: {  	s15 =	simm.s32 $0x16100;
	[sflag:s17] =	ssyncadd.s32 $0xFFFFE000  }
0x13f: {  	[spmem:s3] =	stream.indirect.scatter.add.f32 [tilespmem:s8], [sflag:$0x7], $0x80, s15, s0, $0xb8;
	[tilespmem:$0x1F000] =	vst v63  }
0x140: {  	_ =	swait.ge [sflag:s30], $0x2000  }
0x141: {  	[sflag:s30] =	ssyncset.done $0x0  }
0x142: {  	s18 =	simm.s32 $0x15700;
	[sflag:s30] =	ssyncadd.s32 $0xFFFFE000  }
0x143: {  	[tilespmem:s8], [sflag:$0x3] =	stream.indirect.gather [hbm4b:s1+s0], $0x80, s18, s0, $0xb8;
	[tilespmem:$0x1F000] =	vst v63  }
0x144: {  	_ =	swait.ge [sflag:s20], $0x2000  }
0x145: {  	[sflag:s20] =	ssyncset.done $0x0  }
0x146: {  	s19 =	simm.s32 $0x16180;
	[sflag:s20] =	ssyncadd.s32 $0xFFFFE000  }
0x147: {  	[spmem:s3] =	stream.indirect.scatter.add.f32 [tilespmem:s11], [sflag:$0x7], $0x80, s19, s0, $0xb8;
	[tilespmem:$0x1F000] =	vst v63  }
0x148: {  	_ =	swait.ge [sflag:s30], $0x2000  }
0x149: {  	[sflag:s30] =	ssyncset.done $0x0  }
0x14a: {  	s22 =	simm.s32 $0x15780;
	[sflag:s30] =	ssyncadd.s32 $0xFFFFE000  }
0x14b: {  	[tilespmem:s11], [sflag:$0x4] =	stream.indirect.gather [hbm4b:s1+s0], $0x80, s22, s0, $0xb8;
	[tilespmem:$0x1F000] =	vst v63  }
0x14c: {  	_ =	swait.ge [sflag:s12], $0x2000  }
0x14d: {  	[sflag:s12] =	ssyncset.done $0x0  }
0x14e: {  	s23 =	simm.s32 $0x16200;
	[sflag:s12] =	ssyncadd.s32 $0xFFFFE000  }
0x14f: {  	[spmem:s3] =	stream.indirect.scatter.add.f32 [tilespmem:s2], [sflag:$0x7], $0x80, s23, s0, $0xb8;
	[tilespmem:$0x1F000] =	vst v63  }
0x150: {  	_ =	swait.ge [sflag:s30], $0x2000  }
0x151: {  	[sflag:s30] =	ssyncset.done $0x0  }
0x152: {  	s24 =	simm.s32 $0x15800;
	[sflag:s30] =	ssyncadd.s32 $0xFFFFE000  }
0x153: {  	[tilespmem:s2], [sflag:$0x1] =	stream.indirect.gather [hbm4b:s1+s0], $0x80, s24, s0, $0xb8;
	[tilespmem:$0x1F000] =	vst v63  }
0x154: {  	_ =	swait.ge [sflag:s14], $0x2000  }
0x155: {  	[sflag:s14] =	ssyncset.done $0x0  }
0x156: {  	s25 =	simm.s32 $0x16280;
	[sflag:s14] =	ssyncadd.s32 $0xFFFFE000  }
0x157: {  	[spmem:s3] =	stream.indirect.scatter.add.f32 [tilespmem:s6], [sflag:$0x7], $0x80, s25, s0, $0xb8;
	[tilespmem:$0x1F000] =	vst v63  }
0x158: {  	_ =	swait.ge [sflag:s30], $0x2000  }
0x159: {  	[sflag:s30] =	ssyncset.done $0x0  }
0x15a: {  	s26 =	simm.s32 $0x15880;
	[sflag:s30] =	ssyncadd.s32 $0xFFFFE000  }
0x15b: {  	[tilespmem:s6], [sflag:$0x2] =	stream.indirect.gather [hbm4b:s1+s0], $0x80, s26, s0, $0xb8;
	[tilespmem:$0x1F000] =	vst v63  }
0x15c: {  	_ =	swait.ge [sflag:s17], $0x2000  }
0x15d: {  	[sflag:s17] =	ssyncset.done $0x0  }
0x15e: {  	s7 =	simm.s32 $0x16300;
	[sflag:s17] =	ssyncadd.s32 $0xFFFFE000  }
0x15f: {  	[spmem:s3] =	stream.indirect.scatter.add.f32 [tilespmem:s8], [sflag:$0x7], $0x80, s7, s0, $0xb8;
	[tilespmem:$0x1F000] =	vst v63  }
0x160: {  	_ =	swait.ge [sflag:s30], $0x2000  }
0x161: {  	[sflag:s30] =	ssyncset.done $0x0  }
0x162: {  	s15 =	simm.s32 $0x15900;
	[sflag:s30] =	ssyncadd.s32 $0xFFFFE000  }
0x163: {  	[tilespmem:s8], [sflag:$0x3] =	stream.indirect.gather [hbm4b:s1+s0], $0x80, s15, s0, $0xb8;
	[tilespmem:$0x1F000] =	vst v63  }
0x164: {  	_ =	swait.ge [sflag:s20], $0x2000  }
0x165: {  	[sflag:s20] =	ssyncset.done $0x0  }
0x166: {  	s18 =	simm.s32 $0x16380;
	[sflag:s20] =	ssyncadd.s32 $0xFFFFE000  }
0x167: {  	[spmem:s3] =	stream.indirect.scatter.add.f32 [tilespmem:s11], [sflag:$0x7], $0x80, s18, s0, $0xb8;
	[tilespmem:$0x1F000] =	vst v63  }
0x168: {  	_ =	swait.ge [sflag:s30], $0x2000  }
0x169: {  	[sflag:s30] =	ssyncset.done $0x0  }
0x16a: {  	s19 =	simm.s32 $0x15980;
	[sflag:s30] =	ssyncadd.s32 $0xFFFFE000  }
0x16b: {  	[tilespmem:s11], [sflag:$0x4] =	stream.indirect.gather [hbm4b:s1+s0], $0x80, s19, s0, $0xb8;
	[tilespmem:$0x1F000] =	vst v63  }
0x16c: {  	_ =	swait.ge [sflag:s12], $0x2000  }
0x16d: {  	[sflag:s12] =	ssyncset.done $0x0  }
0x16e: {  	s22 =	simm.s32 $0x16400;
	[sflag:s12] =	ssyncadd.s32 $0xFFFFE000  }
0x16f: {  	[spmem:s3] =	stream.indirect.scatter.add.f32 [tilespmem:s2], [sflag:$0x7], $0x80, s22, s0, $0xb8;
	[tilespmem:$0x1F000] =	vst v63  }
0x170: {  	_ =	swait.ge [sflag:s30], $0x2000  }
0x171: {  	[sflag:s30] =	ssyncset.done $0x0  }
0x172: {  	s23 =	simm.s32 $0x15A00;
	[sflag:s30] =	ssyncadd.s32 $0xFFFFE000  }
0x173: {  	[tilespmem:s2], [sflag:$0x1] =	stream.indirect.gather [hbm4b:s1+s0], $0x80, s23, s0, $0xb8;
	[tilespmem:$0x1F000] =	vst v63  }
0x174: {  	_ =	swait.ge [sflag:s14], $0x2000  }
0x175: {  	[sflag:s14] =	ssyncset.done $0x0  }
0x176: {  	s24 =	simm.s32 $0x16480;
	[sflag:s14] =	ssyncadd.s32 $0xFFFFE000  }
0x177: {  	[spmem:s3] =	stream.indirect.scatter.add.f32 [tilespmem:s6], [sflag:$0x7], $0x80, s24, s0, $0xb8;
	[tilespmem:$0x1F000] =	vst v63  }
0x178: {  	_ =	swait.ge [sflag:s30], $0x2000  }
0x179: {  	[sflag:s30] =	ssyncset.done $0x0  }
0x17a: {  	s25 =	simm.s32 $0x15A80;
	[sflag:s30] =	ssyncadd.s32 $0xFFFFE000  }
0x17b: {  	[tilespmem:s6], [sflag:$0x2] =	stream.indirect.gather [hbm4b:s1+s0], $0x80, s25, s0, $0xb8;
	[tilespmem:$0x1F000] =	vst v63  }
0x17c: {  	_ =	swait.ge [sflag:s17], $0x2000  }
0x17d: {  	[sflag:s17] =	ssyncset.done $0x0  }
0x17e: {  	s26 =	simm.s32 $0x16500;
	[sflag:s17] =	ssyncadd.s32 $0xFFFFE000  }
0x17f: {  	[spmem:s3] =	stream.indirect.scatter.add.f32 [tilespmem:s8], [sflag:$0x7], $0x80, s26, s0, $0xb8;
	[tilespmem:$0x1F000] =	vst v63  }
0x180: {  	_ =	swait.ge [sflag:s30], $0x2000  }
0x181: {  	[sflag:s30] =	ssyncset.done $0x0  }
0x182: {  	s7 =	simm.s32 $0x15B00;
	[sflag:s30] =	ssyncadd.s32 $0xFFFFE000  }
0x183: {  	[tilespmem:s8], [sflag:$0x3] =	stream.indirect.gather [hbm4b:s1+s0], $0x80, s7, s0, $0xb8;
	[tilespmem:$0x1F000] =	vst v63  }
0x184: {  	_ =	swait.ge [sflag:s20], $0x2000  }
0x185: {  	[sflag:s20] =	ssyncset.done $0x0  }
0x186: {  	s15 =	simm.s32 $0x16580;
	[sflag:s20] =	ssyncadd.s32 $0xFFFFE000  }
0x187: {  	[spmem:s3] =	stream.indirect.scatter.add.f32 [tilespmem:s11], [sflag:$0x7], $0x80, s15, s0, $0xb8;
	[tilespmem:$0x1F000] =	vst v63  }
0x188: {  	_ =	swait.ge [sflag:s30], $0x2000  }
0x189: {  	[sflag:s30] =	ssyncset.done $0x0  }
0x18a: {  	s18 =	simm.s32 $0x15B80;
	[sflag:s30] =	ssyncadd.s32 $0xFFFFE000  }
0x18b: {  	[tilespmem:s11], [sflag:$0x4] =	stream.indirect.gather [hbm4b:s1+s0], $0x80, s18, s0, $0xb8;
	[tilespmem:$0x1F000] =	vst v63  }
0x18c: {  	_ =	swait.ge [sflag:s12], $0x2000  }
0x18d: {  	[sflag:s12] =	ssyncset.done $0x0  }
0x18e: {  	s19 =	simm.s32 $0x16600;
	[sflag:s12] =	ssyncadd.s32 $0xFFFFE000  }
0x18f: {  	[spmem:s3] =	stream.indirect.scatter.add.f32 [tilespmem:s2], [sflag:$0x7], $0x80, s19, s0, $0xb8;
	[tilespmem:$0x1F000] =	vst v63  }
0x190: {  	_ =	swait.ge [sflag:s30], $0x2000  }
0x191: {  	[sflag:s30] =	ssyncset.done $0x0  }
0x192: {  	s22 =	simm.s32 $0x15C00;
	[sflag:s30] =	ssyncadd.s32 $0xFFFFE000  }
0x193: {  	[tilespmem:s2], [sflag:$0x1] =	stream.indirect.gather [hbm4b:s1+s0], $0x80, s22, s0, $0xb8;
	[tilespmem:$0x1F000] =	vst v63  }
0x194: {  	_ =	swait.ge [sflag:s14], $0x2000  }
0x195: {  	[sflag:s14] =	ssyncset.done $0x0  }
0x196: {  	s23 =	simm.s32 $0x16680;
	[sflag:s14] =	ssyncadd.s32 $0xFFFFE000  }
0x197: {  	[spmem:s3] =	stream.indirect.scatter.add.f32 [tilespmem:s6], [sflag:$0x7], $0x80, s23, s0, $0xb8;
	[tilespmem:$0x1F000] =	vst v63  }
0x198: {  	_ =	swait.ge [sflag:s30], $0x2000  }
0x199: {  	[sflag:s30] =	ssyncset.done $0x0  }
0x19a: {  	s24 =	simm.s32 $0x15C80;
	[sflag:s30] =	ssyncadd.s32 $0xFFFFE000  }
0x19b: {  	[tilespmem:s6], [sflag:$0x2] =	stream.indirect.gather [hbm4b:s1+s0], $0x80, s24, s0, $0xb8;
	[tilespmem:$0x1F000] =	vst v63  }
0x19c: {  	_ =	swait.ge [sflag:s17], $0x2000  }
0x19d: {  	[sflag:s17] =	ssyncset.done $0x0  }
0x19e: {  	s25 =	simm.s32 $0x16700;
	[sflag:s17] =	ssyncadd.s32 $0xFFFFE000  }
0x19f: {  	[spmem:s3] =	stream.indirect.scatter.add.f32 [tilespmem:s8], [sflag:$0x7], $0x80, s25, s0, $0xb8;
	[tilespmem:$0x1F000] =	vst v63  }
0x1a0: {  	_ =	swait.ge [sflag:s30], $0x2000  }
0x1a1: {  	[sflag:s30] =	ssyncset.done $0x0  }
0x1a2: {  	s26 =	simm.s32 $0x15D00;
	[sflag:s30] =	ssyncadd.s32 $0xFFFFE000  }
0x1a3: {  	[tilespmem:s8], [sflag:$0x3] =	stream.indirect.gather [hbm4b:s1+s0], $0x80, s26, s0, $0xb8;
	[tilespmem:$0x1F000] =	vst v63  }
0x1a4: {  	_ =	swait.ge [sflag:s20], $0x2000  }
0x1a5: {  	[sflag:s20] =	ssyncset.done $0x0  }
0x1a6: {  	s7 =	simm.s32 $0x16780;
	[sflag:s20] =	ssyncadd.s32 $0xFFFFE000  }
0x1a7: {  	[spmem:s3] =	stream.indirect.scatter.add.f32 [tilespmem:s11], [sflag:$0x7], $0x80, s7, s0, $0xb8;
	[tilespmem:$0x1F000] =	vst v63  }
0x1a8: {  	_ =	swait.ge [sflag:s30], $0x2000  }
0x1a9: {  	[sflag:s30] =	ssyncset.done $0x0  }
0x1aa: {  	s15 =	simm.s32 $0x15D80;
	[sflag:s30] =	ssyncadd.s32 $0xFFFFE000  }
0x1ab: {  	[tilespmem:s11], [sflag:$0x4] =	stream.indirect.gather [hbm4b:s1+s0], $0x80, s15, s0, $0xb8;
	[tilespmem:$0x1F000] =	vst v63  }
0x1ac: {  	_ =	swait.ge [sflag:s12], $0x2000  }
0x1ad: {  	[sflag:s12] =	ssyncset.done $0x0  }
0x1ae: {  	s18 =	simm.s32 $0x16800;
	[sflag:s12] =	ssyncadd.s32 $0xFFFFE000  }
0x1af: {  	[spmem:s3] =	stream.indirect.scatter.add.f32 [tilespmem:s2], [sflag:$0x7], $0x80, s18, s0, $0xb8;
	[tilespmem:$0x1F000] =	vst v63  }
0x1b0: {  	_ =	swait.ge [sflag:s30], $0x2000  }
0x1b1: {  	[sflag:s30] =	ssyncset.done $0x0  }
0x1b2: {  	[sflag:s30] =	ssyncadd.s32 $0xFFFFE000  }
0x1b3: {  	_ =	swait.ge [sflag:s14], $0x2000  }
0x1b4: {  	[sflag:s14] =	ssyncset.done $0x0  }
0x1b5: {  	s19 =	simm.s32 $0x16880;
	[sflag:s14] =	ssyncadd.s32 $0xFFFFE000  }
0x1b6: {  	[spmem:s3] =	stream.indirect.scatter.add.f32 [tilespmem:s6], [sflag:$0x7], $0x80, s19, s0, $0xb8;
	[tilespmem:$0x1F000] =	vst v63  }
0x1b7: {  	_ =	swait.ge [sflag:s30], $0x2000  }
0x1b8: {  	[sflag:s30] =	ssyncset.done $0x0  }
0x1b9: {  	[sflag:s30] =	ssyncadd.s32 $0xFFFFE000  }
0x1ba: {  	_ =	swait.ge [sflag:s17], $0x2000  }
0x1bb: {  	[sflag:s17] =	ssyncset.done $0x0  }
0x1bc: {  	s22 =	simm.s32 $0x16900;
	[sflag:s17] =	ssyncadd.s32 $0xFFFFE000  }
0x1bd: {  	[spmem:s3] =	stream.indirect.scatter.add.f32 [tilespmem:s8], [sflag:$0x7], $0x80, s22, s0, $0xb8;
	[tilespmem:$0x1F000] =	vst v63  }
0x1be: {  	_ =	swait.ge [sflag:s30], $0x2000  }
0x1bf: {  	[sflag:s30] =	ssyncset.done $0x0  }
0x1c0: {  	[sflag:s30] =	ssyncadd.s32 $0xFFFFE000  }
0x1c1: {  	_ =	swait.ge [sflag:s20], $0x2000  }
0x1c2: {  	[sflag:s20] =	ssyncset.done $0x0  }
0x1c3: {  	s23 =	simm.s32 $0x16980;
	[sflag:s20] =	ssyncadd.s32 $0xFFFFE000  }
0x1c4: {  	[spmem:s3] =	stream.indirect.scatter.add.f32 [tilespmem:s11], [sflag:$0x7], $0x80, s23, s0, $0xb8;
	[tilespmem:$0x1F000] =	vst v63  }
0x1c5: {  	_ =	swait.ge [sflag:s30], $0x2000  }
0x1c6: {  	[sflag:s30] =	ssyncset.done $0x0  }
0x1c7: {  	s24 =	rddreg [dreg:$0xb];
	[sflag:s30] =	ssyncadd.s32 $0xFFFFE000  }
0x1c8: {  	[tilespmem:s10], [sflag:$0x6] =	stream.linear.gather [hbm4b:s24+s4], $0xA00, $0x38;
	[tilespmem:$0x1F000] =	vst v63  }
0x1c9: {  	s25 =	rddreg [dreg:$0xc]  }
0x1ca: {  	[tilespmem:s21], [sflag:$0x6] =	stream.linear.gather [hbm4b:s25+s4], $0xA00, $0x38;
	[tilespmem:$0x1F000] =	vst v63  }
0x1cb: {  	_ =	swait.ge [sflag:s31], $0xA00  }
0x1cc: {  	[sflag:s31] =	ssyncset.done $0x0  }
0x1cd: {  	[sflag:s31] =	ssyncadd.s32 $0xFFFFF600  }
0x1ce: {  	_ =	swait.ge [sflag:s31], $0xA00  }
0x1cf: {  	[sflag:s31] =	ssyncset.done $0x0  }
0x1d0: {  	s26 =	simm.s32 $0x13C00;
	[sflag:s31] =	ssyncadd.s32 $0xFFFFF600  }
0x1d1: {  	[tilespmem:s2], [sflag:$0x1] =	stream.indirect.gather [hbm4b:s1+s0], $0x80, s26, s0, $0xb8;
	[tilespmem:$0x1F000] =	vst v63  }
0x1d2: {  	s5 =	simm.s32 $0x13C80  }
0x1d3: {  	[tilespmem:s6], [sflag:$0x2] =	stream.indirect.gather [hbm4b:s1+s0], $0x80, s5, s0, $0xb8;
	[tilespmem:$0x1F000] =	vst v63  }
0x1d4: {  	s7 =	simm.s32 $0x13D00  }
0x1d5: {  	[tilespmem:s8], [sflag:$0x3] =	stream.indirect.gather [hbm4b:s1+s0], $0x80, s7, s0, $0xb8;
	[tilespmem:$0x1F000] =	vst v63  }
0x1d6: {  	s10 =	simm.s32 $0x13D80  }
0x1d7: {  	[tilespmem:s11], [sflag:$0x4] =	stream.indirect.gather [hbm4b:s1+s0], $0x80, s10, s0, $0xb8;
	[tilespmem:$0x1F000] =	vst v63  }
0x1d8: {  	_ =	swait.ge [sflag:s12], $0x2000  }
0x1d9: {  	[sflag:s12] =	ssyncset.done $0x0  }
0x1da: {  	s26 =	simm.s32 $0x14800;
	[sflag:s12] =	ssyncadd.s32 $0xFFFFE000  }
0x1db: {  	[spmem:s3] =	stream.indirect.scatter.add.f32 [tilespmem:s2], [sflag:$0x7], $0x80, s26, s0, $0xb8;
	[tilespmem:$0x1F000] =	vst v63  }
0x1dc: {  	_ =	swait.ge [sflag:s30], $0x2000  }
0x1dd: {  	[sflag:s30] =	ssyncset.done $0x0  }
0x1de: {  	s18 =	simm.s32 $0x13E00;
	[sflag:s30] =	ssyncadd.s32 $0xFFFFE000  }
0x1df: {  	[tilespmem:s2], [sflag:$0x1] =	stream.indirect.gather [hbm4b:s1+s0], $0x80, s18, s0, $0xb8;
	[tilespmem:$0x1F000] =	vst v63  }
0x1e0: {  	_ =	swait.ge [sflag:s14], $0x2000  }
0x1e1: {  	[sflag:s14] =	ssyncset.done $0x0  }
0x1e2: {  	s19 =	simm.s32 $0x14880;
	[sflag:s14] =	ssyncadd.s32 $0xFFFFE000  }
0x1e3: {  	[spmem:s3] =	stream.indirect.scatter.add.f32 [tilespmem:s6], [sflag:$0x7], $0x80, s19, s0, $0xb8;
	[tilespmem:$0x1F000] =	vst v63  }
0x1e4: {  	_ =	swait.ge [sflag:s30], $0x2000  }
0x1e5: {  	[sflag:s30] =	ssyncset.done $0x0  }
0x1e6: {  	s21 =	simm.s32 $0x13E80;
	[sflag:s30] =	ssyncadd.s32 $0xFFFFE000  }
0x1e7: {  	[tilespmem:s6], [sflag:$0x2] =	stream.indirect.gather [hbm4b:s1+s0], $0x80, s21, s0, $0xb8;
	[tilespmem:$0x1F000] =	vst v63  }
0x1e8: {  	_ =	swait.ge [sflag:s17], $0x2000  }
0x1e9: {  	[sflag:s17] =	ssyncset.done $0x0  }
0x1ea: {  	s22 =	simm.s32 $0x14900;
	[sflag:s17] =	ssyncadd.s32 $0xFFFFE000  }
0x1eb: {  	[spmem:s3] =	stream.indirect.scatter.add.f32 [tilespmem:s8], [sflag:$0x7], $0x80, s22, s0, $0xb8;
	[tilespmem:$0x1F000] =	vst v63  }
0x1ec: {  	_ =	swait.ge [sflag:s30], $0x2000  }
0x1ed: {  	[sflag:s30] =	ssyncset.done $0x0  }
0x1ee: {  	s23 =	simm.s32 $0x13F00;
	[sflag:s30] =	ssyncadd.s32 $0xFFFFE000  }
0x1ef: {  	[tilespmem:s8], [sflag:$0x3] =	stream.indirect.gather [hbm4b:s1+s0], $0x80, s23, s0, $0xb8;
	[tilespmem:$0x1F000] =	vst v63  }
0x1f0: {  	_ =	swait.ge [sflag:s20], $0x2000  }
0x1f1: {  	[sflag:s20] =	ssyncset.done $0x0  }
0x1f2: {  	s24 =	simm.s32 $0x14980;
	[sflag:s20] =	ssyncadd.s32 $0xFFFFE000  }
0x1f3: {  	[spmem:s3] =	stream.indirect.scatter.add.f32 [tilespmem:s11], [sflag:$0x7], $0x80, s24, s0, $0xb8;
	[tilespmem:$0x1F000] =	vst v63  }
0x1f4: {  	_ =	swait.ge [sflag:s30], $0x2000  }
0x1f5: {  	[sflag:s30] =	ssyncset.done $0x0  }
0x1f6: {  	s28 =	simm.s32 $0x13F80;
	[sflag:s30] =	ssyncadd.s32 $0xFFFFE000  }
0x1f7: {  	[tilespmem:s11], [sflag:$0x4] =	stream.indirect.gather [hbm4b:s1+s0], $0x80, s28, s0, $0xb8;
	[tilespmem:$0x1F000] =	vst v63  }
0x1f8: {  	_ =	swait.ge [sflag:s12], $0x2000  }
0x1f9: {  	[sflag:s12] =	ssyncset.done $0x0  }
0x1fa: {  	s25 =	simm.s32 $0x14A00;
	[sflag:s12] =	ssyncadd.s32 $0xFFFFE000  }
0x1fb: {  	[spmem:s3] =	stream.indirect.scatter.add.f32 [tilespmem:s2], [sflag:$0x7], $0x80, s25, s0, $0xb8;
	[tilespmem:$0x1F000] =	vst v63  }
0x1fc: {  	_ =	swait.ge [sflag:s30], $0x2000  }
0x1fd: {  	[sflag:s30] =	ssyncset.done $0x0  }
0x1fe: {  	s28 =	simm.s32 $0x14000;
	[sflag:s30] =	ssyncadd.s32 $0xFFFFE000  }
0x1ff: {  	[tilespmem:s2], [sflag:$0x1] =	stream.indirect.gather [hbm4b:s1+s0], $0x80, s28, s0, $0xb8;
	[tilespmem:$0x1F000] =	vst v63  }
0x200: {  	_ =	swait.ge [sflag:s14], $0x2000  }
0x201: {  	[sflag:s14] =	ssyncset.done $0x0  }
0x202: {  	s28 =	simm.s32 $0x14A80;
	[sflag:s14] =	ssyncadd.s32 $0xFFFFE000  }
0x203: {  	[spmem:s3] =	stream.indirect.scatter.add.f32 [tilespmem:s6], [sflag:$0x7], $0x80, s28, s0, $0xb8;
	[tilespmem:$0x1F000] =	vst v63  }
0x204: {  	_ =	swait.ge [sflag:s30], $0x2000  }
0x205: {  	[sflag:s30] =	ssyncset.done $0x0  }
0x206: {  	s28 =	simm.s32 $0x14080;
	[sflag:s30] =	ssyncadd.s32 $0xFFFFE000  }
0x207: {  	[tilespmem:s6], [sflag:$0x2] =	stream.indirect.gather [hbm4b:s1+s0], $0x80, s28, s0, $0xb8;
	[tilespmem:$0x1F000] =	vst v63  }
0x208: {  	_ =	swait.ge [sflag:s17], $0x2000  }
0x209: {  	[sflag:s17] =	ssyncset.done $0x0  }
0x20a: {  	s28 =	simm.s32 $0x14B00;
	[sflag:s17] =	ssyncadd.s32 $0xFFFFE000  }
0x20b: {  	[spmem:s3] =	stream.indirect.scatter.add.f32 [tilespmem:s8], [sflag:$0x7], $0x80, s28, s0, $0xb8;
	[tilespmem:$0x1F000] =	vst v63  }
0x20c: {  	_ =	swait.ge [sflag:s30], $0x2000  }
0x20d: {  	[sflag:s30] =	ssyncset.done $0x0  }
0x20e: {  	s28 =	simm.s32 $0x14100;
	[sflag:s30] =	ssyncadd.s32 $0xFFFFE000  }
0x20f: {  	[tilespmem:s8], [sflag:$0x3] =	stream.indirect.gather [hbm4b:s1+s0], $0x80, s28, s0, $0xb8;
	[tilespmem:$0x1F000] =	vst v63  }
0x210: {  	_ =	swait.ge [sflag:s20], $0x2000  }
0x211: {  	[sflag:s20] =	ssyncset.done $0x0  }
0x212: {  	s28 =	simm.s32 $0x14B80;
	[sflag:s20] =	ssyncadd.s32 $0xFFFFE000  }
0x213: {  	[spmem:s3] =	stream.indirect.scatter.add.f32 [tilespmem:s11], [sflag:$0x7], $0x80, s28, s0, $0xb8;
	[tilespmem:$0x1F000] =	vst v63  }
0x214: {  	_ =	swait.ge [sflag:s30], $0x2000  }
0x215: {  	[sflag:s30] =	ssyncset.done $0x0  }
0x216: {  	s28 =	simm.s32 $0x14180;
	[sflag:s30] =	ssyncadd.s32 $0xFFFFE000  }
0x217: {  	[tilespmem:s11], [sflag:$0x4] =	stream.indirect.gather [hbm4b:s1+s0], $0x80, s28, s0, $0xb8;
	[tilespmem:$0x1F000] =	vst v63  }
0x218: {  	_ =	swait.ge [sflag:s12], $0x2000  }
0x219: {  	[sflag:s12] =	ssyncset.done $0x0  }
0x21a: {  	s28 =	simm.s32 $0x14C00;
	[sflag:s12] =	ssyncadd.s32 $0xFFFFE000  }
0x21b: {  	[spmem:s3] =	stream.indirect.scatter.add.f32 [tilespmem:s2], [sflag:$0x7], $0x80, s28, s0, $0xb8;
	[tilespmem:$0x1F000] =	vst v63  }
0x21c: {  	_ =	swait.ge [sflag:s30], $0x2000  }
0x21d: {  	[sflag:s30] =	ssyncset.done $0x0  }
0x21e: {  	s28 =	simm.s32 $0x14200;
	[sflag:s30] =	ssyncadd.s32 $0xFFFFE000  }
0x21f: {  	[tilespmem:s2], [sflag:$0x1] =	stream.indirect.gather [hbm4b:s1+s0], $0x80, s28, s0, $0xb8;
	[tilespmem:$0x1F000] =	vst v63  }
0x220: {  	_ =	swait.ge [sflag:s14], $0x2000  }
0x221: {  	[sflag:s14] =	ssyncset.done $0x0  }
0x222: {  	s28 =	simm.s32 $0x14C80;
	[sflag:s14] =	ssyncadd.s32 $0xFFFFE000  }
0x223: {  	[spmem:s3] =	stream.indirect.scatter.add.f32 [tilespmem:s6], [sflag:$0x7], $0x80, s28, s0, $0xb8;
	[tilespmem:$0x1F000] =	vst v63  }
0x224: {  	_ =	swait.ge [sflag:s30], $0x2000  }
0x225: {  	[sflag:s30] =	ssyncset.done $0x0  }
0x226: {  	s28 =	simm.s32 $0x14280;
	[sflag:s30] =	ssyncadd.s32 $0xFFFFE000  }
0x227: {  	[tilespmem:s6], [sflag:$0x2] =	stream.indirect.gather [hbm4b:s1+s0], $0x80, s28, s0, $0xb8;
	[tilespmem:$0x1F000] =	vst v63  }
0x228: {  	_ =	swait.ge [sflag:s17], $0x2000  }
0x229: {  	[sflag:s17] =	ssyncset.done $0x0  }
0x22a: {  	s28 =	simm.s32 $0x14D00;
	[sflag:s17] =	ssyncadd.s32 $0xFFFFE000  }
0x22b: {  	[spmem:s3] =	stream.indirect.scatter.add.f32 [tilespmem:s8], [sflag:$0x7], $0x80, s28, s0, $0xb8;
	[tilespmem:$0x1F000] =	vst v63  }
0x22c: {  	_ =	swait.ge [sflag:s30], $0x2000  }
0x22d: {  	[sflag:s30] =	ssyncset.done $0x0  }
0x22e: {  	s28 =	simm.s32 $0x14300;
	[sflag:s30] =	ssyncadd.s32 $0xFFFFE000  }
0x22f: {  	[tilespmem:s8], [sflag:$0x3] =	stream.indirect.gather [hbm4b:s1+s0], $0x80, s28, s0, $0xb8;
	[tilespmem:$0x1F000] =	vst v63  }
0x230: {  	_ =	swait.ge [sflag:s20], $0x2000  }
0x231: {  	[sflag:s20] =	ssyncset.done $0x0  }
0x232: {  	s28 =	simm.s32 $0x14D80;
	[sflag:s20] =	ssyncadd.s32 $0xFFFFE000  }
0x233: {  	[spmem:s3] =	stream.indirect.scatter.add.f32 [tilespmem:s11], [sflag:$0x7], $0x80, s28, s0, $0xb8;
	[tilespmem:$0x1F000] =	vst v63  }
0x234: {  	_ =	swait.ge [sflag:s30], $0x2000  }
0x235: {  	[sflag:s30] =	ssyncset.done $0x0  }
0x236: {  	s28 =	simm.s32 $0x14380;
	[sflag:s30] =	ssyncadd.s32 $0xFFFFE000  }
0x237: {  	[tilespmem:s11], [sflag:$0x4] =	stream.indirect.gather [hbm4b:s1+s0], $0x80, s28, s0, $0xb8;
	[tilespmem:$0x1F000] =	vst v63  }
0x238: {  	_ =	swait.ge [sflag:s12], $0x2000  }
0x239: {  	[sflag:s12] =	ssyncset.done $0x0  }
0x23a: {  	s28 =	simm.s32 $0x14E00;
	[sflag:s12] =	ssyncadd.s32 $0xFFFFE000  }
0x23b: {  	[spmem:s3] =	stream.indirect.scatter.add.f32 [tilespmem:s2], [sflag:$0x7], $0x80, s28, s0, $0xb8;
	[tilespmem:$0x1F000] =	vst v63  }
0x23c: {  	_ =	swait.ge [sflag:s30], $0x2000  }
0x23d: {  	[sflag:s30] =	ssyncset.done $0x0  }
0x23e: {  	s28 =	simm.s32 $0x14400;
	[sflag:s30] =	ssyncadd.s32 $0xFFFFE000  }
0x23f: {  	[tilespmem:s2], [sflag:$0x1] =	stream.indirect.gather [hbm4b:s1+s0], $0x80, s28, s0, $0xb8;
	[tilespmem:$0x1F000] =	vst v63  }
0x240: {  	_ =	swait.ge [sflag:s14], $0x2000  }
0x241: {  	[sflag:s14] =	ssyncset.done $0x0  }
0x242: {  	s28 =	simm.s32 $0x14E80;
	[sflag:s14] =	ssyncadd.s32 $0xFFFFE000  }
0x243: {  	[spmem:s3] =	stream.indirect.scatter.add.f32 [tilespmem:s6], [sflag:$0x7], $0x80, s28, s0, $0xb8;
	[tilespmem:$0x1F000] =	vst v63  }
0x244: {  	_ =	swait.ge [sflag:s30], $0x2000  }
0x245: {  	[sflag:s30] =	ssyncset.done $0x0  }
0x246: {  	s28 =	simm.s32 $0x14480;
	[sflag:s30] =	ssyncadd.s32 $0xFFFFE000  }
0x247: {  	[tilespmem:s6], [sflag:$0x2] =	stream.indirect.gather [hbm4b:s1+s0], $0x80, s28, s0, $0xb8;
	[tilespmem:$0x1F000] =	vst v63  }
0x248: {  	_ =	swait.ge [sflag:s17], $0x2000  }
0x249: {  	[sflag:s17] =	ssyncset.done $0x0  }
0x24a: {  	s28 =	simm.s32 $0x14F00;
	[sflag:s17] =	ssyncadd.s32 $0xFFFFE000  }
0x24b: {  	[spmem:s3] =	stream.indirect.scatter.add.f32 [tilespmem:s8], [sflag:$0x7], $0x80, s28, s0, $0xb8;
	[tilespmem:$0x1F000] =	vst v63  }
0x24c: {  	_ =	swait.ge [sflag:s30], $0x2000  }
0x24d: {  	[sflag:s30] =	ssyncset.done $0x0  }
0x24e: {  	s28 =	simm.s32 $0x14500;
	[sflag:s30] =	ssyncadd.s32 $0xFFFFE000  }
0x24f: {  	[tilespmem:s8], [sflag:$0x3] =	stream.indirect.gather [hbm4b:s1+s0], $0x80, s28, s0, $0xb8;
	[tilespmem:$0x1F000] =	vst v63  }
0x250: {  	_ =	swait.ge [sflag:s20], $0x2000  }
0x251: {  	[sflag:s20] =	ssyncset.done $0x0  }
0x252: {  	s28 =	simm.s32 $0x14F80;
	[sflag:s20] =	ssyncadd.s32 $0xFFFFE000  }
0x253: {  	[spmem:s3] =	stream.indirect.scatter.add.f32 [tilespmem:s11], [sflag:$0x7], $0x80, s28, s0, $0xb8;
	[tilespmem:$0x1F000] =	vst v63  }
0x254: {  	_ =	swait.ge [sflag:s30], $0x2000  }
0x255: {  	[sflag:s30] =	ssyncset.done $0x0  }
0x256: {  	s28 =	simm.s32 $0x14580;
	[sflag:s30] =	ssyncadd.s32 $0xFFFFE000  }
0x257: {  	[tilespmem:s11], [sflag:$0x4] =	stream.indirect.gather [hbm4b:s1+s0], $0x80, s28, s0, $0xb8;
	[tilespmem:$0x1F000] =	vst v63  }
0x258: {  	_ =	swait.ge [sflag:s12], $0x2000  }
0x259: {  	[sflag:s12] =	ssyncset.done $0x0  }
0x25a: {  	s28 =	simm.s32 $0x15000;
	[sflag:s12] =	ssyncadd.s32 $0xFFFFE000  }
0x25b: {  	[spmem:s3] =	stream.indirect.scatter.add.f32 [tilespmem:s2], [sflag:$0x7], $0x80, s28, s0, $0xb8;
	[tilespmem:$0x1F000] =	vst v63  }
0x25c: {  	_ =	swait.ge [sflag:s30], $0x2000  }
0x25d: {  	[sflag:s30] =	ssyncset.done $0x0  }
0x25e: {  	[sflag:s30] =	ssyncadd.s32 $0xFFFFE000  }
0x25f: {  	_ =	swait.ge [sflag:s14], $0x2000  }
0x260: {  	[sflag:s14] =	ssyncset.done $0x0  }
0x261: {  	s28 =	simm.s32 $0x15080;
	[sflag:s14] =	ssyncadd.s32 $0xFFFFE000  }
0x262: {  	[spmem:s3] =	stream.indirect.scatter.add.f32 [tilespmem:s6], [sflag:$0x7], $0x80, s28, s0, $0xb8;
	[tilespmem:$0x1F000] =	vst v63  }
0x263: {  	_ =	swait.ge [sflag:s30], $0x2000  }
0x264: {  	[sflag:s30] =	ssyncset.done $0x0  }
0x265: {  	[sflag:s30] =	ssyncadd.s32 $0xFFFFE000  }
0x266: {  	_ =	swait.ge [sflag:s17], $0x2000  }
0x267: {  	[sflag:s17] =	ssyncset.done $0x0  }
0x268: {  	s28 =	simm.s32 $0x15100;
	[sflag:s17] =	ssyncadd.s32 $0xFFFFE000  }
0x269: {  	[spmem:s3] =	stream.indirect.scatter.add.f32 [tilespmem:s8], [sflag:$0x7], $0x80, s28, s0, $0xb8;
	[tilespmem:$0x1F000] =	vst v63  }
0x26a: {  	_ =	swait.ge [sflag:s30], $0x2000  }
0x26b: {  	[sflag:s30] =	ssyncset.done $0x0  }
0x26c: {  	[sflag:s30] =	ssyncadd.s32 $0xFFFFE000  }
0x26d: {  	_ =	swait.ge [sflag:s20], $0x2000  }
0x26e: {  	[sflag:s20] =	ssyncset.done $0x0  }
0x26f: {  	s28 =	simm.s32 $0x15180;
	[sflag:s20] =	ssyncadd.s32 $0xFFFFE000  }
0x270: {  	[spmem:s3] =	stream.indirect.scatter.add.f32 [tilespmem:s11], [sflag:$0x7], $0x80, s28, s0, $0xb8;
	[tilespmem:$0x1F000] =	vst v63  }
0x271: {  	_ =	swait.ge [sflag:s30], $0x2000  }
0x272: {  	[sflag:s30] =	ssyncset.done $0x0  }
0x273: {  	s28 =	simm.s32 $0x13C00;
	s15 =	rddreg [dreg:$0xd];
	[sflag:s30] =	ssyncadd.s32 $0xFFFFE000  }
0x274: {  	[tilespmem:s28], [sflag:$0x5] =	stream.linear.gather [hbm4b:s15+s4], $0xA00, $0x38;
	[tilespmem:$0x1F000] =	vst v63  }
0x275: {  	s28 =	rddreg [dreg:$0xe]  }
0x276: {  	[tilespmem:s26], [sflag:$0x5] =	stream.linear.gather [hbm4b:s28+s4], $0xA00, $0x38;
	[tilespmem:$0x1F000] =	vst v63  }
0x277: {  	_ =	swait.ge [sflag:s16], $0xA00  }
0x278: {  	[sflag:s16] =	ssyncset.done $0x0  }
0x279: {  	[sflag:s16] =	ssyncadd.s32 $0xFFFFF600  }
0x27a: {  	_ =	swait.ge [sflag:s16], $0xA00  }
0x27b: {  	[sflag:s16] =	ssyncset.done $0x0  }
0x27c: {  	s28 =	simm.s32 $0x15400;
	[sflag:s16] =	ssyncadd.s32 $0xFFFFF600  }
0x27d: {  	[tilespmem:s2], [sflag:$0x1] =	stream.indirect.gather [hbm4b:s1+s0], $0x80, s28, s0, $0xb8;
	[tilespmem:$0x1F000] =	vst v63  }
0x27e: {  	s28 =	simm.s32 $0x15480  }
0x27f: {  	[tilespmem:s6], [sflag:$0x2] =	stream.indirect.gather [hbm4b:s1+s0], $0x80, s28, s0, $0xb8;
	[tilespmem:$0x1F000] =	vst v63  }
0x280: {  	s28 =	simm.s32 $0x15500  }
0x281: {  	[tilespmem:s8], [sflag:$0x3] =	stream.indirect.gather [hbm4b:s1+s0], $0x80, s28, s0, $0xb8;
	[tilespmem:$0x1F000] =	vst v63  }
0x282: {  	s28 =	simm.s32 $0x15580  }
0x283: {  	[tilespmem:s11], [sflag:$0x4] =	stream.indirect.gather [hbm4b:s1+s0], $0x80, s28, s0, $0xb8;
	[tilespmem:$0x1F000] =	vst v63  }
0x284: {  	_ =	swait.ge [sflag:s12], $0x2000  }
0x285: {  	[sflag:s12] =	ssyncset.done $0x0  }
0x286: {  	s28 =	simm.s32 $0x16000;
	[sflag:s12] =	ssyncadd.s32 $0xFFFFE000  }
0x287: {  	[spmem:s3] =	stream.indirect.scatter.add.f32 [tilespmem:s2], [sflag:$0x7], $0x80, s28, s0, $0xb8;
	[tilespmem:$0x1F000] =	vst v63  }
0x288: {  	_ =	swait.ge [sflag:s30], $0x2000  }
0x289: {  	[sflag:s30] =	ssyncset.done $0x0  }
0x28a: {  	s28 =	simm.s32 $0x15600;
	[sflag:s30] =	ssyncadd.s32 $0xFFFFE000  }
0x28b: {  	[tilespmem:s2], [sflag:$0x1] =	stream.indirect.gather [hbm4b:s1+s0], $0x80, s28, s0, $0xb8;
	[tilespmem:$0x1F000] =	vst v63  }
0x28c: {  	_ =	swait.ge [sflag:s14], $0x2000  }
0x28d: {  	[sflag:s14] =	ssyncset.done $0x0  }
0x28e: {  	s28 =	simm.s32 $0x16080;
	[sflag:s14] =	ssyncadd.s32 $0xFFFFE000  }
0x28f: {  	[spmem:s3] =	stream.indirect.scatter.add.f32 [tilespmem:s6], [sflag:$0x7], $0x80, s28, s0, $0xb8;
	[tilespmem:$0x1F000] =	vst v63  }
0x290: {  	_ =	swait.ge [sflag:s30], $0x2000  }
0x291: {  	[sflag:s30] =	ssyncset.done $0x0  }
0x292: {  	s28 =	simm.s32 $0x15680;
	[sflag:s30] =	ssyncadd.s32 $0xFFFFE000  }
0x293: {  	[tilespmem:s6], [sflag:$0x2] =	stream.indirect.gather [hbm4b:s1+s0], $0x80, s28, s0, $0xb8;
	[tilespmem:$0x1F000] =	vst v63  }
0x294: {  	_ =	swait.ge [sflag:s17], $0x2000  }
0x295: {  	[sflag:s17] =	ssyncset.done $0x0  }
0x296: {  	s28 =	simm.s32 $0x16100;
	[sflag:s17] =	ssyncadd.s32 $0xFFFFE000  }
0x297: {  	[spmem:s3] =	stream.indirect.scatter.add.f32 [tilespmem:s8], [sflag:$0x7], $0x80, s28, s0, $0xb8;
	[tilespmem:$0x1F000] =	vst v63  }
0x298: {  	_ =	swait.ge [sflag:s30], $0x2000  }
0x299: {  	[sflag:s30] =	ssyncset.done $0x0  }
0x29a: {  	s28 =	simm.s32 $0x15700;
	[sflag:s30] =	ssyncadd.s32 $0xFFFFE000  }
0x29b: {  	[tilespmem:s8], [sflag:$0x3] =	stream.indirect.gather [hbm4b:s1+s0], $0x80, s28, s0, $0xb8;
	[tilespmem:$0x1F000] =	vst v63  }
0x29c: {  	_ =	swait.ge [sflag:s20], $0x2000  }
0x29d: {  	[sflag:s20] =	ssyncset.done $0x0  }
0x29e: {  	s28 =	simm.s32 $0x16180;
	[sflag:s20] =	ssyncadd.s32 $0xFFFFE000  }
0x29f: {  	[spmem:s3] =	stream.indirect.scatter.add.f32 [tilespmem:s11], [sflag:$0x7], $0x80, s28, s0, $0xb8;
	[tilespmem:$0x1F000] =	vst v63  }
0x2a0: {  	_ =	swait.ge [sflag:s30], $0x2000  }
0x2a1: {  	[sflag:s30] =	ssyncset.done $0x0  }
0x2a2: {  	s28 =	simm.s32 $0x15780;
	[sflag:s30] =	ssyncadd.s32 $0xFFFFE000  }
0x2a3: {  	[tilespmem:s11], [sflag:$0x4] =	stream.indirect.gather [hbm4b:s1+s0], $0x80, s28, s0, $0xb8;
	[tilespmem:$0x1F000] =	vst v63  }
0x2a4: {  	_ =	swait.ge [sflag:s12], $0x2000  }
0x2a5: {  	[sflag:s12] =	ssyncset.done $0x0  }
0x2a6: {  	s28 =	simm.s32 $0x16200;
	[sflag:s12] =	ssyncadd.s32 $0xFFFFE000  }
0x2a7: {  	[spmem:s3] =	stream.indirect.scatter.add.f32 [tilespmem:s2], [sflag:$0x7], $0x80, s28, s0, $0xb8;
	[tilespmem:$0x1F000] =	vst v63  }
0x2a8: {  	_ =	swait.ge [sflag:s30], $0x2000  }
0x2a9: {  	[sflag:s30] =	ssyncset.done $0x0  }
0x2aa: {  	s28 =	simm.s32 $0x15800;
	[sflag:s30] =	ssyncadd.s32 $0xFFFFE000  }
0x2ab: {  	[tilespmem:s2], [sflag:$0x1] =	stream.indirect.gather [hbm4b:s1+s0], $0x80, s28, s0, $0xb8;
	[tilespmem:$0x1F000] =	vst v63  }
0x2ac: {  	_ =	swait.ge [sflag:s14], $0x2000  }
0x2ad: {  	[sflag:s14] =	ssyncset.done $0x0  }
0x2ae: {  	s28 =	simm.s32 $0x16280;
	[sflag:s14] =	ssyncadd.s32 $0xFFFFE000  }
0x2af: {  	[spmem:s3] =	stream.indirect.scatter.add.f32 [tilespmem:s6], [sflag:$0x7], $0x80, s28, s0, $0xb8;
	[tilespmem:$0x1F000] =	vst v63  }
0x2b0: {  	_ =	swait.ge [sflag:s30], $0x2000  }
0x2b1: {  	[sflag:s30] =	ssyncset.done $0x0  }
0x2b2: {  	s28 =	simm.s32 $0x15880;
	[sflag:s30] =	ssyncadd.s32 $0xFFFFE000  }
0x2b3: {  	[tilespmem:s6], [sflag:$0x2] =	stream.indirect.gather [hbm4b:s1+s0], $0x80, s28, s0, $0xb8;
	[tilespmem:$0x1F000] =	vst v63  }
0x2b4: {  	_ =	swait.ge [sflag:s17], $0x2000  }
0x2b5: {  	[sflag:s17] =	ssyncset.done $0x0  }
0x2b6: {  	s28 =	simm.s32 $0x16300;
	[sflag:s17] =	ssyncadd.s32 $0xFFFFE000  }
0x2b7: {  	[spmem:s3] =	stream.indirect.scatter.add.f32 [tilespmem:s8], [sflag:$0x7], $0x80, s28, s0, $0xb8;
	[tilespmem:$0x1F000] =	vst v63  }
0x2b8: {  	_ =	swait.ge [sflag:s30], $0x2000  }
0x2b9: {  	[sflag:s30] =	ssyncset.done $0x0  }
0x2ba: {  	s28 =	simm.s32 $0x15900;
	[sflag:s30] =	ssyncadd.s32 $0xFFFFE000  }
0x2bb: {  	[tilespmem:s8], [sflag:$0x3] =	stream.indirect.gather [hbm4b:s1+s0], $0x80, s28, s0, $0xb8;
	[tilespmem:$0x1F000] =	vst v63  }
0x2bc: {  	_ =	swait.ge [sflag:s20], $0x2000  }
0x2bd: {  	[sflag:s20] =	ssyncset.done $0x0  }
0x2be: {  	s28 =	simm.s32 $0x16380;
	[sflag:s20] =	ssyncadd.s32 $0xFFFFE000  }
0x2bf: {  	[spmem:s3] =	stream.indirect.scatter.add.f32 [tilespmem:s11], [sflag:$0x7], $0x80, s28, s0, $0xb8;
	[tilespmem:$0x1F000] =	vst v63  }
0x2c0: {  	_ =	swait.ge [sflag:s30], $0x2000  }
0x2c1: {  	[sflag:s30] =	ssyncset.done $0x0  }
0x2c2: {  	s28 =	simm.s32 $0x15980;
	[sflag:s30] =	ssyncadd.s32 $0xFFFFE000  }
0x2c3: {  	[tilespmem:s11], [sflag:$0x4] =	stream.indirect.gather [hbm4b:s1+s0], $0x80, s28, s0, $0xb8;
	[tilespmem:$0x1F000] =	vst v63  }
0x2c4: {  	_ =	swait.ge [sflag:s12], $0x2000  }
0x2c5: {  	[sflag:s12] =	ssyncset.done $0x0  }
0x2c6: {  	s28 =	simm.s32 $0x16400;
	[sflag:s12] =	ssyncadd.s32 $0xFFFFE000  }
0x2c7: {  	[spmem:s3] =	stream.indirect.scatter.add.f32 [tilespmem:s2], [sflag:$0x7], $0x80, s28, s0, $0xb8;
	[tilespmem:$0x1F000] =	vst v63  }
0x2c8: {  	_ =	swait.ge [sflag:s30], $0x2000  }
0x2c9: {  	[sflag:s30] =	ssyncset.done $0x0  }
0x2ca: {  	s28 =	simm.s32 $0x15A00;
	[sflag:s30] =	ssyncadd.s32 $0xFFFFE000  }
0x2cb: {  	[tilespmem:s2], [sflag:$0x1] =	stream.indirect.gather [hbm4b:s1+s0], $0x80, s28, s0, $0xb8;
	[tilespmem:$0x1F000] =	vst v63  }
0x2cc: {  	_ =	swait.ge [sflag:s14], $0x2000  }
0x2cd: {  	[sflag:s14] =	ssyncset.done $0x0  }
0x2ce: {  	s28 =	simm.s32 $0x16480;
	[sflag:s14] =	ssyncadd.s32 $0xFFFFE000  }
0x2cf: {  	[spmem:s3] =	stream.indirect.scatter.add.f32 [tilespmem:s6], [sflag:$0x7], $0x80, s28, s0, $0xb8;
	[tilespmem:$0x1F000] =	vst v63  }
0x2d0: {  	_ =	swait.ge [sflag:s30], $0x2000  }
0x2d1: {  	[sflag:s30] =	ssyncset.done $0x0  }
0x2d2: {  	s28 =	simm.s32 $0x15A80;
	[sflag:s30] =	ssyncadd.s32 $0xFFFFE000  }
0x2d3: {  	[tilespmem:s6], [sflag:$0x2] =	stream.indirect.gather [hbm4b:s1+s0], $0x80, s28, s0, $0xb8;
	[tilespmem:$0x1F000] =	vst v63  }
0x2d4: {  	_ =	swait.ge [sflag:s17], $0x2000  }
0x2d5: {  	[sflag:s17] =	ssyncset.done $0x0  }
0x2d6: {  	s28 =	simm.s32 $0x16500;
	[sflag:s17] =	ssyncadd.s32 $0xFFFFE000  }
0x2d7: {  	[spmem:s3] =	stream.indirect.scatter.add.f32 [tilespmem:s8], [sflag:$0x7], $0x80, s28, s0, $0xb8;
	[tilespmem:$0x1F000] =	vst v63  }
0x2d8: {  	_ =	swait.ge [sflag:s30], $0x2000  }
0x2d9: {  	[sflag:s30] =	ssyncset.done $0x0  }
0x2da: {  	s28 =	simm.s32 $0x15B00;
	[sflag:s30] =	ssyncadd.s32 $0xFFFFE000  }
0x2db: {  	[tilespmem:s8], [sflag:$0x3] =	stream.indirect.gather [hbm4b:s1+s0], $0x80, s28, s0, $0xb8;
	[tilespmem:$0x1F000] =	vst v63  }
0x2dc: {  	_ =	swait.ge [sflag:s20], $0x2000  }
0x2dd: {  	[sflag:s20] =	ssyncset.done $0x0  }
0x2de: {  	s28 =	simm.s32 $0x16580;
	[sflag:s20] =	ssyncadd.s32 $0xFFFFE000  }
0x2df: {  	[spmem:s3] =	stream.indirect.scatter.add.f32 [tilespmem:s11], [sflag:$0x7], $0x80, s28, s0, $0xb8;
	[tilespmem:$0x1F000] =	vst v63  }
0x2e0: {  	_ =	swait.ge [sflag:s30], $0x2000  }
0x2e1: {  	[sflag:s30] =	ssyncset.done $0x0  }
0x2e2: {  	s28 =	simm.s32 $0x15B80;
	[sflag:s30] =	ssyncadd.s32 $0xFFFFE000  }
0x2e3: {  	[tilespmem:s11], [sflag:$0x4] =	stream.indirect.gather [hbm4b:s1+s0], $0x80, s28, s0, $0xb8;
	[tilespmem:$0x1F000] =	vst v63  }
0x2e4: {  	_ =	swait.ge [sflag:s12], $0x2000  }
0x2e5: {  	[sflag:s12] =	ssyncset.done $0x0  }
0x2e6: {  	s28 =	simm.s32 $0x16600;
	[sflag:s12] =	ssyncadd.s32 $0xFFFFE000  }
0x2e7: {  	[spmem:s3] =	stream.indirect.scatter.add.f32 [tilespmem:s2], [sflag:$0x7], $0x80, s28, s0, $0xb8;
	[tilespmem:$0x1F000] =	vst v63  }
0x2e8: {  	_ =	swait.ge [sflag:s30], $0x2000  }
0x2e9: {  	[sflag:s30] =	ssyncset.done $0x0  }
0x2ea: {  	s28 =	simm.s32 $0x15C00;
	[sflag:s30] =	ssyncadd.s32 $0xFFFFE000  }
0x2eb: {  	[tilespmem:s2], [sflag:$0x1] =	stream.indirect.gather [hbm4b:s1+s0], $0x80, s28, s0, $0xb8;
	[tilespmem:$0x1F000] =	vst v63  }
0x2ec: {  	_ =	swait.ge [sflag:s14], $0x2000  }
0x2ed: {  	[sflag:s14] =	ssyncset.done $0x0  }
0x2ee: {  	s28 =	simm.s32 $0x16680;
	[sflag:s14] =	ssyncadd.s32 $0xFFFFE000  }
0x2ef: {  	[spmem:s3] =	stream.indirect.scatter.add.f32 [tilespmem:s6], [sflag:$0x7], $0x80, s28, s0, $0xb8;
	[tilespmem:$0x1F000] =	vst v63  }
0x2f0: {  	_ =	swait.ge [sflag:s30], $0x2000  }
0x2f1: {  	[sflag:s30] =	ssyncset.done $0x0  }
0x2f2: {  	s28 =	simm.s32 $0x15C80;
	[sflag:s30] =	ssyncadd.s32 $0xFFFFE000  }
0x2f3: {  	[tilespmem:s6], [sflag:$0x2] =	stream.indirect.gather [hbm4b:s1+s0], $0x80, s28, s0, $0xb8;
	[tilespmem:$0x1F000] =	vst v63  }
0x2f4: {  	_ =	swait.ge [sflag:s17], $0x2000  }
0x2f5: {  	[sflag:s17] =	ssyncset.done $0x0  }
0x2f6: {  	s28 =	simm.s32 $0x16700;
	[sflag:s17] =	ssyncadd.s32 $0xFFFFE000  }
0x2f7: {  	[spmem:s3] =	stream.indirect.scatter.add.f32 [tilespmem:s8], [sflag:$0x7], $0x80, s28, s0, $0xb8;
	[tilespmem:$0x1F000] =	vst v63  }
0x2f8: {  	_ =	swait.ge [sflag:s30], $0x2000  }
0x2f9: {  	[sflag:s30] =	ssyncset.done $0x0  }
0x2fa: {  	s28 =	simm.s32 $0x15D00;
	[sflag:s30] =	ssyncadd.s32 $0xFFFFE000  }
0x2fb: {  	[tilespmem:s8], [sflag:$0x3] =	stream.indirect.gather [hbm4b:s1+s0], $0x80, s28, s0, $0xb8;
	[tilespmem:$0x1F000] =	vst v63  }
0x2fc: {  	_ =	swait.ge [sflag:s20], $0x2000  }
0x2fd: {  	[sflag:s20] =	ssyncset.done $0x0  }
0x2fe: {  	s28 =	simm.s32 $0x16780;
	[sflag:s20] =	ssyncadd.s32 $0xFFFFE000  }
0x2ff: {  	[spmem:s3] =	stream.indirect.scatter.add.f32 [tilespmem:s11], [sflag:$0x7], $0x80, s28, s0, $0xb8;
	[tilespmem:$0x1F000] =	vst v63  }
0x300: {  	_ =	swait.ge [sflag:s30], $0x2000  }
0x301: {  	[sflag:s30] =	ssyncset.done $0x0  }
0x302: {  	s28 =	simm.s32 $0x15D80;
	[sflag:s30] =	ssyncadd.s32 $0xFFFFE000  }
0x303: {  	[tilespmem:s11], [sflag:$0x4] =	stream.indirect.gather [hbm4b:s1+s0], $0x80, s28, s0, $0xb8;
	[tilespmem:$0x1F000] =	vst v63  }
0x304: {  	_ =	swait.ge [sflag:s12], $0x2000  }
0x305: {  	[sflag:s12] =	ssyncset.done $0x0  }
0x306: {  	s28 =	simm.s32 $0x16800;
	[sflag:s12] =	ssyncadd.s32 $0xFFFFE000  }
0x307: {  	[spmem:s3] =	stream.indirect.scatter.add.f32 [tilespmem:s2], [sflag:$0x7], $0x80, s28, s0, $0xb8;
	[tilespmem:$0x1F000] =	vst v63  }
0x308: {  	_ =	swait.ge [sflag:s30], $0x2000  }
0x309: {  	[sflag:s30] =	ssyncset.done $0x0  }
0x30a: {  	[sflag:s30] =	ssyncadd.s32 $0xFFFFE000  }
0x30b: {  	_ =	swait.ge [sflag:s14], $0x2000  }
0x30c: {  	[sflag:s14] =	ssyncset.done $0x0  }
0x30d: {  	s28 =	simm.s32 $0x16880;
	[sflag:s14] =	ssyncadd.s32 $0xFFFFE000  }
0x30e: {  	[spmem:s3] =	stream.indirect.scatter.add.f32 [tilespmem:s6], [sflag:$0x7], $0x80, s28, s0, $0xb8;
	[tilespmem:$0x1F000] =	vst v63  }
0x30f: {  	_ =	swait.ge [sflag:s30], $0x2000  }
0x310: {  	[sflag:s30] =	ssyncset.done $0x0  }
0x311: {  	[sflag:s30] =	ssyncadd.s32 $0xFFFFE000  }
0x312: {  	_ =	swait.ge [sflag:s17], $0x2000  }
0x313: {  	[sflag:s17] =	ssyncset.done $0x0  }
0x314: {  	s28 =	simm.s32 $0x16900;
	[sflag:s17] =	ssyncadd.s32 $0xFFFFE000  }
0x315: {  	[spmem:s3] =	stream.indirect.scatter.add.f32 [tilespmem:s8], [sflag:$0x7], $0x80, s28, s0, $0xb8;
	[tilespmem:$0x1F000] =	vst v63  }
0x316: {  	_ =	swait.ge [sflag:s30], $0x2000  }
0x317: {  	[sflag:s30] =	ssyncset.done $0x0  }
0x318: {  	[sflag:s30] =	ssyncadd.s32 $0xFFFFE000  }
0x319: {  	_ =	swait.ge [sflag:s20], $0x2000  }
0x31a: {  	[sflag:s20] =	ssyncset.done $0x0  }
0x31b: {  	s28 =	simm.s32 $0x16980;
	[sflag:s20] =	ssyncadd.s32 $0xFFFFE000  }
0x31c: {  	[spmem:s3] =	stream.indirect.scatter.add.f32 [tilespmem:s11], [sflag:$0x7], $0x80, s28, s0, $0xb8;
	[tilespmem:$0x1F000] =	vst v63  }
0x31d: {  	_ =	swait.ge [sflag:s30], $0x2000  }
0x31e: {  	[sflag:s30] =	ssyncset.done $0x0  }
0x31f: {  	s28 =	simm.s32 $0x15400;
	s15 =	rddreg [dreg:$0xf];
	[sflag:s30] =	ssyncadd.s32 $0xFFFFE000  }
0x320: {  	[tilespmem:s28], [sflag:$0x6] =	stream.linear.gather [hbm4b:s15+s4], $0xA00, $0x38;
	[tilespmem:$0x1F000] =	vst v63  }
0x321: {  	s15 =	rddreg [dreg:$0x10];
	s28 =	simm.s32 $0x16000  }
0x322: {  	[tilespmem:s28], [sflag:$0x6] =	stream.linear.gather [hbm4b:s15+s4], $0xA00, $0x38;
	[tilespmem:$0x1F000] =	vst v63  }
0x323: {  	_ =	swait.ge [sflag:s31], $0xA00  }
0x324: {  	[sflag:s31] =	ssyncset.done $0x0  }
0x325: {  	[sflag:s31] =	ssyncadd.s32 $0xFFFFF600  }
0x326: {  	_ =	swait.ge [sflag:s31], $0xA00  }
0x327: {  	[sflag:s31] =	ssyncset.done $0x0  }
0x328: {  	s28 =	simm.s32 $0x13C00;
	[sflag:s31] =	ssyncadd.s32 $0xFFFFF600  }
0x329: {  	[tilespmem:s2], [sflag:$0x1] =	stream.indirect.gather [hbm4b:s1+s0], $0x80, s28, s0, $0xb8;
	[tilespmem:$0x1F000] =	vst v63  }
0x32a: {  	_ = 	snop  }
0x32b: {  	[tilespmem:s6], [sflag:$0x2] =	stream.indirect.gather [hbm4b:s1+s0], $0x80, s5, s0, $0xb8;
	[tilespmem:$0x1F000] =	vst v63  }
0x32c: {  	_ = 	snop  }
0x32d: {  	[tilespmem:s8], [sflag:$0x3] =	stream.indirect.gather [hbm4b:s1+s0], $0x80, s7, s0, $0xb8;
	[tilespmem:$0x1F000] =	vst v63  }
0x32e: {  	_ = 	snop  }
0x32f: {  	[tilespmem:s11], [sflag:$0x4] =	stream.indirect.gather [hbm4b:s1+s0], $0x80, s10, s0, $0xb8;
	[tilespmem:$0x1F000] =	vst v63  }
0x330: {  	_ =	swait.ge [sflag:s12], $0x2000  }
0x331: {  	[sflag:s12] =	ssyncset.done $0x0  }
0x332: {  	[sflag:s12] =	ssyncadd.s32 $0xFFFFE000  }
0x333: {  	[spmem:s3] =	stream.indirect.scatter.add.f32 [tilespmem:s2], [sflag:$0x7], $0x80, s26, s0, $0xb8;
	[tilespmem:$0x1F000] =	vst v63  }
0x334: {  	_ =	swait.ge [sflag:s30], $0x2000  }
0x335: {  	[sflag:s30] =	ssyncset.done $0x0  }
0x336: {  	[sflag:s30] =	ssyncadd.s32 $0xFFFFE000  }
0x337: {  	[tilespmem:s2], [sflag:$0x1] =	stream.indirect.gather [hbm4b:s1+s0], $0x80, s18, s0, $0xb8;
	[tilespmem:$0x1F000] =	vst v63  }
0x338: {  	_ =	swait.ge [sflag:s14], $0x2000  }
0x339: {  	[sflag:s14] =	ssyncset.done $0x0  }
0x33a: {  	[sflag:s14] =	ssyncadd.s32 $0xFFFFE000  }
0x33b: {  	[spmem:s3] =	stream.indirect.scatter.add.f32 [tilespmem:s6], [sflag:$0x7], $0x80, s19, s0, $0xb8;
	[tilespmem:$0x1F000] =	vst v63  }
0x33c: {  	_ =	swait.ge [sflag:s30], $0x2000  }
0x33d: {  	[sflag:s30] =	ssyncset.done $0x0  }
0x33e: {  	[sflag:s30] =	ssyncadd.s32 $0xFFFFE000  }
0x33f: {  	[tilespmem:s6], [sflag:$0x2] =	stream.indirect.gather [hbm4b:s1+s0], $0x80, s21, s0, $0xb8;
	[tilespmem:$0x1F000] =	vst v63  }
0x340: {  	_ =	swait.ge [sflag:s17], $0x2000  }
0x341: {  	[sflag:s17] =	ssyncset.done $0x0  }
0x342: {  	[sflag:s17] =	ssyncadd.s32 $0xFFFFE000  }
0x343: {  	[spmem:s3] =	stream.indirect.scatter.add.f32 [tilespmem:s8], [sflag:$0x7], $0x80, s22, s0, $0xb8;
	[tilespmem:$0x1F000] =	vst v63  }
0x344: {  	_ =	swait.ge [sflag:s30], $0x2000  }
0x345: {  	[sflag:s30] =	ssyncset.done $0x0  }
0x346: {  	[sflag:s30] =	ssyncadd.s32 $0xFFFFE000  }
0x347: {  	[tilespmem:s8], [sflag:$0x3] =	stream.indirect.gather [hbm4b:s1+s0], $0x80, s23, s0, $0xb8;
	[tilespmem:$0x1F000] =	vst v63  }
0x348: {  	_ =	swait.ge [sflag:s20], $0x2000  }
0x349: {  	[sflag:s20] =	ssyncset.done $0x0  }
0x34a: {  	[sflag:s20] =	ssyncadd.s32 $0xFFFFE000  }
0x34b: {  	[spmem:s3] =	stream.indirect.scatter.add.f32 [tilespmem:s11], [sflag:$0x7], $0x80, s24, s0, $0xb8;
	[tilespmem:$0x1F000] =	vst v63  }
0x34c: {  	_ =	swait.ge [sflag:s30], $0x2000  }
0x34d: {  	[sflag:s30] =	ssyncset.done $0x0  }
0x34e: {  	s18 =	simm.s32 $0x13F80;
	[sflag:s30] =	ssyncadd.s32 $0xFFFFE000  }
0x34f: {  	[tilespmem:s11], [sflag:$0x4] =	stream.indirect.gather [hbm4b:s1+s0], $0x80, s18, s0, $0xb8;
	[tilespmem:$0x1F000] =	vst v63  }
0x350: {  	_ =	swait.ge [sflag:s12], $0x2000  }
0x351: {  	[sflag:s12] =	ssyncset.done $0x0  }
0x352: {  	[sflag:s12] =	ssyncadd.s32 $0xFFFFE000  }
0x353: {  	[spmem:s3] =	stream.indirect.scatter.add.f32 [tilespmem:s2], [sflag:$0x7], $0x80, s25, s0, $0xb8;
	[tilespmem:$0x1F000] =	vst v63  }
0x354: {  	_ =	swait.ge [sflag:s30], $0x2000  }
0x355: {  	[sflag:s30] =	ssyncset.done $0x0  }
0x356: {  	s19 =	simm.s32 $0x14000;
	[sflag:s30] =	ssyncadd.s32 $0xFFFFE000  }
0x357: {  	[tilespmem:s2], [sflag:$0x1] =	stream.indirect.gather [hbm4b:s1+s0], $0x80, s19, s0, $0xb8;
	[tilespmem:$0x1F000] =	vst v63  }
0x358: {  	_ =	swait.ge [sflag:s14], $0x2000  }
0x359: {  	[sflag:s14] =	ssyncset.done $0x0  }
0x35a: {  	s22 =	simm.s32 $0x14A80;
	[sflag:s14] =	ssyncadd.s32 $0xFFFFE000  }
0x35b: {  	[spmem:s3] =	stream.indirect.scatter.add.f32 [tilespmem:s6], [sflag:$0x7], $0x80, s22, s0, $0xb8;
	[tilespmem:$0x1F000] =	vst v63  }
0x35c: {  	_ =	swait.ge [sflag:s30], $0x2000  }
0x35d: {  	[sflag:s30] =	ssyncset.done $0x0  }
0x35e: {  	s23 =	simm.s32 $0x14080;
	[sflag:s30] =	ssyncadd.s32 $0xFFFFE000  }
0x35f: {  	[tilespmem:s6], [sflag:$0x2] =	stream.indirect.gather [hbm4b:s1+s0], $0x80, s23, s0, $0xb8;
	[tilespmem:$0x1F000] =	vst v63  }
0x360: {  	_ =	swait.ge [sflag:s17], $0x2000  }
0x361: {  	[sflag:s17] =	ssyncset.done $0x0  }
0x362: {  	s24 =	simm.s32 $0x14B00;
	[sflag:s17] =	ssyncadd.s32 $0xFFFFE000  }
0x363: {  	[spmem:s3] =	stream.indirect.scatter.add.f32 [tilespmem:s8], [sflag:$0x7], $0x80, s24, s0, $0xb8;
	[tilespmem:$0x1F000] =	vst v63  }
0x364: {  	_ =	swait.ge [sflag:s30], $0x2000  }
0x365: {  	[sflag:s30] =	ssyncset.done $0x0  }
0x366: {  	s25 =	simm.s32 $0x14100;
	[sflag:s30] =	ssyncadd.s32 $0xFFFFE000  }
0x367: {  	[tilespmem:s8], [sflag:$0x3] =	stream.indirect.gather [hbm4b:s1+s0], $0x80, s25, s0, $0xb8;
	[tilespmem:$0x1F000] =	vst v63  }
0x368: {  	_ =	swait.ge [sflag:s20], $0x2000  }
0x369: {  	[sflag:s20] =	ssyncset.done $0x0  }
0x36a: {  	s28 =	simm.s32 $0x14B80;
	[sflag:s20] =	ssyncadd.s32 $0xFFFFE000  }
0x36b: {  	[spmem:s3] =	stream.indirect.scatter.add.f32 [tilespmem:s11], [sflag:$0x7], $0x80, s28, s0, $0xb8;
	[tilespmem:$0x1F000] =	vst v63  }
0x36c: {  	_ =	swait.ge [sflag:s30], $0x2000  }
0x36d: {  	[sflag:s30] =	ssyncset.done $0x0  }
0x36e: {  	s18 =	simm.s32 $0x14180;
	[sflag:s30] =	ssyncadd.s32 $0xFFFFE000  }
0x36f: {  	[tilespmem:s11], [sflag:$0x4] =	stream.indirect.gather [hbm4b:s1+s0], $0x80, s18, s0, $0xb8;
	[tilespmem:$0x1F000] =	vst v63  }
0x370: {  	_ =	swait.ge [sflag:s12], $0x2000  }
0x371: {  	[sflag:s12] =	ssyncset.done $0x0  }
0x372: {  	s19 =	simm.s32 $0x14C00;
	[sflag:s12] =	ssyncadd.s32 $0xFFFFE000  }
0x373: {  	[spmem:s3] =	stream.indirect.scatter.add.f32 [tilespmem:s2], [sflag:$0x7], $0x80, s19, s0, $0xb8;
	[tilespmem:$0x1F000] =	vst v63  }
0x374: {  	_ =	swait.ge [sflag:s30], $0x2000  }
0x375: {  	[sflag:s30] =	ssyncset.done $0x0  }
0x376: {  	s22 =	simm.s32 $0x14200;
	[sflag:s30] =	ssyncadd.s32 $0xFFFFE000  }
0x377: {  	[tilespmem:s2], [sflag:$0x1] =	stream.indirect.gather [hbm4b:s1+s0], $0x80, s22, s0, $0xb8;
	[tilespmem:$0x1F000] =	vst v63  }
0x378: {  	_ =	swait.ge [sflag:s14], $0x2000  }
0x379: {  	[sflag:s14] =	ssyncset.done $0x0  }
0x37a: {  	s23 =	simm.s32 $0x14C80;
	[sflag:s14] =	ssyncadd.s32 $0xFFFFE000  }
0x37b: {  	[spmem:s3] =	stream.indirect.scatter.add.f32 [tilespmem:s6], [sflag:$0x7], $0x80, s23, s0, $0xb8;
	[tilespmem:$0x1F000] =	vst v63  }
0x37c: {  	_ =	swait.ge [sflag:s30], $0x2000  }
0x37d: {  	[sflag:s30] =	ssyncset.done $0x0  }
0x37e: {  	s24 =	simm.s32 $0x14280;
	[sflag:s30] =	ssyncadd.s32 $0xFFFFE000  }
0x37f: {  	[tilespmem:s6], [sflag:$0x2] =	stream.indirect.gather [hbm4b:s1+s0], $0x80, s24, s0, $0xb8;
	[tilespmem:$0x1F000] =	vst v63  }
0x380: {  	_ =	swait.ge [sflag:s17], $0x2000  }
0x381: {  	[sflag:s17] =	ssyncset.done $0x0  }
0x382: {  	s25 =	simm.s32 $0x14D00;
	[sflag:s17] =	ssyncadd.s32 $0xFFFFE000  }
0x383: {  	[spmem:s3] =	stream.indirect.scatter.add.f32 [tilespmem:s8], [sflag:$0x7], $0x80, s25, s0, $0xb8;
	[tilespmem:$0x1F000] =	vst v63  }
0x384: {  	_ =	swait.ge [sflag:s30], $0x2000  }
0x385: {  	[sflag:s30] =	ssyncset.done $0x0  }
0x386: {  	s28 =	simm.s32 $0x14300;
	[sflag:s30] =	ssyncadd.s32 $0xFFFFE000  }
0x387: {  	[tilespmem:s8], [sflag:$0x3] =	stream.indirect.gather [hbm4b:s1+s0], $0x80, s28, s0, $0xb8;
	[tilespmem:$0x1F000] =	vst v63  }
0x388: {  	_ =	swait.ge [sflag:s20], $0x2000  }
0x389: {  	[sflag:s20] =	ssyncset.done $0x0  }
0x38a: {  	s18 =	simm.s32 $0x14D80;
	[sflag:s20] =	ssyncadd.s32 $0xFFFFE000  }
0x38b: {  	[spmem:s3] =	stream.indirect.scatter.add.f32 [tilespmem:s11], [sflag:$0x7], $0x80, s18, s0, $0xb8;
	[tilespmem:$0x1F000] =	vst v63  }
0x38c: {  	_ =	swait.ge [sflag:s30], $0x2000  }
0x38d: {  	[sflag:s30] =	ssyncset.done $0x0  }
0x38e: {  	s19 =	simm.s32 $0x14380;
	[sflag:s30] =	ssyncadd.s32 $0xFFFFE000  }
0x38f: {  	[tilespmem:s11], [sflag:$0x4] =	stream.indirect.gather [hbm4b:s1+s0], $0x80, s19, s0, $0xb8;
	[tilespmem:$0x1F000] =	vst v63  }
0x390: {  	_ =	swait.ge [sflag:s12], $0x2000  }
0x391: {  	[sflag:s12] =	ssyncset.done $0x0  }
0x392: {  	s22 =	simm.s32 $0x14E00;
	[sflag:s12] =	ssyncadd.s32 $0xFFFFE000  }
0x393: {  	[spmem:s3] =	stream.indirect.scatter.add.f32 [tilespmem:s2], [sflag:$0x7], $0x80, s22, s0, $0xb8;
	[tilespmem:$0x1F000] =	vst v63  }
0x394: {  	_ =	swait.ge [sflag:s30], $0x2000  }
0x395: {  	[sflag:s30] =	ssyncset.done $0x0  }
0x396: {  	s23 =	simm.s32 $0x14400;
	[sflag:s30] =	ssyncadd.s32 $0xFFFFE000  }
0x397: {  	[tilespmem:s2], [sflag:$0x1] =	stream.indirect.gather [hbm4b:s1+s0], $0x80, s23, s0, $0xb8;
	[tilespmem:$0x1F000] =	vst v63  }
0x398: {  	_ =	swait.ge [sflag:s14], $0x2000  }
0x399: {  	[sflag:s14] =	ssyncset.done $0x0  }
0x39a: {  	s24 =	simm.s32 $0x14E80;
	[sflag:s14] =	ssyncadd.s32 $0xFFFFE000  }
0x39b: {  	[spmem:s3] =	stream.indirect.scatter.add.f32 [tilespmem:s6], [sflag:$0x7], $0x80, s24, s0, $0xb8;
	[tilespmem:$0x1F000] =	vst v63  }
0x39c: {  	_ =	swait.ge [sflag:s30], $0x2000  }
0x39d: {  	[sflag:s30] =	ssyncset.done $0x0  }
0x39e: {  	s25 =	simm.s32 $0x14480;
	[sflag:s30] =	ssyncadd.s32 $0xFFFFE000  }
0x39f: {  	[tilespmem:s6], [sflag:$0x2] =	stream.indirect.gather [hbm4b:s1+s0], $0x80, s25, s0, $0xb8;
	[tilespmem:$0x1F000] =	vst v63  }
0x3a0: {  	_ =	swait.ge [sflag:s17], $0x2000  }
0x3a1: {  	[sflag:s17] =	ssyncset.done $0x0  }
0x3a2: {  	s28 =	simm.s32 $0x14F00;
	[sflag:s17] =	ssyncadd.s32 $0xFFFFE000  }
0x3a3: {  	[spmem:s3] =	stream.indirect.scatter.add.f32 [tilespmem:s8], [sflag:$0x7], $0x80, s28, s0, $0xb8;
	[tilespmem:$0x1F000] =	vst v63  }
0x3a4: {  	_ =	swait.ge [sflag:s30], $0x2000  }
0x3a5: {  	[sflag:s30] =	ssyncset.done $0x0  }
0x3a6: {  	s18 =	simm.s32 $0x14500;
	[sflag:s30] =	ssyncadd.s32 $0xFFFFE000  }
0x3a7: {  	[tilespmem:s8], [sflag:$0x3] =	stream.indirect.gather [hbm4b:s1+s0], $0x80, s18, s0, $0xb8;
	[tilespmem:$0x1F000] =	vst v63  }
0x3a8: {  	_ =	swait.ge [sflag:s20], $0x2000  }
0x3a9: {  	[sflag:s20] =	ssyncset.done $0x0  }
0x3aa: {  	s19 =	simm.s32 $0x14F80;
	[sflag:s20] =	ssyncadd.s32 $0xFFFFE000  }
0x3ab: {  	[spmem:s3] =	stream.indirect.scatter.add.f32 [tilespmem:s11], [sflag:$0x7], $0x80, s19, s0, $0xb8;
	[tilespmem:$0x1F000] =	vst v63  }
0x3ac: {  	_ =	swait.ge [sflag:s30], $0x2000  }
0x3ad: {  	[sflag:s30] =	ssyncset.done $0x0  }
0x3ae: {  	s22 =	simm.s32 $0x14580;
	[sflag:s30] =	ssyncadd.s32 $0xFFFFE000  }
0x3af: {  	[tilespmem:s11], [sflag:$0x4] =	stream.indirect.gather [hbm4b:s1+s0], $0x80, s22, s0, $0xb8;
	[tilespmem:$0x1F000] =	vst v63  }
0x3b0: {  	_ =	swait.ge [sflag:s12], $0x2000  }
0x3b1: {  	[sflag:s12] =	ssyncset.done $0x0  }
0x3b2: {  	s23 =	simm.s32 $0x15000;
	[sflag:s12] =	ssyncadd.s32 $0xFFFFE000  }
0x3b3: {  	[spmem:s3] =	stream.indirect.scatter.add.f32 [tilespmem:s2], [sflag:$0x7], $0x80, s23, s0, $0xb8;
	[tilespmem:$0x1F000] =	vst v63  }
0x3b4: {  	_ =	swait.ge [sflag:s30], $0x2000  }
0x3b5: {  	[sflag:s30] =	ssyncset.done $0x0  }
0x3b6: {  	[sflag:s30] =	ssyncadd.s32 $0xFFFFE000  }
0x3b7: {  	_ =	swait.ge [sflag:s14], $0x2000  }
0x3b8: {  	[sflag:s14] =	ssyncset.done $0x0  }
0x3b9: {  	s24 =	simm.s32 $0x15080;
	[sflag:s14] =	ssyncadd.s32 $0xFFFFE000  }
0x3ba: {  	[spmem:s3] =	stream.indirect.scatter.add.f32 [tilespmem:s6], [sflag:$0x7], $0x80, s24, s0, $0xb8;
	[tilespmem:$0x1F000] =	vst v63  }
0x3bb: {  	_ =	swait.ge [sflag:s30], $0x2000  }
0x3bc: {  	[sflag:s30] =	ssyncset.done $0x0  }
0x3bd: {  	[sflag:s30] =	ssyncadd.s32 $0xFFFFE000  }
0x3be: {  	_ =	swait.ge [sflag:s17], $0x2000  }
0x3bf: {  	[sflag:s17] =	ssyncset.done $0x0  }
0x3c0: {  	s25 =	simm.s32 $0x15100;
	[sflag:s17] =	ssyncadd.s32 $0xFFFFE000  }
0x3c1: {  	[spmem:s3] =	stream.indirect.scatter.add.f32 [tilespmem:s8], [sflag:$0x7], $0x80, s25, s0, $0xb8;
	[tilespmem:$0x1F000] =	vst v63  }
0x3c2: {  	_ =	swait.ge [sflag:s30], $0x2000  }
0x3c3: {  	[sflag:s30] =	ssyncset.done $0x0  }
0x3c4: {  	[sflag:s30] =	ssyncadd.s32 $0xFFFFE000  }
0x3c5: {  	_ =	swait.ge [sflag:s20], $0x2000  }
0x3c6: {  	[sflag:s20] =	ssyncset.done $0x0  }
0x3c7: {  	s28 =	simm.s32 $0x15180;
	[sflag:s20] =	ssyncadd.s32 $0xFFFFE000  }
0x3c8: {  	[spmem:s3] =	stream.indirect.scatter.add.f32 [tilespmem:s11], [sflag:$0x7], $0x80, s28, s0, $0xb8;
	[tilespmem:$0x1F000] =	vst v63  }
0x3c9: {  	_ =	swait.ge [sflag:s30], $0x2000  }
0x3ca: {  	[sflag:s30] =	ssyncset.done $0x0  }
0x3cb: {  	s19 =	simm.s32 $0x13C00;
	s18 =	rddreg [dreg:$0x11];
	[sflag:s30] =	ssyncadd.s32 $0xFFFFE000  }
0x3cc: {  	[tilespmem:s19], [sflag:$0x5] =	stream.linear.gather [hbm4b:s18+s4], $0xA00, $0x38;
	[tilespmem:$0x1F000] =	vst v63  }
0x3cd: {  	s22 =	rddreg [dreg:$0x12]  }
0x3ce: {  	[tilespmem:s26], [sflag:$0x5] =	stream.linear.gather [hbm4b:s22+s4], $0xA00, $0x38;
	[tilespmem:$0x1F000] =	vst v63  }
0x3cf: {  	_ =	swait.ge [sflag:s16], $0xA00  }
0x3d0: {  	[sflag:s16] =	ssyncset.done $0x0  }
0x3d1: {  	[sflag:s16] =	ssyncadd.s32 $0xFFFFF600  }
0x3d2: {  	_ =	swait.ge [sflag:s16], $0xA00  }
0x3d3: {  	[sflag:s16] =	ssyncset.done $0x0  }
0x3d4: {  	s23 =	simm.s32 $0x15400;
	[sflag:s16] =	ssyncadd.s32 $0xFFFFF600  }
0x3d5: {  	[tilespmem:s2], [sflag:$0x1] =	stream.indirect.gather [hbm4b:s1+s0], $0x80, s23, s0, $0xb8;
	[tilespmem:$0x1F000] =	vst v63  }
0x3d6: {  	s28 =	simm.s32 $0x15480  }
0x3d7: {  	[tilespmem:s6], [sflag:$0x2] =	stream.indirect.gather [hbm4b:s1+s0], $0x80, s28, s0, $0xb8;
	[tilespmem:$0x1F000] =	vst v63  }
0x3d8: {  	s24 =	simm.s32 $0x15500  }
0x3d9: {  	[tilespmem:s8], [sflag:$0x3] =	stream.indirect.gather [hbm4b:s1+s0], $0x80, s24, s0, $0xb8;
	[tilespmem:$0x1F000] =	vst v63  }
0x3da: {  	s25 =	simm.s32 $0x15580  }
0x3db: {  	[tilespmem:s11], [sflag:$0x4] =	stream.indirect.gather [hbm4b:s1+s0], $0x80, s25, s0, $0xb8;
	[tilespmem:$0x1F000] =	vst v63  }
0x3dc: {  	_ =	swait.ge [sflag:s12], $0x2000  }
0x3dd: {  	[sflag:s12] =	ssyncset.done $0x0  }
0x3de: {  	s26 =	simm.s32 $0x16000;
	[sflag:s12] =	ssyncadd.s32 $0xFFFFE000  }
0x3df: {  	[spmem:s3] =	stream.indirect.scatter.add.f32 [tilespmem:s2], [sflag:$0x7], $0x80, s26, s0, $0xb8;
	[tilespmem:$0x1F000] =	vst v63  }
0x3e0: {  	_ =	swait.ge [sflag:s30], $0x2000  }
0x3e1: {  	[sflag:s30] =	ssyncset.done $0x0  }
0x3e2: {  	s22 =	simm.s32 $0x15600;
	[sflag:s30] =	ssyncadd.s32 $0xFFFFE000  }
0x3e3: {  	[tilespmem:s2], [sflag:$0x1] =	stream.indirect.gather [hbm4b:s1+s0], $0x80, s22, s0, $0xb8;
	[tilespmem:$0x1F000] =	vst v63  }
0x3e4: {  	_ =	swait.ge [sflag:s14], $0x2000  }
0x3e5: {  	[sflag:s14] =	ssyncset.done $0x0  }
0x3e6: {  	s23 =	simm.s32 $0x16080;
	[sflag:s14] =	ssyncadd.s32 $0xFFFFE000  }
0x3e7: {  	[spmem:s3] =	stream.indirect.scatter.add.f32 [tilespmem:s6], [sflag:$0x7], $0x80, s23, s0, $0xb8;
	[tilespmem:$0x1F000] =	vst v63  }
0x3e8: {  	_ =	swait.ge [sflag:s30], $0x2000  }
0x3e9: {  	[sflag:s30] =	ssyncset.done $0x0  }
0x3ea: {  	s24 =	simm.s32 $0x15680;
	[sflag:s30] =	ssyncadd.s32 $0xFFFFE000  }
0x3eb: {  	[tilespmem:s6], [sflag:$0x2] =	stream.indirect.gather [hbm4b:s1+s0], $0x80, s24, s0, $0xb8;
	[tilespmem:$0x1F000] =	vst v63  }
0x3ec: {  	_ =	swait.ge [sflag:s17], $0x2000  }
0x3ed: {  	[sflag:s17] =	ssyncset.done $0x0  }
0x3ee: {  	s25 =	simm.s32 $0x16100;
	[sflag:s17] =	ssyncadd.s32 $0xFFFFE000  }
0x3ef: {  	[spmem:s3] =	stream.indirect.scatter.add.f32 [tilespmem:s8], [sflag:$0x7], $0x80, s25, s0, $0xb8;
	[tilespmem:$0x1F000] =	vst v63  }
0x3f0: {  	_ =	swait.ge [sflag:s30], $0x2000  }
0x3f1: {  	[sflag:s30] =	ssyncset.done $0x0  }
0x3f2: {  	s26 =	simm.s32 $0x15700;
	[sflag:s30] =	ssyncadd.s32 $0xFFFFE000  }
0x3f3: {  	[tilespmem:s8], [sflag:$0x3] =	stream.indirect.gather [hbm4b:s1+s0], $0x80, s26, s0, $0xb8;
	[tilespmem:$0x1F000] =	vst v63  }
0x3f4: {  	_ =	swait.ge [sflag:s20], $0x2000  }
0x3f5: {  	[sflag:s20] =	ssyncset.done $0x0  }
0x3f6: {  	s26 =	simm.s32 $0x16180;
	[sflag:s20] =	ssyncadd.s32 $0xFFFFE000  }
0x3f7: {  	[spmem:s3] =	stream.indirect.scatter.add.f32 [tilespmem:s11], [sflag:$0x7], $0x80, s26, s0, $0xb8;
	[tilespmem:$0x1F000] =	vst v63  }
0x3f8: {  	_ =	swait.ge [sflag:s30], $0x2000  }
0x3f9: {  	[sflag:s30] =	ssyncset.done $0x0  }
0x3fa: {  	s26 =	simm.s32 $0x15780;
	[sflag:s30] =	ssyncadd.s32 $0xFFFFE000  }
0x3fb: {  	[tilespmem:s11], [sflag:$0x4] =	stream.indirect.gather [hbm4b:s1+s0], $0x80, s26, s0, $0xb8;
	[tilespmem:$0x1F000] =	vst v63  }
0x3fc: {  	_ =	swait.ge [sflag:s12], $0x2000  }
0x3fd: {  	[sflag:s12] =	ssyncset.done $0x0  }
0x3fe: {  	s26 =	simm.s32 $0x16200;
	[sflag:s12] =	ssyncadd.s32 $0xFFFFE000  }
0x3ff: {  	[spmem:s3] =	stream.indirect.scatter.add.f32 [tilespmem:s2], [sflag:$0x7], $0x80, s26, s0, $0xb8;
	[tilespmem:$0x1F000] =	vst v63  }
0x400: {  	_ =	swait.ge [sflag:s30], $0x2000  }
0x401: {  	[sflag:s30] =	ssyncset.done $0x0  }
0x402: {  	s26 =	simm.s32 $0x15800;
	[sflag:s30] =	ssyncadd.s32 $0xFFFFE000  }
0x403: {  	[tilespmem:s2], [sflag:$0x1] =	stream.indirect.gather [hbm4b:s1+s0], $0x80, s26, s0, $0xb8;
	[tilespmem:$0x1F000] =	vst v63  }
0x404: {  	_ =	swait.ge [sflag:s14], $0x2000  }
0x405: {  	[sflag:s14] =	ssyncset.done $0x0  }
0x406: {  	s26 =	simm.s32 $0x16280;
	[sflag:s14] =	ssyncadd.s32 $0xFFFFE000  }
0x407: {  	[spmem:s3] =	stream.indirect.scatter.add.f32 [tilespmem:s6], [sflag:$0x7], $0x80, s26, s0, $0xb8;
	[tilespmem:$0x1F000] =	vst v63  }
0x408: {  	_ =	swait.ge [sflag:s30], $0x2000  }
0x409: {  	[sflag:s30] =	ssyncset.done $0x0  }
0x40a: {  	s26 =	simm.s32 $0x15880;
	[sflag:s30] =	ssyncadd.s32 $0xFFFFE000  }
0x40b: {  	[tilespmem:s6], [sflag:$0x2] =	stream.indirect.gather [hbm4b:s1+s0], $0x80, s26, s0, $0xb8;
	[tilespmem:$0x1F000] =	vst v63  }
0x40c: {  	_ =	swait.ge [sflag:s17], $0x2000  }
0x40d: {  	[sflag:s17] =	ssyncset.done $0x0  }
0x40e: {  	s26 =	simm.s32 $0x16300;
	[sflag:s17] =	ssyncadd.s32 $0xFFFFE000  }
0x40f: {  	[spmem:s3] =	stream.indirect.scatter.add.f32 [tilespmem:s8], [sflag:$0x7], $0x80, s26, s0, $0xb8;
	[tilespmem:$0x1F000] =	vst v63  }
0x410: {  	_ =	swait.ge [sflag:s30], $0x2000  }
0x411: {  	[sflag:s30] =	ssyncset.done $0x0  }
0x412: {  	s26 =	simm.s32 $0x15900;
	[sflag:s30] =	ssyncadd.s32 $0xFFFFE000  }
0x413: {  	[tilespmem:s8], [sflag:$0x3] =	stream.indirect.gather [hbm4b:s1+s0], $0x80, s26, s0, $0xb8;
	[tilespmem:$0x1F000] =	vst v63  }
0x414: {  	_ =	swait.ge [sflag:s20], $0x2000  }
0x415: {  	[sflag:s20] =	ssyncset.done $0x0  }
0x416: {  	s26 =	simm.s32 $0x16380;
	[sflag:s20] =	ssyncadd.s32 $0xFFFFE000  }
0x417: {  	[spmem:s3] =	stream.indirect.scatter.add.f32 [tilespmem:s11], [sflag:$0x7], $0x80, s26, s0, $0xb8;
	[tilespmem:$0x1F000] =	vst v63  }
0x418: {  	_ =	swait.ge [sflag:s30], $0x2000  }
0x419: {  	[sflag:s30] =	ssyncset.done $0x0  }
0x41a: {  	s26 =	simm.s32 $0x15980;
	[sflag:s30] =	ssyncadd.s32 $0xFFFFE000  }
0x41b: {  	[tilespmem:s11], [sflag:$0x4] =	stream.indirect.gather [hbm4b:s1+s0], $0x80, s26, s0, $0xb8;
	[tilespmem:$0x1F000] =	vst v63  }
0x41c: {  	_ =	swait.ge [sflag:s12], $0x2000  }
0x41d: {  	[sflag:s12] =	ssyncset.done $0x0  }
0x41e: {  	s26 =	simm.s32 $0x16400;
	[sflag:s12] =	ssyncadd.s32 $0xFFFFE000  }
0x41f: {  	[spmem:s3] =	stream.indirect.scatter.add.f32 [tilespmem:s2], [sflag:$0x7], $0x80, s26, s0, $0xb8;
	[tilespmem:$0x1F000] =	vst v63  }
0x420: {  	_ =	swait.ge [sflag:s30], $0x2000  }
0x421: {  	[sflag:s30] =	ssyncset.done $0x0  }
0x422: {  	s26 =	simm.s32 $0x15A00;
	[sflag:s30] =	ssyncadd.s32 $0xFFFFE000  }
0x423: {  	[tilespmem:s2], [sflag:$0x1] =	stream.indirect.gather [hbm4b:s1+s0], $0x80, s26, s0, $0xb8;
	[tilespmem:$0x1F000] =	vst v63  }
0x424: {  	_ =	swait.ge [sflag:s14], $0x2000  }
0x425: {  	[sflag:s14] =	ssyncset.done $0x0  }
0x426: {  	s26 =	simm.s32 $0x16480;
	[sflag:s14] =	ssyncadd.s32 $0xFFFFE000  }
0x427: {  	[spmem:s3] =	stream.indirect.scatter.add.f32 [tilespmem:s6], [sflag:$0x7], $0x80, s26, s0, $0xb8;
	[tilespmem:$0x1F000] =	vst v63  }
0x428: {  	_ =	swait.ge [sflag:s30], $0x2000  }
0x429: {  	[sflag:s30] =	ssyncset.done $0x0  }
0x42a: {  	s26 =	simm.s32 $0x15A80;
	[sflag:s30] =	ssyncadd.s32 $0xFFFFE000  }
0x42b: {  	[tilespmem:s6], [sflag:$0x2] =	stream.indirect.gather [hbm4b:s1+s0], $0x80, s26, s0, $0xb8;
	[tilespmem:$0x1F000] =	vst v63  }
0x42c: {  	_ =	swait.ge [sflag:s17], $0x2000  }
0x42d: {  	[sflag:s17] =	ssyncset.done $0x0  }
0x42e: {  	s26 =	simm.s32 $0x16500;
	[sflag:s17] =	ssyncadd.s32 $0xFFFFE000  }
0x42f: {  	[spmem:s3] =	stream.indirect.scatter.add.f32 [tilespmem:s8], [sflag:$0x7], $0x80, s26, s0, $0xb8;
	[tilespmem:$0x1F000] =	vst v63  }
0x430: {  	_ =	swait.ge [sflag:s30], $0x2000  }
0x431: {  	[sflag:s30] =	ssyncset.done $0x0  }
0x432: {  	s26 =	simm.s32 $0x15B00;
	[sflag:s30] =	ssyncadd.s32 $0xFFFFE000  }
0x433: {  	[tilespmem:s8], [sflag:$0x3] =	stream.indirect.gather [hbm4b:s1+s0], $0x80, s26, s0, $0xb8;
	[tilespmem:$0x1F000] =	vst v63  }
0x434: {  	_ =	swait.ge [sflag:s20], $0x2000  }
0x435: {  	[sflag:s20] =	ssyncset.done $0x0  }
0x436: {  	s26 =	simm.s32 $0x16580;
	[sflag:s20] =	ssyncadd.s32 $0xFFFFE000  }
0x437: {  	[spmem:s3] =	stream.indirect.scatter.add.f32 [tilespmem:s11], [sflag:$0x7], $0x80, s26, s0, $0xb8;
	[tilespmem:$0x1F000] =	vst v63  }
0x438: {  	_ =	swait.ge [sflag:s30], $0x2000  }
0x439: {  	[sflag:s30] =	ssyncset.done $0x0  }
0x43a: {  	s26 =	simm.s32 $0x15B80;
	[sflag:s30] =	ssyncadd.s32 $0xFFFFE000  }
0x43b: {  	[tilespmem:s11], [sflag:$0x4] =	stream.indirect.gather [hbm4b:s1+s0], $0x80, s26, s0, $0xb8;
	[tilespmem:$0x1F000] =	vst v63  }
0x43c: {  	_ =	swait.ge [sflag:s12], $0x2000  }
0x43d: {  	[sflag:s12] =	ssyncset.done $0x0  }
0x43e: {  	s26 =	simm.s32 $0x16600;
	[sflag:s12] =	ssyncadd.s32 $0xFFFFE000  }
0x43f: {  	[spmem:s3] =	stream.indirect.scatter.add.f32 [tilespmem:s2], [sflag:$0x7], $0x80, s26, s0, $0xb8;
	[tilespmem:$0x1F000] =	vst v63  }
0x440: {  	_ =	swait.ge [sflag:s30], $0x2000  }
0x441: {  	[sflag:s30] =	ssyncset.done $0x0  }
0x442: {  	s26 =	simm.s32 $0x15C00;
	[sflag:s30] =	ssyncadd.s32 $0xFFFFE000  }
0x443: {  	[tilespmem:s2], [sflag:$0x1] =	stream.indirect.gather [hbm4b:s1+s0], $0x80, s26, s0, $0xb8;
	[tilespmem:$0x1F000] =	vst v63  }
0x444: {  	_ =	swait.ge [sflag:s14], $0x2000  }
0x445: {  	[sflag:s14] =	ssyncset.done $0x0  }
0x446: {  	s26 =	simm.s32 $0x16680;
	[sflag:s14] =	ssyncadd.s32 $0xFFFFE000  }
0x447: {  	[spmem:s3] =	stream.indirect.scatter.add.f32 [tilespmem:s6], [sflag:$0x7], $0x80, s26, s0, $0xb8;
	[tilespmem:$0x1F000] =	vst v63  }
0x448: {  	_ =	swait.ge [sflag:s30], $0x2000  }
0x449: {  	[sflag:s30] =	ssyncset.done $0x0  }
0x44a: {  	s26 =	simm.s32 $0x15C80;
	[sflag:s30] =	ssyncadd.s32 $0xFFFFE000  }
0x44b: {  	[tilespmem:s6], [sflag:$0x2] =	stream.indirect.gather [hbm4b:s1+s0], $0x80, s26, s0, $0xb8;
	[tilespmem:$0x1F000] =	vst v63  }
0x44c: {  	_ =	swait.ge [sflag:s17], $0x2000  }
0x44d: {  	[sflag:s17] =	ssyncset.done $0x0  }
0x44e: {  	s26 =	simm.s32 $0x16700;
	[sflag:s17] =	ssyncadd.s32 $0xFFFFE000  }
0x44f: {  	[spmem:s3] =	stream.indirect.scatter.add.f32 [tilespmem:s8], [sflag:$0x7], $0x80, s26, s0, $0xb8;
	[tilespmem:$0x1F000] =	vst v63  }
0x450: {  	_ =	swait.ge [sflag:s30], $0x2000  }
0x451: {  	[sflag:s30] =	ssyncset.done $0x0  }
0x452: {  	s26 =	simm.s32 $0x15D00;
	[sflag:s30] =	ssyncadd.s32 $0xFFFFE000  }
0x453: {  	[tilespmem:s8], [sflag:$0x3] =	stream.indirect.gather [hbm4b:s1+s0], $0x80, s26, s0, $0xb8;
	[tilespmem:$0x1F000] =	vst v63  }
0x454: {  	_ =	swait.ge [sflag:s20], $0x2000  }
0x455: {  	[sflag:s20] =	ssyncset.done $0x0  }
0x456: {  	s26 =	simm.s32 $0x16780;
	[sflag:s20] =	ssyncadd.s32 $0xFFFFE000  }
0x457: {  	[spmem:s3] =	stream.indirect.scatter.add.f32 [tilespmem:s11], [sflag:$0x7], $0x80, s26, s0, $0xb8;
	[tilespmem:$0x1F000] =	vst v63  }
0x458: {  	_ =	swait.ge [sflag:s30], $0x2000  }
0x459: {  	[sflag:s30] =	ssyncset.done $0x0  }
0x45a: {  	s26 =	simm.s32 $0x15D80;
	[sflag:s30] =	ssyncadd.s32 $0xFFFFE000  }
0x45b: {  	[tilespmem:s11], [sflag:$0x4] =	stream.indirect.gather [hbm4b:s1+s0], $0x80, s26, s0, $0xb8;
	[tilespmem:$0x1F000] =	vst v63  }
0x45c: {  	_ =	swait.ge [sflag:s12], $0x2000  }
0x45d: {  	[sflag:s12] =	ssyncset.done $0x0  }
0x45e: {  	s26 =	simm.s32 $0x16800;
	[sflag:s12] =	ssyncadd.s32 $0xFFFFE000  }
0x45f: {  	[spmem:s3] =	stream.indirect.scatter.add.f32 [tilespmem:s2], [sflag:$0x7], $0x80, s26, s0, $0xb8;
	[tilespmem:$0x1F000] =	vst v63  }
0x460: {  	_ =	swait.ge [sflag:s30], $0x2000  }
0x461: {  	[sflag:s30] =	ssyncset.done $0x0  }
0x462: {  	[sflag:s30] =	ssyncadd.s32 $0xFFFFE000  }
0x463: {  	_ =	swait.ge [sflag:s14], $0x2000  }
0x464: {  	[sflag:s14] =	ssyncset.done $0x0  }
0x465: {  	s26 =	simm.s32 $0x16880;
	[sflag:s14] =	ssyncadd.s32 $0xFFFFE000  }
0x466: {  	[spmem:s3] =	stream.indirect.scatter.add.f32 [tilespmem:s6], [sflag:$0x7], $0x80, s26, s0, $0xb8;
	[tilespmem:$0x1F000] =	vst v63  }
0x467: {  	_ =	swait.ge [sflag:s30], $0x2000  }
0x468: {  	[sflag:s30] =	ssyncset.done $0x0  }
0x469: {  	[sflag:s30] =	ssyncadd.s32 $0xFFFFE000  }
0x46a: {  	_ =	swait.ge [sflag:s17], $0x2000  }
0x46b: {  	[sflag:s17] =	ssyncset.done $0x0  }
0x46c: {  	s26 =	simm.s32 $0x16900;
	[sflag:s17] =	ssyncadd.s32 $0xFFFFE000  }
0x46d: {  	[spmem:s3] =	stream.indirect.scatter.add.f32 [tilespmem:s8], [sflag:$0x7], $0x80, s26, s0, $0xb8;
	[tilespmem:$0x1F000] =	vst v63  }
0x46e: {  	_ =	swait.ge [sflag:s30], $0x2000  }
0x46f: {  	[sflag:s30] =	ssyncset.done $0x0  }
0x470: {  	[sflag:s30] =	ssyncadd.s32 $0xFFFFE000  }
0x471: {  	_ =	swait.ge [sflag:s20], $0x2000  }
0x472: {  	[sflag:s20] =	ssyncset.done $0x0  }
0x473: {  	s26 =	simm.s32 $0x16980;
	[sflag:s20] =	ssyncadd.s32 $0xFFFFE000  }
0x474: {  	[spmem:s3] =	stream.indirect.scatter.add.f32 [tilespmem:s11], [sflag:$0x7], $0x80, s26, s0, $0xb8;
	[tilespmem:$0x1F000] =	vst v63  }
0x475: {  	_ =	swait.ge [sflag:s30], $0x2000  }
0x476: {  	[sflag:s30] =	ssyncset.done $0x0  }
0x477: {  	s26 =	simm.s32 $0x15400;
	s15 =	rddreg [dreg:$0x13];
	[sflag:s30] =	ssyncadd.s32 $0xFFFFE000  }
0x478: {  	[tilespmem:s26], [sflag:$0x6] =	stream.linear.gather [hbm4b:s15+s4], $0xA00, $0x38;
	[tilespmem:$0x1F000] =	vst v63  }
0x479: {  	s15 =	rddreg [dreg:$0x14];
	s26 =	simm.s32 $0x16000  }
0x47a: {  	[tilespmem:s26], [sflag:$0x6] =	stream.linear.gather [hbm4b:s15+s4], $0xA00, $0x38;
	[tilespmem:$0x1F000] =	vst v63  }
0x47b: {  	_ =	swait.ge [sflag:s31], $0xA00  }
0x47c: {  	[sflag:s31] =	ssyncset.done $0x0  }
0x47d: {  	[sflag:s31] =	ssyncadd.s32 $0xFFFFF600  }
0x47e: {  	_ =	swait.ge [sflag:s31], $0xA00  }
0x47f: {  	[sflag:s31] =	ssyncset.done $0x0  }
0x480: {  	s26 =	simm.s32 $0x13C00;
	[sflag:s31] =	ssyncadd.s32 $0xFFFFF600  }
0x481: {  	[tilespmem:s2], [sflag:$0x1] =	stream.indirect.gather [hbm4b:s1+s0], $0x80, s26, s0, $0xb8;
	[tilespmem:$0x1F000] =	vst v63  }
0x482: {  	s5 =	simm.s32 $0x13C80  }
0x483: {  	[tilespmem:s6], [sflag:$0x2] =	stream.indirect.gather [hbm4b:s1+s0], $0x80, s5, s0, $0xb8;
	[tilespmem:$0x1F000] =	vst v63  }
0x484: {  	s7 =	simm.s32 $0x13D00  }
0x485: {  	[tilespmem:s8], [sflag:$0x3] =	stream.indirect.gather [hbm4b:s1+s0], $0x80, s7, s0, $0xb8;
	[tilespmem:$0x1F000] =	vst v63  }
0x486: {  	s10 =	simm.s32 $0x13D80  }
0x487: {  	[tilespmem:s11], [sflag:$0x4] =	stream.indirect.gather [hbm4b:s1+s0], $0x80, s10, s0, $0xb8;
	[tilespmem:$0x1F000] =	vst v63  }
0x488: {  	_ =	swait.ge [sflag:s12], $0x2000  }
0x489: {  	[sflag:s12] =	ssyncset.done $0x0  }
0x48a: {  	s7 =	simm.s32 $0x14800;
	[sflag:s12] =	ssyncadd.s32 $0xFFFFE000  }
0x48b: {  	[spmem:s3] =	stream.indirect.scatter.add.f32 [tilespmem:s2], [sflag:$0x7], $0x80, s7, s0, $0xb8;
	[tilespmem:$0x1F000] =	vst v63  }
0x48c: {  	_ =	swait.ge [sflag:s30], $0x2000  }
0x48d: {  	[sflag:s30] =	ssyncset.done $0x0  }
0x48e: {  	s26 =	simm.s32 $0x13E00;
	[sflag:s30] =	ssyncadd.s32 $0xFFFFE000  }
0x48f: {  	[tilespmem:s2], [sflag:$0x1] =	stream.indirect.gather [hbm4b:s1+s0], $0x80, s26, s0, $0xb8;
	[tilespmem:$0x1F000] =	vst v63  }
0x490: {  	_ =	swait.ge [sflag:s14], $0x2000  }
0x491: {  	[sflag:s14] =	ssyncset.done $0x0  }
0x492: {  	s26 =	simm.s32 $0x14880;
	[sflag:s14] =	ssyncadd.s32 $0xFFFFE000  }
0x493: {  	[spmem:s3] =	stream.indirect.scatter.add.f32 [tilespmem:s6], [sflag:$0x7], $0x80, s26, s0, $0xb8;
	[tilespmem:$0x1F000] =	vst v63  }
0x494: {  	_ =	swait.ge [sflag:s30], $0x2000  }
0x495: {  	[sflag:s30] =	ssyncset.done $0x0  }
0x496: {  	s21 =	simm.s32 $0x13E80;
	[sflag:s30] =	ssyncadd.s32 $0xFFFFE000  }
0x497: {  	[tilespmem:s6], [sflag:$0x2] =	stream.indirect.gather [hbm4b:s1+s0], $0x80, s21, s0, $0xb8;
	[tilespmem:$0x1F000] =	vst v63  }
0x498: {  	_ =	swait.ge [sflag:s17], $0x2000  }
0x499: {  	[sflag:s17] =	ssyncset.done $0x0  }
0x49a: {  	s26 =	simm.s32 $0x14900;
	[sflag:s17] =	ssyncadd.s32 $0xFFFFE000  }
0x49b: {  	[spmem:s3] =	stream.indirect.scatter.add.f32 [tilespmem:s8], [sflag:$0x7], $0x80, s26, s0, $0xb8;
	[tilespmem:$0x1F000] =	vst v63  }
0x49c: {  	_ =	swait.ge [sflag:s30], $0x2000  }
0x49d: {  	[sflag:s30] =	ssyncset.done $0x0  }
0x49e: {  	s26 =	simm.s32 $0x13F00;
	[sflag:s30] =	ssyncadd.s32 $0xFFFFE000  }
0x49f: {  	[tilespmem:s8], [sflag:$0x3] =	stream.indirect.gather [hbm4b:s1+s0], $0x80, s26, s0, $0xb8;
	[tilespmem:$0x1F000] =	vst v63  }
0x4a0: {  	_ =	swait.ge [sflag:s20], $0x2000  }
0x4a1: {  	[sflag:s20] =	ssyncset.done $0x0  }
0x4a2: {  	s26 =	simm.s32 $0x14980;
	[sflag:s20] =	ssyncadd.s32 $0xFFFFE000  }
0x4a3: {  	[spmem:s3] =	stream.indirect.scatter.add.f32 [tilespmem:s11], [sflag:$0x7], $0x80, s26, s0, $0xb8;
	[tilespmem:$0x1F000] =	vst v63  }
0x4a4: {  	_ =	swait.ge [sflag:s30], $0x2000  }
0x4a5: {  	[sflag:s30] =	ssyncset.done $0x0  }
0x4a6: {  	s26 =	simm.s32 $0x13F80;
	[sflag:s30] =	ssyncadd.s32 $0xFFFFE000  }
0x4a7: {  	[tilespmem:s11], [sflag:$0x4] =	stream.indirect.gather [hbm4b:s1+s0], $0x80, s26, s0, $0xb8;
	[tilespmem:$0x1F000] =	vst v63  }
0x4a8: {  	_ =	swait.ge [sflag:s12], $0x2000  }
0x4a9: {  	[sflag:s12] =	ssyncset.done $0x0  }
0x4aa: {  	s26 =	simm.s32 $0x14A00;
	[sflag:s12] =	ssyncadd.s32 $0xFFFFE000  }
0x4ab: {  	[spmem:s3] =	stream.indirect.scatter.add.f32 [tilespmem:s2], [sflag:$0x7], $0x80, s26, s0, $0xb8;
	[tilespmem:$0x1F000] =	vst v63  }
0x4ac: {  	_ =	swait.ge [sflag:s30], $0x2000  }
0x4ad: {  	[sflag:s30] =	ssyncset.done $0x0  }
0x4ae: {  	s26 =	simm.s32 $0x14000;
	[sflag:s30] =	ssyncadd.s32 $0xFFFFE000  }
0x4af: {  	[tilespmem:s2], [sflag:$0x1] =	stream.indirect.gather [hbm4b:s1+s0], $0x80, s26, s0, $0xb8;
	[tilespmem:$0x1F000] =	vst v63  }
0x4b0: {  	_ =	swait.ge [sflag:s14], $0x2000  }
0x4b1: {  	[sflag:s14] =	ssyncset.done $0x0  }
0x4b2: {  	s26 =	simm.s32 $0x14A80;
	[sflag:s14] =	ssyncadd.s32 $0xFFFFE000  }
0x4b3: {  	[spmem:s3] =	stream.indirect.scatter.add.f32 [tilespmem:s6], [sflag:$0x7], $0x80, s26, s0, $0xb8;
	[tilespmem:$0x1F000] =	vst v63  }
0x4b4: {  	_ =	swait.ge [sflag:s30], $0x2000  }
0x4b5: {  	[sflag:s30] =	ssyncset.done $0x0  }
0x4b6: {  	s26 =	simm.s32 $0x14080;
	[sflag:s30] =	ssyncadd.s32 $0xFFFFE000  }
0x4b7: {  	[tilespmem:s6], [sflag:$0x2] =	stream.indirect.gather [hbm4b:s1+s0], $0x80, s26, s0, $0xb8;
	[tilespmem:$0x1F000] =	vst v63  }
0x4b8: {  	_ =	swait.ge [sflag:s17], $0x2000  }
0x4b9: {  	[sflag:s17] =	ssyncset.done $0x0  }
0x4ba: {  	s26 =	simm.s32 $0x14B00;
	[sflag:s17] =	ssyncadd.s32 $0xFFFFE000  }
0x4bb: {  	[spmem:s3] =	stream.indirect.scatter.add.f32 [tilespmem:s8], [sflag:$0x7], $0x80, s26, s0, $0xb8;
	[tilespmem:$0x1F000] =	vst v63  }
0x4bc: {  	_ =	swait.ge [sflag:s30], $0x2000  }
0x4bd: {  	[sflag:s30] =	ssyncset.done $0x0  }
0x4be: {  	s26 =	simm.s32 $0x14100;
	[sflag:s30] =	ssyncadd.s32 $0xFFFFE000  }
0x4bf: {  	[tilespmem:s8], [sflag:$0x3] =	stream.indirect.gather [hbm4b:s1+s0], $0x80, s26, s0, $0xb8;
	[tilespmem:$0x1F000] =	vst v63  }
0x4c0: {  	_ =	swait.ge [sflag:s20], $0x2000  }
0x4c1: {  	[sflag:s20] =	ssyncset.done $0x0  }
0x4c2: {  	s26 =	simm.s32 $0x14B80;
	[sflag:s20] =	ssyncadd.s32 $0xFFFFE000  }
0x4c3: {  	[spmem:s3] =	stream.indirect.scatter.add.f32 [tilespmem:s11], [sflag:$0x7], $0x80, s26, s0, $0xb8;
	[tilespmem:$0x1F000] =	vst v63  }
0x4c4: {  	_ =	swait.ge [sflag:s30], $0x2000  }
0x4c5: {  	[sflag:s30] =	ssyncset.done $0x0  }
0x4c6: {  	s26 =	simm.s32 $0x14180;
	[sflag:s30] =	ssyncadd.s32 $0xFFFFE000  }
0x4c7: {  	[tilespmem:s11], [sflag:$0x4] =	stream.indirect.gather [hbm4b:s1+s0], $0x80, s26, s0, $0xb8;
	[tilespmem:$0x1F000] =	vst v63  }
0x4c8: {  	_ =	swait.ge [sflag:s12], $0x2000  }
0x4c9: {  	[sflag:s12] =	ssyncset.done $0x0  }
0x4ca: {  	s26 =	simm.s32 $0x14C00;
	[sflag:s12] =	ssyncadd.s32 $0xFFFFE000  }
0x4cb: {  	[spmem:s3] =	stream.indirect.scatter.add.f32 [tilespmem:s2], [sflag:$0x7], $0x80, s26, s0, $0xb8;
	[tilespmem:$0x1F000] =	vst v63  }
0x4cc: {  	_ =	swait.ge [sflag:s30], $0x2000  }
0x4cd: {  	[sflag:s30] =	ssyncset.done $0x0  }
0x4ce: {  	s26 =	simm.s32 $0x14200;
	[sflag:s30] =	ssyncadd.s32 $0xFFFFE000  }
0x4cf: {  	[tilespmem:s2], [sflag:$0x1] =	stream.indirect.gather [hbm4b:s1+s0], $0x80, s26, s0, $0xb8;
	[tilespmem:$0x1F000] =	vst v63  }
0x4d0: {  	_ =	swait.ge [sflag:s14], $0x2000  }
0x4d1: {  	[sflag:s14] =	ssyncset.done $0x0  }
0x4d2: {  	s26 =	simm.s32 $0x14C80;
	[sflag:s14] =	ssyncadd.s32 $0xFFFFE000  }
0x4d3: {  	[spmem:s3] =	stream.indirect.scatter.add.f32 [tilespmem:s6], [sflag:$0x7], $0x80, s26, s0, $0xb8;
	[tilespmem:$0x1F000] =	vst v63  }
0x4d4: {  	_ =	swait.ge [sflag:s30], $0x2000  }
0x4d5: {  	[sflag:s30] =	ssyncset.done $0x0  }
0x4d6: {  	s26 =	simm.s32 $0x14280;
	[sflag:s30] =	ssyncadd.s32 $0xFFFFE000  }
0x4d7: {  	[tilespmem:s6], [sflag:$0x2] =	stream.indirect.gather [hbm4b:s1+s0], $0x80, s26, s0, $0xb8;
	[tilespmem:$0x1F000] =	vst v63  }
0x4d8: {  	_ =	swait.ge [sflag:s17], $0x2000  }
0x4d9: {  	[sflag:s17] =	ssyncset.done $0x0  }
0x4da: {  	s26 =	simm.s32 $0x14D00;
	[sflag:s17] =	ssyncadd.s32 $0xFFFFE000  }
0x4db: {  	[spmem:s3] =	stream.indirect.scatter.add.f32 [tilespmem:s8], [sflag:$0x7], $0x80, s26, s0, $0xb8;
	[tilespmem:$0x1F000] =	vst v63  }
0x4dc: {  	_ =	swait.ge [sflag:s30], $0x2000  }
0x4dd: {  	[sflag:s30] =	ssyncset.done $0x0  }
0x4de: {  	s26 =	simm.s32 $0x14300;
	[sflag:s30] =	ssyncadd.s32 $0xFFFFE000  }
0x4df: {  	[tilespmem:s8], [sflag:$0x3] =	stream.indirect.gather [hbm4b:s1+s0], $0x80, s26, s0, $0xb8;
	[tilespmem:$0x1F000] =	vst v63  }
0x4e0: {  	_ =	swait.ge [sflag:s20], $0x2000  }
0x4e1: {  	[sflag:s20] =	ssyncset.done $0x0  }
0x4e2: {  	s26 =	simm.s32 $0x14D80;
	[sflag:s20] =	ssyncadd.s32 $0xFFFFE000  }
0x4e3: {  	[spmem:s3] =	stream.indirect.scatter.add.f32 [tilespmem:s11], [sflag:$0x7], $0x80, s26, s0, $0xb8;
	[tilespmem:$0x1F000] =	vst v63  }
0x4e4: {  	_ =	swait.ge [sflag:s30], $0x2000  }
0x4e5: {  	[sflag:s30] =	ssyncset.done $0x0  }
0x4e6: {  	s26 =	simm.s32 $0x14380;
	[sflag:s30] =	ssyncadd.s32 $0xFFFFE000  }
0x4e7: {  	[tilespmem:s11], [sflag:$0x4] =	stream.indirect.gather [hbm4b:s1+s0], $0x80, s26, s0, $0xb8;
	[tilespmem:$0x1F000] =	vst v63  }
0x4e8: {  	_ =	swait.ge [sflag:s12], $0x2000  }
0x4e9: {  	[sflag:s12] =	ssyncset.done $0x0  }
0x4ea: {  	s26 =	simm.s32 $0x14E00;
	[sflag:s12] =	ssyncadd.s32 $0xFFFFE000  }
0x4eb: {  	[spmem:s3] =	stream.indirect.scatter.add.f32 [tilespmem:s2], [sflag:$0x7], $0x80, s26, s0, $0xb8;
	[tilespmem:$0x1F000] =	vst v63  }
0x4ec: {  	_ =	swait.ge [sflag:s30], $0x2000  }
0x4ed: {  	[sflag:s30] =	ssyncset.done $0x0  }
0x4ee: {  	s26 =	simm.s32 $0x14400;
	[sflag:s30] =	ssyncadd.s32 $0xFFFFE000  }
0x4ef: {  	[tilespmem:s2], [sflag:$0x1] =	stream.indirect.gather [hbm4b:s1+s0], $0x80, s26, s0, $0xb8;
	[tilespmem:$0x1F000] =	vst v63  }
0x4f0: {  	_ =	swait.ge [sflag:s14], $0x2000  }
0x4f1: {  	[sflag:s14] =	ssyncset.done $0x0  }
0x4f2: {  	s26 =	simm.s32 $0x14E80;
	[sflag:s14] =	ssyncadd.s32 $0xFFFFE000  }
0x4f3: {  	[spmem:s3] =	stream.indirect.scatter.add.f32 [tilespmem:s6], [sflag:$0x7], $0x80, s26, s0, $0xb8;
	[tilespmem:$0x1F000] =	vst v63  }
0x4f4: {  	_ =	swait.ge [sflag:s30], $0x2000  }
0x4f5: {  	[sflag:s30] =	ssyncset.done $0x0  }
0x4f6: {  	s26 =	simm.s32 $0x14480;
	[sflag:s30] =	ssyncadd.s32 $0xFFFFE000  }
0x4f7: {  	[tilespmem:s6], [sflag:$0x2] =	stream.indirect.gather [hbm4b:s1+s0], $0x80, s26, s0, $0xb8;
	[tilespmem:$0x1F000] =	vst v63  }
0x4f8: {  	_ =	swait.ge [sflag:s17], $0x2000  }
0x4f9: {  	[sflag:s17] =	ssyncset.done $0x0  }
0x4fa: {  	s26 =	simm.s32 $0x14F00;
	[sflag:s17] =	ssyncadd.s32 $0xFFFFE000  }
0x4fb: {  	[spmem:s3] =	stream.indirect.scatter.add.f32 [tilespmem:s8], [sflag:$0x7], $0x80, s26, s0, $0xb8;
	[tilespmem:$0x1F000] =	vst v63  }
0x4fc: {  	_ =	swait.ge [sflag:s30], $0x2000  }
0x4fd: {  	[sflag:s30] =	ssyncset.done $0x0  }
0x4fe: {  	s26 =	simm.s32 $0x14500;
	[sflag:s30] =	ssyncadd.s32 $0xFFFFE000  }
0x4ff: {  	[tilespmem:s8], [sflag:$0x3] =	stream.indirect.gather [hbm4b:s1+s0], $0x80, s26, s0, $0xb8;
	[tilespmem:$0x1F000] =	vst v63  }
0x500: {  	_ =	swait.ge [sflag:s20], $0x2000  }
0x501: {  	[sflag:s20] =	ssyncset.done $0x0  }
0x502: {  	s26 =	simm.s32 $0x14F80;
	[sflag:s20] =	ssyncadd.s32 $0xFFFFE000  }
0x503: {  	[spmem:s3] =	stream.indirect.scatter.add.f32 [tilespmem:s11], [sflag:$0x7], $0x80, s26, s0, $0xb8;
	[tilespmem:$0x1F000] =	vst v63  }
0x504: {  	_ =	swait.ge [sflag:s30], $0x2000  }
0x505: {  	[sflag:s30] =	ssyncset.done $0x0  }
0x506: {  	s26 =	simm.s32 $0x14580;
	[sflag:s30] =	ssyncadd.s32 $0xFFFFE000  }
0x507: {  	[tilespmem:s11], [sflag:$0x4] =	stream.indirect.gather [hbm4b:s1+s0], $0x80, s26, s0, $0xb8;
	[tilespmem:$0x1F000] =	vst v63  }
0x508: {  	_ =	swait.ge [sflag:s12], $0x2000  }
0x509: {  	[sflag:s12] =	ssyncset.done $0x0  }
0x50a: {  	s26 =	simm.s32 $0x15000;
	[sflag:s12] =	ssyncadd.s32 $0xFFFFE000  }
0x50b: {  	[spmem:s3] =	stream.indirect.scatter.add.f32 [tilespmem:s2], [sflag:$0x7], $0x80, s26, s0, $0xb8;
	[tilespmem:$0x1F000] =	vst v63  }
0x50c: {  	_ =	swait.ge [sflag:s30], $0x2000  }
0x50d: {  	[sflag:s30] =	ssyncset.done $0x0  }
0x50e: {  	[sflag:s30] =	ssyncadd.s32 $0xFFFFE000  }
0x50f: {  	_ =	swait.ge [sflag:s14], $0x2000  }
0x510: {  	[sflag:s14] =	ssyncset.done $0x0  }
0x511: {  	s26 =	simm.s32 $0x15080;
	[sflag:s14] =	ssyncadd.s32 $0xFFFFE000  }
0x512: {  	[spmem:s3] =	stream.indirect.scatter.add.f32 [tilespmem:s6], [sflag:$0x7], $0x80, s26, s0, $0xb8;
	[tilespmem:$0x1F000] =	vst v63  }
0x513: {  	_ =	swait.ge [sflag:s30], $0x2000  }
0x514: {  	[sflag:s30] =	ssyncset.done $0x0  }
0x515: {  	[sflag:s30] =	ssyncadd.s32 $0xFFFFE000  }
0x516: {  	_ =	swait.ge [sflag:s17], $0x2000  }
0x517: {  	[sflag:s17] =	ssyncset.done $0x0  }
0x518: {  	s26 =	simm.s32 $0x15100;
	[sflag:s17] =	ssyncadd.s32 $0xFFFFE000  }
0x519: {  	[spmem:s3] =	stream.indirect.scatter.add.f32 [tilespmem:s8], [sflag:$0x7], $0x80, s26, s0, $0xb8;
	[tilespmem:$0x1F000] =	vst v63  }
0x51a: {  	_ =	swait.ge [sflag:s30], $0x2000  }
0x51b: {  	[sflag:s30] =	ssyncset.done $0x0  }
0x51c: {  	[sflag:s30] =	ssyncadd.s32 $0xFFFFE000  }
0x51d: {  	_ =	swait.ge [sflag:s20], $0x2000  }
0x51e: {  	[sflag:s20] =	ssyncset.done $0x0  }
0x51f: {  	s26 =	simm.s32 $0x15180;
	[sflag:s20] =	ssyncadd.s32 $0xFFFFE000  }
0x520: {  	[spmem:s3] =	stream.indirect.scatter.add.f32 [tilespmem:s11], [sflag:$0x7], $0x80, s26, s0, $0xb8;
	[tilespmem:$0x1F000] =	vst v63  }
0x521: {  	_ =	swait.ge [sflag:s30], $0x2000  }
0x522: {  	[sflag:s30] =	ssyncset.done $0x0  }
0x523: {  	[sflag:s30] =	ssyncadd.s32 $0xFFFFE000  }
0x524: {  	_ =	swait.ge [sflag:s16], $0xA00  }
0x525: {  	[sflag:s16] =	ssyncset.done $0x0  }
0x526: {  	[sflag:s16] =	ssyncadd.s32 $0xFFFFF600  }
0x527: {  	_ =	swait.ge [sflag:s16], $0xA00  }
0x528: {  	[sflag:s16] =	ssyncset.done $0x0  }
0x529: {  	s10 =	simm.s32 $0x15400;
	[sflag:s16] =	ssyncadd.s32 $0xFFFFF600  }
0x52a: {  	[tilespmem:s2], [sflag:$0x1] =	stream.indirect.gather [hbm4b:s1+s0], $0x80, s10, s0, $0xb8;
	[tilespmem:$0x1F000] =	vst v63  }
0x52b: {  	_ = 	snop  }
0x52c: {  	[tilespmem:s6], [sflag:$0x2] =	stream.indirect.gather [hbm4b:s1+s0], $0x80, s28, s0, $0xb8;
	[tilespmem:$0x1F000] =	vst v63  }
0x52d: {  	s18 =	simm.s32 $0x15500  }
0x52e: {  	[tilespmem:s8], [sflag:$0x3] =	stream.indirect.gather [hbm4b:s1+s0], $0x80, s18, s0, $0xb8;
	[tilespmem:$0x1F000] =	vst v63  }
0x52f: {  	s19 =	simm.s32 $0x15580  }
0x530: {  	[tilespmem:s11], [sflag:$0x4] =	stream.indirect.gather [hbm4b:s1+s0], $0x80, s19, s0, $0xb8;
	[tilespmem:$0x1F000] =	vst v63  }
0x531: {  	_ =	swait.ge [sflag:s12], $0x2000  }
0x532: {  	[sflag:s12] =	ssyncset.done $0x0  }
0x533: {  	s21 =	simm.s32 $0x16000;
	[sflag:s12] =	ssyncadd.s32 $0xFFFFE000  }
0x534: {  	[spmem:s3] =	stream.indirect.scatter.add.f32 [tilespmem:s2], [sflag:$0x7], $0x80, s21, s0, $0xb8;
	[tilespmem:$0x1F000] =	vst v63  }
0x535: {  	_ =	swait.ge [sflag:s30], $0x2000  }
0x536: {  	[sflag:s30] =	ssyncset.done $0x0  }
0x537: {  	s22 =	simm.s32 $0x15600;
	[sflag:s30] =	ssyncadd.s32 $0xFFFFE000  }
0x538: {  	[tilespmem:s2], [sflag:$0x1] =	stream.indirect.gather [hbm4b:s1+s0], $0x80, s22, s0, $0xb8;
	[tilespmem:$0x1F000] =	vst v63  }
0x539: {  	_ =	swait.ge [sflag:s14], $0x2000  }
0x53a: {  	[sflag:s14] =	ssyncset.done $0x0  }
0x53b: {  	s23 =	simm.s32 $0x16080;
	[sflag:s14] =	ssyncadd.s32 $0xFFFFE000  }
0x53c: {  	[spmem:s3] =	stream.indirect.scatter.add.f32 [tilespmem:s6], [sflag:$0x7], $0x80, s23, s0, $0xb8;
	[tilespmem:$0x1F000] =	vst v63  }
0x53d: {  	_ =	swait.ge [sflag:s30], $0x2000  }
0x53e: {  	[sflag:s30] =	ssyncset.done $0x0  }
0x53f: {  	s24 =	simm.s32 $0x15680;
	[sflag:s30] =	ssyncadd.s32 $0xFFFFE000  }
0x540: {  	[tilespmem:s6], [sflag:$0x2] =	stream.indirect.gather [hbm4b:s1+s0], $0x80, s24, s0, $0xb8;
	[tilespmem:$0x1F000] =	vst v63  }
0x541: {  	_ =	swait.ge [sflag:s17], $0x2000  }
0x542: {  	[sflag:s17] =	ssyncset.done $0x0  }
0x543: {  	s25 =	simm.s32 $0x16100;
	[sflag:s17] =	ssyncadd.s32 $0xFFFFE000  }
0x544: {  	[spmem:s3] =	stream.indirect.scatter.add.f32 [tilespmem:s8], [sflag:$0x7], $0x80, s25, s0, $0xb8;
	[tilespmem:$0x1F000] =	vst v63  }
0x545: {  	_ =	swait.ge [sflag:s30], $0x2000  }
0x546: {  	[sflag:s30] =	ssyncset.done $0x0  }
0x547: {  	s25 =	simm.s32 $0x15700;
	[sflag:s30] =	ssyncadd.s32 $0xFFFFE000  }
0x548: {  	[tilespmem:s8], [sflag:$0x3] =	stream.indirect.gather [hbm4b:s1+s0], $0x80, s25, s0, $0xb8;
	[tilespmem:$0x1F000] =	vst v63  }
0x549: {  	_ =	swait.ge [sflag:s20], $0x2000  }
0x54a: {  	[sflag:s20] =	ssyncset.done $0x0  }
0x54b: {  	s26 =	simm.s32 $0x16180;
	[sflag:s20] =	ssyncadd.s32 $0xFFFFE000  }
0x54c: {  	[spmem:s3] =	stream.indirect.scatter.add.f32 [tilespmem:s11], [sflag:$0x7], $0x80, s26, s0, $0xb8;
	[tilespmem:$0x1F000] =	vst v63  }
0x54d: {  	_ =	swait.ge [sflag:s30], $0x2000  }
0x54e: {  	[sflag:s30] =	ssyncset.done $0x0  }
0x54f: {  	s28 =	simm.s32 $0x15780;
	[sflag:s30] =	ssyncadd.s32 $0xFFFFE000  }
0x550: {  	[tilespmem:s11], [sflag:$0x4] =	stream.indirect.gather [hbm4b:s1+s0], $0x80, s28, s0, $0xb8;
	[tilespmem:$0x1F000] =	vst v63  }
0x551: {  	_ =	swait.ge [sflag:s12], $0x2000  }
0x552: {  	[sflag:s12] =	ssyncset.done $0x0  }
0x553: {  	s18 =	simm.s32 $0x16200;
	[sflag:s12] =	ssyncadd.s32 $0xFFFFE000  }
0x554: {  	[spmem:s3] =	stream.indirect.scatter.add.f32 [tilespmem:s2], [sflag:$0x7], $0x80, s18, s0, $0xb8;
	[tilespmem:$0x1F000] =	vst v63  }
0x555: {  	_ =	swait.ge [sflag:s30], $0x2000  }
0x556: {  	[sflag:s30] =	ssyncset.done $0x0  }
0x557: {  	s19 =	simm.s32 $0x15800;
	[sflag:s30] =	ssyncadd.s32 $0xFFFFE000  }
0x558: {  	[tilespmem:s2], [sflag:$0x1] =	stream.indirect.gather [hbm4b:s1+s0], $0x80, s19, s0, $0xb8;
	[tilespmem:$0x1F000] =	vst v63  }
0x559: {  	_ =	swait.ge [sflag:s14], $0x2000  }
0x55a: {  	[sflag:s14] =	ssyncset.done $0x0  }
0x55b: {  	s22 =	simm.s32 $0x16280;
	[sflag:s14] =	ssyncadd.s32 $0xFFFFE000  }
0x55c: {  	[spmem:s3] =	stream.indirect.scatter.add.f32 [tilespmem:s6], [sflag:$0x7], $0x80, s22, s0, $0xb8;
	[tilespmem:$0x1F000] =	vst v63  }
0x55d: {  	_ =	swait.ge [sflag:s30], $0x2000  }
0x55e: {  	[sflag:s30] =	ssyncset.done $0x0  }
0x55f: {  	s23 =	simm.s32 $0x15880;
	[sflag:s30] =	ssyncadd.s32 $0xFFFFE000  }
0x560: {  	[tilespmem:s6], [sflag:$0x2] =	stream.indirect.gather [hbm4b:s1+s0], $0x80, s23, s0, $0xb8;
	[tilespmem:$0x1F000] =	vst v63  }
0x561: {  	_ =	swait.ge [sflag:s17], $0x2000  }
0x562: {  	[sflag:s17] =	ssyncset.done $0x0  }
0x563: {  	s24 =	simm.s32 $0x16300;
	[sflag:s17] =	ssyncadd.s32 $0xFFFFE000  }
0x564: {  	[spmem:s3] =	stream.indirect.scatter.add.f32 [tilespmem:s8], [sflag:$0x7], $0x80, s24, s0, $0xb8;
	[tilespmem:$0x1F000] =	vst v63  }
0x565: {  	_ =	swait.ge [sflag:s30], $0x2000  }
0x566: {  	[sflag:s30] =	ssyncset.done $0x0  }
0x567: {  	s25 =	simm.s32 $0x15900;
	[sflag:s30] =	ssyncadd.s32 $0xFFFFE000  }
0x568: {  	[tilespmem:s8], [sflag:$0x3] =	stream.indirect.gather [hbm4b:s1+s0], $0x80, s25, s0, $0xb8;
	[tilespmem:$0x1F000] =	vst v63  }
0x569: {  	_ =	swait.ge [sflag:s20], $0x2000  }
0x56a: {  	[sflag:s20] =	ssyncset.done $0x0  }
0x56b: {  	s26 =	simm.s32 $0x16380;
	[sflag:s20] =	ssyncadd.s32 $0xFFFFE000  }
0x56c: {  	[spmem:s3] =	stream.indirect.scatter.add.f32 [tilespmem:s11], [sflag:$0x7], $0x80, s26, s0, $0xb8;
	[tilespmem:$0x1F000] =	vst v63  }
0x56d: {  	_ =	swait.ge [sflag:s30], $0x2000  }
0x56e: {  	[sflag:s30] =	ssyncset.done $0x0  }
0x56f: {  	s28 =	simm.s32 $0x15980;
	[sflag:s30] =	ssyncadd.s32 $0xFFFFE000  }
0x570: {  	[tilespmem:s11], [sflag:$0x4] =	stream.indirect.gather [hbm4b:s1+s0], $0x80, s28, s0, $0xb8;
	[tilespmem:$0x1F000] =	vst v63  }
0x571: {  	_ =	swait.ge [sflag:s12], $0x2000  }
0x572: {  	[sflag:s12] =	ssyncset.done $0x0  }
0x573: {  	s18 =	simm.s32 $0x16400;
	[sflag:s12] =	ssyncadd.s32 $0xFFFFE000  }
0x574: {  	[spmem:s3] =	stream.indirect.scatter.add.f32 [tilespmem:s2], [sflag:$0x7], $0x80, s18, s0, $0xb8;
	[tilespmem:$0x1F000] =	vst v63  }
0x575: {  	_ =	swait.ge [sflag:s30], $0x2000  }
0x576: {  	[sflag:s30] =	ssyncset.done $0x0  }
0x577: {  	s19 =	simm.s32 $0x15A00;
	[sflag:s30] =	ssyncadd.s32 $0xFFFFE000  }
0x578: {  	[tilespmem:s2], [sflag:$0x1] =	stream.indirect.gather [hbm4b:s1+s0], $0x80, s19, s0, $0xb8;
	[tilespmem:$0x1F000] =	vst v63  }
0x579: {  	_ =	swait.ge [sflag:s14], $0x2000  }
0x57a: {  	[sflag:s14] =	ssyncset.done $0x0  }
0x57b: {  	s22 =	simm.s32 $0x16480;
	[sflag:s14] =	ssyncadd.s32 $0xFFFFE000  }
0x57c: {  	[spmem:s3] =	stream.indirect.scatter.add.f32 [tilespmem:s6], [sflag:$0x7], $0x80, s22, s0, $0xb8;
	[tilespmem:$0x1F000] =	vst v63  }
0x57d: {  	_ =	swait.ge [sflag:s30], $0x2000  }
0x57e: {  	[sflag:s30] =	ssyncset.done $0x0  }
0x57f: {  	s23 =	simm.s32 $0x15A80;
	[sflag:s30] =	ssyncadd.s32 $0xFFFFE000  }
0x580: {  	[tilespmem:s6], [sflag:$0x2] =	stream.indirect.gather [hbm4b:s1+s0], $0x80, s23, s0, $0xb8;
	[tilespmem:$0x1F000] =	vst v63  }
0x581: {  	_ =	swait.ge [sflag:s17], $0x2000  }
0x582: {  	[sflag:s17] =	ssyncset.done $0x0  }
0x583: {  	s24 =	simm.s32 $0x16500;
	[sflag:s17] =	ssyncadd.s32 $0xFFFFE000  }
0x584: {  	[spmem:s3] =	stream.indirect.scatter.add.f32 [tilespmem:s8], [sflag:$0x7], $0x80, s24, s0, $0xb8;
	[tilespmem:$0x1F000] =	vst v63  }
0x585: {  	_ =	swait.ge [sflag:s30], $0x2000  }
0x586: {  	[sflag:s30] =	ssyncset.done $0x0  }
0x587: {  	s25 =	simm.s32 $0x15B00;
	[sflag:s30] =	ssyncadd.s32 $0xFFFFE000  }
0x588: {  	[tilespmem:s8], [sflag:$0x3] =	stream.indirect.gather [hbm4b:s1+s0], $0x80, s25, s0, $0xb8;
	[tilespmem:$0x1F000] =	vst v63  }
0x589: {  	_ =	swait.ge [sflag:s20], $0x2000  }
0x58a: {  	[sflag:s20] =	ssyncset.done $0x0  }
0x58b: {  	s26 =	simm.s32 $0x16580;
	[sflag:s20] =	ssyncadd.s32 $0xFFFFE000  }
0x58c: {  	[spmem:s3] =	stream.indirect.scatter.add.f32 [tilespmem:s11], [sflag:$0x7], $0x80, s26, s0, $0xb8;
	[tilespmem:$0x1F000] =	vst v63  }
0x58d: {  	_ =	swait.ge [sflag:s30], $0x2000  }
0x58e: {  	[sflag:s30] =	ssyncset.done $0x0  }
0x58f: {  	s28 =	simm.s32 $0x15B80;
	[sflag:s30] =	ssyncadd.s32 $0xFFFFE000  }
0x590: {  	[tilespmem:s11], [sflag:$0x4] =	stream.indirect.gather [hbm4b:s1+s0], $0x80, s28, s0, $0xb8;
	[tilespmem:$0x1F000] =	vst v63  }
0x591: {  	_ =	swait.ge [sflag:s12], $0x2000  }
0x592: {  	[sflag:s12] =	ssyncset.done $0x0  }
0x593: {  	s18 =	simm.s32 $0x16600;
	[sflag:s12] =	ssyncadd.s32 $0xFFFFE000  }
0x594: {  	[spmem:s3] =	stream.indirect.scatter.add.f32 [tilespmem:s2], [sflag:$0x7], $0x80, s18, s0, $0xb8;
	[tilespmem:$0x1F000] =	vst v63  }
0x595: {  	_ =	swait.ge [sflag:s30], $0x2000  }
0x596: {  	[sflag:s30] =	ssyncset.done $0x0  }
0x597: {  	s19 =	simm.s32 $0x15C00;
	[sflag:s30] =	ssyncadd.s32 $0xFFFFE000  }
0x598: {  	[tilespmem:s2], [sflag:$0x1] =	stream.indirect.gather [hbm4b:s1+s0], $0x80, s19, s0, $0xb8;
	[tilespmem:$0x1F000] =	vst v63  }
0x599: {  	_ =	swait.ge [sflag:s14], $0x2000  }
0x59a: {  	[sflag:s14] =	ssyncset.done $0x0  }
0x59b: {  	s22 =	simm.s32 $0x16680;
	[sflag:s14] =	ssyncadd.s32 $0xFFFFE000  }
0x59c: {  	[spmem:s3] =	stream.indirect.scatter.add.f32 [tilespmem:s6], [sflag:$0x7], $0x80, s22, s0, $0xb8;
	[tilespmem:$0x1F000] =	vst v63  }
0x59d: {  	_ =	swait.ge [sflag:s30], $0x2000  }
0x59e: {  	[sflag:s30] =	ssyncset.done $0x0  }
0x59f: {  	s23 =	simm.s32 $0x15C80;
	[sflag:s30] =	ssyncadd.s32 $0xFFFFE000  }
0x5a0: {  	[tilespmem:s6], [sflag:$0x2] =	stream.indirect.gather [hbm4b:s1+s0], $0x80, s23, s0, $0xb8;
	[tilespmem:$0x1F000] =	vst v63  }
0x5a1: {  	_ =	swait.ge [sflag:s17], $0x2000  }
0x5a2: {  	[sflag:s17] =	ssyncset.done $0x0  }
0x5a3: {  	s24 =	simm.s32 $0x16700;
	[sflag:s17] =	ssyncadd.s32 $0xFFFFE000  }
0x5a4: {  	[spmem:s3] =	stream.indirect.scatter.add.f32 [tilespmem:s8], [sflag:$0x7], $0x80, s24, s0, $0xb8;
	[tilespmem:$0x1F000] =	vst v63  }
0x5a5: {  	_ =	swait.ge [sflag:s30], $0x2000  }
0x5a6: {  	[sflag:s30] =	ssyncset.done $0x0  }
0x5a7: {  	s25 =	simm.s32 $0x15D00;
	[sflag:s30] =	ssyncadd.s32 $0xFFFFE000  }
0x5a8: {  	[tilespmem:s8], [sflag:$0x3] =	stream.indirect.gather [hbm4b:s1+s0], $0x80, s25, s0, $0xb8;
	[tilespmem:$0x1F000] =	vst v63  }
0x5a9: {  	_ =	swait.ge [sflag:s20], $0x2000  }
0x5aa: {  	[sflag:s20] =	ssyncset.done $0x0  }
0x5ab: {  	s26 =	simm.s32 $0x16780;
	[sflag:s20] =	ssyncadd.s32 $0xFFFFE000  }
0x5ac: {  	[spmem:s3] =	stream.indirect.scatter.add.f32 [tilespmem:s11], [sflag:$0x7], $0x80, s26, s0, $0xb8;
	[tilespmem:$0x1F000] =	vst v63  }
0x5ad: {  	_ =	swait.ge [sflag:s30], $0x2000  }
0x5ae: {  	[sflag:s30] =	ssyncset.done $0x0  }
0x5af: {  	s28 =	simm.s32 $0x15D80;
	[sflag:s30] =	ssyncadd.s32 $0xFFFFE000  }
0x5b0: {  	[tilespmem:s11], [sflag:$0x4] =	stream.indirect.gather [hbm4b:s1+s0], $0x80, s28, s0, $0xb8;
	[tilespmem:$0x1F000] =	vst v63  }
0x5b1: {  	_ =	swait.ge [sflag:s12], $0x2000  }
0x5b2: {  	[sflag:s12] =	ssyncset.done $0x0  }
0x5b3: {  	s18 =	simm.s32 $0x16800;
	[sflag:s12] =	ssyncadd.s32 $0xFFFFE000  }
0x5b4: {  	[spmem:s3] =	stream.indirect.scatter.add.f32 [tilespmem:s2], [sflag:$0x7], $0x80, s18, s0, $0xb8;
	[tilespmem:$0x1F000] =	vst v63  }
0x5b5: {  	_ =	swait.ge [sflag:s30], $0x2000  }
0x5b6: {  	[sflag:s30] =	ssyncset.done $0x0  }
0x5b7: {  	[sflag:s30] =	ssyncadd.s32 $0xFFFFE000  }
0x5b8: {  	_ =	swait.ge [sflag:s14], $0x2000  }
0x5b9: {  	[sflag:s14] =	ssyncset.done $0x0  }
0x5ba: {  	s19 =	simm.s32 $0x16880;
	[sflag:s14] =	ssyncadd.s32 $0xFFFFE000  }
0x5bb: {  	[spmem:s3] =	stream.indirect.scatter.add.f32 [tilespmem:s6], [sflag:$0x7], $0x80, s19, s0, $0xb8;
	[tilespmem:$0x1F000] =	vst v63  }
0x5bc: {  	_ =	swait.ge [sflag:s30], $0x2000  }
0x5bd: {  	[sflag:s30] =	ssyncset.done $0x0  }
0x5be: {  	[sflag:s30] =	ssyncadd.s32 $0xFFFFE000  }
0x5bf: {  	_ =	swait.ge [sflag:s17], $0x2000  }
0x5c0: {  	[sflag:s17] =	ssyncset.done $0x0  }
0x5c1: {  	s22 =	simm.s32 $0x16900;
	[sflag:s17] =	ssyncadd.s32 $0xFFFFE000  }
0x5c2: {  	[spmem:s3] =	stream.indirect.scatter.add.f32 [tilespmem:s8], [sflag:$0x7], $0x80, s22, s0, $0xb8;
	[tilespmem:$0x1F000] =	vst v63  }
0x5c3: {  	_ =	swait.ge [sflag:s30], $0x2000  }
0x5c4: {  	[sflag:s30] =	ssyncset.done $0x0  }
0x5c5: {  	[sflag:s30] =	ssyncadd.s32 $0xFFFFE000  }
0x5c6: {  	_ =	swait.ge [sflag:s20], $0x2000  }
0x5c7: {  	[sflag:s20] =	ssyncset.done $0x0  }
0x5c8: {  	s23 =	simm.s32 $0x16980;
	[sflag:s20] =	ssyncadd.s32 $0xFFFFE000  }
0x5c9: {  	[spmem:s3] =	stream.indirect.scatter.add.f32 [tilespmem:s11], [sflag:$0x7], $0x80, s23, s0, $0xb8;
	[tilespmem:$0x1F000] =	vst v63  }
0x5ca: {  	_ =	swait.ge [sflag:s30], $0x2000  }
0x5cb: {  	[sflag:s30] =	ssyncset.done $0x0  }
0x5cc: {  	s24 =	stileid.u32;
	[sflag:s30] =	ssyncadd.s32 $0xFFFFE000  }
0x5cd: {  	s15 =	sshll.u32 s24, $0x6;
	[bflag:$0x0] =	sbarrier.arrive $0xFFFF  }
0x5ce: {  	s15 =	sor.u32 $0x1C07, s15;
	s25 =	sshrl.u32 s9, $0x3;
	s26 =	rddreg [dreg:$0x15]  }
0x5cf: {  	[hbm:s26], [sflag:s15] =	dma.local [spmem:s25], $0x2780  }
0x5d0: {  	_ =	swait.ge [sflag:s30], $0x2780  }
0x5d1: {  	s13 =	sadd.s32 $0x1, s13;
	s28 =	rddreg [dreg:$0x16]  }
0x5d2: {  	p0 =	sne.s32 s13, s28  }
.Ltmp1:
0x5d3: {  	_ = 	snop;
	(pc) =	sbr.rel @p0 .LBB2_1-.Ltmp1, $3  }
0x5d4: {  	_ =	sdelay $0x1  }
0x5d5: {  	[sflag:s30] =	ssyncset.done $0x0  }
0x5d6: {  	s5 =	simm.s32 $0x13C00;
	[sflag:s30] =	ssyncadd.s32 $0xFFFFD880  }
0x5d7: {  	_ =	sfence.sel $0x180000  }
0x5d8: {  	[bflag:$0x0] =	sbarrier.arrive $0xFFFF  }
0x5d9: {  	_ =	strace $0x90000047  }
0x5da: {  	s0 =	stileid.u32;
	[bflag:$0x2] =	sbarrier.arrive $0xFFFF  }
0x5db: {  	p0 =	sne.s32 s0, $0x0;
	s0 =	rddreg [dreg:$0x4]  }
0x5dc: {  	s0 =	sadd.s32 @!p0 $0x100000, s0  }
0x5dd: {  	[sflag:s0] =	ssyncadd.tile.s32 @!p0 $0x1;
	_ =	shalt  }
.Lfunc_end2:
_tile_overlayer_lowered:
.L_overlay_start_2:
0x5de: {  	(tag) =	ssettag $0x2  }
0x5df: {  	s0 =	rddreg [dreg:$0x0];
	s2 =	stileid.u32  }
0x5e0: {  	s1 =	rddreg [dreg:$0x1];
	p0 =	sne.s32 s2, $0x0  }
0x5e1: {  	s3 =	rddreg [dreg:$0x2];
	[bflag:$0x3] =	sbarrier.arrive $0xFFFF;
	s2 =	simm.s32 @!p0 $0x1C07  }
0x5e2: {  	[timem:s3], [sflag:s2] =	dma.local @!p0 [hbm:s0], s1  }
0x5e3: {  	s0 =	simm.s32 @!p0 $0x7  }
0x5e4: {  	_ =	swait.ge @!p0 [sflag:s0], s1  }
0x5e5: {  	s1 =	ssub.s32 @!p0 $0x0, s1;
	[sflag:s0] =	ssyncset.done @!p0 $0x0  }
0x5e6: {  	[sflag:s0] =	ssyncadd.s32 @!p0 s1  }
0x5e7: {  	[bflag:$0x3] =	sbarrier.arrive $0xFFFF  }
0x5e8: {  	_ =	shalt  }

</sc_bundles>
